<compile_context>
chip_gen: v7x
topology: tpu7x:2x2x1
jax: 0.10.2.dev20260603
libtpu: 0.0.44.dev20260713+nightly
codegen_flags: <defaults>
</compile_context>

<pallas_src>
import functools

import jax
import jax.numpy as jnp
from jax import lax
from jax.experimental import pallas as pl
from jax.experimental.pallas import tpu as pltpu
from jax.experimental.pallas import tpu_sc as plsc

N = 10000
NP = 10240
DUMP = 10000
DH = 128
E = 320000
G = 512
NC, NS = 2, 16
NW = NC * NS
CHUNK = 64
CPW = 160
EPW = CHUNK * CPW
EP = NW * EPW
RPS = NP // NS
BLK = 1280
GRID = NP // BLK



def _sc_worker_ids():
    cid = lax.axis_index("c")
    sid = lax.axis_index("s")
    return cid, sid, sid * NC + cid


DEG_CHUNK = 128
DEG_CPW = EPW // DEG_CHUNK


def _sc_deg_body(dst_hbm, ones_hbm, zeros_hbm, out_hbm, dst_v, ones_v, acc):
    cid, sid, wid = _sc_worker_ids()
    pltpu.sync_copy(zeros_hbm.at[pl.ds(sid * RPS, RPS)],
                    acc.at[pl.ds(sid * RPS, RPS)])
    pltpu.sync_copy(ones_hbm, ones_v)
    pltpu.sync_copy(dst_hbm.at[wid], dst_v)
    plsc.subcore_barrier()

    @pl.loop(0, DEG_CPW)
    def _(j):
        pltpu.sync_copy(ones_v, acc.at[dst_v.at[j]], add=True)

    plsc.subcore_barrier()
    pltpu.sync_copy(acc.at[pl.ds(sid * RPS, RPS)],
                    out_hbm.at[cid, pl.ds(sid * RPS, RPS)])


_sc_deg = functools.partial(
    pl.kernel,
    out_type=jax.ShapeDtypeStruct((NC, NP, DH), jnp.float32),
    mesh=plsc.VectorSubcoreMesh(core_axis_name="c", subcore_axis_name="s"),
    scratch_types=[
        pltpu.VMEM((DEG_CPW, DEG_CHUNK), jnp.int32),
        pltpu.VMEM((DEG_CHUNK, DH), jnp.float32),
        pltpu.VMEM_SHARED((NP, DH), jnp.float32),
    ],
)(_sc_deg_body)


NBUF = 4
VPC = CHUNK // 16


def _sc_agg_body(s_hbm, packed_hbm, zeros_hbm, out_hbm,
                 pk_v, si0, si1, si2, si3, r0, r1, r2, r3,
                 dring, g0, g1, g2, g3, acc):
    rows = (r0, r1, r2, r3)
    gsem = (g0, g1, g2, g3)
    srcidx = (si0, si1, si2, si3)
    cid, sid, wid = _sc_worker_ids()
    pltpu.sync_copy(zeros_hbm.at[pl.ds(sid * RPS, RPS)],
                    acc.at[pl.ds(sid * RPS, RPS)])
    pltpu.sync_copy(packed_hbm.at[wid], pk_v)
    plsc.subcore_barrier()

    def unpack(c_row, half, b, gslot):
        for i in range(VPC):
            off = 64 * half + 16 * i
            v = pk_v[c_row, pl.ds(off, 16)]
            srcidx[b][pl.ds(16 * i, 16)] = lax.bitwise_and(v, 16383)
            dring[gslot, b, pl.ds(16 * i, 16)] = lax.shift_right_logical(v, 14)

    for k in range(NBUF):
        unpack(k // 2, k % 2, k, 0)
        pltpu.async_copy(s_hbm.at[srcidx[k]], rows[k], gsem[k])

    @pl.loop(0, CPW // NBUF - 1)
    def _(jj):
        gcur = lax.rem(jj, 2)
        gnxt = lax.rem(jj + 1, 2)
        for k in range(NBUF):
            c = NBUF * jj + k
            pltpu.make_async_copy(s_hbm.at[srcidx[k]], rows[k],
                                  gsem[k]).wait()
            pltpu.sync_copy(rows[k], acc.at[dring.at[gcur, k]], add=True)
            unpack(2 * jj + 2 + k // 2, k % 2, k, gnxt)
            pltpu.async_copy(s_hbm.at[srcidx[k]], rows[k], gsem[k])

    jlast = CPW // NBUF - 1
    glast = lax.rem(jlast, 2)
    for k in range(NBUF):
        pltpu.make_async_copy(s_hbm.at[srcidx[k]], rows[k], gsem[k]).wait()
        pltpu.sync_copy(rows[k], acc.at[dring.at[glast, k]], add=True)

    plsc.subcore_barrier()
    pltpu.sync_copy(acc.at[pl.ds(sid * RPS, RPS)],
                    out_hbm.at[cid, pl.ds(sid * RPS, RPS)])


_sc_agg = functools.partial(
    pl.kernel,
    out_type=jax.ShapeDtypeStruct((NC, NP, DH), jnp.float32),
    mesh=plsc.VectorSubcoreMesh(core_axis_name="c", subcore_axis_name="s"),
    scratch_types=[
        pltpu.VMEM((CPW // 2, CHUNK * 2), jnp.int32),
        pltpu.VMEM((CHUNK,), jnp.int32),
        pltpu.VMEM((CHUNK,), jnp.int32),
        pltpu.VMEM((CHUNK,), jnp.int32),
        pltpu.VMEM((CHUNK,), jnp.int32),
        pltpu.VMEM((CHUNK, DH), jnp.float32),
        pltpu.VMEM((CHUNK, DH), jnp.float32),
        pltpu.VMEM((CHUNK, DH), jnp.float32),
        pltpu.VMEM((CHUNK, DH), jnp.float32),
        pltpu.VMEM((2, NBUF, CHUNK), jnp.int32),
        pltpu.SemaphoreType.DMA,
        pltpu.SemaphoreType.DMA,
        pltpu.SemaphoreType.DMA,
        pltpu.SemaphoreType.DMA,
        pltpu.VMEM_SHARED((NP, DH), jnp.float32),
    ],
)(_sc_agg_body)



def _tc1_body(x_ref, d_ref, w1_ref, s1_ref, dv_ref):
    deg = 1.0 + d_ref[0, :, 0:1] + d_ref[1, :, 0:1]
    dv = lax.pow(deg, -0.5)
    h = jnp.dot(x_ref[...], w1_ref[...], preferred_element_type=jnp.float32)
    s1_ref[...] = h * dv
    dv_ref[...] = jnp.broadcast_to(dv, (BLK, DH))


def _tc1(x_p, deg_part, w1):
    return pl.pallas_call(
        _tc1_body,
        grid=(GRID,),
        in_specs=[
            pl.BlockSpec((BLK, DH), lambda i: (i, 0)),
            pl.BlockSpec((NC, BLK, DH), lambda i: (0, i, 0)),
            pl.BlockSpec((DH, DH), lambda i: (0, 0)),
        ],
        out_specs=[
            pl.BlockSpec((BLK, DH), lambda i: (i, 0)),
            pl.BlockSpec((BLK, DH), lambda i: (i, 0)),
        ],
        out_shape=[
            jax.ShapeDtypeStruct((NP, DH), jnp.float32),
            jax.ShapeDtypeStruct((NP, DH), jnp.float32),
        ],
    )(x_p, deg_part, w1)


def _tc2_body(agg_ref, s1_ref, dv_ref, b1_ref, w2_ref, s2_ref):
    t = (agg_ref[0] + agg_ref[1] + s1_ref[...]) * dv_ref[...] + b1_ref[...]
    t = jnp.maximum(t, 0.0)
    s2_ref[...] = jnp.dot(
        t, w2_ref[...], preferred_element_type=jnp.float32) * dv_ref[...]


def _tc2(agg1, s1, dv, b1, w2):
    return pl.pallas_call(
        _tc2_body,
        grid=(GRID,),
        in_specs=[
            pl.BlockSpec((NC, BLK, DH), lambda i: (0, i, 0)),
            pl.BlockSpec((BLK, DH), lambda i: (i, 0)),
            pl.BlockSpec((BLK, DH), lambda i: (i, 0)),
            pl.BlockSpec((1, DH), lambda i: (0, 0)),
            pl.BlockSpec((DH, DH), lambda i: (0, 0)),
        ],
        out_specs=pl.BlockSpec((BLK, DH), lambda i: (i, 0)),
        out_shape=jax.ShapeDtypeStruct((NP, DH), jnp.float32),
    )(agg1, s1, dv, b1, w2)


def _tc3_body(agg_ref, s2_ref, dv_ref, b2_ref, batch_ref,
              f1w_ref, f1b_ref, f2w_ref, f2b_ref, out_ref,
              sums_acc, cnt_acc):
    i = pl.program_id(0)

    @pl.when(i == 0)
    def _():
        sums_acc[...] = jnp.zeros_like(sums_acc)
        cnt_acc[...] = jnp.zeros_like(cnt_acc)

    t2 = (agg_ref[0] + agg_ref[1] + s2_ref[...]) * dv_ref[...] + b2_ref[...]
    t2 = jnp.maximum(t2, 0.0)
    ids = batch_ref[0, 0, :]
    gids = lax.broadcasted_iota(jnp.int32, (G, BLK), 0)
    onehot = (ids[None, :] == gids).astype(jnp.float32)
    sums_acc[...] += jnp.dot(onehot, t2, preferred_element_type=jnp.float32)
    cnt_acc[...] += jnp.sum(onehot, axis=1, keepdims=True)

    @pl.when(i == GRID - 1)
    def _():
        pooled = sums_acc[...] / jnp.maximum(cnt_acc[...], 1.0)
        r = jnp.dot(pooled, f1w_ref[...],
                    preferred_element_type=jnp.float32) + f1b_ref[...]
        r = jnp.maximum(r, 0.0)
        out_ref[...] = jnp.dot(
            r, f2w_ref[...], preferred_element_type=jnp.float32) + f2b_ref[...]


def _tc3(agg2, s2, dv, b2, batch_p, f1w, f1b, f2w, f2b):
    return pl.pallas_call(
        _tc3_body,
        grid=(GRID,),
        in_specs=[
            pl.BlockSpec((NC, BLK, DH), lambda i: (0, i, 0)),
            pl.BlockSpec((BLK, DH), lambda i: (i, 0)),
            pl.BlockSpec((BLK, DH), lambda i: (i, 0)),
            pl.BlockSpec((1, DH), lambda i: (0, 0)),
            pl.BlockSpec((1, 1, BLK), lambda i: (i, 0, 0)),
            pl.BlockSpec((DH, DH), lambda i: (0, 0)),
            pl.BlockSpec((1, DH), lambda i: (0, 0)),
            pl.BlockSpec((DH, 1), lambda i: (0, 0)),
            pl.BlockSpec((1, 1), lambda i: (0, 0)),
        ],
        out_specs=pl.BlockSpec((G, 1), lambda i: (0, 0)),
        out_shape=jax.ShapeDtypeStruct((G, 1), jnp.float32),
        scratch_shapes=[
            pltpu.VMEM((G, DH), jnp.float32),
            pltpu.VMEM((G, 1), jnp.float32),
        ],
    )(agg2, s2, dv, b2, batch_p, f1w, f1b, f2w, f2b)



def kernel(x, edge_index, batch, W1, b1, W2, b2, fc1_W, fc1_b, fc2_W, fc2_b):
    f32 = jnp.float32
    src = edge_index[0].astype(jnp.int32)
    dst = edge_index[1].astype(jnp.int32)
    src_p = jnp.concatenate(
        [src, jnp.zeros((EP - E,), jnp.int32)]).reshape(NW, CPW, CHUNK)
    dst_p = jnp.concatenate(
        [dst, jnp.full((EP - E,), DUMP, jnp.int32)]).reshape(NW, CPW, CHUNK)
    x_p = jnp.pad(x.astype(f32), ((0, NP - N), (0, 0)))
    batch_p = jnp.concatenate(
        [batch.astype(jnp.int32),
         jnp.full((NP - N,), G, jnp.int32)]).reshape(GRID, 1, BLK)
    zeros128 = jnp.zeros((NP, DH), f32)
    ones128 = jnp.ones((DEG_CHUNK, DH), f32)

    packed = (src_p | (dst_p << 14)).reshape(NW, CPW // 2, CHUNK * 2)

    deg_part = _sc_deg(dst_p.reshape(NW, DEG_CPW, DEG_CHUNK), ones128, zeros128)
    s1, dv = _tc1(x_p, deg_part, W1)
    agg1 = _sc_agg(s1, packed, zeros128)
    s2 = _tc2(agg1, s1, dv, b1.reshape(1, DH), W2)
    agg2 = _sc_agg(s2, packed, zeros128)
    return _tc3(agg2, s2, dv, b2.reshape(1, DH), batch_p,
                fc1_W, fc1_b.reshape(1, DH), fc2_W, fc2_b.reshape(1, 1))

# --- scband reference (transcript-rebuilt; emitter-appended) ---
"""Pipeline reference for scband-lipophilicity-gnn-65532611002535 (READ-ONLY COPY).

The authoritative reference and input builder live on the scoring server;
editing this copy changes nothing except your own understanding.
"""

import jax, jax.numpy as jnp
import numpy as np

N = 10000
E = 320000
DIN = 128
DH = 128
G = 512


def gcn_conv(x, edge_index, W, b, num_nodes):
    # PyG GCNConv: add self-loops, symmetric normalization, aggregate
    src = edge_index[0]
    dst = edge_index[1]
    loop = jnp.arange(num_nodes, dtype=edge_index.dtype)
    src = jnp.concatenate([src, loop])
    dst = jnp.concatenate([dst, loop])
    deg = jnp.zeros((num_nodes,), dtype=jnp.float32).at[dst].add(1.0)
    deg_inv_sqrt = jnp.where(deg > 0, deg ** -0.5, 0.0)
    norm = deg_inv_sqrt[src] * deg_inv_sqrt[dst]
    h = x @ W
    msg = h[src] * norm[:, None]
    out = jnp.zeros((num_nodes, W.shape[1]), dtype=jnp.float32).at[dst].add(msg)
    return out + b


def setup_inputs(seed: int = 0) -> dict:
    key = jax.random.key(seed)
    ks = jax.random.split(key, 12)
    x = jax.random.normal(ks[0], (N, DIN), dtype=jnp.float32)
    edge_index = jax.random.randint(ks[1], (2, E), 0, N, dtype=jnp.int32)
    batch = jnp.sort(jax.random.randint(ks[2], (N,), 0, G, dtype=jnp.int32))
    W1 = jax.random.normal(ks[3], (DIN, DH), dtype=jnp.float32) * (1.0 / np.sqrt(DIN))
    b1 = jnp.zeros((DH,), dtype=jnp.float32)
    W2 = jax.random.normal(ks[4], (DH, DH), dtype=jnp.float32) * (1.0 / np.sqrt(DH))
    b2 = jnp.zeros((DH,), dtype=jnp.float32)
    fc1_W = jax.random.normal(ks[5], (DH, DH), dtype=jnp.float32) * (1.0 / np.sqrt(DH))
    fc1_b = jnp.zeros((DH,), dtype=jnp.float32)
    fc2_W = jax.random.normal(ks[6], (DH, 1), dtype=jnp.float32) * (1.0 / np.sqrt(DH))
    fc2_b = jnp.zeros((1,), dtype=jnp.float32)
    return {"x": x, "edge_index": edge_index, "batch": batch,
            "W1": W1, "b1": b1, "W2": W2, "b2": b2,
            "fc1_W": fc1_W, "fc1_b": fc1_b, "fc2_W": fc2_W, "fc2_b": fc2_b}


def reference(x, edge_index, batch, W1, b1, W2, b2, fc1_W, fc1_b, fc2_W, fc2_b):
    x = x.astype(jnp.float32)
    h = jax.nn.relu(gcn_conv(x, edge_index, W1, b1, N))
    h = jax.nn.relu(gcn_conv(h, edge_index, W2, b2, N))
    # global_mean_pool over graph ids
    sums = jax.ops.segment_sum(h, batch, num_segments=G)
    cnt = jax.ops.segment_sum(jnp.ones((N, 1), dtype=jnp.float32), batch, num_segments=G)
    pooled = sums / jnp.maximum(cnt, 1.0)
    h = jax.nn.relu(pooled @ fc1_W + fc1_b)
    # dropout is identity in eval mode
    out = h @ fc2_W + fc2_b
    return out

if __name__ == "__main__":
    import jax
    _d = setup_inputs()
    print(jax.jit(kernel)(*tuple(_d.values())))

</pallas_src>

<mosaic_0001>
#map = affine_map<(d0, d1) -> (0, 0)>
#map1 = affine_map<(d0, d1) -> (0, 0, 0)>
module attributes {stable_mosaic.version = 14 : i64} {
  func.func @_sc_agg_body(%arg0: i32, %arg1: i32, %arg2: memref<10240x128xf32, #tpu.memory_space<hbm>>, %arg3: memref<32x80x128xi32, #tpu.memory_space<hbm>>, %arg4: memref<10240x128xf32, #tpu.memory_space<hbm>>, %arg5: memref<2x10240x128xf32, #tpu.memory_space<hbm>>, %arg6: memref<80x128xi32, #tpu.memory_space<vmem>>, %arg7: memref<64xi32, #tpu.memory_space<vmem>>, %arg8: memref<64xi32, #tpu.memory_space<vmem>>, %arg9: memref<64xi32, #tpu.memory_space<vmem>>, %arg10: memref<64xi32, #tpu.memory_space<vmem>>, %arg11: memref<64x128xf32, #tpu.memory_space<vmem>>, %arg12: memref<64x128xf32, #tpu.memory_space<vmem>>, %arg13: memref<64x128xf32, #tpu.memory_space<vmem>>, %arg14: memref<64x128xf32, #tpu.memory_space<vmem>>, %arg15: memref<2x4x64xi32, #tpu.memory_space<vmem>>, %arg16: memref<!tpu.dma_semaphore, #tpu.memory_space<semaphore_mem>>, %arg17: memref<!tpu.dma_semaphore, #tpu.memory_space<semaphore_mem>>, %arg18: memref<!tpu.dma_semaphore, #tpu.memory_space<semaphore_mem>>, %arg19: memref<!tpu.dma_semaphore, #tpu.memory_space<semaphore_mem>>, %arg20: memref<10240x128xf32, #tpu.memory_space<vmem_shared>>) attributes {dimension_semantics = [#tpu.dimension_semantics<core_parallel>, #tpu.dimension_semantics<subcore_parallel>], iteration_bounds = array<i64: 2, 16>, scalar_prefetch = 0 : i64, scratch_operands = 15 : i64, tpu.core_type = #tpu.core_type<sc_vector_subcore>, window_params = [{transform_indices = #map}, {transform_indices = #map1}, {transform_indices = #map}, {transform_indices = #map1}]} {
    %mul3A = arith.constant 2 : i32
    %mul3A_0 = arith.muli %arg1, %mul3A : i32
    %add3A = arith.addi %mul3A_0, %arg0 : i32
    %mul3A_1 = arith.constant 640 : i32
    %mul3A_2 = arith.muli %arg1, %mul3A_1 : i32
    %mul3A_3 = arith.constant 640 : i32
    %mul3A_4 = arith.muli %arg1, %mul3A_3 : i32
    "tpu.region"() ({
      %run_scoped3A_405 = tpu.sem_alloc : memref<!tpu.dma_semaphore, #tpu.memory_space<semaphore_mem>>
      %dma_start3A_406 = arith.constant 0 : i32
      %dma_start3A_407 = tpu.memref_slice %arg20[%mul3A_4, %dma_start3A_406] : memref<10240x128xf32, #tpu.memory_space<vmem_shared>> -> memref<640x128xf32, #tpu.memory_space<vmem_shared>>
      %dma_start3A_408 = arith.constant 0 : i32
      %dma_start3A_409 = tpu.memref_slice %arg4[%mul3A_2, %dma_start3A_408] : memref<10240x128xf32, #tpu.memory_space<hbm>> -> memref<640x128xf32, #tpu.memory_space<hbm>>
      tpu.enqueue_dma source(%dma_start3A_409 : memref<640x128xf32, #tpu.memory_space<hbm>>) target(%dma_start3A_407 : memref<640x128xf32, #tpu.memory_space<vmem_shared>>) target_semaphore(%run_scoped3A_405 : memref<!tpu.dma_semaphore, #tpu.memory_space<semaphore_mem>>)
      %dma_wait3A_410 = arith.constant 0 : i32
      %dma_wait3A_411 = tpu.memref_slice %arg20[%mul3A_4, %dma_wait3A_410] : memref<10240x128xf32, #tpu.memory_space<vmem_shared>> -> memref<640x128xf32, #tpu.memory_space<vmem_shared>>
      %dma_wait3A_412 = arith.constant 0 : i32
      %dma_wait3A_413 = tpu.memref_slice %arg4[%mul3A_2, %dma_wait3A_412] : memref<10240x128xf32, #tpu.memory_space<hbm>> -> memref<640x128xf32, #tpu.memory_space<hbm>>
      tpu.wait_dma2 semaphore(%run_scoped3A_405 : memref<!tpu.dma_semaphore, #tpu.memory_space<semaphore_mem>>) src(%dma_wait3A_413 : memref<640x128xf32, #tpu.memory_space<hbm>>) dst(%dma_wait3A_411 : memref<640x128xf32, #tpu.memory_space<vmem_shared>>)
      tpu.yield
    }) : () -> ()
    "tpu.region"() ({
      %run_scoped3A_405 = tpu.sem_alloc : memref<!tpu.dma_semaphore, #tpu.memory_space<semaphore_mem>>
      %dma_start3A_406 = arith.constant 0 : i32
      %dma_start3A_407 = arith.constant 0 : i32
      %dma_start3A_408 = tpu.memref_slice %arg3[%add3A, %dma_start3A_406, %dma_start3A_407] : memref<32x80x128xi32, #tpu.memory_space<hbm>> -> memref<1x80x128xi32, #tpu.memory_space<hbm>>
      %dma_start3A_409 = tpu.memref_squeeze %dma_start3A_408 : memref<1x80x128xi32, #tpu.memory_space<hbm>> -> memref<80x128xi32, #tpu.memory_space<hbm>>
      %dma_start3A_410 = arith.constant 0 : i32
      %dma_start3A_411 = arith.constant 0 : i32
      %dma_start3A_412 = tpu.memref_slice %arg3[%add3A, %dma_start3A_410, %dma_start3A_411] : memref<32x80x128xi32, #tpu.memory_space<hbm>> -> memref<1x80x128xi32, #tpu.memory_space<hbm>>
      %dma_start3A_413 = tpu.memref_squeeze %dma_start3A_412 : memref<1x80x128xi32, #tpu.memory_space<hbm>> -> memref<80x128xi32, #tpu.memory_space<hbm>>
      tpu.enqueue_dma source(%dma_start3A_413 : memref<80x128xi32, #tpu.memory_space<hbm>>) target(%arg6 : memref<80x128xi32, #tpu.memory_space<vmem>>) target_semaphore(%run_scoped3A_405 : memref<!tpu.dma_semaphore, #tpu.memory_space<semaphore_mem>>)
      %dma_wait3A_414 = arith.constant 0 : i32
      %dma_wait3A_415 = arith.constant 0 : i32
      %dma_wait3A_416 = tpu.memref_slice %arg3[%add3A, %dma_wait3A_414, %dma_wait3A_415] : memref<32x80x128xi32, #tpu.memory_space<hbm>> -> memref<1x80x128xi32, #tpu.memory_space<hbm>>
      %dma_wait3A_417 = tpu.memref_squeeze %dma_wait3A_416 : memref<1x80x128xi32, #tpu.memory_space<hbm>> -> memref<80x128xi32, #tpu.memory_space<hbm>>
      %dma_wait3A_418 = arith.constant 0 : i32
      %dma_wait3A_419 = arith.constant 0 : i32
      %dma_wait3A_420 = tpu.memref_slice %arg3[%add3A, %dma_wait3A_418, %dma_wait3A_419] : memref<32x80x128xi32, #tpu.memory_space<hbm>> -> memref<1x80x128xi32, #tpu.memory_space<hbm>>
      %dma_wait3A_421 = tpu.memref_squeeze %dma_wait3A_420 : memref<1x80x128xi32, #tpu.memory_space<hbm>> -> memref<80x128xi32, #tpu.memory_space<hbm>>
      tpu.wait_dma2 semaphore(%run_scoped3A_405 : memref<!tpu.dma_semaphore, #tpu.memory_space<semaphore_mem>>) src(%dma_wait3A_421 : memref<80x128xi32, #tpu.memory_space<hbm>>) dst(%arg6 : memref<80x128xi32, #tpu.memory_space<vmem>>)
      tpu.yield
    }) : () -> ()
    %barrier3A = arith.constant 0 : index
    tpu.barrier barrier_id(%barrier3A)
    %get3A = arith.constant 0 : i32
    %get3A_5 = arith.index_cast %get3A : i32 to index
    %get3A_6 = arith.constant 0 : index
    %get3A_7 = tpu.vector_load %arg6[%get3A_5, %get3A_6] {strides = array<i32>} : memref<80x128xi32, #tpu.memory_space<vmem>>, vector<1x16xi32>,
    %get3A_8 = vector.shape_cast %get3A_7 : vector<1x16xi32> to vector<16xi32>
    %and3A = arith.constant 16383 : i32
    %and3A_9 = vector.broadcast %and3A : i32 to vector<16xi32>
    %and3A_10 = arith.andi %get3A_8, %and3A_9 : vector<16xi32>
    %swap3A = arith.constant 0 : index
    %swap3A_11 = tpu.vector_load %arg7[%swap3A] {strides = array<i32>} : memref<64xi32, #tpu.memory_space<vmem>>, vector<16xi32>,
    %swap3A_12 = vector.shape_cast %swap3A_11 : vector<16xi32> to vector<16xi32>
    %swap3A_13 = vector.shape_cast %and3A_10 : vector<16xi32> to vector<16xi32>
    tpu.vector_store %arg7[%swap3A], %swap3A_13 {strides = array<i32>} : memref<64xi32, #tpu.memory_space<vmem>>, vector<16xi32>,
    %shift_right_logical3A = arith.constant 14 : i32
    %shift_right_logical3A_14 = vector.broadcast %shift_right_logical3A : i32 to vector<16xi32>
    %shift_right_logical3A_15 = arith.shrui %get3A_8, %shift_right_logical3A_14 : vector<16xi32>
    %swap3A_16 = arith.constant 0 : i32
    %swap3A_17 = arith.constant 0 : i32
    %swap3A_18 = arith.index_cast %swap3A_16 : i32 to index
    %swap3A_19 = arith.index_cast %swap3A_17 : i32 to index
    %swap3A_20 = arith.constant 0 : index
    %swap3A_21 = tpu.vector_load %arg15[%swap3A_18, %swap3A_19, %swap3A_20] {strides = array<i32>} : memref<2x4x64xi32, #tpu.memory_space<vmem>>, vector<1x1x16xi32>,
    %swap3A_22 = vector.shape_cast %swap3A_21 : vector<1x1x16xi32> to vector<16xi32>
    %swap3A_23 = vector.shape_cast %shift_right_logical3A_15 : vector<16xi32> to vector<1x1x16xi32>
    tpu.vector_store %arg15[%swap3A_18, %swap3A_19, %swap3A_20], %swap3A_23 {strides = array<i32>} : memref<2x4x64xi32, #tpu.memory_space<vmem>>, vector<1x1x16xi32>,
    %get3A_24 = arith.constant 0 : i32
    %get3A_25 = arith.index_cast %get3A_24 : i32 to index
    %get3A_26 = arith.constant 16 : index
    %get3A_27 = tpu.vector_load %arg6[%get3A_25, %get3A_26] {strides = array<i32>} : memref<80x128xi32, #tpu.memory_space<vmem>>, vector<1x16xi32>,
    %get3A_28 = vector.shape_cast %get3A_27 : vector<1x16xi32> to vector<16xi32>
    %and3A_29 = arith.constant 16383 : i32
    %and3A_30 = vector.broadcast %and3A_29 : i32 to vector<16xi32>
    %and3A_31 = arith.andi %get3A_28, %and3A_30 : vector<16xi32>
    %swap3A_32 = arith.constant 16 : index
    %swap3A_33 = tpu.vector_load %arg7[%swap3A_32] {strides = array<i32>} : memref<64xi32, #tpu.memory_space<vmem>>, vector<16xi32>,
    %swap3A_34 = vector.shape_cast %swap3A_33 : vector<16xi32> to vector<16xi32>
    %swap3A_35 = vector.shape_cast %and3A_31 : vector<16xi32> to vector<16xi32>
    tpu.vector_store %arg7[%swap3A_32], %swap3A_35 {strides = array<i32>} : memref<64xi32, #tpu.memory_space<vmem>>, vector<16xi32>,
    %shift_right_logical3A_36 = arith.constant 14 : i32
    %shift_right_logical3A_37 = vector.broadcast %shift_right_logical3A_36 : i32 to vector<16xi32>
    %shift_right_logical3A_38 = arith.shrui %get3A_28, %shift_right_logical3A_37 : vector<16xi32>
    %swap3A_39 = arith.constant 0 : i32
    %swap3A_40 = arith.constant 0 : i32
    %swap3A_41 = arith.index_cast %swap3A_39 : i32 to index
    %swap3A_42 = arith.index_cast %swap3A_40 : i32 to index
    %swap3A_43 = arith.constant 16 : index
    %swap3A_44 = tpu.vector_load %arg15[%swap3A_41, %swap3A_42, %swap3A_43] {strides = array<i32>} : memref<2x4x64xi32, #tpu.memory_space<vmem>>, vector<1x1x16xi32>,
    %swap3A_45 = vector.shape_cast %swap3A_44 : vector<1x1x16xi32> to vector<16xi32>
    %swap3A_46 = vector.shape_cast %shift_right_logical3A_38 : vector<16xi32> to vector<1x1x16xi32>
    tpu.vector_store %arg15[%swap3A_41, %swap3A_42, %swap3A_43], %swap3A_46 {strides = array<i32>} : memref<2x4x64xi32, #tpu.memory_space<vmem>>, vector<1x1x16xi32>,
    %get3A_47 = arith.constant 0 : i32
    %get3A_48 = arith.index_cast %get3A_47 : i32 to index
    %get3A_49 = arith.constant 32 : index
    %get3A_50 = tpu.vector_load %arg6[%get3A_48, %get3A_49] {strides = array<i32>} : memref<80x128xi32, #tpu.memory_space<vmem>>, vector<1x16xi32>,
    %get3A_51 = vector.shape_cast %get3A_50 : vector<1x16xi32> to vector<16xi32>
    %and3A_52 = arith.constant 16383 : i32
    %and3A_53 = vector.broadcast %and3A_52 : i32 to vector<16xi32>
    %and3A_54 = arith.andi %get3A_51, %and3A_53 : vector<16xi32>
    %swap3A_55 = arith.constant 32 : index
    %swap3A_56 = tpu.vector_load %arg7[%swap3A_55] {strides = array<i32>} : memref<64xi32, #tpu.memory_space<vmem>>, vector<16xi32>,
    %swap3A_57 = vector.shape_cast %swap3A_56 : vector<16xi32> to vector<16xi32>
    %swap3A_58 = vector.shape_cast %and3A_54 : vector<16xi32> to vector<16xi32>
    tpu.vector_store %arg7[%swap3A_55], %swap3A_58 {strides = array<i32>} : memref<64xi32, #tpu.memory_space<vmem>>, vector<16xi32>,
    %shift_right_logical3A_59 = arith.constant 14 : i32
    %shift_right_logical3A_60 = vector.broadcast %shift_right_logical3A_59 : i32 to vector<16xi32>
    %shift_right_logical3A_61 = arith.shrui %get3A_51, %shift_right_logical3A_60 : vector<16xi32>
    %swap3A_62 = arith.constant 0 : i32
    %swap3A_63 = arith.constant 0 : i32
    %swap3A_64 = arith.index_cast %swap3A_62 : i32 to index
    %swap3A_65 = arith.index_cast %swap3A_63 : i32 to index
    %swap3A_66 = arith.constant 32 : index
    %swap3A_67 = tpu.vector_load %arg15[%swap3A_64, %swap3A_65, %swap3A_66] {strides = array<i32>} : memref<2x4x64xi32, #tpu.memory_space<vmem>>, vector<1x1x16xi32>,
    %swap3A_68 = vector.shape_cast %swap3A_67 : vector<1x1x16xi32> to vector<16xi32>
    %swap3A_69 = vector.shape_cast %shift_right_logical3A_61 : vector<16xi32> to vector<1x1x16xi32>
    tpu.vector_store %arg15[%swap3A_64, %swap3A_65, %swap3A_66], %swap3A_69 {strides = array<i32>} : memref<2x4x64xi32, #tpu.memory_space<vmem>>, vector<1x1x16xi32>,
    %get3A_70 = arith.constant 0 : i32
    %get3A_71 = arith.index_cast %get3A_70 : i32 to index
    %get3A_72 = arith.constant 48 : index
    %get3A_73 = tpu.vector_load %arg6[%get3A_71, %get3A_72] {strides = array<i32>} : memref<80x128xi32, #tpu.memory_space<vmem>>, vector<1x16xi32>,
    %get3A_74 = vector.shape_cast %get3A_73 : vector<1x16xi32> to vector<16xi32>
    %and3A_75 = arith.constant 16383 : i32
    %and3A_76 = vector.broadcast %and3A_75 : i32 to vector<16xi32>
    %and3A_77 = arith.andi %get3A_74, %and3A_76 : vector<16xi32>
    %swap3A_78 = arith.constant 48 : index
    %swap3A_79 = tpu.vector_load %arg7[%swap3A_78] {strides = array<i32>} : memref<64xi32, #tpu.memory_space<vmem>>, vector<16xi32>,
    %swap3A_80 = vector.shape_cast %swap3A_79 : vector<16xi32> to vector<16xi32>
    %swap3A_81 = vector.shape_cast %and3A_77 : vector<16xi32> to vector<16xi32>
    tpu.vector_store %arg7[%swap3A_78], %swap3A_81 {strides = array<i32>} : memref<64xi32, #tpu.memory_space<vmem>>, vector<16xi32>,
    %shift_right_logical3A_82 = arith.constant 14 : i32
    %shift_right_logical3A_83 = vector.broadcast %shift_right_logical3A_82 : i32 to vector<16xi32>
    %shift_right_logical3A_84 = arith.shrui %get3A_74, %shift_right_logical3A_83 : vector<16xi32>
    %swap3A_85 = arith.constant 0 : i32
    %swap3A_86 = arith.constant 0 : i32
    %swap3A_87 = arith.index_cast %swap3A_85 : i32 to index
    %swap3A_88 = arith.index_cast %swap3A_86 : i32 to index
    %swap3A_89 = arith.constant 48 : index
    %swap3A_90 = tpu.vector_load %arg15[%swap3A_87, %swap3A_88, %swap3A_89] {strides = array<i32>} : memref<2x4x64xi32, #tpu.memory_space<vmem>>, vector<1x1x16xi32>,
    %swap3A_91 = vector.shape_cast %swap3A_90 : vector<1x1x16xi32> to vector<16xi32>
    %swap3A_92 = vector.shape_cast %shift_right_logical3A_84 : vector<16xi32> to vector<1x1x16xi32>
    tpu.vector_store %arg15[%swap3A_87, %swap3A_88, %swap3A_89], %swap3A_92 {strides = array<i32>} : memref<2x4x64xi32, #tpu.memory_space<vmem>>, vector<1x1x16xi32>,
    %dma_start3A = arith.constant 0 : i32
    %dma_start3A_93 = arith.constant 0 : i32
    %dma_start3A_94 = tpu.memref_slice %arg2[%dma_start3A, %dma_start3A_93] : memref<10240x128xf32, #tpu.memory_space<hbm>> -> memref<10240x128xf32, #tpu.memory_space<hbm>>
    tpu.enqueue_indirect_dma source(%dma_start3A_94 : memref<10240x128xf32, #tpu.memory_space<hbm>>) target(%arg11 : memref<64x128xf32, #tpu.memory_space<vmem>>) offsets(%arg7 : memref<64xi32, #tpu.memory_space<vmem>>) semaphore(%arg16 : memref<!tpu.dma_semaphore, #tpu.memory_space<semaphore_mem>>)
    %get3A_95 = arith.constant 0 : i32
    %get3A_96 = arith.index_cast %get3A_95 : i32 to index
    %get3A_97 = arith.constant 64 : index
    %get3A_98 = tpu.vector_load %arg6[%get3A_96, %get3A_97] {strides = array<i32>} : memref<80x128xi32, #tpu.memory_space<vmem>>, vector<1x16xi32>,
    %get3A_99 = vector.shape_cast %get3A_98 : vector<1x16xi32> to vector<16xi32>
    %and3A_100 = arith.constant 16383 : i32
    %and3A_101 = vector.broadcast %and3A_100 : i32 to vector<16xi32>
    %and3A_102 = arith.andi %get3A_99, %and3A_101 : vector<16xi32>
    %swap3A_103 = arith.constant 0 : index
    %swap3A_104 = tpu.vector_load %arg8[%swap3A_103] {strides = array<i32>} : memref<64xi32, #tpu.memory_space<vmem>>, vector<16xi32>,
    %swap3A_105 = vector.shape_cast %swap3A_104 : vector<16xi32> to vector<16xi32>
    %swap3A_106 = vector.shape_cast %and3A_102 : vector<16xi32> to vector<16xi32>
    tpu.vector_store %arg8[%swap3A_103], %swap3A_106 {strides = array<i32>} : memref<64xi32, #tpu.memory_space<vmem>>, vector<16xi32>,
    %shift_right_logical3A_107 = arith.constant 14 : i32
    %shift_right_logical3A_108 = vector.broadcast %shift_right_logical3A_107 : i32 to vector<16xi32>
    %shift_right_logical3A_109 = arith.shrui %get3A_99, %shift_right_logical3A_108 : vector<16xi32>
    %swap3A_110 = arith.constant 0 : i32
    %swap3A_111 = arith.constant 1 : i32
    %swap3A_112 = arith.index_cast %swap3A_110 : i32 to index
    %swap3A_113 = arith.index_cast %swap3A_111 : i32 to index
    %swap3A_114 = arith.constant 0 : index
    %swap3A_115 = tpu.vector_load %arg15[%swap3A_112, %swap3A_113, %swap3A_114] {strides = array<i32>} : memref<2x4x64xi32, #tpu.memory_space<vmem>>, vector<1x1x16xi32>,
    %swap3A_116 = vector.shape_cast %swap3A_115 : vector<1x1x16xi32> to vector<16xi32>
    %swap3A_117 = vector.shape_cast %shift_right_logical3A_109 : vector<16xi32> to vector<1x1x16xi32>
    tpu.vector_store %arg15[%swap3A_112, %swap3A_113, %swap3A_114], %swap3A_117 {strides = array<i32>} : memref<2x4x64xi32, #tpu.memory_space<vmem>>, vector<1x1x16xi32>,
    %get3A_118 = arith.constant 0 : i32
    %get3A_119 = arith.index_cast %get3A_118 : i32 to index
    %get3A_120 = arith.constant 80 : index
    %get3A_121 = tpu.vector_load %arg6[%get3A_119, %get3A_120] {strides = array<i32>} : memref<80x128xi32, #tpu.memory_space<vmem>>, vector<1x16xi32>,
    %get3A_122 = vector.shape_cast %get3A_121 : vector<1x16xi32> to vector<16xi32>
    %and3A_123 = arith.constant 16383 : i32
    %and3A_124 = vector.broadcast %and3A_123 : i32 to vector<16xi32>
    %and3A_125 = arith.andi %get3A_122, %and3A_124 : vector<16xi32>
    %swap3A_126 = arith.constant 16 : index
    %swap3A_127 = tpu.vector_load %arg8[%swap3A_126] {strides = array<i32>} : memref<64xi32, #tpu.memory_space<vmem>>, vector<16xi32>,
    %swap3A_128 = vector.shape_cast %swap3A_127 : vector<16xi32> to vector<16xi32>
    %swap3A_129 = vector.shape_cast %and3A_125 : vector<16xi32> to vector<16xi32>
    tpu.vector_store %arg8[%swap3A_126], %swap3A_129 {strides = array<i32>} : memref<64xi32, #tpu.memory_space<vmem>>, vector<16xi32>,
    %shift_right_logical3A_130 = arith.constant 14 : i32
    %shift_right_logical3A_131 = vector.broadcast %shift_right_logical3A_130 : i32 to vector<16xi32>
    %shift_right_logical3A_132 = arith.shrui %get3A_122, %shift_right_logical3A_131 : vector<16xi32>
    %swap3A_133 = arith.constant 0 : i32
    %swap3A_134 = arith.constant 1 : i32
    %swap3A_135 = arith.index_cast %swap3A_133 : i32 to index
    %swap3A_136 = arith.index_cast %swap3A_134 : i32 to index
    %swap3A_137 = arith.constant 16 : index
    %swap3A_138 = tpu.vector_load %arg15[%swap3A_135, %swap3A_136, %swap3A_137] {strides = array<i32>} : memref<2x4x64xi32, #tpu.memory_space<vmem>>, vector<1x1x16xi32>,
    %swap3A_139 = vector.shape_cast %swap3A_138 : vector<1x1x16xi32> to vector<16xi32>
    %swap3A_140 = vector.shape_cast %shift_right_logical3A_132 : vector<16xi32> to vector<1x1x16xi32>
    tpu.vector_store %arg15[%swap3A_135, %swap3A_136, %swap3A_137], %swap3A_140 {strides = array<i32>} : memref<2x4x64xi32, #tpu.memory_space<vmem>>, vector<1x1x16xi32>,
    %get3A_141 = arith.constant 0 : i32
    %get3A_142 = arith.index_cast %get3A_141 : i32 to index
    %get3A_143 = arith.constant 96 : index
    %get3A_144 = tpu.vector_load %arg6[%get3A_142, %get3A_143] {strides = array<i32>} : memref<80x128xi32, #tpu.memory_space<vmem>>, vector<1x16xi32>,
    %get3A_145 = vector.shape_cast %get3A_144 : vector<1x16xi32> to vector<16xi32>
    %and3A_146 = arith.constant 16383 : i32
    %and3A_147 = vector.broadcast %and3A_146 : i32 to vector<16xi32>
    %and3A_148 = arith.andi %get3A_145, %and3A_147 : vector<16xi32>
    %swap3A_149 = arith.constant 32 : index
    %swap3A_150 = tpu.vector_load %arg8[%swap3A_149] {strides = array<i32>} : memref<64xi32, #tpu.memory_space<vmem>>, vector<16xi32>,
    %swap3A_151 = vector.shape_cast %swap3A_150 : vector<16xi32> to vector<16xi32>
    %swap3A_152 = vector.shape_cast %and3A_148 : vector<16xi32> to vector<16xi32>
    tpu.vector_store %arg8[%swap3A_149], %swap3A_152 {strides = array<i32>} : memref<64xi32, #tpu.memory_space<vmem>>, vector<16xi32>,
    %shift_right_logical3A_153 = arith.constant 14 : i32
    %shift_right_logical3A_154 = vector.broadcast %shift_right_logical3A_153 : i32 to vector<16xi32>
    %shift_right_logical3A_155 = arith.shrui %get3A_145, %shift_right_logical3A_154 : vector<16xi32>
    %swap3A_156 = arith.constant 0 : i32
    %swap3A_157 = arith.constant 1 : i32
    %swap3A_158 = arith.index_cast %swap3A_156 : i32 to index
    %swap3A_159 = arith.index_cast %swap3A_157 : i32 to index
    %swap3A_160 = arith.constant 32 : index
    %swap3A_161 = tpu.vector_load %arg15[%swap3A_158, %swap3A_159, %swap3A_160] {strides = array<i32>} : memref<2x4x64xi32, #tpu.memory_space<vmem>>, vector<1x1x16xi32>,
    %swap3A_162 = vector.shape_cast %swap3A_161 : vector<1x1x16xi32> to vector<16xi32>
    %swap3A_163 = vector.shape_cast %shift_right_logical3A_155 : vector<16xi32> to vector<1x1x16xi32>
    tpu.vector_store %arg15[%swap3A_158, %swap3A_159, %swap3A_160], %swap3A_163 {strides = array<i32>} : memref<2x4x64xi32, #tpu.memory_space<vmem>>, vector<1x1x16xi32>,
    %get3A_164 = arith.constant 0 : i32
    %get3A_165 = arith.index_cast %get3A_164 : i32 to index
    %get3A_166 = arith.constant 112 : index
    %get3A_167 = tpu.vector_load %arg6[%get3A_165, %get3A_166] {strides = array<i32>} : memref<80x128xi32, #tpu.memory_space<vmem>>, vector<1x16xi32>,
    %get3A_168 = vector.shape_cast %get3A_167 : vector<1x16xi32> to vector<16xi32>
    %and3A_169 = arith.constant 16383 : i32
    %and3A_170 = vector.broadcast %and3A_169 : i32 to vector<16xi32>
    %and3A_171 = arith.andi %get3A_168, %and3A_170 : vector<16xi32>
    %swap3A_172 = arith.constant 48 : index
    %swap3A_173 = tpu.vector_load %arg8[%swap3A_172] {strides = array<i32>} : memref<64xi32, #tpu.memory_space<vmem>>, vector<16xi32>,
    %swap3A_174 = vector.shape_cast %swap3A_173 : vector<16xi32> to vector<16xi32>
    %swap3A_175 = vector.shape_cast %and3A_171 : vector<16xi32> to vector<16xi32>
    tpu.vector_store %arg8[%swap3A_172], %swap3A_175 {strides = array<i32>} : memref<64xi32, #tpu.memory_space<vmem>>, vector<16xi32>,
    %shift_right_logical3A_176 = arith.constant 14 : i32
    %shift_right_logical3A_177 = vector.broadcast %shift_right_logical3A_176 : i32 to vector<16xi32>
    %shift_right_logical3A_178 = arith.shrui %get3A_168, %shift_right_logical3A_177 : vector<16xi32>
    %swap3A_179 = arith.constant 0 : i32
    %swap3A_180 = arith.constant 1 : i32
    %swap3A_181 = arith.index_cast %swap3A_179 : i32 to index
    %swap3A_182 = arith.index_cast %swap3A_180 : i32 to index
    %swap3A_183 = arith.constant 48 : index
    %swap3A_184 = tpu.vector_load %arg15[%swap3A_181, %swap3A_182, %swap3A_183] {strides = array<i32>} : memref<2x4x64xi32, #tpu.memory_space<vmem>>, vector<1x1x16xi32>,
    %swap3A_185 = vector.shape_cast %swap3A_184 : vector<1x1x16xi32> to vector<16xi32>
    %swap3A_186 = vector.shape_cast %shift_right_logical3A_178 : vector<16xi32> to vector<1x1x16xi32>
    tpu.vector_store %arg15[%swap3A_181, %swap3A_182, %swap3A_183], %swap3A_186 {strides = array<i32>} : memref<2x4x64xi32, #tpu.memory_space<vmem>>, vector<1x1x16xi32>,
    %dma_start3A_187 = arith.constant 0 : i32
    %dma_start3A_188 = arith.constant 0 : i32
    %dma_start3A_189 = tpu.memref_slice %arg2[%dma_start3A_187, %dma_start3A_188] : memref<10240x128xf32, #tpu.memory_space<hbm>> -> memref<10240x128xf32, #tpu.memory_space<hbm>>
    tpu.enqueue_indirect_dma source(%dma_start3A_189 : memref<10240x128xf32, #tpu.memory_space<hbm>>) target(%arg12 : memref<64x128xf32, #tpu.memory_space<vmem>>) offsets(%arg8 : memref<64xi32, #tpu.memory_space<vmem>>) semaphore(%arg17 : memref<!tpu.dma_semaphore, #tpu.memory_space<semaphore_mem>>)
    %get3A_190 = arith.constant 1 : i32
    %get3A_191 = arith.index_cast %get3A_190 : i32 to index
    %get3A_192 = arith.constant 0 : index
    %get3A_193 = tpu.vector_load %arg6[%get3A_191, %get3A_192] {strides = array<i32>} : memref<80x128xi32, #tpu.memory_space<vmem>>, vector<1x16xi32>,
    %get3A_194 = vector.shape_cast %get3A_193 : vector<1x16xi32> to vector<16xi32>
    %and3A_195 = arith.constant 16383 : i32
    %and3A_196 = vector.broadcast %and3A_195 : i32 to vector<16xi32>
    %and3A_197 = arith.andi %get3A_194, %and3A_196 : vector<16xi32>
    %swap3A_198 = arith.constant 0 : index
    %swap3A_199 = tpu.vector_load %arg9[%swap3A_198] {strides = array<i32>} : memref<64xi32, #tpu.memory_space<vmem>>, vector<16xi32>,
    %swap3A_200 = vector.shape_cast %swap3A_199 : vector<16xi32> to vector<16xi32>
    %swap3A_201 = vector.shape_cast %and3A_197 : vector<16xi32> to vector<16xi32>
    tpu.vector_store %arg9[%swap3A_198], %swap3A_201 {strides = array<i32>} : memref<64xi32, #tpu.memory_space<vmem>>, vector<16xi32>,
    %shift_right_logical3A_202 = arith.constant 14 : i32
    %shift_right_logical3A_203 = vector.broadcast %shift_right_logical3A_202 : i32 to vector<16xi32>
    %shift_right_logical3A_204 = arith.shrui %get3A_194, %shift_right_logical3A_203 : vector<16xi32>
    %swap3A_205 = arith.constant 0 : i32
    %swap3A_206 = arith.constant 2 : i32
    %swap3A_207 = arith.index_cast %swap3A_205 : i32 to index
    %swap3A_208 = arith.index_cast %swap3A_206 : i32 to index
    %swap3A_209 = arith.constant 0 : index
    %swap3A_210 = tpu.vector_load %arg15[%swap3A_207, %swap3A_208, %swap3A_209] {strides = array<i32>} : memref<2x4x64xi32, #tpu.memory_space<vmem>>, vector<1x1x16xi32>,
    %swap3A_211 = vector.shape_cast %swap3A_210 : vector<1x1x16xi32> to vector<16xi32>
    %swap3A_212 = vector.shape_cast %shift_right_logical3A_204 : vector<16xi32> to vector<1x1x16xi32>
    tpu.vector_store %arg15[%swap3A_207, %swap3A_208, %swap3A_209], %swap3A_212 {strides = array<i32>} : memref<2x4x64xi32, #tpu.memory_space<vmem>>, vector<1x1x16xi32>,
    %get3A_213 = arith.constant 1 : i32
    %get3A_214 = arith.index_cast %get3A_213 : i32 to index
    %get3A_215 = arith.constant 16 : index
    %get3A_216 = tpu.vector_load %arg6[%get3A_214, %get3A_215] {strides = array<i32>} : memref<80x128xi32, #tpu.memory_space<vmem>>, vector<1x16xi32>,
    %get3A_217 = vector.shape_cast %get3A_216 : vector<1x16xi32> to vector<16xi32>
    %and3A_218 = arith.constant 16383 : i32
    %and3A_219 = vector.broadcast %and3A_218 : i32 to vector<16xi32>
    %and3A_220 = arith.andi %get3A_217, %and3A_219 : vector<16xi32>
    %swap3A_221 = arith.constant 16 : index
    %swap3A_222 = tpu.vector_load %arg9[%swap3A_221] {strides = array<i32>} : memref<64xi32, #tpu.memory_space<vmem>>, vector<16xi32>,
    %swap3A_223 = vector.shape_cast %swap3A_222 : vector<16xi32> to vector<16xi32>
    %swap3A_224 = vector.shape_cast %and3A_220 : vector<16xi32> to vector<16xi32>
    tpu.vector_store %arg9[%swap3A_221], %swap3A_224 {strides = array<i32>} : memref<64xi32, #tpu.memory_space<vmem>>, vector<16xi32>,
    %shift_right_logical3A_225 = arith.constant 14 : i32
    %shift_right_logical3A_226 = vector.broadcast %shift_right_logical3A_225 : i32 to vector<16xi32>
    %shift_right_logical3A_227 = arith.shrui %get3A_217, %shift_right_logical3A_226 : vector<16xi32>
    %swap3A_228 = arith.constant 0 : i32
    %swap3A_229 = arith.constant 2 : i32
    %swap3A_230 = arith.index_cast %swap3A_228 : i32 to index
    %swap3A_231 = arith.index_cast %swap3A_229 : i32 to index
    %swap3A_232 = arith.constant 16 : index
    %swap3A_233 = tpu.vector_load %arg15[%swap3A_230, %swap3A_231, %swap3A_232] {strides = array<i32>} : memref<2x4x64xi32, #tpu.memory_space<vmem>>, vector<1x1x16xi32>,
    %swap3A_234 = vector.shape_cast %swap3A_233 : vector<1x1x16xi32> to vector<16xi32>
    %swap3A_235 = vector.shape_cast %shift_right_logical3A_227 : vector<16xi32> to vector<1x1x16xi32>
    tpu.vector_store %arg15[%swap3A_230, %swap3A_231, %swap3A_232], %swap3A_235 {strides = array<i32>} : memref<2x4x64xi32, #tpu.memory_space<vmem>>, vector<1x1x16xi32>,
    %get3A_236 = arith.constant 1 : i32
    %get3A_237 = arith.index_cast %get3A_236 : i32 to index
    %get3A_238 = arith.constant 32 : index
    %get3A_239 = tpu.vector_load %arg6[%get3A_237, %get3A_238] {strides = array<i32>} : memref<80x128xi32, #tpu.memory_space<vmem>>, vector<1x16xi32>,
    %get3A_240 = vector.shape_cast %get3A_239 : vector<1x16xi32> to vector<16xi32>
    %and3A_241 = arith.constant 16383 : i32
    %and3A_242 = vector.broadcast %and3A_241 : i32 to vector<16xi32>
    %and3A_243 = arith.andi %get3A_240, %and3A_242 : vector<16xi32>
    %swap3A_244 = arith.constant 32 : index
    %swap3A_245 = tpu.vector_load %arg9[%swap3A_244] {strides = array<i32>} : memref<64xi32, #tpu.memory_space<vmem>>, vector<16xi32>,
    %swap3A_246 = vector.shape_cast %swap3A_245 : vector<16xi32> to vector<16xi32>
    %swap3A_247 = vector.shape_cast %and3A_243 : vector<16xi32> to vector<16xi32>
    tpu.vector_store %arg9[%swap3A_244], %swap3A_247 {strides = array<i32>} : memref<64xi32, #tpu.memory_space<vmem>>, vector<16xi32>,
    %shift_right_logical3A_248 = arith.constant 14 : i32
    %shift_right_logical3A_249 = vector.broadcast %shift_right_logical3A_248 : i32 to vector<16xi32>
    %shift_right_logical3A_250 = arith.shrui %get3A_240, %shift_right_logical3A_249 : vector<16xi32>
    %swap3A_251 = arith.constant 0 : i32
    %swap3A_252 = arith.constant 2 : i32
    %swap3A_253 = arith.index_cast %swap3A_251 : i32 to index
    %swap3A_254 = arith.index_cast %swap3A_252 : i32 to index
    %swap3A_255 = arith.constant 32 : index
    %swap3A_256 = tpu.vector_load %arg15[%swap3A_253, %swap3A_254, %swap3A_255] {strides = array<i32>} : memref<2x4x64xi32, #tpu.memory_space<vmem>>, vector<1x1x16xi32>,
    %swap3A_257 = vector.shape_cast %swap3A_256 : vector<1x1x16xi32> to vector<16xi32>
    %swap3A_258 = vector.shape_cast %shift_right_logical3A_250 : vector<16xi32> to vector<1x1x16xi32>
    tpu.vector_store %arg15[%swap3A_253, %swap3A_254, %swap3A_255], %swap3A_258 {strides = array<i32>} : memref<2x4x64xi32, #tpu.memory_space<vmem>>, vector<1x1x16xi32>,
    %get3A_259 = arith.constant 1 : i32
    %get3A_260 = arith.index_cast %get3A_259 : i32 to index
    %get3A_261 = arith.constant 48 : index
    %get3A_262 = tpu.vector_load %arg6[%get3A_260, %get3A_261] {strides = array<i32>} : memref<80x128xi32, #tpu.memory_space<vmem>>, vector<1x16xi32>,
    %get3A_263 = vector.shape_cast %get3A_262 : vector<1x16xi32> to vector<16xi32>
    %and3A_264 = arith.constant 16383 : i32
    %and3A_265 = vector.broadcast %and3A_264 : i32 to vector<16xi32>
    %and3A_266 = arith.andi %get3A_263, %and3A_265 : vector<16xi32>
    %swap3A_267 = arith.constant 48 : index
    %swap3A_268 = tpu.vector_load %arg9[%swap3A_267] {strides = array<i32>} : memref<64xi32, #tpu.memory_space<vmem>>, vector<16xi32>,
    %swap3A_269 = vector.shape_cast %swap3A_268 : vector<16xi32> to vector<16xi32>
    %swap3A_270 = vector.shape_cast %and3A_266 : vector<16xi32> to vector<16xi32>
    tpu.vector_store %arg9[%swap3A_267], %swap3A_270 {strides = array<i32>} : memref<64xi32, #tpu.memory_space<vmem>>, vector<16xi32>,
    %shift_right_logical3A_271 = arith.constant 14 : i32
    %shift_right_logical3A_272 = vector.broadcast %shift_right_logical3A_271 : i32 to vector<16xi32>
    %shift_right_logical3A_273 = arith.shrui %get3A_263, %shift_right_logical3A_272 : vector<16xi32>
    %swap3A_274 = arith.constant 0 : i32
    %swap3A_275 = arith.constant 2 : i32
    %swap3A_276 = arith.index_cast %swap3A_274 : i32 to index
    %swap3A_277 = arith.index_cast %swap3A_275 : i32 to index
    %swap3A_278 = arith.constant 48 : index
    %swap3A_279 = tpu.vector_load %arg15[%swap3A_276, %swap3A_277, %swap3A_278] {strides = array<i32>} : memref<2x4x64xi32, #tpu.memory_space<vmem>>, vector<1x1x16xi32>,
    %swap3A_280 = vector.shape_cast %swap3A_279 : vector<1x1x16xi32> to vector<16xi32>
    %swap3A_281 = vector.shape_cast %shift_right_logical3A_273 : vector<16xi32> to vector<1x1x16xi32>
    tpu.vector_store %arg15[%swap3A_276, %swap3A_277, %swap3A_278], %swap3A_281 {strides = array<i32>} : memref<2x4x64xi32, #tpu.memory_space<vmem>>, vector<1x1x16xi32>,
    %dma_start3A_282 = arith.constant 0 : i32
    %dma_start3A_283 = arith.constant 0 : i32
    %dma_start3A_284 = tpu.memref_slice %arg2[%dma_start3A_282, %dma_start3A_283] : memref<10240x128xf32, #tpu.memory_space<hbm>> -> memref<10240x128xf32, #tpu.memory_space<hbm>>
    tpu.enqueue_indirect_dma source(%dma_start3A_284 : memref<10240x128xf32, #tpu.memory_space<hbm>>) target(%arg13 : memref<64x128xf32, #tpu.memory_space<vmem>>) offsets(%arg9 : memref<64xi32, #tpu.memory_space<vmem>>) semaphore(%arg18 : memref<!tpu.dma_semaphore, #tpu.memory_space<semaphore_mem>>)
    %get3A_285 = arith.constant 1 : i32
    %get3A_286 = arith.index_cast %get3A_285 : i32 to index
    %get3A_287 = arith.constant 64 : index
    %get3A_288 = tpu.vector_load %arg6[%get3A_286, %get3A_287] {strides = array<i32>} : memref<80x128xi32, #tpu.memory_space<vmem>>, vector<1x16xi32>,
    %get3A_289 = vector.shape_cast %get3A_288 : vector<1x16xi32> to vector<16xi32>
    %and3A_290 = arith.constant 16383 : i32
    %and3A_291 = vector.broadcast %and3A_290 : i32 to vector<16xi32>
    %and3A_292 = arith.andi %get3A_289, %and3A_291 : vector<16xi32>
    %swap3A_293 = arith.constant 0 : index
    %swap3A_294 = tpu.vector_load %arg10[%swap3A_293] {strides = array<i32>} : memref<64xi32, #tpu.memory_space<vmem>>, vector<16xi32>,
    %swap3A_295 = vector.shape_cast %swap3A_294 : vector<16xi32> to vector<16xi32>
    %swap3A_296 = vector.shape_cast %and3A_292 : vector<16xi32> to vector<16xi32>
    tpu.vector_store %arg10[%swap3A_293], %swap3A_296 {strides = array<i32>} : memref<64xi32, #tpu.memory_space<vmem>>, vector<16xi32>,
    %shift_right_logical3A_297 = arith.constant 14 : i32
    %shift_right_logical3A_298 = vector.broadcast %shift_right_logical3A_297 : i32 to vector<16xi32>
    %shift_right_logical3A_299 = arith.shrui %get3A_289, %shift_right_logical3A_298 : vector<16xi32>
    %swap3A_300 = arith.constant 0 : i32
    %swap3A_301 = arith.constant 3 : i32
    %swap3A_302 = arith.index_cast %swap3A_300 : i32 to index
    %swap3A_303 = arith.index_cast %swap3A_301 : i32 to index
    %swap3A_304 = arith.constant 0 : index
    %swap3A_305 = tpu.vector_load %arg15[%swap3A_302, %swap3A_303, %swap3A_304] {strides = array<i32>} : memref<2x4x64xi32, #tpu.memory_space<vmem>>, vector<1x1x16xi32>,
    %swap3A_306 = vector.shape_cast %swap3A_305 : vector<1x1x16xi32> to vector<16xi32>
    %swap3A_307 = vector.shape_cast %shift_right_logical3A_299 : vector<16xi32> to vector<1x1x16xi32>
    tpu.vector_store %arg15[%swap3A_302, %swap3A_303, %swap3A_304], %swap3A_307 {strides = array<i32>} : memref<2x4x64xi32, #tpu.memory_space<vmem>>, vector<1x1x16xi32>,
    %get3A_308 = arith.constant 1 : i32
    %get3A_309 = arith.index_cast %get3A_308 : i32 to index
    %get3A_310 = arith.constant 80 : index
    %get3A_311 = tpu.vector_load %arg6[%get3A_309, %get3A_310] {strides = array<i32>} : memref<80x128xi32, #tpu.memory_space<vmem>>, vector<1x16xi32>,
    %get3A_312 = vector.shape_cast %get3A_311 : vector<1x16xi32> to vector<16xi32>
    %and3A_313 = arith.constant 16383 : i32
    %and3A_314 = vector.broadcast %and3A_313 : i32 to vector<16xi32>
    %and3A_315 = arith.andi %get3A_312, %and3A_314 : vector<16xi32>
    %swap3A_316 = arith.constant 16 : index
    %swap3A_317 = tpu.vector_load %arg10[%swap3A_316] {strides = array<i32>} : memref<64xi32, #tpu.memory_space<vmem>>, vector<16xi32>,
    %swap3A_318 = vector.shape_cast %swap3A_317 : vector<16xi32> to vector<16xi32>
    %swap3A_319 = vector.shape_cast %and3A_315 : vector<16xi32> to vector<16xi32>
    tpu.vector_store %arg10[%swap3A_316], %swap3A_319 {strides = array<i32>} : memref<64xi32, #tpu.memory_space<vmem>>, vector<16xi32>,
    %shift_right_logical3A_320 = arith.constant 14 : i32
    %shift_right_logical3A_321 = vector.broadcast %shift_right_logical3A_320 : i32 to vector<16xi32>
    %shift_right_logical3A_322 = arith.shrui %get3A_312, %shift_right_logical3A_321 : vector<16xi32>
    %swap3A_323 = arith.constant 0 : i32
    %swap3A_324 = arith.constant 3 : i32
    %swap3A_325 = arith.index_cast %swap3A_323 : i32 to index
    %swap3A_326 = arith.index_cast %swap3A_324 : i32 to index
    %swap3A_327 = arith.constant 16 : index
    %swap3A_328 = tpu.vector_load %arg15[%swap3A_325, %swap3A_326, %swap3A_327] {strides = array<i32>} : memref<2x4x64xi32, #tpu.memory_space<vmem>>, vector<1x1x16xi32>,
    %swap3A_329 = vector.shape_cast %swap3A_328 : vector<1x1x16xi32> to vector<16xi32>
    %swap3A_330 = vector.shape_cast %shift_right_logical3A_322 : vector<16xi32> to vector<1x1x16xi32>
    tpu.vector_store %arg15[%swap3A_325, %swap3A_326, %swap3A_327], %swap3A_330 {strides = array<i32>} : memref<2x4x64xi32, #tpu.memory_space<vmem>>, vector<1x1x16xi32>,
    %get3A_331 = arith.constant 1 : i32
    %get3A_332 = arith.index_cast %get3A_331 : i32 to index
    %get3A_333 = arith.constant 96 : index
    %get3A_334 = tpu.vector_load %arg6[%get3A_332, %get3A_333] {strides = array<i32>} : memref<80x128xi32, #tpu.memory_space<vmem>>, vector<1x16xi32>,
    %get3A_335 = vector.shape_cast %get3A_334 : vector<1x16xi32> to vector<16xi32>
    %and3A_336 = arith.constant 16383 : i32
    %and3A_337 = vector.broadcast %and3A_336 : i32 to vector<16xi32>
    %and3A_338 = arith.andi %get3A_335, %and3A_337 : vector<16xi32>
    %swap3A_339 = arith.constant 32 : index
    %swap3A_340 = tpu.vector_load %arg10[%swap3A_339] {strides = array<i32>} : memref<64xi32, #tpu.memory_space<vmem>>, vector<16xi32>,
    %swap3A_341 = vector.shape_cast %swap3A_340 : vector<16xi32> to vector<16xi32>
    %swap3A_342 = vector.shape_cast %and3A_338 : vector<16xi32> to vector<16xi32>
    tpu.vector_store %arg10[%swap3A_339], %swap3A_342 {strides = array<i32>} : memref<64xi32, #tpu.memory_space<vmem>>, vector<16xi32>,
    %shift_right_logical3A_343 = arith.constant 14 : i32
    %shift_right_logical3A_344 = vector.broadcast %shift_right_logical3A_343 : i32 to vector<16xi32>
    %shift_right_logical3A_345 = arith.shrui %get3A_335, %shift_right_logical3A_344 : vector<16xi32>
    %swap3A_346 = arith.constant 0 : i32
    %swap3A_347 = arith.constant 3 : i32
    %swap3A_348 = arith.index_cast %swap3A_346 : i32 to index
    %swap3A_349 = arith.index_cast %swap3A_347 : i32 to index
    %swap3A_350 = arith.constant 32 : index
    %swap3A_351 = tpu.vector_load %arg15[%swap3A_348, %swap3A_349, %swap3A_350] {strides = array<i32>} : memref<2x4x64xi32, #tpu.memory_space<vmem>>, vector<1x1x16xi32>,
    %swap3A_352 = vector.shape_cast %swap3A_351 : vector<1x1x16xi32> to vector<16xi32>
    %swap3A_353 = vector.shape_cast %shift_right_logical3A_345 : vector<16xi32> to vector<1x1x16xi32>
    tpu.vector_store %arg15[%swap3A_348, %swap3A_349, %swap3A_350], %swap3A_353 {strides = array<i32>} : memref<2x4x64xi32, #tpu.memory_space<vmem>>, vector<1x1x16xi32>,
    %get3A_354 = arith.constant 1 : i32
    %get3A_355 = arith.index_cast %get3A_354 : i32 to index
    %get3A_356 = arith.constant 112 : index
    %get3A_357 = tpu.vector_load %arg6[%get3A_355, %get3A_356] {strides = array<i32>} : memref<80x128xi32, #tpu.memory_space<vmem>>, vector<1x16xi32>,
    %get3A_358 = vector.shape_cast %get3A_357 : vector<1x16xi32> to vector<16xi32>
    %and3A_359 = arith.constant 16383 : i32
    %and3A_360 = vector.broadcast %and3A_359 : i32 to vector<16xi32>
    %and3A_361 = arith.andi %get3A_358, %and3A_360 : vector<16xi32>
    %swap3A_362 = arith.constant 48 : index
    %swap3A_363 = tpu.vector_load %arg10[%swap3A_362] {strides = array<i32>} : memref<64xi32, #tpu.memory_space<vmem>>, vector<16xi32>,
    %swap3A_364 = vector.shape_cast %swap3A_363 : vector<16xi32> to vector<16xi32>
    %swap3A_365 = vector.shape_cast %and3A_361 : vector<16xi32> to vector<16xi32>
    tpu.vector_store %arg10[%swap3A_362], %swap3A_365 {strides = array<i32>} : memref<64xi32, #tpu.memory_space<vmem>>, vector<16xi32>,
    %shift_right_logical3A_366 = arith.constant 14 : i32
    %shift_right_logical3A_367 = vector.broadcast %shift_right_logical3A_366 : i32 to vector<16xi32>
    %shift_right_logical3A_368 = arith.shrui %get3A_358, %shift_right_logical3A_367 : vector<16xi32>
    %swap3A_369 = arith.constant 0 : i32
    %swap3A_370 = arith.constant 3 : i32
    %swap3A_371 = arith.index_cast %swap3A_369 : i32 to index
    %swap3A_372 = arith.index_cast %swap3A_370 : i32 to index
    %swap3A_373 = arith.constant 48 : index
    %swap3A_374 = tpu.vector_load %arg15[%swap3A_371, %swap3A_372, %swap3A_373] {strides = array<i32>} : memref<2x4x64xi32, #tpu.memory_space<vmem>>, vector<1x1x16xi32>,
    %swap3A_375 = vector.shape_cast %swap3A_374 : vector<1x1x16xi32> to vector<16xi32>
    %swap3A_376 = vector.shape_cast %shift_right_logical3A_368 : vector<16xi32> to vector<1x1x16xi32>
    tpu.vector_store %arg15[%swap3A_371, %swap3A_372, %swap3A_373], %swap3A_376 {strides = array<i32>} : memref<2x4x64xi32, #tpu.memory_space<vmem>>, vector<1x1x16xi32>,
    %dma_start3A_377 = arith.constant 0 : i32
    %dma_start3A_378 = arith.constant 0 : i32
    %dma_start3A_379 = tpu.memref_slice %arg2[%dma_start3A_377, %dma_start3A_378] : memref<10240x128xf32, #tpu.memory_space<hbm>> -> memref<10240x128xf32, #tpu.memory_space<hbm>>
    tpu.enqueue_indirect_dma source(%dma_start3A_379 : memref<10240x128xf32, #tpu.memory_space<hbm>>) target(%arg14 : memref<64x128xf32, #tpu.memory_space<vmem>>) offsets(%arg10 : memref<64xi32, #tpu.memory_space<vmem>>) semaphore(%arg19 : memref<!tpu.dma_semaphore, #tpu.memory_space<semaphore_mem>>)
    %scan3A = arith.constant 0 : i32
    %scan3A_380 = arith.constant 39 : i32
    %scan3A_381 = arith.addi %scan3A, %scan3A_380 : i32
    %scan3A_382 = arith.constant 1 : i32
    scf.for %scan3A_405 = %scan3A to %scan3A_381 step %scan3A_382  : i32 {
      %mul3A_406 = arith.constant 1 : i32
      %mul3A_407 = arith.muli %scan3A_405, %mul3A_406 : i32
      %add3A_408 = arith.constant 0 : i32
      %add3A_409 = arith.addi %add3A_408, %mul3A_407 : i32
      %rem3A_410 = arith.constant 2 : i32
      %rem3A_411 = arith.remsi %add3A_409, %rem3A_410 : i32
      %add3A_412 = arith.constant 1 : i32
      %add3A_413 = arith.addi %add3A_409, %add3A_412 : i32
      %rem3A_414 = arith.constant 2 : i32
      %rem3A_415 = arith.remsi %add3A_413, %rem3A_414 : i32
      %mul3A_416 = arith.constant 4 : i32
      %mul3A_417 = arith.muli %mul3A_416, %add3A_409 : i32
      %add3A_418 = arith.constant 0 : i32
      %add3A_419 = arith.addi %mul3A_417, %add3A_418 : i32
      %dma_wait3A_420 = arith.constant 0 : i32
      %dma_wait3A_421 = arith.constant 0 : i32
      %dma_wait3A_422 = tpu.memref_slice %arg2[%dma_wait3A_420, %dma_wait3A_421] : memref<10240x128xf32, #tpu.memory_space<hbm>> -> memref<10240x128xf32, #tpu.memory_space<hbm>>
      tpu.wait_indirect_dma semaphore(%arg16 : memref<!tpu.dma_semaphore, #tpu.memory_space<semaphore_mem>>) src(%dma_wait3A_422 : memref<10240x128xf32, #tpu.memory_space<hbm>>) dst(%arg11 : memref<64x128xf32, #tpu.memory_space<vmem>>)
      %run_scoped3A_423 = arith.constant 0 : i32
      "tpu.region"() ({
        %run_scoped3A_820 = tpu.sem_alloc : memref<!tpu.dma_semaphore, #tpu.memory_space<semaphore_mem>>
        %dma_start3A_821 = arith.constant 0 : i32
        %dma_start3A_822 = tpu.memref_slice %arg15[%rem3A_411, %run_scoped3A_423, %dma_start3A_821] : memref<2x4x64xi32, #tpu.memory_space<vmem>> -> memref<1x1x64xi32, #tpu.memory_space<vmem>>
        %dma_start3A_823 = tpu.memref_squeeze %dma_start3A_822 : memref<1x1x64xi32, #tpu.memory_space<vmem>> -> memref<64xi32, #tpu.memory_space<vmem>>
        %dma_start3A_824 = arith.constant 0 : i32
        %dma_start3A_825 = arith.constant 0 : i32
        %dma_start3A_826 = tpu.memref_slice %arg20[%dma_start3A_824, %dma_start3A_825] : memref<10240x128xf32, #tpu.memory_space<vmem_shared>> -> memref<10240x128xf32, #tpu.memory_space<vmem_shared>>
        tpu.enqueue_indirect_dma source(%arg11 : memref<64x128xf32, #tpu.memory_space<vmem>>) target(%dma_start3A_826 : memref<10240x128xf32, #tpu.memory_space<vmem_shared>>) offsets(%dma_start3A_823 : memref<64xi32, #tpu.memory_space<vmem>>) semaphore(%run_scoped3A_820 : memref<!tpu.dma_semaphore, #tpu.memory_space<semaphore_mem>>) {add = true}
        %dma_wait3A_827 = arith.constant 0 : i32
        %dma_wait3A_828 = tpu.memref_slice %arg15[%rem3A_411, %run_scoped3A_423, %dma_wait3A_827] : memref<2x4x64xi32, #tpu.memory_space<vmem>> -> memref<1x1x64xi32, #tpu.memory_space<vmem>>
        %dma_wait3A_829 = tpu.memref_squeeze %dma_wait3A_828 : memref<1x1x64xi32, #tpu.memory_space<vmem>> -> memref<64xi32, #tpu.memory_space<vmem>>
        %dma_wait3A_830 = arith.constant 0 : i32
        %dma_wait3A_831 = arith.constant 0 : i32
        %dma_wait3A_832 = tpu.memref_slice %arg20[%dma_wait3A_830, %dma_wait3A_831] : memref<10240x128xf32, #tpu.memory_space<vmem_shared>> -> memref<10240x128xf32, #tpu.memory_space<vmem_shared>>
        tpu.wait_indirect_dma semaphore(%run_scoped3A_820 : memref<!tpu.dma_semaphore, #tpu.memory_space<semaphore_mem>>) src(%arg11 : memref<64x128xf32, #tpu.memory_space<vmem>>) dst(%dma_wait3A_832 : memref<10240x128xf32, #tpu.memory_space<vmem_shared>>)
        tpu.yield
      }) : () -> ()
      %mul3A_424 = arith.constant 2 : i32
      %mul3A_425 = arith.muli %mul3A_424, %add3A_409 : i32
      %add3A_426 = arith.constant 2 : i32
      %add3A_427 = arith.addi %mul3A_425, %add3A_426 : i32
      %add3A_428 = arith.constant 0 : i32
      %add3A_429 = arith.addi %add3A_427, %add3A_428 : i32
      %get3A_430 = arith.index_cast %add3A_429 : i32 to index
      %get3A_431 = arith.constant 0 : index
      %get3A_432 = tpu.vector_load %arg6[%get3A_430, %get3A_431] {strides = array<i32>} : memref<80x128xi32, #tpu.memory_space<vmem>>, vector<1x16xi32>,
      %get3A_433 = vector.shape_cast %get3A_432 : vector<1x16xi32> to vector<16xi32>
      %and3A_434 = arith.constant 16383 : i32
      %and3A_435 = vector.broadcast %and3A_434 : i32 to vector<16xi32>
      %and3A_436 = arith.andi %get3A_433, %and3A_435 : vector<16xi32>
      %swap3A_437 = arith.constant 0 : index
      %swap3A_438 = tpu.vector_load %arg7[%swap3A_437] {strides = array<i32>} : memref<64xi32, #tpu.memory_space<vmem>>, vector<16xi32>,
      %swap3A_439 = vector.shape_cast %swap3A_438 : vector<16xi32> to vector<16xi32>
      %swap3A_440 = vector.shape_cast %and3A_436 : vector<16xi32> to vector<16xi32>
      tpu.vector_store %arg7[%swap3A_437], %swap3A_440 {strides = array<i32>} : memref<64xi32, #tpu.memory_space<vmem>>, vector<16xi32>,
      %shift_right_logical3A_441 = arith.constant 14 : i32
      %shift_right_logical3A_442 = vector.broadcast %shift_right_logical3A_441 : i32 to vector<16xi32>
      %shift_right_logical3A_443 = arith.shrui %get3A_433, %shift_right_logical3A_442 : vector<16xi32>
      %swap3A_444 = arith.constant 0 : i32
      %swap3A_445 = arith.index_cast %rem3A_415 : i32 to index
      %swap3A_446 = arith.index_cast %swap3A_444 : i32 to index
      %swap3A_447 = arith.constant 0 : index
      %swap3A_448 = tpu.vector_load %arg15[%swap3A_445, %swap3A_446, %swap3A_447] {strides = array<i32>} : memref<2x4x64xi32, #tpu.memory_space<vmem>>, vector<1x1x16xi32>,
      %swap3A_449 = vector.shape_cast %swap3A_448 : vector<1x1x16xi32> to vector<16xi32>
      %swap3A_450 = vector.shape_cast %shift_right_logical3A_443 : vector<16xi32> to vector<1x1x16xi32>
      tpu.vector_store %arg15[%swap3A_445, %swap3A_446, %swap3A_447], %swap3A_450 {strides = array<i32>} : memref<2x4x64xi32, #tpu.memory_space<vmem>>, vector<1x1x16xi32>,
      %get3A_451 = arith.index_cast %add3A_429 : i32 to index
      %get3A_452 = arith.constant 16 : index
      %get3A_453 = tpu.vector_load %arg6[%get3A_451, %get3A_452] {strides = array<i32>} : memref<80x128xi32, #tpu.memory_space<vmem>>, vector<1x16xi32>,
      %get3A_454 = vector.shape_cast %get3A_453 : vector<1x16xi32> to vector<16xi32>
      %and3A_455 = arith.constant 16383 : i32
      %and3A_456 = vector.broadcast %and3A_455 : i32 to vector<16xi32>
      %and3A_457 = arith.andi %get3A_454, %and3A_456 : vector<16xi32>
      %swap3A_458 = arith.constant 16 : index
      %swap3A_459 = tpu.vector_load %arg7[%swap3A_458] {strides = array<i32>} : memref<64xi32, #tpu.memory_space<vmem>>, vector<16xi32>,
      %swap3A_460 = vector.shape_cast %swap3A_459 : vector<16xi32> to vector<16xi32>
      %swap3A_461 = vector.shape_cast %and3A_457 : vector<16xi32> to vector<16xi32>
      tpu.vector_store %arg7[%swap3A_458], %swap3A_461 {strides = array<i32>} : memref<64xi32, #tpu.memory_space<vmem>>, vector<16xi32>,
      %shift_right_logical3A_462 = arith.constant 14 : i32
      %shift_right_logical3A_463 = vector.broadcast %shift_right_logical3A_462 : i32 to vector<16xi32>
      %shift_right_logical3A_464 = arith.shrui %get3A_454, %shift_right_logical3A_463 : vector<16xi32>
      %swap3A_465 = arith.constant 0 : i32
      %swap3A_466 = arith.index_cast %rem3A_415 : i32 to index
      %swap3A_467 = arith.index_cast %swap3A_465 : i32 to index
      %swap3A_468 = arith.constant 16 : index
      %swap3A_469 = tpu.vector_load %arg15[%swap3A_466, %swap3A_467, %swap3A_468] {strides = array<i32>} : memref<2x4x64xi32, #tpu.memory_space<vmem>>, vector<1x1x16xi32>,
      %swap3A_470 = vector.shape_cast %swap3A_469 : vector<1x1x16xi32> to vector<16xi32>
      %swap3A_471 = vector.shape_cast %shift_right_logical3A_464 : vector<16xi32> to vector<1x1x16xi32>
      tpu.vector_store %arg15[%swap3A_466, %swap3A_467, %swap3A_468], %swap3A_471 {strides = array<i32>} : memref<2x4x64xi32, #tpu.memory_space<vmem>>, vector<1x1x16xi32>,
      %get3A_472 = arith.index_cast %add3A_429 : i32 to index
      %get3A_473 = arith.constant 32 : index
      %get3A_474 = tpu.vector_load %arg6[%get3A_472, %get3A_473] {strides = array<i32>} : memref<80x128xi32, #tpu.memory_space<vmem>>, vector<1x16xi32>,
      %get3A_475 = vector.shape_cast %get3A_474 : vector<1x16xi32> to vector<16xi32>
      %and3A_476 = arith.constant 16383 : i32
      %and3A_477 = vector.broadcast %and3A_476 : i32 to vector<16xi32>
      %and3A_478 = arith.andi %get3A_475, %and3A_477 : vector<16xi32>
      %swap3A_479 = arith.constant 32 : index
      %swap3A_480 = tpu.vector_load %arg7[%swap3A_479] {strides = array<i32>} : memref<64xi32, #tpu.memory_space<vmem>>, vector<16xi32>,
      %swap3A_481 = vector.shape_cast %swap3A_480 : vector<16xi32> to vector<16xi32>
      %swap3A_482 = vector.shape_cast %and3A_478 : vector<16xi32> to vector<16xi32>
      tpu.vector_store %arg7[%swap3A_479], %swap3A_482 {strides = array<i32>} : memref<64xi32, #tpu.memory_space<vmem>>, vector<16xi32>,
      %shift_right_logical3A_483 = arith.constant 14 : i32
      %shift_right_logical3A_484 = vector.broadcast %shift_right_logical3A_483 : i32 to vector<16xi32>
      %shift_right_logical3A_485 = arith.shrui %get3A_475, %shift_right_logical3A_484 : vector<16xi32>
      %swap3A_486 = arith.constant 0 : i32
      %swap3A_487 = arith.index_cast %rem3A_415 : i32 to index
      %swap3A_488 = arith.index_cast %swap3A_486 : i32 to index
      %swap3A_489 = arith.constant 32 : index
      %swap3A_490 = tpu.vector_load %arg15[%swap3A_487, %swap3A_488, %swap3A_489] {strides = array<i32>} : memref<2x4x64xi32, #tpu.memory_space<vmem>>, vector<1x1x16xi32>,
      %swap3A_491 = vector.shape_cast %swap3A_490 : vector<1x1x16xi32> to vector<16xi32>
      %swap3A_492 = vector.shape_cast %shift_right_logical3A_485 : vector<16xi32> to vector<1x1x16xi32>
      tpu.vector_store %arg15[%swap3A_487, %swap3A_488, %swap3A_489], %swap3A_492 {strides = array<i32>} : memref<2x4x64xi32, #tpu.memory_space<vmem>>, vector<1x1x16xi32>,
      %get3A_493 = arith.index_cast %add3A_429 : i32 to index
      %get3A_494 = arith.constant 48 : index
      %get3A_495 = tpu.vector_load %arg6[%get3A_493, %get3A_494] {strides = array<i32>} : memref<80x128xi32, #tpu.memory_space<vmem>>, vector<1x16xi32>,
      %get3A_496 = vector.shape_cast %get3A_495 : vector<1x16xi32> to vector<16xi32>
      %and3A_497 = arith.constant 16383 : i32
      %and3A_498 = vector.broadcast %and3A_497 : i32 to vector<16xi32>
      %and3A_499 = arith.andi %get3A_496, %and3A_498 : vector<16xi32>
      %swap3A_500 = arith.constant 48 : index
      %swap3A_501 = tpu.vector_load %arg7[%swap3A_500] {strides = array<i32>} : memref<64xi32, #tpu.memory_space<vmem>>, vector<16xi32>,
      %swap3A_502 = vector.shape_cast %swap3A_501 : vector<16xi32> to vector<16xi32>
      %swap3A_503 = vector.shape_cast %and3A_499 : vector<16xi32> to vector<16xi32>
      tpu.vector_store %arg7[%swap3A_500], %swap3A_503 {strides = array<i32>} : memref<64xi32, #tpu.memory_space<vmem>>, vector<16xi32>,
      %shift_right_logical3A_504 = arith.constant 14 : i32
      %shift_right_logical3A_505 = vector.broadcast %shift_right_logical3A_504 : i32 to vector<16xi32>
      %shift_right_logical3A_506 = arith.shrui %get3A_496, %shift_right_logical3A_505 : vector<16xi32>
      %swap3A_507 = arith.constant 0 : i32
      %swap3A_508 = arith.index_cast %rem3A_415 : i32 to index
      %swap3A_509 = arith.index_cast %swap3A_507 : i32 to index
      %swap3A_510 = arith.constant 48 : index
      %swap3A_511 = tpu.vector_load %arg15[%swap3A_508, %swap3A_509, %swap3A_510] {strides = array<i32>} : memref<2x4x64xi32, #tpu.memory_space<vmem>>, vector<1x1x16xi32>,
      %swap3A_512 = vector.shape_cast %swap3A_511 : vector<1x1x16xi32> to vector<16xi32>
      %swap3A_513 = vector.shape_cast %shift_right_logical3A_506 : vector<16xi32> to vector<1x1x16xi32>
      tpu.vector_store %arg15[%swap3A_508, %swap3A_509, %swap3A_510], %swap3A_513 {strides = array<i32>} : memref<2x4x64xi32, #tpu.memory_space<vmem>>, vector<1x1x16xi32>,
      %dma_start3A_514 = arith.constant 0 : i32
      %dma_start3A_515 = arith.constant 0 : i32
      %dma_start3A_516 = tpu.memref_slice %arg2[%dma_start3A_514, %dma_start3A_515] : memref<10240x128xf32, #tpu.memory_space<hbm>> -> memref<10240x128xf32, #tpu.memory_space<hbm>>
      tpu.enqueue_indirect_dma source(%dma_start3A_516 : memref<10240x128xf32, #tpu.memory_space<hbm>>) target(%arg11 : memref<64x128xf32, #tpu.memory_space<vmem>>) offsets(%arg7 : memref<64xi32, #tpu.memory_space<vmem>>) semaphore(%arg16 : memref<!tpu.dma_semaphore, #tpu.memory_space<semaphore_mem>>)
      %mul3A_517 = arith.constant 4 : i32
      %mul3A_518 = arith.muli %mul3A_517, %add3A_409 : i32
      %add3A_519 = arith.constant 1 : i32
      %add3A_520 = arith.addi %mul3A_518, %add3A_519 : i32
      %dma_wait3A_521 = arith.constant 0 : i32
      %dma_wait3A_522 = arith.constant 0 : i32
      %dma_wait3A_523 = tpu.memref_slice %arg2[%dma_wait3A_521, %dma_wait3A_522] : memref<10240x128xf32, #tpu.memory_space<hbm>> -> memref<10240x128xf32, #tpu.memory_space<hbm>>
      tpu.wait_indirect_dma semaphore(%arg17 : memref<!tpu.dma_semaphore, #tpu.memory_space<semaphore_mem>>) src(%dma_wait3A_523 : memref<10240x128xf32, #tpu.memory_space<hbm>>) dst(%arg12 : memref<64x128xf32, #tpu.memory_space<vmem>>)
      %run_scoped3A_524 = arith.constant 1 : i32
      "tpu.region"() ({
        %run_scoped3A_820 = tpu.sem_alloc : memref<!tpu.dma_semaphore, #tpu.memory_space<semaphore_mem>>
        %dma_start3A_821 = arith.constant 0 : i32
        %dma_start3A_822 = tpu.memref_slice %arg15[%rem3A_411, %run_scoped3A_524, %dma_start3A_821] : memref<2x4x64xi32, #tpu.memory_space<vmem>> -> memref<1x1x64xi32, #tpu.memory_space<vmem>>
        %dma_start3A_823 = tpu.memref_squeeze %dma_start3A_822 : memref<1x1x64xi32, #tpu.memory_space<vmem>> -> memref<64xi32, #tpu.memory_space<vmem>>
        %dma_start3A_824 = arith.constant 0 : i32
        %dma_start3A_825 = arith.constant 0 : i32
        %dma_start3A_826 = tpu.memref_slice %arg20[%dma_start3A_824, %dma_start3A_825] : memref<10240x128xf32, #tpu.memory_space<vmem_shared>> -> memref<10240x128xf32, #tpu.memory_space<vmem_shared>>
        tpu.enqueue_indirect_dma source(%arg12 : memref<64x128xf32, #tpu.memory_space<vmem>>) target(%dma_start3A_826 : memref<10240x128xf32, #tpu.memory_space<vmem_shared>>) offsets(%dma_start3A_823 : memref<64xi32, #tpu.memory_space<vmem>>) semaphore(%run_scoped3A_820 : memref<!tpu.dma_semaphore, #tpu.memory_space<semaphore_mem>>) {add = true}
        %dma_wait3A_827 = arith.constant 0 : i32
        %dma_wait3A_828 = tpu.memref_slice %arg15[%rem3A_411, %run_scoped3A_524, %dma_wait3A_827] : memref<2x4x64xi32, #tpu.memory_space<vmem>> -> memref<1x1x64xi32, #tpu.memory_space<vmem>>
        %dma_wait3A_829 = tpu.memref_squeeze %dma_wait3A_828 : memref<1x1x64xi32, #tpu.memory_space<vmem>> -> memref<64xi32, #tpu.memory_space<vmem>>
        %dma_wait3A_830 = arith.constant 0 : i32
        %dma_wait3A_831 = arith.constant 0 : i32
        %dma_wait3A_832 = tpu.memref_slice %arg20[%dma_wait3A_830, %dma_wait3A_831] : memref<10240x128xf32, #tpu.memory_space<vmem_shared>> -> memref<10240x128xf32, #tpu.memory_space<vmem_shared>>
        tpu.wait_indirect_dma semaphore(%run_scoped3A_820 : memref<!tpu.dma_semaphore, #tpu.memory_space<semaphore_mem>>) src(%arg12 : memref<64x128xf32, #tpu.memory_space<vmem>>) dst(%dma_wait3A_832 : memref<10240x128xf32, #tpu.memory_space<vmem_shared>>)
        tpu.yield
      }) : () -> ()
      %mul3A_525 = arith.constant 2 : i32
      %mul3A_526 = arith.muli %mul3A_525, %add3A_409 : i32
      %add3A_527 = arith.constant 2 : i32
      %add3A_528 = arith.addi %mul3A_526, %add3A_527 : i32
      %add3A_529 = arith.constant 0 : i32
      %add3A_530 = arith.addi %add3A_528, %add3A_529 : i32
      %get3A_531 = arith.index_cast %add3A_530 : i32 to index
      %get3A_532 = arith.constant 64 : index
      %get3A_533 = tpu.vector_load %arg6[%get3A_531, %get3A_532] {strides = array<i32>} : memref<80x128xi32, #tpu.memory_space<vmem>>, vector<1x16xi32>,
      %get3A_534 = vector.shape_cast %get3A_533 : vector<1x16xi32> to vector<16xi32>
      %and3A_535 = arith.constant 16383 : i32
      %and3A_536 = vector.broadcast %and3A_535 : i32 to vector<16xi32>
      %and3A_537 = arith.andi %get3A_534, %and3A_536 : vector<16xi32>
      %swap3A_538 = arith.constant 0 : index
      %swap3A_539 = tpu.vector_load %arg8[%swap3A_538] {strides = array<i32>} : memref<64xi32, #tpu.memory_space<vmem>>, vector<16xi32>,
      %swap3A_540 = vector.shape_cast %swap3A_539 : vector<16xi32> to vector<16xi32>
      %swap3A_541 = vector.shape_cast %and3A_537 : vector<16xi32> to vector<16xi32>
      tpu.vector_store %arg8[%swap3A_538], %swap3A_541 {strides = array<i32>} : memref<64xi32, #tpu.memory_space<vmem>>, vector<16xi32>,
      %shift_right_logical3A_542 = arith.constant 14 : i32
      %shift_right_logical3A_543 = vector.broadcast %shift_right_logical3A_542 : i32 to vector<16xi32>
      %shift_right_logical3A_544 = arith.shrui %get3A_534, %shift_right_logical3A_543 : vector<16xi32>
      %swap3A_545 = arith.constant 1 : i32
      %swap3A_546 = arith.index_cast %rem3A_415 : i32 to index
      %swap3A_547 = arith.index_cast %swap3A_545 : i32 to index
      %swap3A_548 = arith.constant 0 : index
      %swap3A_549 = tpu.vector_load %arg15[%swap3A_546, %swap3A_547, %swap3A_548] {strides = array<i32>} : memref<2x4x64xi32, #tpu.memory_space<vmem>>, vector<1x1x16xi32>,
      %swap3A_550 = vector.shape_cast %swap3A_549 : vector<1x1x16xi32> to vector<16xi32>
      %swap3A_551 = vector.shape_cast %shift_right_logical3A_544 : vector<16xi32> to vector<1x1x16xi32>
      tpu.vector_store %arg15[%swap3A_546, %swap3A_547, %swap3A_548], %swap3A_551 {strides = array<i32>} : memref<2x4x64xi32, #tpu.memory_space<vmem>>, vector<1x1x16xi32>,
      %get3A_552 = arith.index_cast %add3A_530 : i32 to index
      %get3A_553 = arith.constant 80 : index
      %get3A_554 = tpu.vector_load %arg6[%get3A_552, %get3A_553] {strides = array<i32>} : memref<80x128xi32, #tpu.memory_space<vmem>>, vector<1x16xi32>,
      %get3A_555 = vector.shape_cast %get3A_554 : vector<1x16xi32> to vector<16xi32>
      %and3A_556 = arith.constant 16383 : i32
      %and3A_557 = vector.broadcast %and3A_556 : i32 to vector<16xi32>
      %and3A_558 = arith.andi %get3A_555, %and3A_557 : vector<16xi32>
      %swap3A_559 = arith.constant 16 : index
      %swap3A_560 = tpu.vector_load %arg8[%swap3A_559] {strides = array<i32>} : memref<64xi32, #tpu.memory_space<vmem>>, vector<16xi32>,
      %swap3A_561 = vector.shape_cast %swap3A_560 : vector<16xi32> to vector<16xi32>
      %swap3A_562 = vector.shape_cast %and3A_558 : vector<16xi32> to vector<16xi32>
      tpu.vector_store %arg8[%swap3A_559], %swap3A_562 {strides = array<i32>} : memref<64xi32, #tpu.memory_space<vmem>>, vector<16xi32>,
      %shift_right_logical3A_563 = arith.constant 14 : i32
      %shift_right_logical3A_564 = vector.broadcast %shift_right_logical3A_563 : i32 to vector<16xi32>
      %shift_right_logical3A_565 = arith.shrui %get3A_555, %shift_right_logical3A_564 : vector<16xi32>
      %swap3A_566 = arith.constant 1 : i32
      %swap3A_567 = arith.index_cast %rem3A_415 : i32 to index
      %swap3A_568 = arith.index_cast %swap3A_566 : i32 to index
      %swap3A_569 = arith.constant 16 : index
      %swap3A_570 = tpu.vector_load %arg15[%swap3A_567, %swap3A_568, %swap3A_569] {strides = array<i32>} : memref<2x4x64xi32, #tpu.memory_space<vmem>>, vector<1x1x16xi32>,
      %swap3A_571 = vector.shape_cast %swap3A_570 : vector<1x1x16xi32> to vector<16xi32>
      %swap3A_572 = vector.shape_cast %shift_right_logical3A_565 : vector<16xi32> to vector<1x1x16xi32>
      tpu.vector_store %arg15[%swap3A_567, %swap3A_568, %swap3A_569], %swap3A_572 {strides = array<i32>} : memref<2x4x64xi32, #tpu.memory_space<vmem>>, vector<1x1x16xi32>,
      %get3A_573 = arith.index_cast %add3A_530 : i32 to index
      %get3A_574 = arith.constant 96 : index
      %get3A_575 = tpu.vector_load %arg6[%get3A_573, %get3A_574] {strides = array<i32>} : memref<80x128xi32, #tpu.memory_space<vmem>>, vector<1x16xi32>,
      %get3A_576 = vector.shape_cast %get3A_575 : vector<1x16xi32> to vector<16xi32>
      %and3A_577 = arith.constant 16383 : i32
      %and3A_578 = vector.broadcast %and3A_577 : i32 to vector<16xi32>
      %and3A_579 = arith.andi %get3A_576, %and3A_578 : vector<16xi32>
      %swap3A_580 = arith.constant 32 : index
      %swap3A_581 = tpu.vector_load %arg8[%swap3A_580] {strides = array<i32>} : memref<64xi32, #tpu.memory_space<vmem>>, vector<16xi32>,
      %swap3A_582 = vector.shape_cast %swap3A_581 : vector<16xi32> to vector<16xi32>
      %swap3A_583 = vector.shape_cast %and3A_579 : vector<16xi32> to vector<16xi32>
      tpu.vector_store %arg8[%swap3A_580], %swap3A_583 {strides = array<i32>} : memref<64xi32, #tpu.memory_space<vmem>>, vector<16xi32>,
      %shift_right_logical3A_584 = arith.constant 14 : i32
      %shift_right_logical3A_585 = vector.broadcast %shift_right_logical3A_584 : i32 to vector<16xi32>
      %shift_right_logical3A_586 = arith.shrui %get3A_576, %shift_right_logical3A_585 : vector<16xi32>
      %swap3A_587 = arith.constant 1 : i32
      %swap3A_588 = arith.index_cast %rem3A_415 : i32 to index
      %swap3A_589 = arith.index_cast %swap3A_587 : i32 to index
      %swap3A_590 = arith.constant 32 : index
      %swap3A_591 = tpu.vector_load %arg15[%swap3A_588, %swap3A_589, %swap3A_590] {strides = array<i32>} : memref<2x4x64xi32, #tpu.memory_space<vmem>>, vector<1x1x16xi32>,
      %swap3A_592 = vector.shape_cast %swap3A_591 : vector<1x1x16xi32> to vector<16xi32>
      %swap3A_593 = vector.shape_cast %shift_right_logical3A_586 : vector<16xi32> to vector<1x1x16xi32>
      tpu.vector_store %arg15[%swap3A_588, %swap3A_589, %swap3A_590], %swap3A_593 {strides = array<i32>} : memref<2x4x64xi32, #tpu.memory_space<vmem>>, vector<1x1x16xi32>,
      %get3A_594 = arith.index_cast %add3A_530 : i32 to index
      %get3A_595 = arith.constant 112 : index
      %get3A_596 = tpu.vector_load %arg6[%get3A_594, %get3A_595] {strides = array<i32>} : memref<80x128xi32, #tpu.memory_space<vmem>>, vector<1x16xi32>,
      %get3A_597 = vector.shape_cast %get3A_596 : vector<1x16xi32> to vector<16xi32>
      %and3A_598 = arith.constant 16383 : i32
      %and3A_599 = vector.broadcast %and3A_598 : i32 to vector<16xi32>
      %and3A_600 = arith.andi %get3A_597, %and3A_599 : vector<16xi32>
      %swap3A_601 = arith.constant 48 : index
      %swap3A_602 = tpu.vector_load %arg8[%swap3A_601] {strides = array<i32>} : memref<64xi32, #tpu.memory_space<vmem>>, vector<16xi32>,
      %swap3A_603 = vector.shape_cast %swap3A_602 : vector<16xi32> to vector<16xi32>
      %swap3A_604 = vector.shape_cast %and3A_600 : vector<16xi32> to vector<16xi32>
      tpu.vector_store %arg8[%swap3A_601], %swap3A_604 {strides = array<i32>} : memref<64xi32, #tpu.memory_space<vmem>>, vector<16xi32>,
      %shift_right_logical3A_605 = arith.constant 14 : i32
      %shift_right_logical3A_606 = vector.broadcast %shift_right_logical3A_605 : i32 to vector<16xi32>
      %shift_right_logical3A_607 = arith.shrui %get3A_597, %shift_right_logical3A_606 : vector<16xi32>
      %swap3A_608 = arith.constant 1 : i32
      %swap3A_609 = arith.index_cast %rem3A_415 : i32 to index
      %swap3A_610 = arith.index_cast %swap3A_608 : i32 to index
      %swap3A_611 = arith.constant 48 : index
      %swap3A_612 = tpu.vector_load %arg15[%swap3A_609, %swap3A_610, %swap3A_611] {strides = array<i32>} : memref<2x4x64xi32, #tpu.memory_space<vmem>>, vector<1x1x16xi32>,
      %swap3A_613 = vector.shape_cast %swap3A_612 : vector<1x1x16xi32> to vector<16xi32>
      %swap3A_614 = vector.shape_cast %shift_right_logical3A_607 : vector<16xi32> to vector<1x1x16xi32>
      tpu.vector_store %arg15[%swap3A_609, %swap3A_610, %swap3A_611], %swap3A_614 {strides = array<i32>} : memref<2x4x64xi32, #tpu.memory_space<vmem>>, vector<1x1x16xi32>,
      %dma_start3A_615 = arith.constant 0 : i32
      %dma_start3A_616 = arith.constant 0 : i32
      %dma_start3A_617 = tpu.memref_slice %arg2[%dma_start3A_615, %dma_start3A_616] : memref<10240x128xf32, #tpu.memory_space<hbm>> -> memref<10240x128xf32, #tpu.memory_space<hbm>>
      tpu.enqueue_indirect_dma source(%dma_start3A_617 : memref<10240x128xf32, #tpu.memory_space<hbm>>) target(%arg12 : memref<64x128xf32, #tpu.memory_space<vmem>>) offsets(%arg8 : memref<64xi32, #tpu.memory_space<vmem>>) semaphore(%arg17 : memref<!tpu.dma_semaphore, #tpu.memory_space<semaphore_mem>>)
      %mul3A_618 = arith.constant 4 : i32
      %mul3A_619 = arith.muli %mul3A_618, %add3A_409 : i32
      %add3A_620 = arith.constant 2 : i32
      %add3A_621 = arith.addi %mul3A_619, %add3A_620 : i32
      %dma_wait3A_622 = arith.constant 0 : i32
      %dma_wait3A_623 = arith.constant 0 : i32
      %dma_wait3A_624 = tpu.memref_slice %arg2[%dma_wait3A_622, %dma_wait3A_623] : memref<10240x128xf32, #tpu.memory_space<hbm>> -> memref<10240x128xf32, #tpu.memory_space<hbm>>
      tpu.wait_indirect_dma semaphore(%arg18 : memref<!tpu.dma_semaphore, #tpu.memory_space<semaphore_mem>>) src(%dma_wait3A_624 : memref<10240x128xf32, #tpu.memory_space<hbm>>) dst(%arg13 : memref<64x128xf32, #tpu.memory_space<vmem>>)
      %run_scoped3A_625 = arith.constant 2 : i32
      "tpu.region"() ({
        %run_scoped3A_820 = tpu.sem_alloc : memref<!tpu.dma_semaphore, #tpu.memory_space<semaphore_mem>>
        %dma_start3A_821 = arith.constant 0 : i32
        %dma_start3A_822 = tpu.memref_slice %arg15[%rem3A_411, %run_scoped3A_625, %dma_start3A_821] : memref<2x4x64xi32, #tpu.memory_space<vmem>> -> memref<1x1x64xi32, #tpu.memory_space<vmem>>
        %dma_start3A_823 = tpu.memref_squeeze %dma_start3A_822 : memref<1x1x64xi32, #tpu.memory_space<vmem>> -> memref<64xi32, #tpu.memory_space<vmem>>
        %dma_start3A_824 = arith.constant 0 : i32
        %dma_start3A_825 = arith.constant 0 : i32
        %dma_start3A_826 = tpu.memref_slice %arg20[%dma_start3A_824, %dma_start3A_825] : memref<10240x128xf32, #tpu.memory_space<vmem_shared>> -> memref<10240x128xf32, #tpu.memory_space<vmem_shared>>
        tpu.enqueue_indirect_dma source(%arg13 : memref<64x128xf32, #tpu.memory_space<vmem>>) target(%dma_start3A_826 : memref<10240x128xf32, #tpu.memory_space<vmem_shared>>) offsets(%dma_start3A_823 : memref<64xi32, #tpu.memory_space<vmem>>) semaphore(%run_scoped3A_820 : memref<!tpu.dma_semaphore, #tpu.memory_space<semaphore_mem>>) {add = true}
        %dma_wait3A_827 = arith.constant 0 : i32
        %dma_wait3A_828 = tpu.memref_slice %arg15[%rem3A_411, %run_scoped3A_625, %dma_wait3A_827] : memref<2x4x64xi32, #tpu.memory_space<vmem>> -> memref<1x1x64xi32, #tpu.memory_space<vmem>>
        %dma_wait3A_829 = tpu.memref_squeeze %dma_wait3A_828 : memref<1x1x64xi32, #tpu.memory_space<vmem>> -> memref<64xi32, #tpu.memory_space<vmem>>
        %dma_wait3A_830 = arith.constant 0 : i32
        %dma_wait3A_831 = arith.constant 0 : i32
        %dma_wait3A_832 = tpu.memref_slice %arg20[%dma_wait3A_830, %dma_wait3A_831] : memref<10240x128xf32, #tpu.memory_space<vmem_shared>> -> memref<10240x128xf32, #tpu.memory_space<vmem_shared>>
        tpu.wait_indirect_dma semaphore(%run_scoped3A_820 : memref<!tpu.dma_semaphore, #tpu.memory_space<semaphore_mem>>) src(%arg13 : memref<64x128xf32, #tpu.memory_space<vmem>>) dst(%dma_wait3A_832 : memref<10240x128xf32, #tpu.memory_space<vmem_shared>>)
        tpu.yield
      }) : () -> ()
      %mul3A_626 = arith.constant 2 : i32
      %mul3A_627 = arith.muli %mul3A_626, %add3A_409 : i32
      %add3A_628 = arith.constant 2 : i32
      %add3A_629 = arith.addi %mul3A_627, %add3A_628 : i32
      %add3A_630 = arith.constant 1 : i32
      %add3A_631 = arith.addi %add3A_629, %add3A_630 : i32
      %get3A_632 = arith.index_cast %add3A_631 : i32 to index
      %get3A_633 = arith.constant 0 : index
      %get3A_634 = tpu.vector_load %arg6[%get3A_632, %get3A_633] {strides = array<i32>} : memref<80x128xi32, #tpu.memory_space<vmem>>, vector<1x16xi32>,
      %get3A_635 = vector.shape_cast %get3A_634 : vector<1x16xi32> to vector<16xi32>
      %and3A_636 = arith.constant 16383 : i32
      %and3A_637 = vector.broadcast %and3A_636 : i32 to vector<16xi32>
      %and3A_638 = arith.andi %get3A_635, %and3A_637 : vector<16xi32>
      %swap3A_639 = arith.constant 0 : index
      %swap3A_640 = tpu.vector_load %arg9[%swap3A_639] {strides = array<i32>} : memref<64xi32, #tpu.memory_space<vmem>>, vector<16xi32>,
      %swap3A_641 = vector.shape_cast %swap3A_640 : vector<16xi32> to vector<16xi32>
      %swap3A_642 = vector.shape_cast %and3A_638 : vector<16xi32> to vector<16xi32>
      tpu.vector_store %arg9[%swap3A_639], %swap3A_642 {strides = array<i32>} : memref<64xi32, #tpu.memory_space<vmem>>, vector<16xi32>,
      %shift_right_logical3A_643 = arith.constant 14 : i32
      %shift_right_logical3A_644 = vector.broadcast %shift_right_logical3A_643 : i32 to vector<16xi32>
      %shift_right_logical3A_645 = arith.shrui %get3A_635, %shift_right_logical3A_644 : vector<16xi32>
      %swap3A_646 = arith.constant 2 : i32
      %swap3A_647 = arith.index_cast %rem3A_415 : i32 to index
      %swap3A_648 = arith.index_cast %swap3A_646 : i32 to index
      %swap3A_649 = arith.constant 0 : index
      %swap3A_650 = tpu.vector_load %arg15[%swap3A_647, %swap3A_648, %swap3A_649] {strides = array<i32>} : memref<2x4x64xi32, #tpu.memory_space<vmem>>, vector<1x1x16xi32>,
      %swap3A_651 = vector.shape_cast %swap3A_650 : vector<1x1x16xi32> to vector<16xi32>
      %swap3A_652 = vector.shape_cast %shift_right_logical3A_645 : vector<16xi32> to vector<1x1x16xi32>
      tpu.vector_store %arg15[%swap3A_647, %swap3A_648, %swap3A_649], %swap3A_652 {strides = array<i32>} : memref<2x4x64xi32, #tpu.memory_space<vmem>>, vector<1x1x16xi32>,
      %get3A_653 = arith.index_cast %add3A_631 : i32 to index
      %get3A_654 = arith.constant 16 : index
      %get3A_655 = tpu.vector_load %arg6[%get3A_653, %get3A_654] {strides = array<i32>} : memref<80x128xi32, #tpu.memory_space<vmem>>, vector<1x16xi32>,
      %get3A_656 = vector.shape_cast %get3A_655 : vector<1x16xi32> to vector<16xi32>
      %and3A_657 = arith.constant 16383 : i32
      %and3A_658 = vector.broadcast %and3A_657 : i32 to vector<16xi32>
      %and3A_659 = arith.andi %get3A_656, %and3A_658 : vector<16xi32>
      %swap3A_660 = arith.constant 16 : index
      %swap3A_661 = tpu.vector_load %arg9[%swap3A_660] {strides = array<i32>} : memref<64xi32, #tpu.memory_space<vmem>>, vector<16xi32>,
      %swap3A_662 = vector.shape_cast %swap3A_661 : vector<16xi32> to vector<16xi32>
      %swap3A_663 = vector.shape_cast %and3A_659 : vector<16xi32> to vector<16xi32>
      tpu.vector_store %arg9[%swap3A_660], %swap3A_663 {strides = array<i32>} : memref<64xi32, #tpu.memory_space<vmem>>, vector<16xi32>,
      %shift_right_logical3A_664 = arith.constant 14 : i32
      %shift_right_logical3A_665 = vector.broadcast %shift_right_logical3A_664 : i32 to vector<16xi32>
      %shift_right_logical3A_666 = arith.shrui %get3A_656, %shift_right_logical3A_665 : vector<16xi32>
      %swap3A_667 = arith.constant 2 : i32
      %swap3A_668 = arith.index_cast %rem3A_415 : i32 to index
      %swap3A_669 = arith.index_cast %swap3A_667 : i32 to index
      %swap3A_670 = arith.constant 16 : index
      %swap3A_671 = tpu.vector_load %arg15[%swap3A_668, %swap3A_669, %swap3A_670] {strides = array<i32>} : memref<2x4x64xi32, #tpu.memory_space<vmem>>, vector<1x1x16xi32>,
      %swap3A_672 = vector.shape_cast %swap3A_671 : vector<1x1x16xi32> to vector<16xi32>
      %swap3A_673 = vector.shape_cast %shift_right_logical3A_666 : vector<16xi32> to vector<1x1x16xi32>
      tpu.vector_store %arg15[%swap3A_668, %swap3A_669, %swap3A_670], %swap3A_673 {strides = array<i32>} : memref<2x4x64xi32, #tpu.memory_space<vmem>>, vector<1x1x16xi32>,
      %get3A_674 = arith.index_cast %add3A_631 : i32 to index
      %get3A_675 = arith.constant 32 : index
      %get3A_676 = tpu.vector_load %arg6[%get3A_674, %get3A_675] {strides = array<i32>} : memref<80x128xi32, #tpu.memory_space<vmem>>, vector<1x16xi32>,
      %get3A_677 = vector.shape_cast %get3A_676 : vector<1x16xi32> to vector<16xi32>
      %and3A_678 = arith.constant 16383 : i32
      %and3A_679 = vector.broadcast %and3A_678 : i32 to vector<16xi32>
      %and3A_680 = arith.andi %get3A_677, %and3A_679 : vector<16xi32>
      %swap3A_681 = arith.constant 32 : index
      %swap3A_682 = tpu.vector_load %arg9[%swap3A_681] {strides = array<i32>} : memref<64xi32, #tpu.memory_space<vmem>>, vector<16xi32>,
      %swap3A_683 = vector.shape_cast %swap3A_682 : vector<16xi32> to vector<16xi32>
      %swap3A_684 = vector.shape_cast %and3A_680 : vector<16xi32> to vector<16xi32>
      tpu.vector_store %arg9[%swap3A_681], %swap3A_684 {strides = array<i32>} : memref<64xi32, #tpu.memory_space<vmem>>, vector<16xi32>,
      %shift_right_logical3A_685 = arith.constant 14 : i32
      %shift_right_logical3A_686 = vector.broadcast %shift_right_logical3A_685 : i32 to vector<16xi32>
      %shift_right_logical3A_687 = arith.shrui %get3A_677, %shift_right_logical3A_686 : vector<16xi32>
      %swap3A_688 = arith.constant 2 : i32
      %swap3A_689 = arith.index_cast %rem3A_415 : i32 to index
      %swap3A_690 = arith.index_cast %swap3A_688 : i32 to index
      %swap3A_691 = arith.constant 32 : index
      %swap3A_692 = tpu.vector_load %arg15[%swap3A_689, %swap3A_690, %swap3A_691] {strides = array<i32>} : memref<2x4x64xi32, #tpu.memory_space<vmem>>, vector<1x1x16xi32>,
      %swap3A_693 = vector.shape_cast %swap3A_692 : vector<1x1x16xi32> to vector<16xi32>
      %swap3A_694 = vector.shape_cast %shift_right_logical3A_687 : vector<16xi32> to vector<1x1x16xi32>
      tpu.vector_store %arg15[%swap3A_689, %swap3A_690, %swap3A_691], %swap3A_694 {strides = array<i32>} : memref<2x4x64xi32, #tpu.memory_space<vmem>>, vector<1x1x16xi32>,
      %get3A_695 = arith.index_cast %add3A_631 : i32 to index
      %get3A_696 = arith.constant 48 : index
      %get3A_697 = tpu.vector_load %arg6[%get3A_695, %get3A_696] {strides = array<i32>} : memref<80x128xi32, #tpu.memory_space<vmem>>, vector<1x16xi32>,
      %get3A_698 = vector.shape_cast %get3A_697 : vector<1x16xi32> to vector<16xi32>
      %and3A_699 = arith.constant 16383 : i32
      %and3A_700 = vector.broadcast %and3A_699 : i32 to vector<16xi32>
      %and3A_701 = arith.andi %get3A_698, %and3A_700 : vector<16xi32>
      %swap3A_702 = arith.constant 48 : index
      %swap3A_703 = tpu.vector_load %arg9[%swap3A_702] {strides = array<i32>} : memref<64xi32, #tpu.memory_space<vmem>>, vector<16xi32>,
      %swap3A_704 = vector.shape_cast %swap3A_703 : vector<16xi32> to vector<16xi32>
      %swap3A_705 = vector.shape_cast %and3A_701 : vector<16xi32> to vector<16xi32>
      tpu.vector_store %arg9[%swap3A_702], %swap3A_705 {strides = array<i32>} : memref<64xi32, #tpu.memory_space<vmem>>, vector<16xi32>,
      %shift_right_logical3A_706 = arith.constant 14 : i32
      %shift_right_logical3A_707 = vector.broadcast %shift_right_logical3A_706 : i32 to vector<16xi32>
      %shift_right_logical3A_708 = arith.shrui %get3A_698, %shift_right_logical3A_707 : vector<16xi32>
      %swap3A_709 = arith.constant 2 : i32
      %swap3A_710 = arith.index_cast %rem3A_415 : i32 to index
      %swap3A_711 = arith.index_cast %swap3A_709 : i32 to index
      %swap3A_712 = arith.constant 48 : index
      %swap3A_713 = tpu.vector_load %arg15[%swap3A_710, %swap3A_711, %swap3A_712] {strides = array<i32>} : memref<2x4x64xi32, #tpu.memory_space<vmem>>, vector<1x1x16xi32>,
      %swap3A_714 = vector.shape_cast %swap3A_713 : vector<1x1x16xi32> to vector<16xi32>
      %swap3A_715 = vector.shape_cast %shift_right_logical3A_708 : vector<16xi32> to vector<1x1x16xi32>
      tpu.vector_store %arg15[%swap3A_710, %swap3A_711, %swap3A_712], %swap3A_715 {strides = array<i32>} : memref<2x4x64xi32, #tpu.memory_space<vmem>>, vector<1x1x16xi32>,
      %dma_start3A_716 = arith.constant 0 : i32
      %dma_start3A_717 = arith.constant 0 : i32
      %dma_start3A_718 = tpu.memref_slice %arg2[%dma_start3A_716, %dma_start3A_717] : memref<10240x128xf32, #tpu.memory_space<hbm>> -> memref<10240x128xf32, #tpu.memory_space<hbm>>
      tpu.enqueue_indirect_dma source(%dma_start3A_718 : memref<10240x128xf32, #tpu.memory_space<hbm>>) target(%arg13 : memref<64x128xf32, #tpu.memory_space<vmem>>) offsets(%arg9 : memref<64xi32, #tpu.memory_space<vmem>>) semaphore(%arg18 : memref<!tpu.dma_semaphore, #tpu.memory_space<semaphore_mem>>)
      %mul3A_719 = arith.constant 4 : i32
      %mul3A_720 = arith.muli %mul3A_719, %add3A_409 : i32
      %add3A_721 = arith.constant 3 : i32
      %add3A_722 = arith.addi %mul3A_720, %add3A_721 : i32
      %dma_wait3A_723 = arith.constant 0 : i32
      %dma_wait3A_724 = arith.constant 0 : i32
      %dma_wait3A_725 = tpu.memref_slice %arg2[%dma_wait3A_723, %dma_wait3A_724] : memref<10240x128xf32, #tpu.memory_space<hbm>> -> memref<10240x128xf32, #tpu.memory_space<hbm>>
      tpu.wait_indirect_dma semaphore(%arg19 : memref<!tpu.dma_semaphore, #tpu.memory_space<semaphore_mem>>) src(%dma_wait3A_725 : memref<10240x128xf32, #tpu.memory_space<hbm>>) dst(%arg14 : memref<64x128xf32, #tpu.memory_space<vmem>>)
      %run_scoped3A_726 = arith.constant 3 : i32
      "tpu.region"() ({
        %run_scoped3A_820 = tpu.sem_alloc : memref<!tpu.dma_semaphore, #tpu.memory_space<semaphore_mem>>
        %dma_start3A_821 = arith.constant 0 : i32
        %dma_start3A_822 = tpu.memref_slice %arg15[%rem3A_411, %run_scoped3A_726, %dma_start3A_821] : memref<2x4x64xi32, #tpu.memory_space<vmem>> -> memref<1x1x64xi32, #tpu.memory_space<vmem>>
        %dma_start3A_823 = tpu.memref_squeeze %dma_start3A_822 : memref<1x1x64xi32, #tpu.memory_space<vmem>> -> memref<64xi32, #tpu.memory_space<vmem>>
        %dma_start3A_824 = arith.constant 0 : i32
        %dma_start3A_825 = arith.constant 0 : i32
        %dma_start3A_826 = tpu.memref_slice %arg20[%dma_start3A_824, %dma_start3A_825] : memref<10240x128xf32, #tpu.memory_space<vmem_shared>> -> memref<10240x128xf32, #tpu.memory_space<vmem_shared>>
        tpu.enqueue_indirect_dma source(%arg14 : memref<64x128xf32, #tpu.memory_space<vmem>>) target(%dma_start3A_826 : memref<10240x128xf32, #tpu.memory_space<vmem_shared>>) offsets(%dma_start3A_823 : memref<64xi32, #tpu.memory_space<vmem>>) semaphore(%run_scoped3A_820 : memref<!tpu.dma_semaphore, #tpu.memory_space<semaphore_mem>>) {add = true}
        %dma_wait3A_827 = arith.constant 0 : i32
        %dma_wait3A_828 = tpu.memref_slice %arg15[%rem3A_411, %run_scoped3A_726, %dma_wait3A_827] : memref<2x4x64xi32, #tpu.memory_space<vmem>> -> memref<1x1x64xi32, #tpu.memory_space<vmem>>
        %dma_wait3A_829 = tpu.memref_squeeze %dma_wait3A_828 : memref<1x1x64xi32, #tpu.memory_space<vmem>> -> memref<64xi32, #tpu.memory_space<vmem>>
        %dma_wait3A_830 = arith.constant 0 : i32
        %dma_wait3A_831 = arith.constant 0 : i32
        %dma_wait3A_832 = tpu.memref_slice %arg20[%dma_wait3A_830, %dma_wait3A_831] : memref<10240x128xf32, #tpu.memory_space<vmem_shared>> -> memref<10240x128xf32, #tpu.memory_space<vmem_shared>>
        tpu.wait_indirect_dma semaphore(%run_scoped3A_820 : memref<!tpu.dma_semaphore, #tpu.memory_space<semaphore_mem>>) src(%arg14 : memref<64x128xf32, #tpu.memory_space<vmem>>) dst(%dma_wait3A_832 : memref<10240x128xf32, #tpu.memory_space<vmem_shared>>)
        tpu.yield
      }) : () -> ()
      %mul3A_727 = arith.constant 2 : i32
      %mul3A_728 = arith.muli %mul3A_727, %add3A_409 : i32
      %add3A_729 = arith.constant 2 : i32
      %add3A_730 = arith.addi %mul3A_728, %add3A_729 : i32
      %add3A_731 = arith.constant 1 : i32
      %add3A_732 = arith.addi %add3A_730, %add3A_731 : i32
      %get3A_733 = arith.index_cast %add3A_732 : i32 to index
      %get3A_734 = arith.constant 64 : index
      %get3A_735 = tpu.vector_load %arg6[%get3A_733, %get3A_734] {strides = array<i32>} : memref<80x128xi32, #tpu.memory_space<vmem>>, vector<1x16xi32>,
      %get3A_736 = vector.shape_cast %get3A_735 : vector<1x16xi32> to vector<16xi32>
      %and3A_737 = arith.constant 16383 : i32
      %and3A_738 = vector.broadcast %and3A_737 : i32 to vector<16xi32>
      %and3A_739 = arith.andi %get3A_736, %and3A_738 : vector<16xi32>
      %swap3A_740 = arith.constant 0 : index
      %swap3A_741 = tpu.vector_load %arg10[%swap3A_740] {strides = array<i32>} : memref<64xi32, #tpu.memory_space<vmem>>, vector<16xi32>,
      %swap3A_742 = vector.shape_cast %swap3A_741 : vector<16xi32> to vector<16xi32>
      %swap3A_743 = vector.shape_cast %and3A_739 : vector<16xi32> to vector<16xi32>
      tpu.vector_store %arg10[%swap3A_740], %swap3A_743 {strides = array<i32>} : memref<64xi32, #tpu.memory_space<vmem>>, vector<16xi32>,
      %shift_right_logical3A_744 = arith.constant 14 : i32
      %shift_right_logical3A_745 = vector.broadcast %shift_right_logical3A_744 : i32 to vector<16xi32>
      %shift_right_logical3A_746 = arith.shrui %get3A_736, %shift_right_logical3A_745 : vector<16xi32>
      %swap3A_747 = arith.constant 3 : i32
      %swap3A_748 = arith.index_cast %rem3A_415 : i32 to index
      %swap3A_749 = arith.index_cast %swap3A_747 : i32 to index
      %swap3A_750 = arith.constant 0 : index
      %swap3A_751 = tpu.vector_load %arg15[%swap3A_748, %swap3A_749, %swap3A_750] {strides = array<i32>} : memref<2x4x64xi32, #tpu.memory_space<vmem>>, vector<1x1x16xi32>,
      %swap3A_752 = vector.shape_cast %swap3A_751 : vector<1x1x16xi32> to vector<16xi32>
      %swap3A_753 = vector.shape_cast %shift_right_logical3A_746 : vector<16xi32> to vector<1x1x16xi32>
      tpu.vector_store %arg15[%swap3A_748, %swap3A_749, %swap3A_750], %swap3A_753 {strides = array<i32>} : memref<2x4x64xi32, #tpu.memory_space<vmem>>, vector<1x1x16xi32>,
      %get3A_754 = arith.index_cast %add3A_732 : i32 to index
      %get3A_755 = arith.constant 80 : index
      %get3A_756 = tpu.vector_load %arg6[%get3A_754, %get3A_755] {strides = array<i32>} : memref<80x128xi32, #tpu.memory_space<vmem>>, vector<1x16xi32>,
      %get3A_757 = vector.shape_cast %get3A_756 : vector<1x16xi32> to vector<16xi32>
      %and3A_758 = arith.constant 16383 : i32
      %and3A_759 = vector.broadcast %and3A_758 : i32 to vector<16xi32>
      %and3A_760 = arith.andi %get3A_757, %and3A_759 : vector<16xi32>
      %swap3A_761 = arith.constant 16 : index
      %swap3A_762 = tpu.vector_load %arg10[%swap3A_761] {strides = array<i32>} : memref<64xi32, #tpu.memory_space<vmem>>, vector<16xi32>,
      %swap3A_763 = vector.shape_cast %swap3A_762 : vector<16xi32> to vector<16xi32>
      %swap3A_764 = vector.shape_cast %and3A_760 : vector<16xi32> to vector<16xi32>
      tpu.vector_store %arg10[%swap3A_761], %swap3A_764 {strides = array<i32>} : memref<64xi32, #tpu.memory_space<vmem>>, vector<16xi32>,
      %shift_right_logical3A_765 = arith.constant 14 : i32
      %shift_right_logical3A_766 = vector.broadcast %shift_right_logical3A_765 : i32 to vector<16xi32>
      %shift_right_logical3A_767 = arith.shrui %get3A_757, %shift_right_logical3A_766 : vector<16xi32>
      %swap3A_768 = arith.constant 3 : i32
      %swap3A_769 = arith.index_cast %rem3A_415 : i32 to index
      %swap3A_770 = arith.index_cast %swap3A_768 : i32 to index
      %swap3A_771 = arith.constant 16 : index
      %swap3A_772 = tpu.vector_load %arg15[%swap3A_769, %swap3A_770, %swap3A_771] {strides = array<i32>} : memref<2x4x64xi32, #tpu.memory_space<vmem>>, vector<1x1x16xi32>,
      %swap3A_773 = vector.shape_cast %swap3A_772 : vector<1x1x16xi32> to vector<16xi32>
      %swap3A_774 = vector.shape_cast %shift_right_logical3A_767 : vector<16xi32> to vector<1x1x16xi32>
      tpu.vector_store %arg15[%swap3A_769, %swap3A_770, %swap3A_771], %swap3A_774 {strides = array<i32>} : memref<2x4x64xi32, #tpu.memory_space<vmem>>, vector<1x1x16xi32>,
      %get3A_775 = arith.index_cast %add3A_732 : i32 to index
      %get3A_776 = arith.constant 96 : index
      %get3A_777 = tpu.vector_load %arg6[%get3A_775, %get3A_776] {strides = array<i32>} : memref<80x128xi32, #tpu.memory_space<vmem>>, vector<1x16xi32>,
      %get3A_778 = vector.shape_cast %get3A_777 : vector<1x16xi32> to vector<16xi32>
      %and3A_779 = arith.constant 16383 : i32
      %and3A_780 = vector.broadcast %and3A_779 : i32 to vector<16xi32>
      %and3A_781 = arith.andi %get3A_778, %and3A_780 : vector<16xi32>
      %swap3A_782 = arith.constant 32 : index
      %swap3A_783 = tpu.vector_load %arg10[%swap3A_782] {strides = array<i32>} : memref<64xi32, #tpu.memory_space<vmem>>, vector<16xi32>,
      %swap3A_784 = vector.shape_cast %swap3A_783 : vector<16xi32> to vector<16xi32>
      %swap3A_785 = vector.shape_cast %and3A_781 : vector<16xi32> to vector<16xi32>
      tpu.vector_store %arg10[%swap3A_782], %swap3A_785 {strides = array<i32>} : memref<64xi32, #tpu.memory_space<vmem>>, vector<16xi32>,
      %shift_right_logical3A_786 = arith.constant 14 : i32
      %shift_right_logical3A_787 = vector.broadcast %shift_right_logical3A_786 : i32 to vector<16xi32>
      %shift_right_logical3A_788 = arith.shrui %get3A_778, %shift_right_logical3A_787 : vector<16xi32>
      %swap3A_789 = arith.constant 3 : i32
      %swap3A_790 = arith.index_cast %rem3A_415 : i32 to index
      %swap3A_791 = arith.index_cast %swap3A_789 : i32 to index
      %swap3A_792 = arith.constant 32 : index
      %swap3A_793 = tpu.vector_load %arg15[%swap3A_790, %swap3A_791, %swap3A_792] {strides = array<i32>} : memref<2x4x64xi32, #tpu.memory_space<vmem>>, vector<1x1x16xi32>,
      %swap3A_794 = vector.shape_cast %swap3A_793 : vector<1x1x16xi32> to vector<16xi32>
      %swap3A_795 = vector.shape_cast %shift_right_logical3A_788 : vector<16xi32> to vector<1x1x16xi32>
      tpu.vector_store %arg15[%swap3A_790, %swap3A_791, %swap3A_792], %swap3A_795 {strides = array<i32>} : memref<2x4x64xi32, #tpu.memory_space<vmem>>, vector<1x1x16xi32>,
      %get3A_796 = arith.index_cast %add3A_732 : i32 to index
      %get3A_797 = arith.constant 112 : index
      %get3A_798 = tpu.vector_load %arg6[%get3A_796, %get3A_797] {strides = array<i32>} : memref<80x128xi32, #tpu.memory_space<vmem>>, vector<1x16xi32>,
      %get3A_799 = vector.shape_cast %get3A_798 : vector<1x16xi32> to vector<16xi32>
      %and3A_800 = arith.constant 16383 : i32
      %and3A_801 = vector.broadcast %and3A_800 : i32 to vector<16xi32>
      %and3A_802 = arith.andi %get3A_799, %and3A_801 : vector<16xi32>
      %swap3A_803 = arith.constant 48 : index
      %swap3A_804 = tpu.vector_load %arg10[%swap3A_803] {strides = array<i32>} : memref<64xi32, #tpu.memory_space<vmem>>, vector<16xi32>,
      %swap3A_805 = vector.shape_cast %swap3A_804 : vector<16xi32> to vector<16xi32>
      %swap3A_806 = vector.shape_cast %and3A_802 : vector<16xi32> to vector<16xi32>
      tpu.vector_store %arg10[%swap3A_803], %swap3A_806 {strides = array<i32>} : memref<64xi32, #tpu.memory_space<vmem>>, vector<16xi32>,
      %shift_right_logical3A_807 = arith.constant 14 : i32
      %shift_right_logical3A_808 = vector.broadcast %shift_right_logical3A_807 : i32 to vector<16xi32>
      %shift_right_logical3A_809 = arith.shrui %get3A_799, %shift_right_logical3A_808 : vector<16xi32>
      %swap3A_810 = arith.constant 3 : i32
      %swap3A_811 = arith.index_cast %rem3A_415 : i32 to index
      %swap3A_812 = arith.index_cast %swap3A_810 : i32 to index
      %swap3A_813 = arith.constant 48 : index
      %swap3A_814 = tpu.vector_load %arg15[%swap3A_811, %swap3A_812, %swap3A_813] {strides = array<i32>} : memref<2x4x64xi32, #tpu.memory_space<vmem>>, vector<1x1x16xi32>,
      %swap3A_815 = vector.shape_cast %swap3A_814 : vector<1x1x16xi32> to vector<16xi32>
      %swap3A_816 = vector.shape_cast %shift_right_logical3A_809 : vector<16xi32> to vector<1x1x16xi32>
      tpu.vector_store %arg15[%swap3A_811, %swap3A_812, %swap3A_813], %swap3A_816 {strides = array<i32>} : memref<2x4x64xi32, #tpu.memory_space<vmem>>, vector<1x1x16xi32>,
      %dma_start3A_817 = arith.constant 0 : i32
      %dma_start3A_818 = arith.constant 0 : i32
      %dma_start3A_819 = tpu.memref_slice %arg2[%dma_start3A_817, %dma_start3A_818] : memref<10240x128xf32, #tpu.memory_space<hbm>> -> memref<10240x128xf32, #tpu.memory_space<hbm>>
      tpu.enqueue_indirect_dma source(%dma_start3A_819 : memref<10240x128xf32, #tpu.memory_space<hbm>>) target(%arg14 : memref<64x128xf32, #tpu.memory_space<vmem>>) offsets(%arg10 : memref<64xi32, #tpu.memory_space<vmem>>) semaphore(%arg19 : memref<!tpu.dma_semaphore, #tpu.memory_space<semaphore_mem>>)
    }
    %scan3A_383 = arith.constant 39 : i32
    %rem3A = arith.constant 39 : i32
    %rem3A_384 = arith.constant 2 : i32
    %rem3A_385 = arith.remsi %rem3A, %rem3A_384 : i32
    %dma_wait3A = arith.constant 0 : i32
    %dma_wait3A_386 = arith.constant 0 : i32
    %dma_wait3A_387 = tpu.memref_slice %arg2[%dma_wait3A, %dma_wait3A_386] : memref<10240x128xf32, #tpu.memory_space<hbm>> -> memref<10240x128xf32, #tpu.memory_space<hbm>>
    tpu.wait_indirect_dma semaphore(%arg16 : memref<!tpu.dma_semaphore, #tpu.memory_space<semaphore_mem>>) src(%dma_wait3A_387 : memref<10240x128xf32, #tpu.memory_space<hbm>>) dst(%arg11 : memref<64x128xf32, #tpu.memory_space<vmem>>)
    %run_scoped3A = arith.constant 0 : i32
    "tpu.region"() ({
      %run_scoped3A_405 = tpu.sem_alloc : memref<!tpu.dma_semaphore, #tpu.memory_space<semaphore_mem>>
      %dma_start3A_406 = arith.constant 0 : i32
      %dma_start3A_407 = tpu.memref_slice %arg15[%rem3A_385, %run_scoped3A, %dma_start3A_406] : memref<2x4x64xi32, #tpu.memory_space<vmem>> -> memref<1x1x64xi32, #tpu.memory_space<vmem>>
      %dma_start3A_408 = tpu.memref_squeeze %dma_start3A_407 : memref<1x1x64xi32, #tpu.memory_space<vmem>> -> memref<64xi32, #tpu.memory_space<vmem>>
      %dma_start3A_409 = arith.constant 0 : i32
      %dma_start3A_410 = arith.constant 0 : i32
      %dma_start3A_411 = tpu.memref_slice %arg20[%dma_start3A_409, %dma_start3A_410] : memref<10240x128xf32, #tpu.memory_space<vmem_shared>> -> memref<10240x128xf32, #tpu.memory_space<vmem_shared>>
      tpu.enqueue_indirect_dma source(%arg11 : memref<64x128xf32, #tpu.memory_space<vmem>>) target(%dma_start3A_411 : memref<10240x128xf32, #tpu.memory_space<vmem_shared>>) offsets(%dma_start3A_408 : memref<64xi32, #tpu.memory_space<vmem>>) semaphore(%run_scoped3A_405 : memref<!tpu.dma_semaphore, #tpu.memory_space<semaphore_mem>>) {add = true}
      %dma_wait3A_412 = arith.constant 0 : i32
      %dma_wait3A_413 = tpu.memref_slice %arg15[%rem3A_385, %run_scoped3A, %dma_wait3A_412] : memref<2x4x64xi32, #tpu.memory_space<vmem>> -> memref<1x1x64xi32, #tpu.memory_space<vmem>>
      %dma_wait3A_414 = tpu.memref_squeeze %dma_wait3A_413 : memref<1x1x64xi32, #tpu.memory_space<vmem>> -> memref<64xi32, #tpu.memory_space<vmem>>
      %dma_wait3A_415 = arith.constant 0 : i32
      %dma_wait3A_416 = arith.constant 0 : i32
      %dma_wait3A_417 = tpu.memref_slice %arg20[%dma_wait3A_415, %dma_wait3A_416] : memref<10240x128xf32, #tpu.memory_space<vmem_shared>> -> memref<10240x128xf32, #tpu.memory_space<vmem_shared>>
      tpu.wait_indirect_dma semaphore(%run_scoped3A_405 : memref<!tpu.dma_semaphore, #tpu.memory_space<semaphore_mem>>) src(%arg11 : memref<64x128xf32, #tpu.memory_space<vmem>>) dst(%dma_wait3A_417 : memref<10240x128xf32, #tpu.memory_space<vmem_shared>>)
      tpu.yield
    }) : () -> ()
    %dma_wait3A_388 = arith.constant 0 : i32
    %dma_wait3A_389 = arith.constant 0 : i32
    %dma_wait3A_390 = tpu.memref_slice %arg2[%dma_wait3A_388, %dma_wait3A_389] : memref<10240x128xf32, #tpu.memory_space<hbm>> -> memref<10240x128xf32, #tpu.memory_space<hbm>>
    tpu.wait_indirect_dma semaphore(%arg17 : memref<!tpu.dma_semaphore, #tpu.memory_space<semaphore_mem>>) src(%dma_wait3A_390 : memref<10240x128xf32, #tpu.memory_space<hbm>>) dst(%arg12 : memref<64x128xf32, #tpu.memory_space<vmem>>)
    %run_scoped3A_391 = arith.constant 1 : i32
    "tpu.region"() ({
      %run_scoped3A_405 = tpu.sem_alloc : memref<!tpu.dma_semaphore, #tpu.memory_space<semaphore_mem>>
      %dma_start3A_406 = arith.constant 0 : i32
      %dma_start3A_407 = tpu.memref_slice %arg15[%rem3A_385, %run_scoped3A_391, %dma_start3A_406] : memref<2x4x64xi32, #tpu.memory_space<vmem>> -> memref<1x1x64xi32, #tpu.memory_space<vmem>>
      %dma_start3A_408 = tpu.memref_squeeze %dma_start3A_407 : memref<1x1x64xi32, #tpu.memory_space<vmem>> -> memref<64xi32, #tpu.memory_space<vmem>>
      %dma_start3A_409 = arith.constant 0 : i32
      %dma_start3A_410 = arith.constant 0 : i32
      %dma_start3A_411 = tpu.memref_slice %arg20[%dma_start3A_409, %dma_start3A_410] : memref<10240x128xf32, #tpu.memory_space<vmem_shared>> -> memref<10240x128xf32, #tpu.memory_space<vmem_shared>>
      tpu.enqueue_indirect_dma source(%arg12 : memref<64x128xf32, #tpu.memory_space<vmem>>) target(%dma_start3A_411 : memref<10240x128xf32, #tpu.memory_space<vmem_shared>>) offsets(%dma_start3A_408 : memref<64xi32, #tpu.memory_space<vmem>>) semaphore(%run_scoped3A_405 : memref<!tpu.dma_semaphore, #tpu.memory_space<semaphore_mem>>) {add = true}
      %dma_wait3A_412 = arith.constant 0 : i32
      %dma_wait3A_413 = tpu.memref_slice %arg15[%rem3A_385, %run_scoped3A_391, %dma_wait3A_412] : memref<2x4x64xi32, #tpu.memory_space<vmem>> -> memref<1x1x64xi32, #tpu.memory_space<vmem>>
      %dma_wait3A_414 = tpu.memref_squeeze %dma_wait3A_413 : memref<1x1x64xi32, #tpu.memory_space<vmem>> -> memref<64xi32, #tpu.memory_space<vmem>>
      %dma_wait3A_415 = arith.constant 0 : i32
      %dma_wait3A_416 = arith.constant 0 : i32
      %dma_wait3A_417 = tpu.memref_slice %arg20[%dma_wait3A_415, %dma_wait3A_416] : memref<10240x128xf32, #tpu.memory_space<vmem_shared>> -> memref<10240x128xf32, #tpu.memory_space<vmem_shared>>
      tpu.wait_indirect_dma semaphore(%run_scoped3A_405 : memref<!tpu.dma_semaphore, #tpu.memory_space<semaphore_mem>>) src(%arg12 : memref<64x128xf32, #tpu.memory_space<vmem>>) dst(%dma_wait3A_417 : memref<10240x128xf32, #tpu.memory_space<vmem_shared>>)
      tpu.yield
    }) : () -> ()
    %dma_wait3A_392 = arith.constant 0 : i32
    %dma_wait3A_393 = arith.constant 0 : i32
    %dma_wait3A_394 = tpu.memref_slice %arg2[%dma_wait3A_392, %dma_wait3A_393] : memref<10240x128xf32, #tpu.memory_space<hbm>> -> memref<10240x128xf32, #tpu.memory_space<hbm>>
    tpu.wait_indirect_dma semaphore(%arg18 : memref<!tpu.dma_semaphore, #tpu.memory_space<semaphore_mem>>) src(%dma_wait3A_394 : memref<10240x128xf32, #tpu.memory_space<hbm>>) dst(%arg13 : memref<64x128xf32, #tpu.memory_space<vmem>>)
    %run_scoped3A_395 = arith.constant 2 : i32
    "tpu.region"() ({
      %run_scoped3A_405 = tpu.sem_alloc : memref<!tpu.dma_semaphore, #tpu.memory_space<semaphore_mem>>
      %dma_start3A_406 = arith.constant 0 : i32
      %dma_start3A_407 = tpu.memref_slice %arg15[%rem3A_385, %run_scoped3A_395, %dma_start3A_406] : memref<2x4x64xi32, #tpu.memory_space<vmem>> -> memref<1x1x64xi32, #tpu.memory_space<vmem>>
      %dma_start3A_408 = tpu.memref_squeeze %dma_start3A_407 : memref<1x1x64xi32, #tpu.memory_space<vmem>> -> memref<64xi32, #tpu.memory_space<vmem>>
      %dma_start3A_409 = arith.constant 0 : i32
      %dma_start3A_410 = arith.constant 0 : i32
      %dma_start3A_411 = tpu.memref_slice %arg20[%dma_start3A_409, %dma_start3A_410] : memref<10240x128xf32, #tpu.memory_space<vmem_shared>> -> memref<10240x128xf32, #tpu.memory_space<vmem_shared>>
      tpu.enqueue_indirect_dma source(%arg13 : memref<64x128xf32, #tpu.memory_space<vmem>>) target(%dma_start3A_411 : memref<10240x128xf32, #tpu.memory_space<vmem_shared>>) offsets(%dma_start3A_408 : memref<64xi32, #tpu.memory_space<vmem>>) semaphore(%run_scoped3A_405 : memref<!tpu.dma_semaphore, #tpu.memory_space<semaphore_mem>>) {add = true}
      %dma_wait3A_412 = arith.constant 0 : i32
      %dma_wait3A_413 = tpu.memref_slice %arg15[%rem3A_385, %run_scoped3A_395, %dma_wait3A_412] : memref<2x4x64xi32, #tpu.memory_space<vmem>> -> memref<1x1x64xi32, #tpu.memory_space<vmem>>
      %dma_wait3A_414 = tpu.memref_squeeze %dma_wait3A_413 : memref<1x1x64xi32, #tpu.memory_space<vmem>> -> memref<64xi32, #tpu.memory_space<vmem>>
      %dma_wait3A_415 = arith.constant 0 : i32
      %dma_wait3A_416 = arith.constant 0 : i32
      %dma_wait3A_417 = tpu.memref_slice %arg20[%dma_wait3A_415, %dma_wait3A_416] : memref<10240x128xf32, #tpu.memory_space<vmem_shared>> -> memref<10240x128xf32, #tpu.memory_space<vmem_shared>>
      tpu.wait_indirect_dma semaphore(%run_scoped3A_405 : memref<!tpu.dma_semaphore, #tpu.memory_space<semaphore_mem>>) src(%arg13 : memref<64x128xf32, #tpu.memory_space<vmem>>) dst(%dma_wait3A_417 : memref<10240x128xf32, #tpu.memory_space<vmem_shared>>)
      tpu.yield
    }) : () -> ()
    %dma_wait3A_396 = arith.constant 0 : i32
    %dma_wait3A_397 = arith.constant 0 : i32
    %dma_wait3A_398 = tpu.memref_slice %arg2[%dma_wait3A_396, %dma_wait3A_397] : memref<10240x128xf32, #tpu.memory_space<hbm>> -> memref<10240x128xf32, #tpu.memory_space<hbm>>
    tpu.wait_indirect_dma semaphore(%arg19 : memref<!tpu.dma_semaphore, #tpu.memory_space<semaphore_mem>>) src(%dma_wait3A_398 : memref<10240x128xf32, #tpu.memory_space<hbm>>) dst(%arg14 : memref<64x128xf32, #tpu.memory_space<vmem>>)
    %run_scoped3A_399 = arith.constant 3 : i32
    "tpu.region"() ({
      %run_scoped3A_405 = tpu.sem_alloc : memref<!tpu.dma_semaphore, #tpu.memory_space<semaphore_mem>>
      %dma_start3A_406 = arith.constant 0 : i32
      %dma_start3A_407 = tpu.memref_slice %arg15[%rem3A_385, %run_scoped3A_399, %dma_start3A_406] : memref<2x4x64xi32, #tpu.memory_space<vmem>> -> memref<1x1x64xi32, #tpu.memory_space<vmem>>
      %dma_start3A_408 = tpu.memref_squeeze %dma_start3A_407 : memref<1x1x64xi32, #tpu.memory_space<vmem>> -> memref<64xi32, #tpu.memory_space<vmem>>
      %dma_start3A_409 = arith.constant 0 : i32
      %dma_start3A_410 = arith.constant 0 : i32
      %dma_start3A_411 = tpu.memref_slice %arg20[%dma_start3A_409, %dma_start3A_410] : memref<10240x128xf32, #tpu.memory_space<vmem_shared>> -> memref<10240x128xf32, #tpu.memory_space<vmem_shared>>
      tpu.enqueue_indirect_dma source(%arg14 : memref<64x128xf32, #tpu.memory_space<vmem>>) target(%dma_start3A_411 : memref<10240x128xf32, #tpu.memory_space<vmem_shared>>) offsets(%dma_start3A_408 : memref<64xi32, #tpu.memory_space<vmem>>) semaphore(%run_scoped3A_405 : memref<!tpu.dma_semaphore, #tpu.memory_space<semaphore_mem>>) {add = true}
      %dma_wait3A_412 = arith.constant 0 : i32
      %dma_wait3A_413 = tpu.memref_slice %arg15[%rem3A_385, %run_scoped3A_399, %dma_wait3A_412] : memref<2x4x64xi32, #tpu.memory_space<vmem>> -> memref<1x1x64xi32, #tpu.memory_space<vmem>>
      %dma_wait3A_414 = tpu.memref_squeeze %dma_wait3A_413 : memref<1x1x64xi32, #tpu.memory_space<vmem>> -> memref<64xi32, #tpu.memory_space<vmem>>
      %dma_wait3A_415 = arith.constant 0 : i32
      %dma_wait3A_416 = arith.constant 0 : i32
      %dma_wait3A_417 = tpu.memref_slice %arg20[%dma_wait3A_415, %dma_wait3A_416] : memref<10240x128xf32, #tpu.memory_space<vmem_shared>> -> memref<10240x128xf32, #tpu.memory_space<vmem_shared>>
      tpu.wait_indirect_dma semaphore(%run_scoped3A_405 : memref<!tpu.dma_semaphore, #tpu.memory_space<semaphore_mem>>) src(%arg14 : memref<64x128xf32, #tpu.memory_space<vmem>>) dst(%dma_wait3A_417 : memref<10240x128xf32, #tpu.memory_space<vmem_shared>>)
      tpu.yield
    }) : () -> ()
    %barrier3A_400 = arith.constant 0 : index
    tpu.barrier barrier_id(%barrier3A_400)
    %mul3A_401 = arith.constant 640 : i32
    %mul3A_402 = arith.muli %arg1, %mul3A_401 : i32
    %mul3A_403 = arith.constant 640 : i32
    %mul3A_404 = arith.muli %arg1, %mul3A_403 : i32
    "tpu.region"() ({
      %run_scoped3A_405 = tpu.sem_alloc : memref<!tpu.dma_semaphore, #tpu.memory_space<semaphore_mem>>
      %dma_start3A_406 = arith.constant 0 : i32
      %dma_start3A_407 = tpu.memref_slice %arg5[%arg0, %mul3A_404, %dma_start3A_406] : memref<2x10240x128xf32, #tpu.memory_space<hbm>> -> memref<1x640x128xf32, #tpu.memory_space<hbm>>
      %dma_start3A_408 = tpu.memref_squeeze %dma_start3A_407 : memref<1x640x128xf32, #tpu.memory_space<hbm>> -> memref<640x128xf32, #tpu.memory_space<hbm>>
      %dma_start3A_409 = arith.constant 0 : i32
      %dma_start3A_410 = tpu.memref_slice %arg20[%mul3A_402, %dma_start3A_409] : memref<10240x128xf32, #tpu.memory_space<vmem_shared>> -> memref<640x128xf32, #tpu.memory_space<vmem_shared>>
      tpu.enqueue_dma source(%dma_start3A_410 : memref<640x128xf32, #tpu.memory_space<vmem_shared>>) target(%dma_start3A_408 : memref<640x128xf32, #tpu.memory_space<hbm>>) target_semaphore(%run_scoped3A_405 : memref<!tpu.dma_semaphore, #tpu.memory_space<semaphore_mem>>)
      %dma_wait3A_411 = arith.constant 0 : i32
      %dma_wait3A_412 = tpu.memref_slice %arg5[%arg0, %mul3A_404, %dma_wait3A_411] : memref<2x10240x128xf32, #tpu.memory_space<hbm>> -> memref<1x640x128xf32, #tpu.memory_space<hbm>>
      %dma_wait3A_413 = tpu.memref_squeeze %dma_wait3A_412 : memref<1x640x128xf32, #tpu.memory_space<hbm>> -> memref<640x128xf32, #tpu.memory_space<hbm>>
      %dma_wait3A_414 = arith.constant 0 : i32
      %dma_wait3A_415 = tpu.memref_slice %arg20[%mul3A_402, %dma_wait3A_414] : memref<10240x128xf32, #tpu.memory_space<vmem_shared>> -> memref<640x128xf32, #tpu.memory_space<vmem_shared>>
      tpu.wait_dma2 semaphore(%run_scoped3A_405 : memref<!tpu.dma_semaphore, #tpu.memory_space<semaphore_mem>>) src(%dma_wait3A_415 : memref<640x128xf32, #tpu.memory_space<vmem_shared>>) dst(%dma_wait3A_413 : memref<640x128xf32, #tpu.memory_space<hbm>>)
      tpu.yield
    }) : () -> ()
    return
  }
}

#map = affine_map<(d0, d1) -> (0, 0, 0)>
#map1 = affine_map<(d0, d1) -> (0, 0)>
module attributes {stable_mosaic.version = 14 : i64} {
  func.func @_sc_deg_body(%arg0: i32, %arg1: i32, %arg2: memref<32x80x128xi32, #tpu.memory_space<hbm>>, %arg3: memref<128x128xf32, #tpu.memory_space<hbm>>, %arg4: memref<10240x128xf32, #tpu.memory_space<hbm>>, %arg5: memref<2x10240x128xf32, #tpu.memory_space<hbm>>, %arg6: memref<80x128xi32, #tpu.memory_space<vmem>>, %arg7: memref<128x128xf32, #tpu.memory_space<vmem>>, %arg8: memref<10240x128xf32, #tpu.memory_space<vmem_shared>>) attributes {dimension_semantics = [#tpu.dimension_semantics<core_parallel>, #tpu.dimension_semantics<subcore_parallel>], iteration_bounds = array<i64: 2, 16>, scalar_prefetch = 0 : i64, scratch_operands = 3 : i64, tpu.core_type = #tpu.core_type<sc_vector_subcore>, window_params = [{transform_indices = #map}, {transform_indices = #map1}, {transform_indices = #map1}, {transform_indices = #map}]} {
    %mul3A = arith.constant 2 : i32
    %mul3A_0 = arith.muli %arg1, %mul3A : i32
    %add3A = arith.addi %mul3A_0, %arg0 : i32
    %mul3A_1 = arith.constant 640 : i32
    %mul3A_2 = arith.muli %arg1, %mul3A_1 : i32
    %mul3A_3 = arith.constant 640 : i32
    %mul3A_4 = arith.muli %arg1, %mul3A_3 : i32
    "tpu.region"() ({
      %run_scoped3A = tpu.sem_alloc : memref<!tpu.dma_semaphore, #tpu.memory_space<semaphore_mem>>
      %dma_start3A = arith.constant 0 : i32
      %dma_start3A_14 = tpu.memref_slice %arg8[%mul3A_4, %dma_start3A] : memref<10240x128xf32, #tpu.memory_space<vmem_shared>> -> memref<640x128xf32, #tpu.memory_space<vmem_shared>>
      %dma_start3A_15 = arith.constant 0 : i32
      %dma_start3A_16 = tpu.memref_slice %arg4[%mul3A_2, %dma_start3A_15] : memref<10240x128xf32, #tpu.memory_space<hbm>> -> memref<640x128xf32, #tpu.memory_space<hbm>>
      tpu.enqueue_dma source(%dma_start3A_16 : memref<640x128xf32, #tpu.memory_space<hbm>>) target(%dma_start3A_14 : memref<640x128xf32, #tpu.memory_space<vmem_shared>>) target_semaphore(%run_scoped3A : memref<!tpu.dma_semaphore, #tpu.memory_space<semaphore_mem>>)
      %dma_wait3A = arith.constant 0 : i32
      %dma_wait3A_17 = tpu.memref_slice %arg8[%mul3A_4, %dma_wait3A] : memref<10240x128xf32, #tpu.memory_space<vmem_shared>> -> memref<640x128xf32, #tpu.memory_space<vmem_shared>>
      %dma_wait3A_18 = arith.constant 0 : i32
      %dma_wait3A_19 = tpu.memref_slice %arg4[%mul3A_2, %dma_wait3A_18] : memref<10240x128xf32, #tpu.memory_space<hbm>> -> memref<640x128xf32, #tpu.memory_space<hbm>>
      tpu.wait_dma2 semaphore(%run_scoped3A : memref<!tpu.dma_semaphore, #tpu.memory_space<semaphore_mem>>) src(%dma_wait3A_19 : memref<640x128xf32, #tpu.memory_space<hbm>>) dst(%dma_wait3A_17 : memref<640x128xf32, #tpu.memory_space<vmem_shared>>)
      tpu.yield
    }) : () -> ()
    "tpu.region"() ({
      %run_scoped3A = tpu.sem_alloc : memref<!tpu.dma_semaphore, #tpu.memory_space<semaphore_mem>>
      tpu.enqueue_dma source(%arg3 : memref<128x128xf32, #tpu.memory_space<hbm>>) target(%arg7 : memref<128x128xf32, #tpu.memory_space<vmem>>) target_semaphore(%run_scoped3A : memref<!tpu.dma_semaphore, #tpu.memory_space<semaphore_mem>>)
      tpu.wait_dma2 semaphore(%run_scoped3A : memref<!tpu.dma_semaphore, #tpu.memory_space<semaphore_mem>>) src(%arg3 : memref<128x128xf32, #tpu.memory_space<hbm>>) dst(%arg7 : memref<128x128xf32, #tpu.memory_space<vmem>>)
      tpu.yield
    }) : () -> ()
    "tpu.region"() ({
      %run_scoped3A = tpu.sem_alloc : memref<!tpu.dma_semaphore, #tpu.memory_space<semaphore_mem>>
      %dma_start3A = arith.constant 0 : i32
      %dma_start3A_14 = arith.constant 0 : i32
      %dma_start3A_15 = tpu.memref_slice %arg2[%add3A, %dma_start3A, %dma_start3A_14] : memref<32x80x128xi32, #tpu.memory_space<hbm>> -> memref<1x80x128xi32, #tpu.memory_space<hbm>>
      %dma_start3A_16 = tpu.memref_squeeze %dma_start3A_15 : memref<1x80x128xi32, #tpu.memory_space<hbm>> -> memref<80x128xi32, #tpu.memory_space<hbm>>
      %dma_start3A_17 = arith.constant 0 : i32
      %dma_start3A_18 = arith.constant 0 : i32
      %dma_start3A_19 = tpu.memref_slice %arg2[%add3A, %dma_start3A_17, %dma_start3A_18] : memref<32x80x128xi32, #tpu.memory_space<hbm>> -> memref<1x80x128xi32, #tpu.memory_space<hbm>>
      %dma_start3A_20 = tpu.memref_squeeze %dma_start3A_19 : memref<1x80x128xi32, #tpu.memory_space<hbm>> -> memref<80x128xi32, #tpu.memory_space<hbm>>
      tpu.enqueue_dma source(%dma_start3A_20 : memref<80x128xi32, #tpu.memory_space<hbm>>) target(%arg6 : memref<80x128xi32, #tpu.memory_space<vmem>>) target_semaphore(%run_scoped3A : memref<!tpu.dma_semaphore, #tpu.memory_space<semaphore_mem>>)
      %dma_wait3A = arith.constant 0 : i32
      %dma_wait3A_21 = arith.constant 0 : i32
      %dma_wait3A_22 = tpu.memref_slice %arg2[%add3A, %dma_wait3A, %dma_wait3A_21] : memref<32x80x128xi32, #tpu.memory_space<hbm>> -> memref<1x80x128xi32, #tpu.memory_space<hbm>>
      %dma_wait3A_23 = tpu.memref_squeeze %dma_wait3A_22 : memref<1x80x128xi32, #tpu.memory_space<hbm>> -> memref<80x128xi32, #tpu.memory_space<hbm>>
      %dma_wait3A_24 = arith.constant 0 : i32
      %dma_wait3A_25 = arith.constant 0 : i32
      %dma_wait3A_26 = tpu.memref_slice %arg2[%add3A, %dma_wait3A_24, %dma_wait3A_25] : memref<32x80x128xi32, #tpu.memory_space<hbm>> -> memref<1x80x128xi32, #tpu.memory_space<hbm>>
      %dma_wait3A_27 = tpu.memref_squeeze %dma_wait3A_26 : memref<1x80x128xi32, #tpu.memory_space<hbm>> -> memref<80x128xi32, #tpu.memory_space<hbm>>
      tpu.wait_dma2 semaphore(%run_scoped3A : memref<!tpu.dma_semaphore, #tpu.memory_space<semaphore_mem>>) src(%dma_wait3A_27 : memref<80x128xi32, #tpu.memory_space<hbm>>) dst(%arg6 : memref<80x128xi32, #tpu.memory_space<vmem>>)
      tpu.yield
    }) : () -> ()
    %barrier3A = arith.constant 0 : index
    tpu.barrier barrier_id(%barrier3A)
    %scan3A = arith.constant 0 : i32
    %scan3A_5 = arith.constant 80 : i32
    %scan3A_6 = arith.addi %scan3A, %scan3A_5 : i32
    %scan3A_7 = arith.constant 1 : i32
    scf.for %scan3A_14 = %scan3A to %scan3A_6 step %scan3A_7  : i32 {
      %mul3A_15 = arith.constant 1 : i32
      %mul3A_16 = arith.muli %scan3A_14, %mul3A_15 : i32
      %add3A_17 = arith.constant 0 : i32
      %add3A_18 = arith.addi %add3A_17, %mul3A_16 : i32
      "tpu.region"() ({
        %run_scoped3A = tpu.sem_alloc : memref<!tpu.dma_semaphore, #tpu.memory_space<semaphore_mem>>
        %dma_start3A = arith.constant 0 : i32
        %dma_start3A_19 = tpu.memref_slice %arg6[%add3A_18, %dma_start3A] : memref<80x128xi32, #tpu.memory_space<vmem>> -> memref<1x128xi32, #tpu.memory_space<vmem>>
        %dma_start3A_20 = tpu.memref_squeeze %dma_start3A_19 : memref<1x128xi32, #tpu.memory_space<vmem>> -> memref<128xi32, #tpu.memory_space<vmem>>
        %dma_start3A_21 = arith.constant 0 : i32
        %dma_start3A_22 = arith.constant 0 : i32
        %dma_start3A_23 = tpu.memref_slice %arg8[%dma_start3A_21, %dma_start3A_22] : memref<10240x128xf32, #tpu.memory_space<vmem_shared>> -> memref<10240x128xf32, #tpu.memory_space<vmem_shared>>
        tpu.enqueue_indirect_dma source(%arg7 : memref<128x128xf32, #tpu.memory_space<vmem>>) target(%dma_start3A_23 : memref<10240x128xf32, #tpu.memory_space<vmem_shared>>) offsets(%dma_start3A_20 : memref<128xi32, #tpu.memory_space<vmem>>) semaphore(%run_scoped3A : memref<!tpu.dma_semaphore, #tpu.memory_space<semaphore_mem>>) {add = true}
        %dma_wait3A = arith.constant 0 : i32
        %dma_wait3A_24 = tpu.memref_slice %arg6[%add3A_18, %dma_wait3A] : memref<80x128xi32, #tpu.memory_space<vmem>> -> memref<1x128xi32, #tpu.memory_space<vmem>>
        %dma_wait3A_25 = tpu.memref_squeeze %dma_wait3A_24 : memref<1x128xi32, #tpu.memory_space<vmem>> -> memref<128xi32, #tpu.memory_space<vmem>>
        %dma_wait3A_26 = arith.constant 0 : i32
        %dma_wait3A_27 = arith.constant 0 : i32
        %dma_wait3A_28 = tpu.memref_slice %arg8[%dma_wait3A_26, %dma_wait3A_27] : memref<10240x128xf32, #tpu.memory_space<vmem_shared>> -> memref<10240x128xf32, #tpu.memory_space<vmem_shared>>
        tpu.wait_indirect_dma semaphore(%run_scoped3A : memref<!tpu.dma_semaphore, #tpu.memory_space<semaphore_mem>>) src(%arg7 : memref<128x128xf32, #tpu.memory_space<vmem>>) dst(%dma_wait3A_28 : memref<10240x128xf32, #tpu.memory_space<vmem_shared>>)
        tpu.yield
      }) : () -> ()
    }
    %scan3A_8 = arith.constant 80 : i32
    %barrier3A_9 = arith.constant 0 : index
    tpu.barrier barrier_id(%barrier3A_9)
    %mul3A_10 = arith.constant 640 : i32
    %mul3A_11 = arith.muli %arg1, %mul3A_10 : i32
    %mul3A_12 = arith.constant 640 : i32
    %mul3A_13 = arith.muli %arg1, %mul3A_12 : i32
    "tpu.region"() ({
      %run_scoped3A = tpu.sem_alloc : memref<!tpu.dma_semaphore, #tpu.memory_space<semaphore_mem>>
      %dma_start3A = arith.constant 0 : i32
      %dma_start3A_14 = tpu.memref_slice %arg5[%arg0, %mul3A_13, %dma_start3A] : memref<2x10240x128xf32, #tpu.memory_space<hbm>> -> memref<1x640x128xf32, #tpu.memory_space<hbm>>
      %dma_start3A_15 = tpu.memref_squeeze %dma_start3A_14 : memref<1x640x128xf32, #tpu.memory_space<hbm>> -> memref<640x128xf32, #tpu.memory_space<hbm>>
      %dma_start3A_16 = arith.constant 0 : i32
      %dma_start3A_17 = tpu.memref_slice %arg8[%mul3A_11, %dma_start3A_16] : memref<10240x128xf32, #tpu.memory_space<vmem_shared>> -> memref<640x128xf32, #tpu.memory_space<vmem_shared>>
      tpu.enqueue_dma source(%dma_start3A_17 : memref<640x128xf32, #tpu.memory_space<vmem_shared>>) target(%dma_start3A_15 : memref<640x128xf32, #tpu.memory_space<hbm>>) target_semaphore(%run_scoped3A : memref<!tpu.dma_semaphore, #tpu.memory_space<semaphore_mem>>)
      %dma_wait3A = arith.constant 0 : i32
      %dma_wait3A_18 = tpu.memref_slice %arg5[%arg0, %mul3A_13, %dma_wait3A] : memref<2x10240x128xf32, #tpu.memory_space<hbm>> -> memref<1x640x128xf32, #tpu.memory_space<hbm>>
      %dma_wait3A_19 = tpu.memref_squeeze %dma_wait3A_18 : memref<1x640x128xf32, #tpu.memory_space<hbm>> -> memref<640x128xf32, #tpu.memory_space<hbm>>
      %dma_wait3A_20 = arith.constant 0 : i32
      %dma_wait3A_21 = tpu.memref_slice %arg8[%mul3A_11, %dma_wait3A_20] : memref<10240x128xf32, #tpu.memory_space<vmem_shared>> -> memref<640x128xf32, #tpu.memory_space<vmem_shared>>
      tpu.wait_dma2 semaphore(%run_scoped3A : memref<!tpu.dma_semaphore, #tpu.memory_space<semaphore_mem>>) src(%dma_wait3A_21 : memref<640x128xf32, #tpu.memory_space<vmem_shared>>) dst(%dma_wait3A_19 : memref<640x128xf32, #tpu.memory_space<hbm>>)
      tpu.yield
    }) : () -> ()
    return
  }
}

#map = affine_map<(d0, d1) -> (0, 0)>
#map1 = affine_map<(d0, d1) -> (0, 0, 0)>
module attributes {stable_mosaic.version = 14 : i64} {
  func.func @_sc_agg_body(%arg0: i32, %arg1: i32, %arg2: memref<10240x128xf32, #tpu.memory_space<hbm>>, %arg3: memref<32x80x128xi32, #tpu.memory_space<hbm>>, %arg4: memref<10240x128xf32, #tpu.memory_space<hbm>>, %arg5: memref<2x10240x128xf32, #tpu.memory_space<hbm>>, %arg6: memref<80x128xi32, #tpu.memory_space<vmem>>, %arg7: memref<64xi32, #tpu.memory_space<vmem>>, %arg8: memref<64xi32, #tpu.memory_space<vmem>>, %arg9: memref<64xi32, #tpu.memory_space<vmem>>, %arg10: memref<64xi32, #tpu.memory_space<vmem>>, %arg11: memref<64x128xf32, #tpu.memory_space<vmem>>, %arg12: memref<64x128xf32, #tpu.memory_space<vmem>>, %arg13: memref<64x128xf32, #tpu.memory_space<vmem>>, %arg14: memref<64x128xf32, #tpu.memory_space<vmem>>, %arg15: memref<2x4x64xi32, #tpu.memory_space<vmem>>, %arg16: memref<!tpu.dma_semaphore, #tpu.memory_space<semaphore_mem>>, %arg17: memref<!tpu.dma_semaphore, #tpu.memory_space<semaphore_mem>>, %arg18: memref<!tpu.dma_semaphore, #tpu.memory_space<semaphore_mem>>, %arg19: memref<!tpu.dma_semaphore, #tpu.memory_space<semaphore_mem>>, %arg20: memref<10240x128xf32, #tpu.memory_space<vmem_shared>>) attributes {dimension_semantics = [#tpu.dimension_semantics<core_parallel>, #tpu.dimension_semantics<subcore_parallel>], iteration_bounds = array<i64: 2, 16>, scalar_prefetch = 0 : i64, scratch_operands = 15 : i64, tpu.core_type = #tpu.core_type<sc_vector_subcore>, window_params = [{transform_indices = #map}, {transform_indices = #map1}, {transform_indices = #map}, {transform_indices = #map1}]} {
    %mul3A = arith.constant 2 : i32
    %mul3A_0 = arith.muli %arg1, %mul3A : i32
    %add3A = arith.addi %mul3A_0, %arg0 : i32
    %mul3A_1 = arith.constant 640 : i32
    %mul3A_2 = arith.muli %arg1, %mul3A_1 : i32
    %mul3A_3 = arith.constant 640 : i32
    %mul3A_4 = arith.muli %arg1, %mul3A_3 : i32
    "tpu.region"() ({
      %run_scoped3A_405 = tpu.sem_alloc : memref<!tpu.dma_semaphore, #tpu.memory_space<semaphore_mem>>
      %dma_start3A_406 = arith.constant 0 : i32
      %dma_start3A_407 = tpu.memref_slice %arg20[%mul3A_4, %dma_start3A_406] : memref<10240x128xf32, #tpu.memory_space<vmem_shared>> -> memref<640x128xf32, #tpu.memory_space<vmem_shared>>
      %dma_start3A_408 = arith.constant 0 : i32
      %dma_start3A_409 = tpu.memref_slice %arg4[%mul3A_2, %dma_start3A_408] : memref<10240x128xf32, #tpu.memory_space<hbm>> -> memref<640x128xf32, #tpu.memory_space<hbm>>
      tpu.enqueue_dma source(%dma_start3A_409 : memref<640x128xf32, #tpu.memory_space<hbm>>) target(%dma_start3A_407 : memref<640x128xf32, #tpu.memory_space<vmem_shared>>) target_semaphore(%run_scoped3A_405 : memref<!tpu.dma_semaphore, #tpu.memory_space<semaphore_mem>>)
      %dma_wait3A_410 = arith.constant 0 : i32
      %dma_wait3A_411 = tpu.memref_slice %arg20[%mul3A_4, %dma_wait3A_410] : memref<10240x128xf32, #tpu.memory_space<vmem_shared>> -> memref<640x128xf32, #tpu.memory_space<vmem_shared>>
      %dma_wait3A_412 = arith.constant 0 : i32
      %dma_wait3A_413 = tpu.memref_slice %arg4[%mul3A_2, %dma_wait3A_412] : memref<10240x128xf32, #tpu.memory_space<hbm>> -> memref<640x128xf32, #tpu.memory_space<hbm>>
      tpu.wait_dma2 semaphore(%run_scoped3A_405 : memref<!tpu.dma_semaphore, #tpu.memory_space<semaphore_mem>>) src(%dma_wait3A_413 : memref<640x128xf32, #tpu.memory_space<hbm>>) dst(%dma_wait3A_411 : memref<640x128xf32, #tpu.memory_space<vmem_shared>>)
      tpu.yield
    }) : () -> ()
    "tpu.region"() ({
      %run_scoped3A_405 = tpu.sem_alloc : memref<!tpu.dma_semaphore, #tpu.memory_space<semaphore_mem>>
      %dma_start3A_406 = arith.constant 0 : i32
      %dma_start3A_407 = arith.constant 0 : i32
      %dma_start3A_408 = tpu.memref_slice %arg3[%add3A, %dma_start3A_406, %dma_start3A_407] : memref<32x80x128xi32, #tpu.memory_space<hbm>> -> memref<1x80x128xi32, #tpu.memory_space<hbm>>
      %dma_start3A_409 = tpu.memref_squeeze %dma_start3A_408 : memref<1x80x128xi32, #tpu.memory_space<hbm>> -> memref<80x128xi32, #tpu.memory_space<hbm>>
      %dma_start3A_410 = arith.constant 0 : i32
      %dma_start3A_411 = arith.constant 0 : i32
      %dma_start3A_412 = tpu.memref_slice %arg3[%add3A, %dma_start3A_410, %dma_start3A_411] : memref<32x80x128xi32, #tpu.memory_space<hbm>> -> memref<1x80x128xi32, #tpu.memory_space<hbm>>
      %dma_start3A_413 = tpu.memref_squeeze %dma_start3A_412 : memref<1x80x128xi32, #tpu.memory_space<hbm>> -> memref<80x128xi32, #tpu.memory_space<hbm>>
      tpu.enqueue_dma source(%dma_start3A_413 : memref<80x128xi32, #tpu.memory_space<hbm>>) target(%arg6 : memref<80x128xi32, #tpu.memory_space<vmem>>) target_semaphore(%run_scoped3A_405 : memref<!tpu.dma_semaphore, #tpu.memory_space<semaphore_mem>>)
      %dma_wait3A_414 = arith.constant 0 : i32
      %dma_wait3A_415 = arith.constant 0 : i32
      %dma_wait3A_416 = tpu.memref_slice %arg3[%add3A, %dma_wait3A_414, %dma_wait3A_415] : memref<32x80x128xi32, #tpu.memory_space<hbm>> -> memref<1x80x128xi32, #tpu.memory_space<hbm>>
      %dma_wait3A_417 = tpu.memref_squeeze %dma_wait3A_416 : memref<1x80x128xi32, #tpu.memory_space<hbm>> -> memref<80x128xi32, #tpu.memory_space<hbm>>
      %dma_wait3A_418 = arith.constant 0 : i32
      %dma_wait3A_419 = arith.constant 0 : i32
      %dma_wait3A_420 = tpu.memref_slice %arg3[%add3A, %dma_wait3A_418, %dma_wait3A_419] : memref<32x80x128xi32, #tpu.memory_space<hbm>> -> memref<1x80x128xi32, #tpu.memory_space<hbm>>
      %dma_wait3A_421 = tpu.memref_squeeze %dma_wait3A_420 : memref<1x80x128xi32, #tpu.memory_space<hbm>> -> memref<80x128xi32, #tpu.memory_space<hbm>>
      tpu.wait_dma2 semaphore(%run_scoped3A_405 : memref<!tpu.dma_semaphore, #tpu.memory_space<semaphore_mem>>) src(%dma_wait3A_421 : memref<80x128xi32, #tpu.memory_space<hbm>>) dst(%arg6 : memref<80x128xi32, #tpu.memory_space<vmem>>)
      tpu.yield
    }) : () -> ()
    %barrier3A = arith.constant 0 : index
    tpu.barrier barrier_id(%barrier3A)
    %get3A = arith.constant 0 : i32
    %get3A_5 = arith.index_cast %get3A : i32 to index
    %get3A_6 = arith.constant 0 : index
    %get3A_7 = tpu.vector_load %arg6[%get3A_5, %get3A_6] {strides = array<i32>} : memref<80x128xi32, #tpu.memory_space<vmem>>, vector<1x16xi32>,
    %get3A_8 = vector.shape_cast %get3A_7 : vector<1x16xi32> to vector<16xi32>
    %and3A = arith.constant 16383 : i32
    %and3A_9 = vector.broadcast %and3A : i32 to vector<16xi32>
    %and3A_10 = arith.andi %get3A_8, %and3A_9 : vector<16xi32>
    %swap3A = arith.constant 0 : index
    %swap3A_11 = tpu.vector_load %arg7[%swap3A] {strides = array<i32>} : memref<64xi32, #tpu.memory_space<vmem>>, vector<16xi32>,
    %swap3A_12 = vector.shape_cast %swap3A_11 : vector<16xi32> to vector<16xi32>
    %swap3A_13 = vector.shape_cast %and3A_10 : vector<16xi32> to vector<16xi32>
    tpu.vector_store %arg7[%swap3A], %swap3A_13 {strides = array<i32>} : memref<64xi32, #tpu.memory_space<vmem>>, vector<16xi32>,
    %shift_right_logical3A = arith.constant 14 : i32
    %shift_right_logical3A_14 = vector.broadcast %shift_right_logical3A : i32 to vector<16xi32>
    %shift_right_logical3A_15 = arith.shrui %get3A_8, %shift_right_logical3A_14 : vector<16xi32>
    %swap3A_16 = arith.constant 0 : i32
    %swap3A_17 = arith.constant 0 : i32
    %swap3A_18 = arith.index_cast %swap3A_16 : i32 to index
    %swap3A_19 = arith.index_cast %swap3A_17 : i32 to index
    %swap3A_20 = arith.constant 0 : index
    %swap3A_21 = tpu.vector_load %arg15[%swap3A_18, %swap3A_19, %swap3A_20] {strides = array<i32>} : memref<2x4x64xi32, #tpu.memory_space<vmem>>, vector<1x1x16xi32>,
    %swap3A_22 = vector.shape_cast %swap3A_21 : vector<1x1x16xi32> to vector<16xi32>
    %swap3A_23 = vector.shape_cast %shift_right_logical3A_15 : vector<16xi32> to vector<1x1x16xi32>
    tpu.vector_store %arg15[%swap3A_18, %swap3A_19, %swap3A_20], %swap3A_23 {strides = array<i32>} : memref<2x4x64xi32, #tpu.memory_space<vmem>>, vector<1x1x16xi32>,
    %get3A_24 = arith.constant 0 : i32
    %get3A_25 = arith.index_cast %get3A_24 : i32 to index
    %get3A_26 = arith.constant 16 : index
    %get3A_27 = tpu.vector_load %arg6[%get3A_25, %get3A_26] {strides = array<i32>} : memref<80x128xi32, #tpu.memory_space<vmem>>, vector<1x16xi32>,
    %get3A_28 = vector.shape_cast %get3A_27 : vector<1x16xi32> to vector<16xi32>
    %and3A_29 = arith.constant 16383 : i32
    %and3A_30 = vector.broadcast %and3A_29 : i32 to vector<16xi32>
    %and3A_31 = arith.andi %get3A_28, %and3A_30 : vector<16xi32>
    %swap3A_32 = arith.constant 16 : index
    %swap3A_33 = tpu.vector_load %arg7[%swap3A_32] {strides = array<i32>} : memref<64xi32, #tpu.memory_space<vmem>>, vector<16xi32>,
    %swap3A_34 = vector.shape_cast %swap3A_33 : vector<16xi32> to vector<16xi32>
    %swap3A_35 = vector.shape_cast %and3A_31 : vector<16xi32> to vector<16xi32>
    tpu.vector_store %arg7[%swap3A_32], %swap3A_35 {strides = array<i32>} : memref<64xi32, #tpu.memory_space<vmem>>, vector<16xi32>,
    %shift_right_logical3A_36 = arith.constant 14 : i32
    %shift_right_logical3A_37 = vector.broadcast %shift_right_logical3A_36 : i32 to vector<16xi32>
    %shift_right_logical3A_38 = arith.shrui %get3A_28, %shift_right_logical3A_37 : vector<16xi32>
    %swap3A_39 = arith.constant 0 : i32
    %swap3A_40 = arith.constant 0 : i32
    %swap3A_41 = arith.index_cast %swap3A_39 : i32 to index
    %swap3A_42 = arith.index_cast %swap3A_40 : i32 to index
    %swap3A_43 = arith.constant 16 : index
    %swap3A_44 = tpu.vector_load %arg15[%swap3A_41, %swap3A_42, %swap3A_43] {strides = array<i32>} : memref<2x4x64xi32, #tpu.memory_space<vmem>>, vector<1x1x16xi32>,
    %swap3A_45 = vector.shape_cast %swap3A_44 : vector<1x1x16xi32> to vector<16xi32>
    %swap3A_46 = vector.shape_cast %shift_right_logical3A_38 : vector<16xi32> to vector<1x1x16xi32>
    tpu.vector_store %arg15[%swap3A_41, %swap3A_42, %swap3A_43], %swap3A_46 {strides = array<i32>} : memref<2x4x64xi32, #tpu.memory_space<vmem>>, vector<1x1x16xi32>,
    %get3A_47 = arith.constant 0 : i32
    %get3A_48 = arith.index_cast %get3A_47 : i32 to index
    %get3A_49 = arith.constant 32 : index
    %get3A_50 = tpu.vector_load %arg6[%get3A_48, %get3A_49] {strides = array<i32>} : memref<80x128xi32, #tpu.memory_space<vmem>>, vector<1x16xi32>,
    %get3A_51 = vector.shape_cast %get3A_50 : vector<1x16xi32> to vector<16xi32>
    %and3A_52 = arith.constant 16383 : i32
    %and3A_53 = vector.broadcast %and3A_52 : i32 to vector<16xi32>
    %and3A_54 = arith.andi %get3A_51, %and3A_53 : vector<16xi32>
    %swap3A_55 = arith.constant 32 : index
    %swap3A_56 = tpu.vector_load %arg7[%swap3A_55] {strides = array<i32>} : memref<64xi32, #tpu.memory_space<vmem>>, vector<16xi32>,
    %swap3A_57 = vector.shape_cast %swap3A_56 : vector<16xi32> to vector<16xi32>
    %swap3A_58 = vector.shape_cast %and3A_54 : vector<16xi32> to vector<16xi32>
    tpu.vector_store %arg7[%swap3A_55], %swap3A_58 {strides = array<i32>} : memref<64xi32, #tpu.memory_space<vmem>>, vector<16xi32>,
    %shift_right_logical3A_59 = arith.constant 14 : i32
    %shift_right_logical3A_60 = vector.broadcast %shift_right_logical3A_59 : i32 to vector<16xi32>
    %shift_right_logical3A_61 = arith.shrui %get3A_51, %shift_right_logical3A_60 : vector<16xi32>
    %swap3A_62 = arith.constant 0 : i32
    %swap3A_63 = arith.constant 0 : i32
    %swap3A_64 = arith.index_cast %swap3A_62 : i32 to index
    %swap3A_65 = arith.index_cast %swap3A_63 : i32 to index
    %swap3A_66 = arith.constant 32 : index
    %swap3A_67 = tpu.vector_load %arg15[%swap3A_64, %swap3A_65, %swap3A_66] {strides = array<i32>} : memref<2x4x64xi32, #tpu.memory_space<vmem>>, vector<1x1x16xi32>,
    %swap3A_68 = vector.shape_cast %swap3A_67 : vector<1x1x16xi32> to vector<16xi32>
    %swap3A_69 = vector.shape_cast %shift_right_logical3A_61 : vector<16xi32> to vector<1x1x16xi32>
    tpu.vector_store %arg15[%swap3A_64, %swap3A_65, %swap3A_66], %swap3A_69 {strides = array<i32>} : memref<2x4x64xi32, #tpu.memory_space<vmem>>, vector<1x1x16xi32>,
    %get3A_70 = arith.constant 0 : i32
    %get3A_71 = arith.index_cast %get3A_70 : i32 to index
    %get3A_72 = arith.constant 48 : index
    %get3A_73 = tpu.vector_load %arg6[%get3A_71, %get3A_72] {strides = array<i32>} : memref<80x128xi32, #tpu.memory_space<vmem>>, vector<1x16xi32>,
    %get3A_74 = vector.shape_cast %get3A_73 : vector<1x16xi32> to vector<16xi32>
    %and3A_75 = arith.constant 16383 : i32
    %and3A_76 = vector.broadcast %and3A_75 : i32 to vector<16xi32>
    %and3A_77 = arith.andi %get3A_74, %and3A_76 : vector<16xi32>
    %swap3A_78 = arith.constant 48 : index
    %swap3A_79 = tpu.vector_load %arg7[%swap3A_78] {strides = array<i32>} : memref<64xi32, #tpu.memory_space<vmem>>, vector<16xi32>,
    %swap3A_80 = vector.shape_cast %swap3A_79 : vector<16xi32> to vector<16xi32>
    %swap3A_81 = vector.shape_cast %and3A_77 : vector<16xi32> to vector<16xi32>
    tpu.vector_store %arg7[%swap3A_78], %swap3A_81 {strides = array<i32>} : memref<64xi32, #tpu.memory_space<vmem>>, vector<16xi32>,
    %shift_right_logical3A_82 = arith.constant 14 : i32
    %shift_right_logical3A_83 = vector.broadcast %shift_right_logical3A_82 : i32 to vector<16xi32>
    %shift_right_logical3A_84 = arith.shrui %get3A_74, %shift_right_logical3A_83 : vector<16xi32>
    %swap3A_85 = arith.constant 0 : i32
    %swap3A_86 = arith.constant 0 : i32
    %swap3A_87 = arith.index_cast %swap3A_85 : i32 to index
    %swap3A_88 = arith.index_cast %swap3A_86 : i32 to index
    %swap3A_89 = arith.constant 48 : index
    %swap3A_90 = tpu.vector_load %arg15[%swap3A_87, %swap3A_88, %swap3A_89] {strides = array<i32>} : memref<2x4x64xi32, #tpu.memory_space<vmem>>, vector<1x1x16xi32>,
    %swap3A_91 = vector.shape_cast %swap3A_90 : vector<1x1x16xi32> to vector<16xi32>
    %swap3A_92 = vector.shape_cast %shift_right_logical3A_84 : vector<16xi32> to vector<1x1x16xi32>
    tpu.vector_store %arg15[%swap3A_87, %swap3A_88, %swap3A_89], %swap3A_92 {strides = array<i32>} : memref<2x4x64xi32, #tpu.memory_space<vmem>>, vector<1x1x16xi32>,
    %dma_start3A = arith.constant 0 : i32
    %dma_start3A_93 = arith.constant 0 : i32
    %dma_start3A_94 = tpu.memref_slice %arg2[%dma_start3A, %dma_start3A_93] : memref<10240x128xf32, #tpu.memory_space<hbm>> -> memref<10240x128xf32, #tpu.memory_space<hbm>>
    tpu.enqueue_indirect_dma source(%dma_start3A_94 : memref<10240x128xf32, #tpu.memory_space<hbm>>) target(%arg11 : memref<64x128xf32, #tpu.memory_space<vmem>>) offsets(%arg7 : memref<64xi32, #tpu.memory_space<vmem>>) semaphore(%arg16 : memref<!tpu.dma_semaphore, #tpu.memory_space<semaphore_mem>>)
    %get3A_95 = arith.constant 0 : i32
    %get3A_96 = arith.index_cast %get3A_95 : i32 to index
    %get3A_97 = arith.constant 64 : index
    %get3A_98 = tpu.vector_load %arg6[%get3A_96, %get3A_97] {strides = array<i32>} : memref<80x128xi32, #tpu.memory_space<vmem>>, vector<1x16xi32>,
    %get3A_99 = vector.shape_cast %get3A_98 : vector<1x16xi32> to vector<16xi32>
    %and3A_100 = arith.constant 16383 : i32
    %and3A_101 = vector.broadcast %and3A_100 : i32 to vector<16xi32>
    %and3A_102 = arith.andi %get3A_99, %and3A_101 : vector<16xi32>
    %swap3A_103 = arith.constant 0 : index
    %swap3A_104 = tpu.vector_load %arg8[%swap3A_103] {strides = array<i32>} : memref<64xi32, #tpu.memory_space<vmem>>, vector<16xi32>,
    %swap3A_105 = vector.shape_cast %swap3A_104 : vector<16xi32> to vector<16xi32>
    %swap3A_106 = vector.shape_cast %and3A_102 : vector<16xi32> to vector<16xi32>
    tpu.vector_store %arg8[%swap3A_103], %swap3A_106 {strides = array<i32>} : memref<64xi32, #tpu.memory_space<vmem>>, vector<16xi32>,
    %shift_right_logical3A_107 = arith.constant 14 : i32
    %shift_right_logical3A_108 = vector.broadcast %shift_right_logical3A_107 : i32 to vector<16xi32>
    %shift_right_logical3A_109 = arith.shrui %get3A_99, %shift_right_logical3A_108 : vector<16xi32>
    %swap3A_110 = arith.constant 0 : i32
    %swap3A_111 = arith.constant 1 : i32
    %swap3A_112 = arith.index_cast %swap3A_110 : i32 to index
    %swap3A_113 = arith.index_cast %swap3A_111 : i32 to index
    %swap3A_114 = arith.constant 0 : index
    %swap3A_115 = tpu.vector_load %arg15[%swap3A_112, %swap3A_113, %swap3A_114] {strides = array<i32>} : memref<2x4x64xi32, #tpu.memory_space<vmem>>, vector<1x1x16xi32>,
    %swap3A_116 = vector.shape_cast %swap3A_115 : vector<1x1x16xi32> to vector<16xi32>
    %swap3A_117 = vector.shape_cast %shift_right_logical3A_109 : vector<16xi32> to vector<1x1x16xi32>
    tpu.vector_store %arg15[%swap3A_112, %swap3A_113, %swap3A_114], %swap3A_117 {strides = array<i32>} : memref<2x4x64xi32, #tpu.memory_space<vmem>>, vector<1x1x16xi32>,
    %get3A_118 = arith.constant 0 : i32
    %get3A_119 = arith.index_cast %get3A_118 : i32 to index
    %get3A_120 = arith.constant 80 : index
    %get3A_121 = tpu.vector_load %arg6[%get3A_119, %get3A_120] {strides = array<i32>} : memref<80x128xi32, #tpu.memory_space<vmem>>, vector<1x16xi32>,
    %get3A_122 = vector.shape_cast %get3A_121 : vector<1x16xi32> to vector<16xi32>
    %and3A_123 = arith.constant 16383 : i32
    %and3A_124 = vector.broadcast %and3A_123 : i32 to vector<16xi32>
    %and3A_125 = arith.andi %get3A_122, %and3A_124 : vector<16xi32>
    %swap3A_126 = arith.constant 16 : index
    %swap3A_127 = tpu.vector_load %arg8[%swap3A_126] {strides = array<i32>} : memref<64xi32, #tpu.memory_space<vmem>>, vector<16xi32>,
    %swap3A_128 = vector.shape_cast %swap3A_127 : vector<16xi32> to vector<16xi32>
    %swap3A_129 = vector.shape_cast %and3A_125 : vector<16xi32> to vector<16xi32>
    tpu.vector_store %arg8[%swap3A_126], %swap3A_129 {strides = array<i32>} : memref<64xi32, #tpu.memory_space<vmem>>, vector<16xi32>,
    %shift_right_logical3A_130 = arith.constant 14 : i32
    %shift_right_logical3A_131 = vector.broadcast %shift_right_logical3A_130 : i32 to vector<16xi32>
    %shift_right_logical3A_132 = arith.shrui %get3A_122, %shift_right_logical3A_131 : vector<16xi32>
    %swap3A_133 = arith.constant 0 : i32
    %swap3A_134 = arith.constant 1 : i32
    %swap3A_135 = arith.index_cast %swap3A_133 : i32 to index
    %swap3A_136 = arith.index_cast %swap3A_134 : i32 to index
    %swap3A_137 = arith.constant 16 : index
    %swap3A_138 = tpu.vector_load %arg15[%swap3A_135, %swap3A_136, %swap3A_137] {strides = array<i32>} : memref<2x4x64xi32, #tpu.memory_space<vmem>>, vector<1x1x16xi32>,
    %swap3A_139 = vector.shape_cast %swap3A_138 : vector<1x1x16xi32> to vector<16xi32>
    %swap3A_140 = vector.shape_cast %shift_right_logical3A_132 : vector<16xi32> to vector<1x1x16xi32>
    tpu.vector_store %arg15[%swap3A_135, %swap3A_136, %swap3A_137], %swap3A_140 {strides = array<i32>} : memref<2x4x64xi32, #tpu.memory_space<vmem>>, vector<1x1x16xi32>,
    %get3A_141 = arith.constant 0 : i32
    %get3A_142 = arith.index_cast %get3A_141 : i32 to index
    %get3A_143 = arith.constant 96 : index
    %get3A_144 = tpu.vector_load %arg6[%get3A_142, %get3A_143] {strides = array<i32>} : memref<80x128xi32, #tpu.memory_space<vmem>>, vector<1x16xi32>,
    %get3A_145 = vector.shape_cast %get3A_144 : vector<1x16xi32> to vector<16xi32>
    %and3A_146 = arith.constant 16383 : i32
    %and3A_147 = vector.broadcast %and3A_146 : i32 to vector<16xi32>
    %and3A_148 = arith.andi %get3A_145, %and3A_147 : vector<16xi32>
    %swap3A_149 = arith.constant 32 : index
    %swap3A_150 = tpu.vector_load %arg8[%swap3A_149] {strides = array<i32>} : memref<64xi32, #tpu.memory_space<vmem>>, vector<16xi32>,
    %swap3A_151 = vector.shape_cast %swap3A_150 : vector<16xi32> to vector<16xi32>
    %swap3A_152 = vector.shape_cast %and3A_148 : vector<16xi32> to vector<16xi32>
    tpu.vector_store %arg8[%swap3A_149], %swap3A_152 {strides = array<i32>} : memref<64xi32, #tpu.memory_space<vmem>>, vector<16xi32>,
    %shift_right_logical3A_153 = arith.constant 14 : i32
    %shift_right_logical3A_154 = vector.broadcast %shift_right_logical3A_153 : i32 to vector<16xi32>
    %shift_right_logical3A_155 = arith.shrui %get3A_145, %shift_right_logical3A_154 : vector<16xi32>
    %swap3A_156 = arith.constant 0 : i32
    %swap3A_157 = arith.constant 1 : i32
    %swap3A_158 = arith.index_cast %swap3A_156 : i32 to index
    %swap3A_159 = arith.index_cast %swap3A_157 : i32 to index
    %swap3A_160 = arith.constant 32 : index
    %swap3A_161 = tpu.vector_load %arg15[%swap3A_158, %swap3A_159, %swap3A_160] {strides = array<i32>} : memref<2x4x64xi32, #tpu.memory_space<vmem>>, vector<1x1x16xi32>,
    %swap3A_162 = vector.shape_cast %swap3A_161 : vector<1x1x16xi32> to vector<16xi32>
    %swap3A_163 = vector.shape_cast %shift_right_logical3A_155 : vector<16xi32> to vector<1x1x16xi32>
    tpu.vector_store %arg15[%swap3A_158, %swap3A_159, %swap3A_160], %swap3A_163 {strides = array<i32>} : memref<2x4x64xi32, #tpu.memory_space<vmem>>, vector<1x1x16xi32>,
    %get3A_164 = arith.constant 0 : i32
    %get3A_165 = arith.index_cast %get3A_164 : i32 to index
    %get3A_166 = arith.constant 112 : index
    %get3A_167 = tpu.vector_load %arg6[%get3A_165, %get3A_166] {strides = array<i32>} : memref<80x128xi32, #tpu.memory_space<vmem>>, vector<1x16xi32>,
    %get3A_168 = vector.shape_cast %get3A_167 : vector<1x16xi32> to vector<16xi32>
    %and3A_169 = arith.constant 16383 : i32
    %and3A_170 = vector.broadcast %and3A_169 : i32 to vector<16xi32>
    %and3A_171 = arith.andi %get3A_168, %and3A_170 : vector<16xi32>
    %swap3A_172 = arith.constant 48 : index
    %swap3A_173 = tpu.vector_load %arg8[%swap3A_172] {strides = array<i32>} : memref<64xi32, #tpu.memory_space<vmem>>, vector<16xi32>,
    %swap3A_174 = vector.shape_cast %swap3A_173 : vector<16xi32> to vector<16xi32>
    %swap3A_175 = vector.shape_cast %and3A_171 : vector<16xi32> to vector<16xi32>
    tpu.vector_store %arg8[%swap3A_172], %swap3A_175 {strides = array<i32>} : memref<64xi32, #tpu.memory_space<vmem>>, vector<16xi32>,
    %shift_right_logical3A_176 = arith.constant 14 : i32
    %shift_right_logical3A_177 = vector.broadcast %shift_right_logical3A_176 : i32 to vector<16xi32>
    %shift_right_logical3A_178 = arith.shrui %get3A_168, %shift_right_logical3A_177 : vector<16xi32>
    %swap3A_179 = arith.constant 0 : i32
    %swap3A_180 = arith.constant 1 : i32
    %swap3A_181 = arith.index_cast %swap3A_179 : i32 to index
    %swap3A_182 = arith.index_cast %swap3A_180 : i32 to index
    %swap3A_183 = arith.constant 48 : index
    %swap3A_184 = tpu.vector_load %arg15[%swap3A_181, %swap3A_182, %swap3A_183] {strides = array<i32>} : memref<2x4x64xi32, #tpu.memory_space<vmem>>, vector<1x1x16xi32>,
    %swap3A_185 = vector.shape_cast %swap3A_184 : vector<1x1x16xi32> to vector<16xi32>
    %swap3A_186 = vector.shape_cast %shift_right_logical3A_178 : vector<16xi32> to vector<1x1x16xi32>
    tpu.vector_store %arg15[%swap3A_181, %swap3A_182, %swap3A_183], %swap3A_186 {strides = array<i32>} : memref<2x4x64xi32, #tpu.memory_space<vmem>>, vector<1x1x16xi32>,
    %dma_start3A_187 = arith.constant 0 : i32
    %dma_start3A_188 = arith.constant 0 : i32
    %dma_start3A_189 = tpu.memref_slice %arg2[%dma_start3A_187, %dma_start3A_188] : memref<10240x128xf32, #tpu.memory_space<hbm>> -> memref<10240x128xf32, #tpu.memory_space<hbm>>
    tpu.enqueue_indirect_dma source(%dma_start3A_189 : memref<10240x128xf32, #tpu.memory_space<hbm>>) target(%arg12 : memref<64x128xf32, #tpu.memory_space<vmem>>) offsets(%arg8 : memref<64xi32, #tpu.memory_space<vmem>>) semaphore(%arg17 : memref<!tpu.dma_semaphore, #tpu.memory_space<semaphore_mem>>)
    %get3A_190 = arith.constant 1 : i32
    %get3A_191 = arith.index_cast %get3A_190 : i32 to index
    %get3A_192 = arith.constant 0 : index
    %get3A_193 = tpu.vector_load %arg6[%get3A_191, %get3A_192] {strides = array<i32>} : memref<80x128xi32, #tpu.memory_space<vmem>>, vector<1x16xi32>,
    %get3A_194 = vector.shape_cast %get3A_193 : vector<1x16xi32> to vector<16xi32>
    %and3A_195 = arith.constant 16383 : i32
    %and3A_196 = vector.broadcast %and3A_195 : i32 to vector<16xi32>
    %and3A_197 = arith.andi %get3A_194, %and3A_196 : vector<16xi32>
    %swap3A_198 = arith.constant 0 : index
    %swap3A_199 = tpu.vector_load %arg9[%swap3A_198] {strides = array<i32>} : memref<64xi32, #tpu.memory_space<vmem>>, vector<16xi32>,
    %swap3A_200 = vector.shape_cast %swap3A_199 : vector<16xi32> to vector<16xi32>
    %swap3A_201 = vector.shape_cast %and3A_197 : vector<16xi32> to vector<16xi32>
    tpu.vector_store %arg9[%swap3A_198], %swap3A_201 {strides = array<i32>} : memref<64xi32, #tpu.memory_space<vmem>>, vector<16xi32>,
    %shift_right_logical3A_202 = arith.constant 14 : i32
    %shift_right_logical3A_203 = vector.broadcast %shift_right_logical3A_202 : i32 to vector<16xi32>
    %shift_right_logical3A_204 = arith.shrui %get3A_194, %shift_right_logical3A_203 : vector<16xi32>
    %swap3A_205 = arith.constant 0 : i32
    %swap3A_206 = arith.constant 2 : i32
    %swap3A_207 = arith.index_cast %swap3A_205 : i32 to index
    %swap3A_208 = arith.index_cast %swap3A_206 : i32 to index
    %swap3A_209 = arith.constant 0 : index
    %swap3A_210 = tpu.vector_load %arg15[%swap3A_207, %swap3A_208, %swap3A_209] {strides = array<i32>} : memref<2x4x64xi32, #tpu.memory_space<vmem>>, vector<1x1x16xi32>,
    %swap3A_211 = vector.shape_cast %swap3A_210 : vector<1x1x16xi32> to vector<16xi32>
    %swap3A_212 = vector.shape_cast %shift_right_logical3A_204 : vector<16xi32> to vector<1x1x16xi32>
    tpu.vector_store %arg15[%swap3A_207, %swap3A_208, %swap3A_209], %swap3A_212 {strides = array<i32>} : memref<2x4x64xi32, #tpu.memory_space<vmem>>, vector<1x1x16xi32>,
    %get3A_213 = arith.constant 1 : i32
    %get3A_214 = arith.index_cast %get3A_213 : i32 to index
    %get3A_215 = arith.constant 16 : index
    %get3A_216 = tpu.vector_load %arg6[%get3A_214, %get3A_215] {strides = array<i32>} : memref<80x128xi32, #tpu.memory_space<vmem>>, vector<1x16xi32>,
    %get3A_217 = vector.shape_cast %get3A_216 : vector<1x16xi32> to vector<16xi32>
    %and3A_218 = arith.constant 16383 : i32
    %and3A_219 = vector.broadcast %and3A_218 : i32 to vector<16xi32>
    %and3A_220 = arith.andi %get3A_217, %and3A_219 : vector<16xi32>
    %swap3A_221 = arith.constant 16 : index
    %swap3A_222 = tpu.vector_load %arg9[%swap3A_221] {strides = array<i32>} : memref<64xi32, #tpu.memory_space<vmem>>, vector<16xi32>,
    %swap3A_223 = vector.shape_cast %swap3A_222 : vector<16xi32> to vector<16xi32>
    %swap3A_224 = vector.shape_cast %and3A_220 : vector<16xi32> to vector<16xi32>
    tpu.vector_store %arg9[%swap3A_221], %swap3A_224 {strides = array<i32>} : memref<64xi32, #tpu.memory_space<vmem>>, vector<16xi32>,
    %shift_right_logical3A_225 = arith.constant 14 : i32
    %shift_right_logical3A_226 = vector.broadcast %shift_right_logical3A_225 : i32 to vector<16xi32>
    %shift_right_logical3A_227 = arith.shrui %get3A_217, %shift_right_logical3A_226 : vector<16xi32>
    %swap3A_228 = arith.constant 0 : i32
    %swap3A_229 = arith.constant 2 : i32
    %swap3A_230 = arith.index_cast %swap3A_228 : i32 to index
    %swap3A_231 = arith.index_cast %swap3A_229 : i32 to index
    %swap3A_232 = arith.constant 16 : index
    %swap3A_233 = tpu.vector_load %arg15[%swap3A_230, %swap3A_231, %swap3A_232] {strides = array<i32>} : memref<2x4x64xi32, #tpu.memory_space<vmem>>, vector<1x1x16xi32>,
    %swap3A_234 = vector.shape_cast %swap3A_233 : vector<1x1x16xi32> to vector<16xi32>
    %swap3A_235 = vector.shape_cast %shift_right_logical3A_227 : vector<16xi32> to vector<1x1x16xi32>
    tpu.vector_store %arg15[%swap3A_230, %swap3A_231, %swap3A_232], %swap3A_235 {strides = array<i32>} : memref<2x4x64xi32, #tpu.memory_space<vmem>>, vector<1x1x16xi32>,
    %get3A_236 = arith.constant 1 : i32
    %get3A_237 = arith.index_cast %get3A_236 : i32 to index
    %get3A_238 = arith.constant 32 : index
    %get3A_239 = tpu.vector_load %arg6[%get3A_237, %get3A_238] {strides = array<i32>} : memref<80x128xi32, #tpu.memory_space<vmem>>, vector<1x16xi32>,
    %get3A_240 = vector.shape_cast %get3A_239 : vector<1x16xi32> to vector<16xi32>
    %and3A_241 = arith.constant 16383 : i32
    %and3A_242 = vector.broadcast %and3A_241 : i32 to vector<16xi32>
    %and3A_243 = arith.andi %get3A_240, %and3A_242 : vector<16xi32>
    %swap3A_244 = arith.constant 32 : index
    %swap3A_245 = tpu.vector_load %arg9[%swap3A_244] {strides = array<i32>} : memref<64xi32, #tpu.memory_space<vmem>>, vector<16xi32>,
    %swap3A_246 = vector.shape_cast %swap3A_245 : vector<16xi32> to vector<16xi32>
    %swap3A_247 = vector.shape_cast %and3A_243 : vector<16xi32> to vector<16xi32>
    tpu.vector_store %arg9[%swap3A_244], %swap3A_247 {strides = array<i32>} : memref<64xi32, #tpu.memory_space<vmem>>, vector<16xi32>,
    %shift_right_logical3A_248 = arith.constant 14 : i32
    %shift_right_logical3A_249 = vector.broadcast %shift_right_logical3A_248 : i32 to vector<16xi32>
    %shift_right_logical3A_250 = arith.shrui %get3A_240, %shift_right_logical3A_249 : vector<16xi32>
    %swap3A_251 = arith.constant 0 : i32
    %swap3A_252 = arith.constant 2 : i32
    %swap3A_253 = arith.index_cast %swap3A_251 : i32 to index
    %swap3A_254 = arith.index_cast %swap3A_252 : i32 to index
    %swap3A_255 = arith.constant 32 : index
    %swap3A_256 = tpu.vector_load %arg15[%swap3A_253, %swap3A_254, %swap3A_255] {strides = array<i32>} : memref<2x4x64xi32, #tpu.memory_space<vmem>>, vector<1x1x16xi32>,
    %swap3A_257 = vector.shape_cast %swap3A_256 : vector<1x1x16xi32> to vector<16xi32>
    %swap3A_258 = vector.shape_cast %shift_right_logical3A_250 : vector<16xi32> to vector<1x1x16xi32>
    tpu.vector_store %arg15[%swap3A_253, %swap3A_254, %swap3A_255], %swap3A_258 {strides = array<i32>} : memref<2x4x64xi32, #tpu.memory_space<vmem>>, vector<1x1x16xi32>,
    %get3A_259 = arith.constant 1 : i32
    %get3A_260 = arith.index_cast %get3A_259 : i32 to index
    %get3A_261 = arith.constant 48 : index
    %get3A_262 = tpu.vector_load %arg6[%get3A_260, %get3A_261] {strides = array<i32>} : memref<80x128xi32, #tpu.memory_space<vmem>>, vector<1x16xi32>,
    %get3A_263 = vector.shape_cast %get3A_262 : vector<1x16xi32> to vector<16xi32>
    %and3A_264 = arith.constant 16383 : i32
    %and3A_265 = vector.broadcast %and3A_264 : i32 to vector<16xi32>
    %and3A_266 = arith.andi %get3A_263, %and3A_265 : vector<16xi32>
    %swap3A_267 = arith.constant 48 : index
    %swap3A_268 = tpu.vector_load %arg9[%swap3A_267] {strides = array<i32>} : memref<64xi32, #tpu.memory_space<vmem>>, vector<16xi32>,
    %swap3A_269 = vector.shape_cast %swap3A_268 : vector<16xi32> to vector<16xi32>
    %swap3A_270 = vector.shape_cast %and3A_266 : vector<16xi32> to vector<16xi32>
    tpu.vector_store %arg9[%swap3A_267], %swap3A_270 {strides = array<i32>} : memref<64xi32, #tpu.memory_space<vmem>>, vector<16xi32>,
    %shift_right_logical3A_271 = arith.constant 14 : i32
    %shift_right_logical3A_272 = vector.broadcast %shift_right_logical3A_271 : i32 to vector<16xi32>
    %shift_right_logical3A_273 = arith.shrui %get3A_263, %shift_right_logical3A_272 : vector<16xi32>
    %swap3A_274 = arith.constant 0 : i32
    %swap3A_275 = arith.constant 2 : i32
    %swap3A_276 = arith.index_cast %swap3A_274 : i32 to index
    %swap3A_277 = arith.index_cast %swap3A_275 : i32 to index
    %swap3A_278 = arith.constant 48 : index
    %swap3A_279 = tpu.vector_load %arg15[%swap3A_276, %swap3A_277, %swap3A_278] {strides = array<i32>} : memref<2x4x64xi32, #tpu.memory_space<vmem>>, vector<1x1x16xi32>,
    %swap3A_280 = vector.shape_cast %swap3A_279 : vector<1x1x16xi32> to vector<16xi32>
    %swap3A_281 = vector.shape_cast %shift_right_logical3A_273 : vector<16xi32> to vector<1x1x16xi32>
    tpu.vector_store %arg15[%swap3A_276, %swap3A_277, %swap3A_278], %swap3A_281 {strides = array<i32>} : memref<2x4x64xi32, #tpu.memory_space<vmem>>, vector<1x1x16xi32>,
    %dma_start3A_282 = arith.constant 0 : i32
    %dma_start3A_283 = arith.constant 0 : i32
    %dma_start3A_284 = tpu.memref_slice %arg2[%dma_start3A_282, %dma_start3A_283] : memref<10240x128xf32, #tpu.memory_space<hbm>> -> memref<10240x128xf32, #tpu.memory_space<hbm>>
    tpu.enqueue_indirect_dma source(%dma_start3A_284 : memref<10240x128xf32, #tpu.memory_space<hbm>>) target(%arg13 : memref<64x128xf32, #tpu.memory_space<vmem>>) offsets(%arg9 : memref<64xi32, #tpu.memory_space<vmem>>) semaphore(%arg18 : memref<!tpu.dma_semaphore, #tpu.memory_space<semaphore_mem>>)
    %get3A_285 = arith.constant 1 : i32
    %get3A_286 = arith.index_cast %get3A_285 : i32 to index
    %get3A_287 = arith.constant 64 : index
    %get3A_288 = tpu.vector_load %arg6[%get3A_286, %get3A_287] {strides = array<i32>} : memref<80x128xi32, #tpu.memory_space<vmem>>, vector<1x16xi32>,
    %get3A_289 = vector.shape_cast %get3A_288 : vector<1x16xi32> to vector<16xi32>
    %and3A_290 = arith.constant 16383 : i32
    %and3A_291 = vector.broadcast %and3A_290 : i32 to vector<16xi32>
    %and3A_292 = arith.andi %get3A_289, %and3A_291 : vector<16xi32>
    %swap3A_293 = arith.constant 0 : index
    %swap3A_294 = tpu.vector_load %arg10[%swap3A_293] {strides = array<i32>} : memref<64xi32, #tpu.memory_space<vmem>>, vector<16xi32>,
    %swap3A_295 = vector.shape_cast %swap3A_294 : vector<16xi32> to vector<16xi32>
    %swap3A_296 = vector.shape_cast %and3A_292 : vector<16xi32> to vector<16xi32>
    tpu.vector_store %arg10[%swap3A_293], %swap3A_296 {strides = array<i32>} : memref<64xi32, #tpu.memory_space<vmem>>, vector<16xi32>,
    %shift_right_logical3A_297 = arith.constant 14 : i32
    %shift_right_logical3A_298 = vector.broadcast %shift_right_logical3A_297 : i32 to vector<16xi32>
    %shift_right_logical3A_299 = arith.shrui %get3A_289, %shift_right_logical3A_298 : vector<16xi32>
    %swap3A_300 = arith.constant 0 : i32
    %swap3A_301 = arith.constant 3 : i32
    %swap3A_302 = arith.index_cast %swap3A_300 : i32 to index
    %swap3A_303 = arith.index_cast %swap3A_301 : i32 to index
    %swap3A_304 = arith.constant 0 : index
    %swap3A_305 = tpu.vector_load %arg15[%swap3A_302, %swap3A_303, %swap3A_304] {strides = array<i32>} : memref<2x4x64xi32, #tpu.memory_space<vmem>>, vector<1x1x16xi32>,
    %swap3A_306 = vector.shape_cast %swap3A_305 : vector<1x1x16xi32> to vector<16xi32>
    %swap3A_307 = vector.shape_cast %shift_right_logical3A_299 : vector<16xi32> to vector<1x1x16xi32>
    tpu.vector_store %arg15[%swap3A_302, %swap3A_303, %swap3A_304], %swap3A_307 {strides = array<i32>} : memref<2x4x64xi32, #tpu.memory_space<vmem>>, vector<1x1x16xi32>,
    %get3A_308 = arith.constant 1 : i32
    %get3A_309 = arith.index_cast %get3A_308 : i32 to index
    %get3A_310 = arith.constant 80 : index
    %get3A_311 = tpu.vector_load %arg6[%get3A_309, %get3A_310] {strides = array<i32>} : memref<80x128xi32, #tpu.memory_space<vmem>>, vector<1x16xi32>,
    %get3A_312 = vector.shape_cast %get3A_311 : vector<1x16xi32> to vector<16xi32>
    %and3A_313 = arith.constant 16383 : i32
    %and3A_314 = vector.broadcast %and3A_313 : i32 to vector<16xi32>
    %and3A_315 = arith.andi %get3A_312, %and3A_314 : vector<16xi32>
    %swap3A_316 = arith.constant 16 : index
    %swap3A_317 = tpu.vector_load %arg10[%swap3A_316] {strides = array<i32>} : memref<64xi32, #tpu.memory_space<vmem>>, vector<16xi32>,
    %swap3A_318 = vector.shape_cast %swap3A_317 : vector<16xi32> to vector<16xi32>
    %swap3A_319 = vector.shape_cast %and3A_315 : vector<16xi32> to vector<16xi32>
    tpu.vector_store %arg10[%swap3A_316], %swap3A_319 {strides = array<i32>} : memref<64xi32, #tpu.memory_space<vmem>>, vector<16xi32>,
    %shift_right_logical3A_320 = arith.constant 14 : i32
    %shift_right_logical3A_321 = vector.broadcast %shift_right_logical3A_320 : i32 to vector<16xi32>
    %shift_right_logical3A_322 = arith.shrui %get3A_312, %shift_right_logical3A_321 : vector<16xi32>
    %swap3A_323 = arith.constant 0 : i32
    %swap3A_324 = arith.constant 3 : i32
    %swap3A_325 = arith.index_cast %swap3A_323 : i32 to index
    %swap3A_326 = arith.index_cast %swap3A_324 : i32 to index
    %swap3A_327 = arith.constant 16 : index
    %swap3A_328 = tpu.vector_load %arg15[%swap3A_325, %swap3A_326, %swap3A_327] {strides = array<i32>} : memref<2x4x64xi32, #tpu.memory_space<vmem>>, vector<1x1x16xi32>,
    %swap3A_329 = vector.shape_cast %swap3A_328 : vector<1x1x16xi32> to vector<16xi32>
    %swap3A_330 = vector.shape_cast %shift_right_logical3A_322 : vector<16xi32> to vector<1x1x16xi32>
    tpu.vector_store %arg15[%swap3A_325, %swap3A_326, %swap3A_327], %swap3A_330 {strides = array<i32>} : memref<2x4x64xi32, #tpu.memory_space<vmem>>, vector<1x1x16xi32>,
    %get3A_331 = arith.constant 1 : i32
    %get3A_332 = arith.index_cast %get3A_331 : i32 to index
    %get3A_333 = arith.constant 96 : index
    %get3A_334 = tpu.vector_load %arg6[%get3A_332, %get3A_333] {strides = array<i32>} : memref<80x128xi32, #tpu.memory_space<vmem>>, vector<1x16xi32>,
    %get3A_335 = vector.shape_cast %get3A_334 : vector<1x16xi32> to vector<16xi32>
    %and3A_336 = arith.constant 16383 : i32
    %and3A_337 = vector.broadcast %and3A_336 : i32 to vector<16xi32>
    %and3A_338 = arith.andi %get3A_335, %and3A_337 : vector<16xi32>
    %swap3A_339 = arith.constant 32 : index
    %swap3A_340 = tpu.vector_load %arg10[%swap3A_339] {strides = array<i32>} : memref<64xi32, #tpu.memory_space<vmem>>, vector<16xi32>,
    %swap3A_341 = vector.shape_cast %swap3A_340 : vector<16xi32> to vector<16xi32>
    %swap3A_342 = vector.shape_cast %and3A_338 : vector<16xi32> to vector<16xi32>
    tpu.vector_store %arg10[%swap3A_339], %swap3A_342 {strides = array<i32>} : memref<64xi32, #tpu.memory_space<vmem>>, vector<16xi32>,
    %shift_right_logical3A_343 = arith.constant 14 : i32
    %shift_right_logical3A_344 = vector.broadcast %shift_right_logical3A_343 : i32 to vector<16xi32>
    %shift_right_logical3A_345 = arith.shrui %get3A_335, %shift_right_logical3A_344 : vector<16xi32>
    %swap3A_346 = arith.constant 0 : i32
    %swap3A_347 = arith.constant 3 : i32
    %swap3A_348 = arith.index_cast %swap3A_346 : i32 to index
    %swap3A_349 = arith.index_cast %swap3A_347 : i32 to index
    %swap3A_350 = arith.constant 32 : index
    %swap3A_351 = tpu.vector_load %arg15[%swap3A_348, %swap3A_349, %swap3A_350] {strides = array<i32>} : memref<2x4x64xi32, #tpu.memory_space<vmem>>, vector<1x1x16xi32>,
    %swap3A_352 = vector.shape_cast %swap3A_351 : vector<1x1x16xi32> to vector<16xi32>
    %swap3A_353 = vector.shape_cast %shift_right_logical3A_345 : vector<16xi32> to vector<1x1x16xi32>
    tpu.vector_store %arg15[%swap3A_348, %swap3A_349, %swap3A_350], %swap3A_353 {strides = array<i32>} : memref<2x4x64xi32, #tpu.memory_space<vmem>>, vector<1x1x16xi32>,
    %get3A_354 = arith.constant 1 : i32
    %get3A_355 = arith.index_cast %get3A_354 : i32 to index
    %get3A_356 = arith.constant 112 : index
    %get3A_357 = tpu.vector_load %arg6[%get3A_355, %get3A_356] {strides = array<i32>} : memref<80x128xi32, #tpu.memory_space<vmem>>, vector<1x16xi32>,
    %get3A_358 = vector.shape_cast %get3A_357 : vector<1x16xi32> to vector<16xi32>
    %and3A_359 = arith.constant 16383 : i32
    %and3A_360 = vector.broadcast %and3A_359 : i32 to vector<16xi32>
    %and3A_361 = arith.andi %get3A_358, %and3A_360 : vector<16xi32>
    %swap3A_362 = arith.constant 48 : index
    %swap3A_363 = tpu.vector_load %arg10[%swap3A_362] {strides = array<i32>} : memref<64xi32, #tpu.memory_space<vmem>>, vector<16xi32>,
    %swap3A_364 = vector.shape_cast %swap3A_363 : vector<16xi32> to vector<16xi32>
    %swap3A_365 = vector.shape_cast %and3A_361 : vector<16xi32> to vector<16xi32>
    tpu.vector_store %arg10[%swap3A_362], %swap3A_365 {strides = array<i32>} : memref<64xi32, #tpu.memory_space<vmem>>, vector<16xi32>,
    %shift_right_logical3A_366 = arith.constant 14 : i32
    %shift_right_logical3A_367 = vector.broadcast %shift_right_logical3A_366 : i32 to vector<16xi32>
    %shift_right_logical3A_368 = arith.shrui %get3A_358, %shift_right_logical3A_367 : vector<16xi32>
    %swap3A_369 = arith.constant 0 : i32
    %swap3A_370 = arith.constant 3 : i32
    %swap3A_371 = arith.index_cast %swap3A_369 : i32 to index
    %swap3A_372 = arith.index_cast %swap3A_370 : i32 to index
    %swap3A_373 = arith.constant 48 : index
    %swap3A_374 = tpu.vector_load %arg15[%swap3A_371, %swap3A_372, %swap3A_373] {strides = array<i32>} : memref<2x4x64xi32, #tpu.memory_space<vmem>>, vector<1x1x16xi32>,
    %swap3A_375 = vector.shape_cast %swap3A_374 : vector<1x1x16xi32> to vector<16xi32>
    %swap3A_376 = vector.shape_cast %shift_right_logical3A_368 : vector<16xi32> to vector<1x1x16xi32>
    tpu.vector_store %arg15[%swap3A_371, %swap3A_372, %swap3A_373], %swap3A_376 {strides = array<i32>} : memref<2x4x64xi32, #tpu.memory_space<vmem>>, vector<1x1x16xi32>,
    %dma_start3A_377 = arith.constant 0 : i32
    %dma_start3A_378 = arith.constant 0 : i32
    %dma_start3A_379 = tpu.memref_slice %arg2[%dma_start3A_377, %dma_start3A_378] : memref<10240x128xf32, #tpu.memory_space<hbm>> -> memref<10240x128xf32, #tpu.memory_space<hbm>>
    tpu.enqueue_indirect_dma source(%dma_start3A_379 : memref<10240x128xf32, #tpu.memory_space<hbm>>) target(%arg14 : memref<64x128xf32, #tpu.memory_space<vmem>>) offsets(%arg10 : memref<64xi32, #tpu.memory_space<vmem>>) semaphore(%arg19 : memref<!tpu.dma_semaphore, #tpu.memory_space<semaphore_mem>>)
    %scan3A = arith.constant 0 : i32
    %scan3A_380 = arith.constant 39 : i32
    %scan3A_381 = arith.addi %scan3A, %scan3A_380 : i32
    %scan3A_382 = arith.constant 1 : i32
    scf.for %scan3A_405 = %scan3A to %scan3A_381 step %scan3A_382  : i32 {
      %mul3A_406 = arith.constant 1 : i32
      %mul3A_407 = arith.muli %scan3A_405, %mul3A_406 : i32
      %add3A_408 = arith.constant 0 : i32
      %add3A_409 = arith.addi %add3A_408, %mul3A_407 : i32
      %rem3A_410 = arith.constant 2 : i32
      %rem3A_411 = arith.remsi %add3A_409, %rem3A_410 : i32
      %add3A_412 = arith.constant 1 : i32
      %add3A_413 = arith.addi %add3A_409, %add3A_412 : i32
      %rem3A_414 = arith.constant 2 : i32
      %rem3A_415 = arith.remsi %add3A_413, %rem3A_414 : i32
      %mul3A_416 = arith.constant 4 : i32
      %mul3A_417 = arith.muli %mul3A_416, %add3A_409 : i32
      %add3A_418 = arith.constant 0 : i32
      %add3A_419 = arith.addi %mul3A_417, %add3A_418 : i32
      %dma_wait3A_420 = arith.constant 0 : i32
      %dma_wait3A_421 = arith.constant 0 : i32
      %dma_wait3A_422 = tpu.memref_slice %arg2[%dma_wait3A_420, %dma_wait3A_421] : memref<10240x128xf32, #tpu.memory_space<hbm>> -> memref<10240x128xf32, #tpu.memory_space<hbm>>
      tpu.wait_indirect_dma semaphore(%arg16 : memref<!tpu.dma_semaphore, #tpu.memory_space<semaphore_mem>>) src(%dma_wait3A_422 : memref<10240x128xf32, #tpu.memory_space<hbm>>) dst(%arg11 : memref<64x128xf32, #tpu.memory_space<vmem>>)
      %run_scoped3A_423 = arith.constant 0 : i32
      "tpu.region"() ({
        %run_scoped3A_820 = tpu.sem_alloc : memref<!tpu.dma_semaphore, #tpu.memory_space<semaphore_mem>>
        %dma_start3A_821 = arith.constant 0 : i32
        %dma_start3A_822 = tpu.memref_slice %arg15[%rem3A_411, %run_scoped3A_423, %dma_start3A_821] : memref<2x4x64xi32, #tpu.memory_space<vmem>> -> memref<1x1x64xi32, #tpu.memory_space<vmem>>
        %dma_start3A_823 = tpu.memref_squeeze %dma_start3A_822 : memref<1x1x64xi32, #tpu.memory_space<vmem>> -> memref<64xi32, #tpu.memory_space<vmem>>
        %dma_start3A_824 = arith.constant 0 : i32
        %dma_start3A_825 = arith.constant 0 : i32
        %dma_start3A_826 = tpu.memref_slice %arg20[%dma_start3A_824, %dma_start3A_825] : memref<10240x128xf32, #tpu.memory_space<vmem_shared>> -> memref<10240x128xf32, #tpu.memory_space<vmem_shared>>
        tpu.enqueue_indirect_dma source(%arg11 : memref<64x128xf32, #tpu.memory_space<vmem>>) target(%dma_start3A_826 : memref<10240x128xf32, #tpu.memory_space<vmem_shared>>) offsets(%dma_start3A_823 : memref<64xi32, #tpu.memory_space<vmem>>) semaphore(%run_scoped3A_820 : memref<!tpu.dma_semaphore, #tpu.memory_space<semaphore_mem>>) {add = true}
        %dma_wait3A_827 = arith.constant 0 : i32
        %dma_wait3A_828 = tpu.memref_slice %arg15[%rem3A_411, %run_scoped3A_423, %dma_wait3A_827] : memref<2x4x64xi32, #tpu.memory_space<vmem>> -> memref<1x1x64xi32, #tpu.memory_space<vmem>>
        %dma_wait3A_829 = tpu.memref_squeeze %dma_wait3A_828 : memref<1x1x64xi32, #tpu.memory_space<vmem>> -> memref<64xi32, #tpu.memory_space<vmem>>
        %dma_wait3A_830 = arith.constant 0 : i32
        %dma_wait3A_831 = arith.constant 0 : i32
        %dma_wait3A_832 = tpu.memref_slice %arg20[%dma_wait3A_830, %dma_wait3A_831] : memref<10240x128xf32, #tpu.memory_space<vmem_shared>> -> memref<10240x128xf32, #tpu.memory_space<vmem_shared>>
        tpu.wait_indirect_dma semaphore(%run_scoped3A_820 : memref<!tpu.dma_semaphore, #tpu.memory_space<semaphore_mem>>) src(%arg11 : memref<64x128xf32, #tpu.memory_space<vmem>>) dst(%dma_wait3A_832 : memref<10240x128xf32, #tpu.memory_space<vmem_shared>>)
        tpu.yield
      }) : () -> ()
      %mul3A_424 = arith.constant 2 : i32
      %mul3A_425 = arith.muli %mul3A_424, %add3A_409 : i32
      %add3A_426 = arith.constant 2 : i32
      %add3A_427 = arith.addi %mul3A_425, %add3A_426 : i32
      %add3A_428 = arith.constant 0 : i32
      %add3A_429 = arith.addi %add3A_427, %add3A_428 : i32
      %get3A_430 = arith.index_cast %add3A_429 : i32 to index
      %get3A_431 = arith.constant 0 : index
      %get3A_432 = tpu.vector_load %arg6[%get3A_430, %get3A_431] {strides = array<i32>} : memref<80x128xi32, #tpu.memory_space<vmem>>, vector<1x16xi32>,
      %get3A_433 = vector.shape_cast %get3A_432 : vector<1x16xi32> to vector<16xi32>
      %and3A_434 = arith.constant 16383 : i32
      %and3A_435 = vector.broadcast %and3A_434 : i32 to vector<16xi32>
      %and3A_436 = arith.andi %get3A_433, %and3A_435 : vector<16xi32>
      %swap3A_437 = arith.constant 0 : index
      %swap3A_438 = tpu.vector_load %arg7[%swap3A_437] {strides = array<i32>} : memref<64xi32, #tpu.memory_space<vmem>>, vector<16xi32>,
      %swap3A_439 = vector.shape_cast %swap3A_438 : vector<16xi32> to vector<16xi32>
      %swap3A_440 = vector.shape_cast %and3A_436 : vector<16xi32> to vector<16xi32>
      tpu.vector_store %arg7[%swap3A_437], %swap3A_440 {strides = array<i32>} : memref<64xi32, #tpu.memory_space<vmem>>, vector<16xi32>,
      %shift_right_logical3A_441 = arith.constant 14 : i32
      %shift_right_logical3A_442 = vector.broadcast %shift_right_logical3A_441 : i32 to vector<16xi32>
      %shift_right_logical3A_443 = arith.shrui %get3A_433, %shift_right_logical3A_442 : vector<16xi32>
      %swap3A_444 = arith.constant 0 : i32
      %swap3A_445 = arith.index_cast %rem3A_415 : i32 to index
      %swap3A_446 = arith.index_cast %swap3A_444 : i32 to index
      %swap3A_447 = arith.constant 0 : index
      %swap3A_448 = tpu.vector_load %arg15[%swap3A_445, %swap3A_446, %swap3A_447] {strides = array<i32>} : memref<2x4x64xi32, #tpu.memory_space<vmem>>, vector<1x1x16xi32>,
      %swap3A_449 = vector.shape_cast %swap3A_448 : vector<1x1x16xi32> to vector<16xi32>
      %swap3A_450 = vector.shape_cast %shift_right_logical3A_443 : vector<16xi32> to vector<1x1x16xi32>
      tpu.vector_store %arg15[%swap3A_445, %swap3A_446, %swap3A_447], %swap3A_450 {strides = array<i32>} : memref<2x4x64xi32, #tpu.memory_space<vmem>>, vector<1x1x16xi32>,
      %get3A_451 = arith.index_cast %add3A_429 : i32 to index
      %get3A_452 = arith.constant 16 : index
      %get3A_453 = tpu.vector_load %arg6[%get3A_451, %get3A_452] {strides = array<i32>} : memref<80x128xi32, #tpu.memory_space<vmem>>, vector<1x16xi32>,
      %get3A_454 = vector.shape_cast %get3A_453 : vector<1x16xi32> to vector<16xi32>
      %and3A_455 = arith.constant 16383 : i32
      %and3A_456 = vector.broadcast %and3A_455 : i32 to vector<16xi32>
      %and3A_457 = arith.andi %get3A_454, %and3A_456 : vector<16xi32>
      %swap3A_458 = arith.constant 16 : index
      %swap3A_459 = tpu.vector_load %arg7[%swap3A_458] {strides = array<i32>} : memref<64xi32, #tpu.memory_space<vmem>>, vector<16xi32>,
      %swap3A_460 = vector.shape_cast %swap3A_459 : vector<16xi32> to vector<16xi32>
      %swap3A_461 = vector.shape_cast %and3A_457 : vector<16xi32> to vector<16xi32>
      tpu.vector_store %arg7[%swap3A_458], %swap3A_461 {strides = array<i32>} : memref<64xi32, #tpu.memory_space<vmem>>, vector<16xi32>,
      %shift_right_logical3A_462 = arith.constant 14 : i32
      %shift_right_logical3A_463 = vector.broadcast %shift_right_logical3A_462 : i32 to vector<16xi32>
      %shift_right_logical3A_464 = arith.shrui %get3A_454, %shift_right_logical3A_463 : vector<16xi32>
      %swap3A_465 = arith.constant 0 : i32
      %swap3A_466 = arith.index_cast %rem3A_415 : i32 to index
      %swap3A_467 = arith.index_cast %swap3A_465 : i32 to index
      %swap3A_468 = arith.constant 16 : index
      %swap3A_469 = tpu.vector_load %arg15[%swap3A_466, %swap3A_467, %swap3A_468] {strides = array<i32>} : memref<2x4x64xi32, #tpu.memory_space<vmem>>, vector<1x1x16xi32>,
      %swap3A_470 = vector.shape_cast %swap3A_469 : vector<1x1x16xi32> to vector<16xi32>
      %swap3A_471 = vector.shape_cast %shift_right_logical3A_464 : vector<16xi32> to vector<1x1x16xi32>
      tpu.vector_store %arg15[%swap3A_466, %swap3A_467, %swap3A_468], %swap3A_471 {strides = array<i32>} : memref<2x4x64xi32, #tpu.memory_space<vmem>>, vector<1x1x16xi32>,
      %get3A_472 = arith.index_cast %add3A_429 : i32 to index
      %get3A_473 = arith.constant 32 : index
      %get3A_474 = tpu.vector_load %arg6[%get3A_472, %get3A_473] {strides = array<i32>} : memref<80x128xi32, #tpu.memory_space<vmem>>, vector<1x16xi32>,
      %get3A_475 = vector.shape_cast %get3A_474 : vector<1x16xi32> to vector<16xi32>
      %and3A_476 = arith.constant 16383 : i32
      %and3A_477 = vector.broadcast %and3A_476 : i32 to vector<16xi32>
      %and3A_478 = arith.andi %get3A_475, %and3A_477 : vector<16xi32>
      %swap3A_479 = arith.constant 32 : index
      %swap3A_480 = tpu.vector_load %arg7[%swap3A_479] {strides = array<i32>} : memref<64xi32, #tpu.memory_space<vmem>>, vector<16xi32>,
      %swap3A_481 = vector.shape_cast %swap3A_480 : vector<16xi32> to vector<16xi32>
      %swap3A_482 = vector.shape_cast %and3A_478 : vector<16xi32> to vector<16xi32>
      tpu.vector_store %arg7[%swap3A_479], %swap3A_482 {strides = array<i32>} : memref<64xi32, #tpu.memory_space<vmem>>, vector<16xi32>,
      %shift_right_logical3A_483 = arith.constant 14 : i32
      %shift_right_logical3A_484 = vector.broadcast %shift_right_logical3A_483 : i32 to vector<16xi32>
      %shift_right_logical3A_485 = arith.shrui %get3A_475, %shift_right_logical3A_484 : vector<16xi32>
      %swap3A_486 = arith.constant 0 : i32
      %swap3A_487 = arith.index_cast %rem3A_415 : i32 to index
      %swap3A_488 = arith.index_cast %swap3A_486 : i32 to index
      %swap3A_489 = arith.constant 32 : index
      %swap3A_490 = tpu.vector_load %arg15[%swap3A_487, %swap3A_488, %swap3A_489] {strides = array<i32>} : memref<2x4x64xi32, #tpu.memory_space<vmem>>, vector<1x1x16xi32>,
      %swap3A_491 = vector.shape_cast %swap3A_490 : vector<1x1x16xi32> to vector<16xi32>
      %swap3A_492 = vector.shape_cast %shift_right_logical3A_485 : vector<16xi32> to vector<1x1x16xi32>
      tpu.vector_store %arg15[%swap3A_487, %swap3A_488, %swap3A_489], %swap3A_492 {strides = array<i32>} : memref<2x4x64xi32, #tpu.memory_space<vmem>>, vector<1x1x16xi32>,
      %get3A_493 = arith.index_cast %add3A_429 : i32 to index
      %get3A_494 = arith.constant 48 : index
      %get3A_495 = tpu.vector_load %arg6[%get3A_493, %get3A_494] {strides = array<i32>} : memref<80x128xi32, #tpu.memory_space<vmem>>, vector<1x16xi32>,
      %get3A_496 = vector.shape_cast %get3A_495 : vector<1x16xi32> to vector<16xi32>
      %and3A_497 = arith.constant 16383 : i32
      %and3A_498 = vector.broadcast %and3A_497 : i32 to vector<16xi32>
      %and3A_499 = arith.andi %get3A_496, %and3A_498 : vector<16xi32>
      %swap3A_500 = arith.constant 48 : index
      %swap3A_501 = tpu.vector_load %arg7[%swap3A_500] {strides = array<i32>} : memref<64xi32, #tpu.memory_space<vmem>>, vector<16xi32>,
      %swap3A_502 = vector.shape_cast %swap3A_501 : vector<16xi32> to vector<16xi32>
      %swap3A_503 = vector.shape_cast %and3A_499 : vector<16xi32> to vector<16xi32>
      tpu.vector_store %arg7[%swap3A_500], %swap3A_503 {strides = array<i32>} : memref<64xi32, #tpu.memory_space<vmem>>, vector<16xi32>,
      %shift_right_logical3A_504 = arith.constant 14 : i32
      %shift_right_logical3A_505 = vector.broadcast %shift_right_logical3A_504 : i32 to vector<16xi32>
      %shift_right_logical3A_506 = arith.shrui %get3A_496, %shift_right_logical3A_505 : vector<16xi32>
      %swap3A_507 = arith.constant 0 : i32
      %swap3A_508 = arith.index_cast %rem3A_415 : i32 to index
      %swap3A_509 = arith.index_cast %swap3A_507 : i32 to index
      %swap3A_510 = arith.constant 48 : index
      %swap3A_511 = tpu.vector_load %arg15[%swap3A_508, %swap3A_509, %swap3A_510] {strides = array<i32>} : memref<2x4x64xi32, #tpu.memory_space<vmem>>, vector<1x1x16xi32>,
      %swap3A_512 = vector.shape_cast %swap3A_511 : vector<1x1x16xi32> to vector<16xi32>
      %swap3A_513 = vector.shape_cast %shift_right_logical3A_506 : vector<16xi32> to vector<1x1x16xi32>
      tpu.vector_store %arg15[%swap3A_508, %swap3A_509, %swap3A_510], %swap3A_513 {strides = array<i32>} : memref<2x4x64xi32, #tpu.memory_space<vmem>>, vector<1x1x16xi32>,
      %dma_start3A_514 = arith.constant 0 : i32
      %dma_start3A_515 = arith.constant 0 : i32
      %dma_start3A_516 = tpu.memref_slice %arg2[%dma_start3A_514, %dma_start3A_515] : memref<10240x128xf32, #tpu.memory_space<hbm>> -> memref<10240x128xf32, #tpu.memory_space<hbm>>
      tpu.enqueue_indirect_dma source(%dma_start3A_516 : memref<10240x128xf32, #tpu.memory_space<hbm>>) target(%arg11 : memref<64x128xf32, #tpu.memory_space<vmem>>) offsets(%arg7 : memref<64xi32, #tpu.memory_space<vmem>>) semaphore(%arg16 : memref<!tpu.dma_semaphore, #tpu.memory_space<semaphore_mem>>)
      %mul3A_517 = arith.constant 4 : i32
      %mul3A_518 = arith.muli %mul3A_517, %add3A_409 : i32
      %add3A_519 = arith.constant 1 : i32
      %add3A_520 = arith.addi %mul3A_518, %add3A_519 : i32
      %dma_wait3A_521 = arith.constant 0 : i32
      %dma_wait3A_522 = arith.constant 0 : i32
      %dma_wait3A_523 = tpu.memref_slice %arg2[%dma_wait3A_521, %dma_wait3A_522] : memref<10240x128xf32, #tpu.memory_space<hbm>> -> memref<10240x128xf32, #tpu.memory_space<hbm>>
      tpu.wait_indirect_dma semaphore(%arg17 : memref<!tpu.dma_semaphore, #tpu.memory_space<semaphore_mem>>) src(%dma_wait3A_523 : memref<10240x128xf32, #tpu.memory_space<hbm>>) dst(%arg12 : memref<64x128xf32, #tpu.memory_space<vmem>>)
      %run_scoped3A_524 = arith.constant 1 : i32
      "tpu.region"() ({
        %run_scoped3A_820 = tpu.sem_alloc : memref<!tpu.dma_semaphore, #tpu.memory_space<semaphore_mem>>
        %dma_start3A_821 = arith.constant 0 : i32
        %dma_start3A_822 = tpu.memref_slice %arg15[%rem3A_411, %run_scoped3A_524, %dma_start3A_821] : memref<2x4x64xi32, #tpu.memory_space<vmem>> -> memref<1x1x64xi32, #tpu.memory_space<vmem>>
        %dma_start3A_823 = tpu.memref_squeeze %dma_start3A_822 : memref<1x1x64xi32, #tpu.memory_space<vmem>> -> memref<64xi32, #tpu.memory_space<vmem>>
        %dma_start3A_824 = arith.constant 0 : i32
        %dma_start3A_825 = arith.constant 0 : i32
        %dma_start3A_826 = tpu.memref_slice %arg20[%dma_start3A_824, %dma_start3A_825] : memref<10240x128xf32, #tpu.memory_space<vmem_shared>> -> memref<10240x128xf32, #tpu.memory_space<vmem_shared>>
        tpu.enqueue_indirect_dma source(%arg12 : memref<64x128xf32, #tpu.memory_space<vmem>>) target(%dma_start3A_826 : memref<10240x128xf32, #tpu.memory_space<vmem_shared>>) offsets(%dma_start3A_823 : memref<64xi32, #tpu.memory_space<vmem>>) semaphore(%run_scoped3A_820 : memref<!tpu.dma_semaphore, #tpu.memory_space<semaphore_mem>>) {add = true}
        %dma_wait3A_827 = arith.constant 0 : i32
        %dma_wait3A_828 = tpu.memref_slice %arg15[%rem3A_411, %run_scoped3A_524, %dma_wait3A_827] : memref<2x4x64xi32, #tpu.memory_space<vmem>> -> memref<1x1x64xi32, #tpu.memory_space<vmem>>
        %dma_wait3A_829 = tpu.memref_squeeze %dma_wait3A_828 : memref<1x1x64xi32, #tpu.memory_space<vmem>> -> memref<64xi32, #tpu.memory_space<vmem>>
        %dma_wait3A_830 = arith.constant 0 : i32
        %dma_wait3A_831 = arith.constant 0 : i32
        %dma_wait3A_832 = tpu.memref_slice %arg20[%dma_wait3A_830, %dma_wait3A_831] : memref<10240x128xf32, #tpu.memory_space<vmem_shared>> -> memref<10240x128xf32, #tpu.memory_space<vmem_shared>>
        tpu.wait_indirect_dma semaphore(%run_scoped3A_820 : memref<!tpu.dma_semaphore, #tpu.memory_space<semaphore_mem>>) src(%arg12 : memref<64x128xf32, #tpu.memory_space<vmem>>) dst(%dma_wait3A_832 : memref<10240x128xf32, #tpu.memory_space<vmem_shared>>)
        tpu.yield
      }) : () -> ()
      %mul3A_525 = arith.constant 2 : i32
      %mul3A_526 = arith.muli %mul3A_525, %add3A_409 : i32
      %add3A_527 = arith.constant 2 : i32
      %add3A_528 = arith.addi %mul3A_526, %add3A_527 : i32
      %add3A_529 = arith.constant 0 : i32
      %add3A_530 = arith.addi %add3A_528, %add3A_529 : i32
      %get3A_531 = arith.index_cast %add3A_530 : i32 to index
      %get3A_532 = arith.constant 64 : index
      %get3A_533 = tpu.vector_load %arg6[%get3A_531, %get3A_532] {strides = array<i32>} : memref<80x128xi32, #tpu.memory_space<vmem>>, vector<1x16xi32>,
      %get3A_534 = vector.shape_cast %get3A_533 : vector<1x16xi32> to vector<16xi32>
      %and3A_535 = arith.constant 16383 : i32
      %and3A_536 = vector.broadcast %and3A_535 : i32 to vector<16xi32>
      %and3A_537 = arith.andi %get3A_534, %and3A_536 : vector<16xi32>
      %swap3A_538 = arith.constant 0 : index
      %swap3A_539 = tpu.vector_load %arg8[%swap3A_538] {strides = array<i32>} : memref<64xi32, #tpu.memory_space<vmem>>, vector<16xi32>,
      %swap3A_540 = vector.shape_cast %swap3A_539 : vector<16xi32> to vector<16xi32>
      %swap3A_541 = vector.shape_cast %and3A_537 : vector<16xi32> to vector<16xi32>
      tpu.vector_store %arg8[%swap3A_538], %swap3A_541 {strides = array<i32>} : memref<64xi32, #tpu.memory_space<vmem>>, vector<16xi32>,
      %shift_right_logical3A_542 = arith.constant 14 : i32
      %shift_right_logical3A_543 = vector.broadcast %shift_right_logical3A_542 : i32 to vector<16xi32>
      %shift_right_logical3A_544 = arith.shrui %get3A_534, %shift_right_logical3A_543 : vector<16xi32>
      %swap3A_545 = arith.constant 1 : i32
      %swap3A_546 = arith.index_cast %rem3A_415 : i32 to index
      %swap3A_547 = arith.index_cast %swap3A_545 : i32 to index
      %swap3A_548 = arith.constant 0 : index
      %swap3A_549 = tpu.vector_load %arg15[%swap3A_546, %swap3A_547, %swap3A_548] {strides = array<i32>} : memref<2x4x64xi32, #tpu.memory_space<vmem>>, vector<1x1x16xi32>,
      %swap3A_550 = vector.shape_cast %swap3A_549 : vector<1x1x16xi32> to vector<16xi32>
      %swap3A_551 = vector.shape_cast %shift_right_logical3A_544 : vector<16xi32> to vector<1x1x16xi32>
      tpu.vector_store %arg15[%swap3A_546, %swap3A_547, %swap3A_548], %swap3A_551 {strides = array<i32>} : memref<2x4x64xi32, #tpu.memory_space<vmem>>, vector<1x1x16xi32>,
      %get3A_552 = arith.index_cast %add3A_530 : i32 to index
      %get3A_553 = arith.constant 80 : index
      %get3A_554 = tpu.vector_load %arg6[%get3A_552, %get3A_553] {strides = array<i32>} : memref<80x128xi32, #tpu.memory_space<vmem>>, vector<1x16xi32>,
      %get3A_555 = vector.shape_cast %get3A_554 : vector<1x16xi32> to vector<16xi32>
      %and3A_556 = arith.constant 16383 : i32
      %and3A_557 = vector.broadcast %and3A_556 : i32 to vector<16xi32>
      %and3A_558 = arith.andi %get3A_555, %and3A_557 : vector<16xi32>
      %swap3A_559 = arith.constant 16 : index
      %swap3A_560 = tpu.vector_load %arg8[%swap3A_559] {strides = array<i32>} : memref<64xi32, #tpu.memory_space<vmem>>, vector<16xi32>,
      %swap3A_561 = vector.shape_cast %swap3A_560 : vector<16xi32> to vector<16xi32>
      %swap3A_562 = vector.shape_cast %and3A_558 : vector<16xi32> to vector<16xi32>
      tpu.vector_store %arg8[%swap3A_559], %swap3A_562 {strides = array<i32>} : memref<64xi32, #tpu.memory_space<vmem>>, vector<16xi32>,
      %shift_right_logical3A_563 = arith.constant 14 : i32
      %shift_right_logical3A_564 = vector.broadcast %shift_right_logical3A_563 : i32 to vector<16xi32>
      %shift_right_logical3A_565 = arith.shrui %get3A_555, %shift_right_logical3A_564 : vector<16xi32>
      %swap3A_566 = arith.constant 1 : i32
      %swap3A_567 = arith.index_cast %rem3A_415 : i32 to index
      %swap3A_568 = arith.index_cast %swap3A_566 : i32 to index
      %swap3A_569 = arith.constant 16 : index
      %swap3A_570 = tpu.vector_load %arg15[%swap3A_567, %swap3A_568, %swap3A_569] {strides = array<i32>} : memref<2x4x64xi32, #tpu.memory_space<vmem>>, vector<1x1x16xi32>,
      %swap3A_571 = vector.shape_cast %swap3A_570 : vector<1x1x16xi32> to vector<16xi32>
      %swap3A_572 = vector.shape_cast %shift_right_logical3A_565 : vector<16xi32> to vector<1x1x16xi32>
      tpu.vector_store %arg15[%swap3A_567, %swap3A_568, %swap3A_569], %swap3A_572 {strides = array<i32>} : memref<2x4x64xi32, #tpu.memory_space<vmem>>, vector<1x1x16xi32>,
      %get3A_573 = arith.index_cast %add3A_530 : i32 to index
      %get3A_574 = arith.constant 96 : index
      %get3A_575 = tpu.vector_load %arg6[%get3A_573, %get3A_574] {strides = array<i32>} : memref<80x128xi32, #tpu.memory_space<vmem>>, vector<1x16xi32>,
      %get3A_576 = vector.shape_cast %get3A_575 : vector<1x16xi32> to vector<16xi32>
      %and3A_577 = arith.constant 16383 : i32
      %and3A_578 = vector.broadcast %and3A_577 : i32 to vector<16xi32>
      %and3A_579 = arith.andi %get3A_576, %and3A_578 : vector<16xi32>
      %swap3A_580 = arith.constant 32 : index
      %swap3A_581 = tpu.vector_load %arg8[%swap3A_580] {strides = array<i32>} : memref<64xi32, #tpu.memory_space<vmem>>, vector<16xi32>,
      %swap3A_582 = vector.shape_cast %swap3A_581 : vector<16xi32> to vector<16xi32>
      %swap3A_583 = vector.shape_cast %and3A_579 : vector<16xi32> to vector<16xi32>
      tpu.vector_store %arg8[%swap3A_580], %swap3A_583 {strides = array<i32>} : memref<64xi32, #tpu.memory_space<vmem>>, vector<16xi32>,
      %shift_right_logical3A_584 = arith.constant 14 : i32
      %shift_right_logical3A_585 = vector.broadcast %shift_right_logical3A_584 : i32 to vector<16xi32>
      %shift_right_logical3A_586 = arith.shrui %get3A_576, %shift_right_logical3A_585 : vector<16xi32>
      %swap3A_587 = arith.constant 1 : i32
      %swap3A_588 = arith.index_cast %rem3A_415 : i32 to index
      %swap3A_589 = arith.index_cast %swap3A_587 : i32 to index
      %swap3A_590 = arith.constant 32 : index
      %swap3A_591 = tpu.vector_load %arg15[%swap3A_588, %swap3A_589, %swap3A_590] {strides = array<i32>} : memref<2x4x64xi32, #tpu.memory_space<vmem>>, vector<1x1x16xi32>,
      %swap3A_592 = vector.shape_cast %swap3A_591 : vector<1x1x16xi32> to vector<16xi32>
      %swap3A_593 = vector.shape_cast %shift_right_logical3A_586 : vector<16xi32> to vector<1x1x16xi32>
      tpu.vector_store %arg15[%swap3A_588, %swap3A_589, %swap3A_590], %swap3A_593 {strides = array<i32>} : memref<2x4x64xi32, #tpu.memory_space<vmem>>, vector<1x1x16xi32>,
      %get3A_594 = arith.index_cast %add3A_530 : i32 to index
      %get3A_595 = arith.constant 112 : index
      %get3A_596 = tpu.vector_load %arg6[%get3A_594, %get3A_595] {strides = array<i32>} : memref<80x128xi32, #tpu.memory_space<vmem>>, vector<1x16xi32>,
      %get3A_597 = vector.shape_cast %get3A_596 : vector<1x16xi32> to vector<16xi32>
      %and3A_598 = arith.constant 16383 : i32
      %and3A_599 = vector.broadcast %and3A_598 : i32 to vector<16xi32>
      %and3A_600 = arith.andi %get3A_597, %and3A_599 : vector<16xi32>
      %swap3A_601 = arith.constant 48 : index
      %swap3A_602 = tpu.vector_load %arg8[%swap3A_601] {strides = array<i32>} : memref<64xi32, #tpu.memory_space<vmem>>, vector<16xi32>,
      %swap3A_603 = vector.shape_cast %swap3A_602 : vector<16xi32> to vector<16xi32>
      %swap3A_604 = vector.shape_cast %and3A_600 : vector<16xi32> to vector<16xi32>
      tpu.vector_store %arg8[%swap3A_601], %swap3A_604 {strides = array<i32>} : memref<64xi32, #tpu.memory_space<vmem>>, vector<16xi32>,
      %shift_right_logical3A_605 = arith.constant 14 : i32
      %shift_right_logical3A_606 = vector.broadcast %shift_right_logical3A_605 : i32 to vector<16xi32>
      %shift_right_logical3A_607 = arith.shrui %get3A_597, %shift_right_logical3A_606 : vector<16xi32>
      %swap3A_608 = arith.constant 1 : i32
      %swap3A_609 = arith.index_cast %rem3A_415 : i32 to index
      %swap3A_610 = arith.index_cast %swap3A_608 : i32 to index
      %swap3A_611 = arith.constant 48 : index
      %swap3A_612 = tpu.vector_load %arg15[%swap3A_609, %swap3A_610, %swap3A_611] {strides = array<i32>} : memref<2x4x64xi32, #tpu.memory_space<vmem>>, vector<1x1x16xi32>,
      %swap3A_613 = vector.shape_cast %swap3A_612 : vector<1x1x16xi32> to vector<16xi32>
      %swap3A_614 = vector.shape_cast %shift_right_logical3A_607 : vector<16xi32> to vector<1x1x16xi32>
      tpu.vector_store %arg15[%swap3A_609, %swap3A_610, %swap3A_611], %swap3A_614 {strides = array<i32>} : memref<2x4x64xi32, #tpu.memory_space<vmem>>, vector<1x1x16xi32>,
      %dma_start3A_615 = arith.constant 0 : i32
      %dma_start3A_616 = arith.constant 0 : i32
      %dma_start3A_617 = tpu.memref_slice %arg2[%dma_start3A_615, %dma_start3A_616] : memref<10240x128xf32, #tpu.memory_space<hbm>> -> memref<10240x128xf32, #tpu.memory_space<hbm>>
      tpu.enqueue_indirect_dma source(%dma_start3A_617 : memref<10240x128xf32, #tpu.memory_space<hbm>>) target(%arg12 : memref<64x128xf32, #tpu.memory_space<vmem>>) offsets(%arg8 : memref<64xi32, #tpu.memory_space<vmem>>) semaphore(%arg17 : memref<!tpu.dma_semaphore, #tpu.memory_space<semaphore_mem>>)
      %mul3A_618 = arith.constant 4 : i32
      %mul3A_619 = arith.muli %mul3A_618, %add3A_409 : i32
      %add3A_620 = arith.constant 2 : i32
      %add3A_621 = arith.addi %mul3A_619, %add3A_620 : i32
      %dma_wait3A_622 = arith.constant 0 : i32
      %dma_wait3A_623 = arith.constant 0 : i32
      %dma_wait3A_624 = tpu.memref_slice %arg2[%dma_wait3A_622, %dma_wait3A_623] : memref<10240x128xf32, #tpu.memory_space<hbm>> -> memref<10240x128xf32, #tpu.memory_space<hbm>>
      tpu.wait_indirect_dma semaphore(%arg18 : memref<!tpu.dma_semaphore, #tpu.memory_space<semaphore_mem>>) src(%dma_wait3A_624 : memref<10240x128xf32, #tpu.memory_space<hbm>>) dst(%arg13 : memref<64x128xf32, #tpu.memory_space<vmem>>)
      %run_scoped3A_625 = arith.constant 2 : i32
      "tpu.region"() ({
        %run_scoped3A_820 = tpu.sem_alloc : memref<!tpu.dma_semaphore, #tpu.memory_space<semaphore_mem>>
        %dma_start3A_821 = arith.constant 0 : i32
        %dma_start3A_822 = tpu.memref_slice %arg15[%rem3A_411, %run_scoped3A_625, %dma_start3A_821] : memref<2x4x64xi32, #tpu.memory_space<vmem>> -> memref<1x1x64xi32, #tpu.memory_space<vmem>>
        %dma_start3A_823 = tpu.memref_squeeze %dma_start3A_822 : memref<1x1x64xi32, #tpu.memory_space<vmem>> -> memref<64xi32, #tpu.memory_space<vmem>>
        %dma_start3A_824 = arith.constant 0 : i32
        %dma_start3A_825 = arith.constant 0 : i32
        %dma_start3A_826 = tpu.memref_slice %arg20[%dma_start3A_824, %dma_start3A_825] : memref<10240x128xf32, #tpu.memory_space<vmem_shared>> -> memref<10240x128xf32, #tpu.memory_space<vmem_shared>>
        tpu.enqueue_indirect_dma source(%arg13 : memref<64x128xf32, #tpu.memory_space<vmem>>) target(%dma_start3A_826 : memref<10240x128xf32, #tpu.memory_space<vmem_shared>>) offsets(%dma_start3A_823 : memref<64xi32, #tpu.memory_space<vmem>>) semaphore(%run_scoped3A_820 : memref<!tpu.dma_semaphore, #tpu.memory_space<semaphore_mem>>) {add = true}
        %dma_wait3A_827 = arith.constant 0 : i32
        %dma_wait3A_828 = tpu.memref_slice %arg15[%rem3A_411, %run_scoped3A_625, %dma_wait3A_827] : memref<2x4x64xi32, #tpu.memory_space<vmem>> -> memref<1x1x64xi32, #tpu.memory_space<vmem>>
        %dma_wait3A_829 = tpu.memref_squeeze %dma_wait3A_828 : memref<1x1x64xi32, #tpu.memory_space<vmem>> -> memref<64xi32, #tpu.memory_space<vmem>>
        %dma_wait3A_830 = arith.constant 0 : i32
        %dma_wait3A_831 = arith.constant 0 : i32
        %dma_wait3A_832 = tpu.memref_slice %arg20[%dma_wait3A_830, %dma_wait3A_831] : memref<10240x128xf32, #tpu.memory_space<vmem_shared>> -> memref<10240x128xf32, #tpu.memory_space<vmem_shared>>
        tpu.wait_indirect_dma semaphore(%run_scoped3A_820 : memref<!tpu.dma_semaphore, #tpu.memory_space<semaphore_mem>>) src(%arg13 : memref<64x128xf32, #tpu.memory_space<vmem>>) dst(%dma_wait3A_832 : memref<10240x128xf32, #tpu.memory_space<vmem_shared>>)
        tpu.yield
      }) : () -> ()
      %mul3A_626 = arith.constant 2 : i32
      %mul3A_627 = arith.muli %mul3A_626, %add3A_409 : i32
      %add3A_628 = arith.constant 2 : i32
      %add3A_629 = arith.addi %mul3A_627, %add3A_628 : i32
      %add3A_630 = arith.constant 1 : i32
      %add3A_631 = arith.addi %add3A_629, %add3A_630 : i32
      %get3A_632 = arith.index_cast %add3A_631 : i32 to index
      %get3A_633 = arith.constant 0 : index
      %get3A_634 = tpu.vector_load %arg6[%get3A_632, %get3A_633] {strides = array<i32>} : memref<80x128xi32, #tpu.memory_space<vmem>>, vector<1x16xi32>,
      %get3A_635 = vector.shape_cast %get3A_634 : vector<1x16xi32> to vector<16xi32>
      %and3A_636 = arith.constant 16383 : i32
      %and3A_637 = vector.broadcast %and3A_636 : i32 to vector<16xi32>
      %and3A_638 = arith.andi %get3A_635, %and3A_637 : vector<16xi32>
      %swap3A_639 = arith.constant 0 : index
      %swap3A_640 = tpu.vector_load %arg9[%swap3A_639] {strides = array<i32>} : memref<64xi32, #tpu.memory_space<vmem>>, vector<16xi32>,
      %swap3A_641 = vector.shape_cast %swap3A_640 : vector<16xi32> to vector<16xi32>
      %swap3A_642 = vector.shape_cast %and3A_638 : vector<16xi32> to vector<16xi32>
      tpu.vector_store %arg9[%swap3A_639], %swap3A_642 {strides = array<i32>} : memref<64xi32, #tpu.memory_space<vmem>>, vector<16xi32>,
      %shift_right_logical3A_643 = arith.constant 14 : i32
      %shift_right_logical3A_644 = vector.broadcast %shift_right_logical3A_643 : i32 to vector<16xi32>
      %shift_right_logical3A_645 = arith.shrui %get3A_635, %shift_right_logical3A_644 : vector<16xi32>
      %swap3A_646 = arith.constant 2 : i32
      %swap3A_647 = arith.index_cast %rem3A_415 : i32 to index
      %swap3A_648 = arith.index_cast %swap3A_646 : i32 to index
      %swap3A_649 = arith.constant 0 : index
      %swap3A_650 = tpu.vector_load %arg15[%swap3A_647, %swap3A_648, %swap3A_649] {strides = array<i32>} : memref<2x4x64xi32, #tpu.memory_space<vmem>>, vector<1x1x16xi32>,
      %swap3A_651 = vector.shape_cast %swap3A_650 : vector<1x1x16xi32> to vector<16xi32>
      %swap3A_652 = vector.shape_cast %shift_right_logical3A_645 : vector<16xi32> to vector<1x1x16xi32>
      tpu.vector_store %arg15[%swap3A_647, %swap3A_648, %swap3A_649], %swap3A_652 {strides = array<i32>} : memref<2x4x64xi32, #tpu.memory_space<vmem>>, vector<1x1x16xi32>,
      %get3A_653 = arith.index_cast %add3A_631 : i32 to index
      %get3A_654 = arith.constant 16 : index
      %get3A_655 = tpu.vector_load %arg6[%get3A_653, %get3A_654] {strides = array<i32>} : memref<80x128xi32, #tpu.memory_space<vmem>>, vector<1x16xi32>,
      %get3A_656 = vector.shape_cast %get3A_655 : vector<1x16xi32> to vector<16xi32>
      %and3A_657 = arith.constant 16383 : i32
      %and3A_658 = vector.broadcast %and3A_657 : i32 to vector<16xi32>
      %and3A_659 = arith.andi %get3A_656, %and3A_658 : vector<16xi32>
      %swap3A_660 = arith.constant 16 : index
      %swap3A_661 = tpu.vector_load %arg9[%swap3A_660] {strides = array<i32>} : memref<64xi32, #tpu.memory_space<vmem>>, vector<16xi32>,
      %swap3A_662 = vector.shape_cast %swap3A_661 : vector<16xi32> to vector<16xi32>
      %swap3A_663 = vector.shape_cast %and3A_659 : vector<16xi32> to vector<16xi32>
      tpu.vector_store %arg9[%swap3A_660], %swap3A_663 {strides = array<i32>} : memref<64xi32, #tpu.memory_space<vmem>>, vector<16xi32>,
      %shift_right_logical3A_664 = arith.constant 14 : i32
      %shift_right_logical3A_665 = vector.broadcast %shift_right_logical3A_664 : i32 to vector<16xi32>
      %shift_right_logical3A_666 = arith.shrui %get3A_656, %shift_right_logical3A_665 : vector<16xi32>
      %swap3A_667 = arith.constant 2 : i32
      %swap3A_668 = arith.index_cast %rem3A_415 : i32 to index
      %swap3A_669 = arith.index_cast %swap3A_667 : i32 to index
      %swap3A_670 = arith.constant 16 : index
      %swap3A_671 = tpu.vector_load %arg15[%swap3A_668, %swap3A_669, %swap3A_670] {strides = array<i32>} : memref<2x4x64xi32, #tpu.memory_space<vmem>>, vector<1x1x16xi32>,
      %swap3A_672 = vector.shape_cast %swap3A_671 : vector<1x1x16xi32> to vector<16xi32>
      %swap3A_673 = vector.shape_cast %shift_right_logical3A_666 : vector<16xi32> to vector<1x1x16xi32>
      tpu.vector_store %arg15[%swap3A_668, %swap3A_669, %swap3A_670], %swap3A_673 {strides = array<i32>} : memref<2x4x64xi32, #tpu.memory_space<vmem>>, vector<1x1x16xi32>,
      %get3A_674 = arith.index_cast %add3A_631 : i32 to index
      %get3A_675 = arith.constant 32 : index
      %get3A_676 = tpu.vector_load %arg6[%get3A_674, %get3A_675] {strides = array<i32>} : memref<80x128xi32, #tpu.memory_space<vmem>>, vector<1x16xi32>,
      %get3A_677 = vector.shape_cast %get3A_676 : vector<1x16xi32> to vector<16xi32>
      %and3A_678 = arith.constant 16383 : i32
      %and3A_679 = vector.broadcast %and3A_678 : i32 to vector<16xi32>
      %and3A_680 = arith.andi %get3A_677, %and3A_679 : vector<16xi32>
      %swap3A_681 = arith.constant 32 : index
      %swap3A_682 = tpu.vector_load %arg9[%swap3A_681] {strides = array<i32>} : memref<64xi32, #tpu.memory_space<vmem>>, vector<16xi32>,
      %swap3A_683 = vector.shape_cast %swap3A_682 : vector<16xi32> to vector<16xi32>
      %swap3A_684 = vector.shape_cast %and3A_680 : vector<16xi32> to vector<16xi32>
      tpu.vector_store %arg9[%swap3A_681], %swap3A_684 {strides = array<i32>} : memref<64xi32, #tpu.memory_space<vmem>>, vector<16xi32>,
      %shift_right_logical3A_685 = arith.constant 14 : i32
      %shift_right_logical3A_686 = vector.broadcast %shift_right_logical3A_685 : i32 to vector<16xi32>
      %shift_right_logical3A_687 = arith.shrui %get3A_677, %shift_right_logical3A_686 : vector<16xi32>
      %swap3A_688 = arith.constant 2 : i32
      %swap3A_689 = arith.index_cast %rem3A_415 : i32 to index
      %swap3A_690 = arith.index_cast %swap3A_688 : i32 to index
      %swap3A_691 = arith.constant 32 : index
      %swap3A_692 = tpu.vector_load %arg15[%swap3A_689, %swap3A_690, %swap3A_691] {strides = array<i32>} : memref<2x4x64xi32, #tpu.memory_space<vmem>>, vector<1x1x16xi32>,
      %swap3A_693 = vector.shape_cast %swap3A_692 : vector<1x1x16xi32> to vector<16xi32>
      %swap3A_694 = vector.shape_cast %shift_right_logical3A_687 : vector<16xi32> to vector<1x1x16xi32>
      tpu.vector_store %arg15[%swap3A_689, %swap3A_690, %swap3A_691], %swap3A_694 {strides = array<i32>} : memref<2x4x64xi32, #tpu.memory_space<vmem>>, vector<1x1x16xi32>,
      %get3A_695 = arith.index_cast %add3A_631 : i32 to index
      %get3A_696 = arith.constant 48 : index
      %get3A_697 = tpu.vector_load %arg6[%get3A_695, %get3A_696] {strides = array<i32>} : memref<80x128xi32, #tpu.memory_space<vmem>>, vector<1x16xi32>,
      %get3A_698 = vector.shape_cast %get3A_697 : vector<1x16xi32> to vector<16xi32>
      %and3A_699 = arith.constant 16383 : i32
      %and3A_700 = vector.broadcast %and3A_699 : i32 to vector<16xi32>
      %and3A_701 = arith.andi %get3A_698, %and3A_700 : vector<16xi32>
      %swap3A_702 = arith.constant 48 : index
      %swap3A_703 = tpu.vector_load %arg9[%swap3A_702] {strides = array<i32>} : memref<64xi32, #tpu.memory_space<vmem>>, vector<16xi32>,
      %swap3A_704 = vector.shape_cast %swap3A_703 : vector<16xi32> to vector<16xi32>
      %swap3A_705 = vector.shape_cast %and3A_701 : vector<16xi32> to vector<16xi32>
      tpu.vector_store %arg9[%swap3A_702], %swap3A_705 {strides = array<i32>} : memref<64xi32, #tpu.memory_space<vmem>>, vector<16xi32>,
      %shift_right_logical3A_706 = arith.constant 14 : i32
      %shift_right_logical3A_707 = vector.broadcast %shift_right_logical3A_706 : i32 to vector<16xi32>
      %shift_right_logical3A_708 = arith.shrui %get3A_698, %shift_right_logical3A_707 : vector<16xi32>
      %swap3A_709 = arith.constant 2 : i32
      %swap3A_710 = arith.index_cast %rem3A_415 : i32 to index
      %swap3A_711 = arith.index_cast %swap3A_709 : i32 to index
      %swap3A_712 = arith.constant 48 : index
      %swap3A_713 = tpu.vector_load %arg15[%swap3A_710, %swap3A_711, %swap3A_712] {strides = array<i32>} : memref<2x4x64xi32, #tpu.memory_space<vmem>>, vector<1x1x16xi32>,
      %swap3A_714 = vector.shape_cast %swap3A_713 : vector<1x1x16xi32> to vector<16xi32>
      %swap3A_715 = vector.shape_cast %shift_right_logical3A_708 : vector<16xi32> to vector<1x1x16xi32>
      tpu.vector_store %arg15[%swap3A_710, %swap3A_711, %swap3A_712], %swap3A_715 {strides = array<i32>} : memref<2x4x64xi32, #tpu.memory_space<vmem>>, vector<1x1x16xi32>,
      %dma_start3A_716 = arith.constant 0 : i32
      %dma_start3A_717 = arith.constant 0 : i32
      %dma_start3A_718 = tpu.memref_slice %arg2[%dma_start3A_716, %dma_start3A_717] : memref<10240x128xf32, #tpu.memory_space<hbm>> -> memref<10240x128xf32, #tpu.memory_space<hbm>>
      tpu.enqueue_indirect_dma source(%dma_start3A_718 : memref<10240x128xf32, #tpu.memory_space<hbm>>) target(%arg13 : memref<64x128xf32, #tpu.memory_space<vmem>>) offsets(%arg9 : memref<64xi32, #tpu.memory_space<vmem>>) semaphore(%arg18 : memref<!tpu.dma_semaphore, #tpu.memory_space<semaphore_mem>>)
      %mul3A_719 = arith.constant 4 : i32
      %mul3A_720 = arith.muli %mul3A_719, %add3A_409 : i32
      %add3A_721 = arith.constant 3 : i32
      %add3A_722 = arith.addi %mul3A_720, %add3A_721 : i32
      %dma_wait3A_723 = arith.constant 0 : i32
      %dma_wait3A_724 = arith.constant 0 : i32
      %dma_wait3A_725 = tpu.memref_slice %arg2[%dma_wait3A_723, %dma_wait3A_724] : memref<10240x128xf32, #tpu.memory_space<hbm>> -> memref<10240x128xf32, #tpu.memory_space<hbm>>
      tpu.wait_indirect_dma semaphore(%arg19 : memref<!tpu.dma_semaphore, #tpu.memory_space<semaphore_mem>>) src(%dma_wait3A_725 : memref<10240x128xf32, #tpu.memory_space<hbm>>) dst(%arg14 : memref<64x128xf32, #tpu.memory_space<vmem>>)
      %run_scoped3A_726 = arith.constant 3 : i32
      "tpu.region"() ({
        %run_scoped3A_820 = tpu.sem_alloc : memref<!tpu.dma_semaphore, #tpu.memory_space<semaphore_mem>>
        %dma_start3A_821 = arith.constant 0 : i32
        %dma_start3A_822 = tpu.memref_slice %arg15[%rem3A_411, %run_scoped3A_726, %dma_start3A_821] : memref<2x4x64xi32, #tpu.memory_space<vmem>> -> memref<1x1x64xi32, #tpu.memory_space<vmem>>
        %dma_start3A_823 = tpu.memref_squeeze %dma_start3A_822 : memref<1x1x64xi32, #tpu.memory_space<vmem>> -> memref<64xi32, #tpu.memory_space<vmem>>
        %dma_start3A_824 = arith.constant 0 : i32
        %dma_start3A_825 = arith.constant 0 : i32
        %dma_start3A_826 = tpu.memref_slice %arg20[%dma_start3A_824, %dma_start3A_825] : memref<10240x128xf32, #tpu.memory_space<vmem_shared>> -> memref<10240x128xf32, #tpu.memory_space<vmem_shared>>
        tpu.enqueue_indirect_dma source(%arg14 : memref<64x128xf32, #tpu.memory_space<vmem>>) target(%dma_start3A_826 : memref<10240x128xf32, #tpu.memory_space<vmem_shared>>) offsets(%dma_start3A_823 : memref<64xi32, #tpu.memory_space<vmem>>) semaphore(%run_scoped3A_820 : memref<!tpu.dma_semaphore, #tpu.memory_space<semaphore_mem>>) {add = true}
        %dma_wait3A_827 = arith.constant 0 : i32
        %dma_wait3A_828 = tpu.memref_slice %arg15[%rem3A_411, %run_scoped3A_726, %dma_wait3A_827] : memref<2x4x64xi32, #tpu.memory_space<vmem>> -> memref<1x1x64xi32, #tpu.memory_space<vmem>>
        %dma_wait3A_829 = tpu.memref_squeeze %dma_wait3A_828 : memref<1x1x64xi32, #tpu.memory_space<vmem>> -> memref<64xi32, #tpu.memory_space<vmem>>
        %dma_wait3A_830 = arith.constant 0 : i32
        %dma_wait3A_831 = arith.constant 0 : i32
        %dma_wait3A_832 = tpu.memref_slice %arg20[%dma_wait3A_830, %dma_wait3A_831] : memref<10240x128xf32, #tpu.memory_space<vmem_shared>> -> memref<10240x128xf32, #tpu.memory_space<vmem_shared>>
        tpu.wait_indirect_dma semaphore(%run_scoped3A_820 : memref<!tpu.dma_semaphore, #tpu.memory_space<semaphore_mem>>) src(%arg14 : memref<64x128xf32, #tpu.memory_space<vmem>>) dst(%dma_wait3A_832 : memref<10240x128xf32, #tpu.memory_space<vmem_shared>>)
        tpu.yield
      }) : () -> ()
      %mul3A_727 = arith.constant 2 : i32
      %mul3A_728 = arith.muli %mul3A_727, %add3A_409 : i32
      %add3A_729 = arith.constant 2 : i32
      %add3A_730 = arith.addi %mul3A_728, %add3A_729 : i32
      %add3A_731 = arith.constant 1 : i32
      %add3A_732 = arith.addi %add3A_730, %add3A_731 : i32
      %get3A_733 = arith.index_cast %add3A_732 : i32 to index
      %get3A_734 = arith.constant 64 : index
      %get3A_735 = tpu.vector_load %arg6[%get3A_733, %get3A_734] {strides = array<i32>} : memref<80x128xi32, #tpu.memory_space<vmem>>, vector<1x16xi32>,
      %get3A_736 = vector.shape_cast %get3A_735 : vector<1x16xi32> to vector<16xi32>
      %and3A_737 = arith.constant 16383 : i32
      %and3A_738 = vector.broadcast %and3A_737 : i32 to vector<16xi32>
      %and3A_739 = arith.andi %get3A_736, %and3A_738 : vector<16xi32>
      %swap3A_740 = arith.constant 0 : index
      %swap3A_741 = tpu.vector_load %arg10[%swap3A_740] {strides = array<i32>} : memref<64xi32, #tpu.memory_space<vmem>>, vector<16xi32>,
      %swap3A_742 = vector.shape_cast %swap3A_741 : vector<16xi32> to vector<16xi32>
      %swap3A_743 = vector.shape_cast %and3A_739 : vector<16xi32> to vector<16xi32>
      tpu.vector_store %arg10[%swap3A_740], %swap3A_743 {strides = array<i32>} : memref<64xi32, #tpu.memory_space<vmem>>, vector<16xi32>,
      %shift_right_logical3A_744 = arith.constant 14 : i32
      %shift_right_logical3A_745 = vector.broadcast %shift_right_logical3A_744 : i32 to vector<16xi32>
      %shift_right_logical3A_746 = arith.shrui %get3A_736, %shift_right_logical3A_745 : vector<16xi32>
      %swap3A_747 = arith.constant 3 : i32
      %swap3A_748 = arith.index_cast %rem3A_415 : i32 to index
      %swap3A_749 = arith.index_cast %swap3A_747 : i32 to index
      %swap3A_750 = arith.constant 0 : index
      %swap3A_751 = tpu.vector_load %arg15[%swap3A_748, %swap3A_749, %swap3A_750] {strides = array<i32>} : memref<2x4x64xi32, #tpu.memory_space<vmem>>, vector<1x1x16xi32>,
      %swap3A_752 = vector.shape_cast %swap3A_751 : vector<1x1x16xi32> to vector<16xi32>
      %swap3A_753 = vector.shape_cast %shift_right_logical3A_746 : vector<16xi32> to vector<1x1x16xi32>
      tpu.vector_store %arg15[%swap3A_748, %swap3A_749, %swap3A_750], %swap3A_753 {strides = array<i32>} : memref<2x4x64xi32, #tpu.memory_space<vmem>>, vector<1x1x16xi32>,
      %get3A_754 = arith.index_cast %add3A_732 : i32 to index
      %get3A_755 = arith.constant 80 : index
      %get3A_756 = tpu.vector_load %arg6[%get3A_754, %get3A_755] {strides = array<i32>} : memref<80x128xi32, #tpu.memory_space<vmem>>, vector<1x16xi32>,
      %get3A_757 = vector.shape_cast %get3A_756 : vector<1x16xi32> to vector<16xi32>
      %and3A_758 = arith.constant 16383 : i32
      %and3A_759 = vector.broadcast %and3A_758 : i32 to vector<16xi32>
      %and3A_760 = arith.andi %get3A_757, %and3A_759 : vector<16xi32>
      %swap3A_761 = arith.constant 16 : index
      %swap3A_762 = tpu.vector_load %arg10[%swap3A_761] {strides = array<i32>} : memref<64xi32, #tpu.memory_space<vmem>>, vector<16xi32>,
      %swap3A_763 = vector.shape_cast %swap3A_762 : vector<16xi32> to vector<16xi32>
      %swap3A_764 = vector.shape_cast %and3A_760 : vector<16xi32> to vector<16xi32>
      tpu.vector_store %arg10[%swap3A_761], %swap3A_764 {strides = array<i32>} : memref<64xi32, #tpu.memory_space<vmem>>, vector<16xi32>,
      %shift_right_logical3A_765 = arith.constant 14 : i32
      %shift_right_logical3A_766 = vector.broadcast %shift_right_logical3A_765 : i32 to vector<16xi32>
      %shift_right_logical3A_767 = arith.shrui %get3A_757, %shift_right_logical3A_766 : vector<16xi32>
      %swap3A_768 = arith.constant 3 : i32
      %swap3A_769 = arith.index_cast %rem3A_415 : i32 to index
      %swap3A_770 = arith.index_cast %swap3A_768 : i32 to index
      %swap3A_771 = arith.constant 16 : index
      %swap3A_772 = tpu.vector_load %arg15[%swap3A_769, %swap3A_770, %swap3A_771] {strides = array<i32>} : memref<2x4x64xi32, #tpu.memory_space<vmem>>, vector<1x1x16xi32>,
      %swap3A_773 = vector.shape_cast %swap3A_772 : vector<1x1x16xi32> to vector<16xi32>
      %swap3A_774 = vector.shape_cast %shift_right_logical3A_767 : vector<16xi32> to vector<1x1x16xi32>
      tpu.vector_store %arg15[%swap3A_769, %swap3A_770, %swap3A_771], %swap3A_774 {strides = array<i32>} : memref<2x4x64xi32, #tpu.memory_space<vmem>>, vector<1x1x16xi32>,
      %get3A_775 = arith.index_cast %add3A_732 : i32 to index
      %get3A_776 = arith.constant 96 : index
      %get3A_777 = tpu.vector_load %arg6[%get3A_775, %get3A_776] {strides = array<i32>} : memref<80x128xi32, #tpu.memory_space<vmem>>, vector<1x16xi32>,
      %get3A_778 = vector.shape_cast %get3A_777 : vector<1x16xi32> to vector<16xi32>
      %and3A_779 = arith.constant 16383 : i32
      %and3A_780 = vector.broadcast %and3A_779 : i32 to vector<16xi32>
      %and3A_781 = arith.andi %get3A_778, %and3A_780 : vector<16xi32>
      %swap3A_782 = arith.constant 32 : index
      %swap3A_783 = tpu.vector_load %arg10[%swap3A_782] {strides = array<i32>} : memref<64xi32, #tpu.memory_space<vmem>>, vector<16xi32>,
      %swap3A_784 = vector.shape_cast %swap3A_783 : vector<16xi32> to vector<16xi32>
      %swap3A_785 = vector.shape_cast %and3A_781 : vector<16xi32> to vector<16xi32>
      tpu.vector_store %arg10[%swap3A_782], %swap3A_785 {strides = array<i32>} : memref<64xi32, #tpu.memory_space<vmem>>, vector<16xi32>,
      %shift_right_logical3A_786 = arith.constant 14 : i32
      %shift_right_logical3A_787 = vector.broadcast %shift_right_logical3A_786 : i32 to vector<16xi32>
      %shift_right_logical3A_788 = arith.shrui %get3A_778, %shift_right_logical3A_787 : vector<16xi32>
      %swap3A_789 = arith.constant 3 : i32
      %swap3A_790 = arith.index_cast %rem3A_415 : i32 to index
      %swap3A_791 = arith.index_cast %swap3A_789 : i32 to index
      %swap3A_792 = arith.constant 32 : index
      %swap3A_793 = tpu.vector_load %arg15[%swap3A_790, %swap3A_791, %swap3A_792] {strides = array<i32>} : memref<2x4x64xi32, #tpu.memory_space<vmem>>, vector<1x1x16xi32>,
      %swap3A_794 = vector.shape_cast %swap3A_793 : vector<1x1x16xi32> to vector<16xi32>
      %swap3A_795 = vector.shape_cast %shift_right_logical3A_788 : vector<16xi32> to vector<1x1x16xi32>
      tpu.vector_store %arg15[%swap3A_790, %swap3A_791, %swap3A_792], %swap3A_795 {strides = array<i32>} : memref<2x4x64xi32, #tpu.memory_space<vmem>>, vector<1x1x16xi32>,
      %get3A_796 = arith.index_cast %add3A_732 : i32 to index
      %get3A_797 = arith.constant 112 : index
      %get3A_798 = tpu.vector_load %arg6[%get3A_796, %get3A_797] {strides = array<i32>} : memref<80x128xi32, #tpu.memory_space<vmem>>, vector<1x16xi32>,
      %get3A_799 = vector.shape_cast %get3A_798 : vector<1x16xi32> to vector<16xi32>
      %and3A_800 = arith.constant 16383 : i32
      %and3A_801 = vector.broadcast %and3A_800 : i32 to vector<16xi32>
      %and3A_802 = arith.andi %get3A_799, %and3A_801 : vector<16xi32>
      %swap3A_803 = arith.constant 48 : index
      %swap3A_804 = tpu.vector_load %arg10[%swap3A_803] {strides = array<i32>} : memref<64xi32, #tpu.memory_space<vmem>>, vector<16xi32>,
      %swap3A_805 = vector.shape_cast %swap3A_804 : vector<16xi32> to vector<16xi32>
      %swap3A_806 = vector.shape_cast %and3A_802 : vector<16xi32> to vector<16xi32>
      tpu.vector_store %arg10[%swap3A_803], %swap3A_806 {strides = array<i32>} : memref<64xi32, #tpu.memory_space<vmem>>, vector<16xi32>,
      %shift_right_logical3A_807 = arith.constant 14 : i32
      %shift_right_logical3A_808 = vector.broadcast %shift_right_logical3A_807 : i32 to vector<16xi32>
      %shift_right_logical3A_809 = arith.shrui %get3A_799, %shift_right_logical3A_808 : vector<16xi32>
      %swap3A_810 = arith.constant 3 : i32
      %swap3A_811 = arith.index_cast %rem3A_415 : i32 to index
      %swap3A_812 = arith.index_cast %swap3A_810 : i32 to index
      %swap3A_813 = arith.constant 48 : index
      %swap3A_814 = tpu.vector_load %arg15[%swap3A_811, %swap3A_812, %swap3A_813] {strides = array<i32>} : memref<2x4x64xi32, #tpu.memory_space<vmem>>, vector<1x1x16xi32>,
      %swap3A_815 = vector.shape_cast %swap3A_814 : vector<1x1x16xi32> to vector<16xi32>
      %swap3A_816 = vector.shape_cast %shift_right_logical3A_809 : vector<16xi32> to vector<1x1x16xi32>
      tpu.vector_store %arg15[%swap3A_811, %swap3A_812, %swap3A_813], %swap3A_816 {strides = array<i32>} : memref<2x4x64xi32, #tpu.memory_space<vmem>>, vector<1x1x16xi32>,
      %dma_start3A_817 = arith.constant 0 : i32
      %dma_start3A_818 = arith.constant 0 : i32
      %dma_start3A_819 = tpu.memref_slice %arg2[%dma_start3A_817, %dma_start3A_818] : memref<10240x128xf32, #tpu.memory_space<hbm>> -> memref<10240x128xf32, #tpu.memory_space<hbm>>
      tpu.enqueue_indirect_dma source(%dma_start3A_819 : memref<10240x128xf32, #tpu.memory_space<hbm>>) target(%arg14 : memref<64x128xf32, #tpu.memory_space<vmem>>) offsets(%arg10 : memref<64xi32, #tpu.memory_space<vmem>>) semaphore(%arg19 : memref<!tpu.dma_semaphore, #tpu.memory_space<semaphore_mem>>)
    }
    %scan3A_383 = arith.constant 39 : i32
    %rem3A = arith.constant 39 : i32
    %rem3A_384 = arith.constant 2 : i32
    %rem3A_385 = arith.remsi %rem3A, %rem3A_384 : i32
    %dma_wait3A = arith.constant 0 : i32
    %dma_wait3A_386 = arith.constant 0 : i32
    %dma_wait3A_387 = tpu.memref_slice %arg2[%dma_wait3A, %dma_wait3A_386] : memref<10240x128xf32, #tpu.memory_space<hbm>> -> memref<10240x128xf32, #tpu.memory_space<hbm>>
    tpu.wait_indirect_dma semaphore(%arg16 : memref<!tpu.dma_semaphore, #tpu.memory_space<semaphore_mem>>) src(%dma_wait3A_387 : memref<10240x128xf32, #tpu.memory_space<hbm>>) dst(%arg11 : memref<64x128xf32, #tpu.memory_space<vmem>>)
    %run_scoped3A = arith.constant 0 : i32
    "tpu.region"() ({
      %run_scoped3A_405 = tpu.sem_alloc : memref<!tpu.dma_semaphore, #tpu.memory_space<semaphore_mem>>
      %dma_start3A_406 = arith.constant 0 : i32
      %dma_start3A_407 = tpu.memref_slice %arg15[%rem3A_385, %run_scoped3A, %dma_start3A_406] : memref<2x4x64xi32, #tpu.memory_space<vmem>> -> memref<1x1x64xi32, #tpu.memory_space<vmem>>
      %dma_start3A_408 = tpu.memref_squeeze %dma_start3A_407 : memref<1x1x64xi32, #tpu.memory_space<vmem>> -> memref<64xi32, #tpu.memory_space<vmem>>
      %dma_start3A_409 = arith.constant 0 : i32
      %dma_start3A_410 = arith.constant 0 : i32
      %dma_start3A_411 = tpu.memref_slice %arg20[%dma_start3A_409, %dma_start3A_410] : memref<10240x128xf32, #tpu.memory_space<vmem_shared>> -> memref<10240x128xf32, #tpu.memory_space<vmem_shared>>
      tpu.enqueue_indirect_dma source(%arg11 : memref<64x128xf32, #tpu.memory_space<vmem>>) target(%dma_start3A_411 : memref<10240x128xf32, #tpu.memory_space<vmem_shared>>) offsets(%dma_start3A_408 : memref<64xi32, #tpu.memory_space<vmem>>) semaphore(%run_scoped3A_405 : memref<!tpu.dma_semaphore, #tpu.memory_space<semaphore_mem>>) {add = true}
      %dma_wait3A_412 = arith.constant 0 : i32
      %dma_wait3A_413 = tpu.memref_slice %arg15[%rem3A_385, %run_scoped3A, %dma_wait3A_412] : memref<2x4x64xi32, #tpu.memory_space<vmem>> -> memref<1x1x64xi32, #tpu.memory_space<vmem>>
      %dma_wait3A_414 = tpu.memref_squeeze %dma_wait3A_413 : memref<1x1x64xi32, #tpu.memory_space<vmem>> -> memref<64xi32, #tpu.memory_space<vmem>>
      %dma_wait3A_415 = arith.constant 0 : i32
      %dma_wait3A_416 = arith.constant 0 : i32
      %dma_wait3A_417 = tpu.memref_slice %arg20[%dma_wait3A_415, %dma_wait3A_416] : memref<10240x128xf32, #tpu.memory_space<vmem_shared>> -> memref<10240x128xf32, #tpu.memory_space<vmem_shared>>
      tpu.wait_indirect_dma semaphore(%run_scoped3A_405 : memref<!tpu.dma_semaphore, #tpu.memory_space<semaphore_mem>>) src(%arg11 : memref<64x128xf32, #tpu.memory_space<vmem>>) dst(%dma_wait3A_417 : memref<10240x128xf32, #tpu.memory_space<vmem_shared>>)
      tpu.yield
    }) : () -> ()
    %dma_wait3A_388 = arith.constant 0 : i32
    %dma_wait3A_389 = arith.constant 0 : i32
    %dma_wait3A_390 = tpu.memref_slice %arg2[%dma_wait3A_388, %dma_wait3A_389] : memref<10240x128xf32, #tpu.memory_space<hbm>> -> memref<10240x128xf32, #tpu.memory_space<hbm>>
    tpu.wait_indirect_dma semaphore(%arg17 : memref<!tpu.dma_semaphore, #tpu.memory_space<semaphore_mem>>) src(%dma_wait3A_390 : memref<10240x128xf32, #tpu.memory_space<hbm>>) dst(%arg12 : memref<64x128xf32, #tpu.memory_space<vmem>>)
    %run_scoped3A_391 = arith.constant 1 : i32
    "tpu.region"() ({
      %run_scoped3A_405 = tpu.sem_alloc : memref<!tpu.dma_semaphore, #tpu.memory_space<semaphore_mem>>
      %dma_start3A_406 = arith.constant 0 : i32
      %dma_start3A_407 = tpu.memref_slice %arg15[%rem3A_385, %run_scoped3A_391, %dma_start3A_406] : memref<2x4x64xi32, #tpu.memory_space<vmem>> -> memref<1x1x64xi32, #tpu.memory_space<vmem>>
      %dma_start3A_408 = tpu.memref_squeeze %dma_start3A_407 : memref<1x1x64xi32, #tpu.memory_space<vmem>> -> memref<64xi32, #tpu.memory_space<vmem>>
      %dma_start3A_409 = arith.constant 0 : i32
      %dma_start3A_410 = arith.constant 0 : i32
      %dma_start3A_411 = tpu.memref_slice %arg20[%dma_start3A_409, %dma_start3A_410] : memref<10240x128xf32, #tpu.memory_space<vmem_shared>> -> memref<10240x128xf32, #tpu.memory_space<vmem_shared>>
      tpu.enqueue_indirect_dma source(%arg12 : memref<64x128xf32, #tpu.memory_space<vmem>>) target(%dma_start3A_411 : memref<10240x128xf32, #tpu.memory_space<vmem_shared>>) offsets(%dma_start3A_408 : memref<64xi32, #tpu.memory_space<vmem>>) semaphore(%run_scoped3A_405 : memref<!tpu.dma_semaphore, #tpu.memory_space<semaphore_mem>>) {add = true}
      %dma_wait3A_412 = arith.constant 0 : i32
      %dma_wait3A_413 = tpu.memref_slice %arg15[%rem3A_385, %run_scoped3A_391, %dma_wait3A_412] : memref<2x4x64xi32, #tpu.memory_space<vmem>> -> memref<1x1x64xi32, #tpu.memory_space<vmem>>
      %dma_wait3A_414 = tpu.memref_squeeze %dma_wait3A_413 : memref<1x1x64xi32, #tpu.memory_space<vmem>> -> memref<64xi32, #tpu.memory_space<vmem>>
      %dma_wait3A_415 = arith.constant 0 : i32
      %dma_wait3A_416 = arith.constant 0 : i32
      %dma_wait3A_417 = tpu.memref_slice %arg20[%dma_wait3A_415, %dma_wait3A_416] : memref<10240x128xf32, #tpu.memory_space<vmem_shared>> -> memref<10240x128xf32, #tpu.memory_space<vmem_shared>>
      tpu.wait_indirect_dma semaphore(%run_scoped3A_405 : memref<!tpu.dma_semaphore, #tpu.memory_space<semaphore_mem>>) src(%arg12 : memref<64x128xf32, #tpu.memory_space<vmem>>) dst(%dma_wait3A_417 : memref<10240x128xf32, #tpu.memory_space<vmem_shared>>)
      tpu.yield
    }) : () -> ()
    %dma_wait3A_392 = arith.constant 0 : i32
    %dma_wait3A_393 = arith.constant 0 : i32
    %dma_wait3A_394 = tpu.memref_slice %arg2[%dma_wait3A_392, %dma_wait3A_393] : memref<10240x128xf32, #tpu.memory_space<hbm>> -> memref<10240x128xf32, #tpu.memory_space<hbm>>
    tpu.wait_indirect_dma semaphore(%arg18 : memref<!tpu.dma_semaphore, #tpu.memory_space<semaphore_mem>>) src(%dma_wait3A_394 : memref<10240x128xf32, #tpu.memory_space<hbm>>) dst(%arg13 : memref<64x128xf32, #tpu.memory_space<vmem>>)
    %run_scoped3A_395 = arith.constant 2 : i32
    "tpu.region"() ({
      %run_scoped3A_405 = tpu.sem_alloc : memref<!tpu.dma_semaphore, #tpu.memory_space<semaphore_mem>>
      %dma_start3A_406 = arith.constant 0 : i32
      %dma_start3A_407 = tpu.memref_slice %arg15[%rem3A_385, %run_scoped3A_395, %dma_start3A_406] : memref<2x4x64xi32, #tpu.memory_space<vmem>> -> memref<1x1x64xi32, #tpu.memory_space<vmem>>
      %dma_start3A_408 = tpu.memref_squeeze %dma_start3A_407 : memref<1x1x64xi32, #tpu.memory_space<vmem>> -> memref<64xi32, #tpu.memory_space<vmem>>
      %dma_start3A_409 = arith.constant 0 : i32
      %dma_start3A_410 = arith.constant 0 : i32
      %dma_start3A_411 = tpu.memref_slice %arg20[%dma_start3A_409, %dma_start3A_410] : memref<10240x128xf32, #tpu.memory_space<vmem_shared>> -> memref<10240x128xf32, #tpu.memory_space<vmem_shared>>
      tpu.enqueue_indirect_dma source(%arg13 : memref<64x128xf32, #tpu.memory_space<vmem>>) target(%dma_start3A_411 : memref<10240x128xf32, #tpu.memory_space<vmem_shared>>) offsets(%dma_start3A_408 : memref<64xi32, #tpu.memory_space<vmem>>) semaphore(%run_scoped3A_405 : memref<!tpu.dma_semaphore, #tpu.memory_space<semaphore_mem>>) {add = true}
      %dma_wait3A_412 = arith.constant 0 : i32
      %dma_wait3A_413 = tpu.memref_slice %arg15[%rem3A_385, %run_scoped3A_395, %dma_wait3A_412] : memref<2x4x64xi32, #tpu.memory_space<vmem>> -> memref<1x1x64xi32, #tpu.memory_space<vmem>>
      %dma_wait3A_414 = tpu.memref_squeeze %dma_wait3A_413 : memref<1x1x64xi32, #tpu.memory_space<vmem>> -> memref<64xi32, #tpu.memory_space<vmem>>
      %dma_wait3A_415 = arith.constant 0 : i32
      %dma_wait3A_416 = arith.constant 0 : i32
      %dma_wait3A_417 = tpu.memref_slice %arg20[%dma_wait3A_415, %dma_wait3A_416] : memref<10240x128xf32, #tpu.memory_space<vmem_shared>> -> memref<10240x128xf32, #tpu.memory_space<vmem_shared>>
      tpu.wait_indirect_dma semaphore(%run_scoped3A_405 : memref<!tpu.dma_semaphore, #tpu.memory_space<semaphore_mem>>) src(%arg13 : memref<64x128xf32, #tpu.memory_space<vmem>>) dst(%dma_wait3A_417 : memref<10240x128xf32, #tpu.memory_space<vmem_shared>>)
      tpu.yield
    }) : () -> ()
    %dma_wait3A_396 = arith.constant 0 : i32
    %dma_wait3A_397 = arith.constant 0 : i32
    %dma_wait3A_398 = tpu.memref_slice %arg2[%dma_wait3A_396, %dma_wait3A_397] : memref<10240x128xf32, #tpu.memory_space<hbm>> -> memref<10240x128xf32, #tpu.memory_space<hbm>>
    tpu.wait_indirect_dma semaphore(%arg19 : memref<!tpu.dma_semaphore, #tpu.memory_space<semaphore_mem>>) src(%dma_wait3A_398 : memref<10240x128xf32, #tpu.memory_space<hbm>>) dst(%arg14 : memref<64x128xf32, #tpu.memory_space<vmem>>)
    %run_scoped3A_399 = arith.constant 3 : i32
    "tpu.region"() ({
      %run_scoped3A_405 = tpu.sem_alloc : memref<!tpu.dma_semaphore, #tpu.memory_space<semaphore_mem>>
      %dma_start3A_406 = arith.constant 0 : i32
      %dma_start3A_407 = tpu.memref_slice %arg15[%rem3A_385, %run_scoped3A_399, %dma_start3A_406] : memref<2x4x64xi32, #tpu.memory_space<vmem>> -> memref<1x1x64xi32, #tpu.memory_space<vmem>>
      %dma_start3A_408 = tpu.memref_squeeze %dma_start3A_407 : memref<1x1x64xi32, #tpu.memory_space<vmem>> -> memref<64xi32, #tpu.memory_space<vmem>>
      %dma_start3A_409 = arith.constant 0 : i32
      %dma_start3A_410 = arith.constant 0 : i32
      %dma_start3A_411 = tpu.memref_slice %arg20[%dma_start3A_409, %dma_start3A_410] : memref<10240x128xf32, #tpu.memory_space<vmem_shared>> -> memref<10240x128xf32, #tpu.memory_space<vmem_shared>>
      tpu.enqueue_indirect_dma source(%arg14 : memref<64x128xf32, #tpu.memory_space<vmem>>) target(%dma_start3A_411 : memref<10240x128xf32, #tpu.memory_space<vmem_shared>>) offsets(%dma_start3A_408 : memref<64xi32, #tpu.memory_space<vmem>>) semaphore(%run_scoped3A_405 : memref<!tpu.dma_semaphore, #tpu.memory_space<semaphore_mem>>) {add = true}
      %dma_wait3A_412 = arith.constant 0 : i32
      %dma_wait3A_413 = tpu.memref_slice %arg15[%rem3A_385, %run_scoped3A_399, %dma_wait3A_412] : memref<2x4x64xi32, #tpu.memory_space<vmem>> -> memref<1x1x64xi32, #tpu.memory_space<vmem>>
      %dma_wait3A_414 = tpu.memref_squeeze %dma_wait3A_413 : memref<1x1x64xi32, #tpu.memory_space<vmem>> -> memref<64xi32, #tpu.memory_space<vmem>>
      %dma_wait3A_415 = arith.constant 0 : i32
      %dma_wait3A_416 = arith.constant 0 : i32
      %dma_wait3A_417 = tpu.memref_slice %arg20[%dma_wait3A_415, %dma_wait3A_416] : memref<10240x128xf32, #tpu.memory_space<vmem_shared>> -> memref<10240x128xf32, #tpu.memory_space<vmem_shared>>
      tpu.wait_indirect_dma semaphore(%run_scoped3A_405 : memref<!tpu.dma_semaphore, #tpu.memory_space<semaphore_mem>>) src(%arg14 : memref<64x128xf32, #tpu.memory_space<vmem>>) dst(%dma_wait3A_417 : memref<10240x128xf32, #tpu.memory_space<vmem_shared>>)
      tpu.yield
    }) : () -> ()
    %barrier3A_400 = arith.constant 0 : index
    tpu.barrier barrier_id(%barrier3A_400)
    %mul3A_401 = arith.constant 640 : i32
    %mul3A_402 = arith.muli %arg1, %mul3A_401 : i32
    %mul3A_403 = arith.constant 640 : i32
    %mul3A_404 = arith.muli %arg1, %mul3A_403 : i32
    "tpu.region"() ({
      %run_scoped3A_405 = tpu.sem_alloc : memref<!tpu.dma_semaphore, #tpu.memory_space<semaphore_mem>>
      %dma_start3A_406 = arith.constant 0 : i32
      %dma_start3A_407 = tpu.memref_slice %arg5[%arg0, %mul3A_404, %dma_start3A_406] : memref<2x10240x128xf32, #tpu.memory_space<hbm>> -> memref<1x640x128xf32, #tpu.memory_space<hbm>>
      %dma_start3A_408 = tpu.memref_squeeze %dma_start3A_407 : memref<1x640x128xf32, #tpu.memory_space<hbm>> -> memref<640x128xf32, #tpu.memory_space<hbm>>
      %dma_start3A_409 = arith.constant 0 : i32
      %dma_start3A_410 = tpu.memref_slice %arg20[%mul3A_402, %dma_start3A_409] : memref<10240x128xf32, #tpu.memory_space<vmem_shared>> -> memref<640x128xf32, #tpu.memory_space<vmem_shared>>
      tpu.enqueue_dma source(%dma_start3A_410 : memref<640x128xf32, #tpu.memory_space<vmem_shared>>) target(%dma_start3A_408 : memref<640x128xf32, #tpu.memory_space<hbm>>) target_semaphore(%run_scoped3A_405 : memref<!tpu.dma_semaphore, #tpu.memory_space<semaphore_mem>>)
      %dma_wait3A_411 = arith.constant 0 : i32
      %dma_wait3A_412 = tpu.memref_slice %arg5[%arg0, %mul3A_404, %dma_wait3A_411] : memref<2x10240x128xf32, #tpu.memory_space<hbm>> -> memref<1x640x128xf32, #tpu.memory_space<hbm>>
      %dma_wait3A_413 = tpu.memref_squeeze %dma_wait3A_412 : memref<1x640x128xf32, #tpu.memory_space<hbm>> -> memref<640x128xf32, #tpu.memory_space<hbm>>
      %dma_wait3A_414 = arith.constant 0 : i32
      %dma_wait3A_415 = tpu.memref_slice %arg20[%mul3A_402, %dma_wait3A_414] : memref<10240x128xf32, #tpu.memory_space<vmem_shared>> -> memref<640x128xf32, #tpu.memory_space<vmem_shared>>
      tpu.wait_dma2 semaphore(%run_scoped3A_405 : memref<!tpu.dma_semaphore, #tpu.memory_space<semaphore_mem>>) src(%dma_wait3A_415 : memref<640x128xf32, #tpu.memory_space<vmem_shared>>) dst(%dma_wait3A_413 : memref<640x128xf32, #tpu.memory_space<hbm>>)
      tpu.yield
    }) : () -> ()
    return
  }
}

module attributes {stable_mosaic.version = 14 : i64} {
  func.func @_tc1_body(%arg0: i32, %arg1: memref<1280x128xf32, #tpu.memory_space<vmem>>, %arg2: memref<2x1280x128xf32, #tpu.memory_space<vmem>>, %arg3: memref<128x128xf32, #tpu.memory_space<vmem>>, %arg4: memref<1280x128xf32, #tpu.memory_space<vmem>>, %arg5: memref<1280x128xf32, #tpu.memory_space<vmem>>) attributes {dimension_semantics = [#tpu.dimension_semantics<arbitrary>], iteration_bounds = array<i64: 8>, scalar_prefetch = 0 : i64, scratch_operands = 0 : i64, tpu.core_type = #tpu.core_type<tc>, window_params = [{transform_indices = @transform_0, window_bounds = array<i64: 1280, 128>}, {transform_indices = @transform_1, window_bounds = array<i64: 2, 1280, 128>}, {pipeline_mode = #tpu.pipeline_mode<synchronous>, transform_indices = @transform_2, window_bounds = array<i64: 128, 128>}, {transform_indices = @transform_3, window_bounds = array<i64: 1280, 128>}, {transform_indices = @transform_4, window_bounds = array<i64: 1280, 128>}]} {
    %get3A = arith.constant 0 : index
    %get3A_0 = arith.constant 0 : index
    %get3A_1 = arith.constant 0 : index
    %get3A_2 = vector.load %arg2[%get3A, %get3A_0, %get3A_1] : memref<2x1280x128xf32, #tpu.memory_space<vmem>>, vector<1x1280x1xf32>
    %get3A_3 = vector.shape_cast %get3A_2 : vector<1x1280x1xf32> to vector<1280x1xf32>
    %add3A = arith.constant 1.000000e+00 : f32
    %add3A_4 = vector.broadcast %add3A : f32 to vector<1280x1xf32>
    %add3A_5 = arith.addf %add3A_4, %get3A_3 : vector<1280x1xf32>
    %get3A_6 = arith.constant 1 : index
    %get3A_7 = arith.constant 0 : index
    %get3A_8 = arith.constant 0 : index
    %get3A_9 = vector.load %arg2[%get3A_6, %get3A_7, %get3A_8] : memref<2x1280x128xf32, #tpu.memory_space<vmem>>, vector<1x1280x1xf32>
    %get3A_10 = vector.shape_cast %get3A_9 : vector<1x1280x1xf32> to vector<1280x1xf32>
    %add3A_11 = arith.addf %add3A_5, %get3A_10 : vector<1280x1xf32>
    %pow3A = arith.constant -5.000000e-01 : f32
    %pow3A_12 = vector.broadcast %pow3A : f32 to vector<1280x1xf32>
    %pow3A_13 = math.powf %add3A_11, %pow3A_12 : vector<1280x1xf32>
    %get3A_14 = arith.constant 0 : index
    %get3A_15 = arith.constant 0 : index
    %get3A_16 = vector.load %arg1[%get3A_14, %get3A_15] : memref<1280x128xf32, #tpu.memory_space<vmem>>, vector<1280x128xf32>
    %get3A_17 = arith.constant 0 : index
    %get3A_18 = arith.constant 0 : index
    %get3A_19 = vector.load %arg3[%get3A_17, %get3A_18] : memref<128x128xf32, #tpu.memory_space<vmem>>, vector<128x128xf32>
    %dot_general3A = arith.constant dense<0.000000e+00> : vector<1280x128xf32>
    %dot_general3A_20 = tpu.matmul %get3A_16, %get3A_19, %dot_general3A {dimension_numbers = #tpu.dot_dimension_numbers<[1], [0], [0], [1], [0, 0, 1, 1], [], []>, transpose_lhs_hint = false} : vector<1280x128xf32>, vector<128x128xf32>, vector<1280x128xf32> -> vector<1280x128xf32>
    %mul3A = vector.broadcast %pow3A_13 : vector<1280x1xf32> to vector<1280x128xf32>
    %mul3A_21 = arith.mulf %dot_general3A_20, %mul3A : vector<1280x128xf32>
    %swap3A = arith.constant 0 : index
    %swap3A_22 = arith.constant 0 : index
    %swap3A_23 = vector.load %arg4[%swap3A, %swap3A_22] : memref<1280x128xf32, #tpu.memory_space<vmem>>, vector<1280x128xf32>
    tpu.vector_store %arg4[%swap3A, %swap3A_22], %mul3A_21 {strides = array<i32>} : memref<1280x128xf32, #tpu.memory_space<vmem>>, vector<1280x128xf32>,
    %broadcast_in_dim3A = vector.shape_cast %pow3A_13 : vector<1280x1xf32> to vector<1280x1xf32>
    %broadcast_in_dim3A_24 = vector.broadcast %broadcast_in_dim3A : vector<1280x1xf32> to vector<1280x128xf32>
    %swap3A_25 = arith.constant 0 : index
    %swap3A_26 = arith.constant 0 : index
    %swap3A_27 = vector.load %arg5[%swap3A_25, %swap3A_26] : memref<1280x128xf32, #tpu.memory_space<vmem>>, vector<1280x128xf32>
    tpu.vector_store %arg5[%swap3A_25, %swap3A_26], %broadcast_in_dim3A_24 {strides = array<i32>} : memref<1280x128xf32, #tpu.memory_space<vmem>>, vector<1280x128xf32>,
    return
  }
  func.func @transform_0(%arg0: i32) -> (i32, i32) {
    %c0_i32 = arith.constant 0 : i32
    %c0_i32_0 = arith.constant 0 : i32
    return %arg0, %c0_i32 : i32, i32
  }
  func.func @transform_1(%arg0: i32) -> (i32, i32, i32) {
    %c0_i32 = arith.constant 0 : i32
    %c0_i32_0 = arith.constant 0 : i32
    %c0_i32_1 = arith.constant 0 : i32
    return %c0_i32, %arg0, %c0_i32_0 : i32, i32, i32
  }
  func.func @transform_2(%arg0: i32) -> (i32, i32) {
    %c0_i32 = arith.constant 0 : i32
    %c0_i32_0 = arith.constant 0 : i32
    %c0_i32_1 = arith.constant 0 : i32
    return %c0_i32, %c0_i32_0 : i32, i32
  }
  func.func @transform_3(%arg0: i32) -> (i32, i32) {
    %c0_i32 = arith.constant 0 : i32
    %c0_i32_0 = arith.constant 0 : i32
    return %arg0, %c0_i32 : i32, i32
  }
  func.func @transform_4(%arg0: i32) -> (i32, i32) {
    %c0_i32 = arith.constant 0 : i32
    %c0_i32_0 = arith.constant 0 : i32
    return %arg0, %c0_i32 : i32, i32
  }
}

module attributes {stable_mosaic.version = 14 : i64} {
  func.func @_tc2_body(%arg0: i32, %arg1: memref<2x1280x128xf32, #tpu.memory_space<vmem>>, %arg2: memref<1280x128xf32, #tpu.memory_space<vmem>>, %arg3: memref<1280x128xf32, #tpu.memory_space<vmem>>, %arg4: memref<1x128xf32, #tpu.memory_space<vmem>>, %arg5: memref<128x128xf32, #tpu.memory_space<vmem>>, %arg6: memref<1280x128xf32, #tpu.memory_space<vmem>>) attributes {dimension_semantics = [#tpu.dimension_semantics<arbitrary>], iteration_bounds = array<i64: 8>, scalar_prefetch = 0 : i64, scratch_operands = 0 : i64, tpu.core_type = #tpu.core_type<tc>, window_params = [{transform_indices = @transform_0, window_bounds = array<i64: 2, 1280, 128>}, {transform_indices = @transform_1, window_bounds = array<i64: 1280, 128>}, {transform_indices = @transform_2, window_bounds = array<i64: 1280, 128>}, {pipeline_mode = #tpu.pipeline_mode<synchronous>, transform_indices = @transform_3, window_bounds = array<i64: 1, 128>}, {pipeline_mode = #tpu.pipeline_mode<synchronous>, transform_indices = @transform_4, window_bounds = array<i64: 128, 128>}, {transform_indices = @transform_5, window_bounds = array<i64: 1280, 128>}]} {
    %get3A = arith.constant 0 : index
    %get3A_0 = arith.constant 0 : index
    %get3A_1 = arith.constant 0 : index
    %get3A_2 = vector.load %arg1[%get3A, %get3A_0, %get3A_1] : memref<2x1280x128xf32, #tpu.memory_space<vmem>>, vector<1x1280x128xf32>
    %get3A_3 = vector.shape_cast %get3A_2 : vector<1x1280x128xf32> to vector<1280x128xf32>
    %get3A_4 = arith.constant 1 : index
    %get3A_5 = arith.constant 0 : index
    %get3A_6 = arith.constant 0 : index
    %get3A_7 = vector.load %arg1[%get3A_4, %get3A_5, %get3A_6] : memref<2x1280x128xf32, #tpu.memory_space<vmem>>, vector<1x1280x128xf32>
    %get3A_8 = vector.shape_cast %get3A_7 : vector<1x1280x128xf32> to vector<1280x128xf32>
    %add3A = arith.addf %get3A_3, %get3A_8 : vector<1280x128xf32>
    %get3A_9 = arith.constant 0 : index
    %get3A_10 = arith.constant 0 : index
    %get3A_11 = vector.load %arg2[%get3A_9, %get3A_10] : memref<1280x128xf32, #tpu.memory_space<vmem>>, vector<1280x128xf32>
    %add3A_12 = arith.addf %add3A, %get3A_11 : vector<1280x128xf32>
    %get3A_13 = arith.constant 0 : index
    %get3A_14 = arith.constant 0 : index
    %get3A_15 = vector.load %arg3[%get3A_13, %get3A_14] : memref<1280x128xf32, #tpu.memory_space<vmem>>, vector<1280x128xf32>
    %mul3A = arith.mulf %add3A_12, %get3A_15 : vector<1280x128xf32>
    %get3A_16 = arith.constant 0 : index
    %get3A_17 = arith.constant 0 : index
    %get3A_18 = vector.load %arg4[%get3A_16, %get3A_17] : memref<1x128xf32, #tpu.memory_space<vmem>>, vector<1x128xf32>
    %add3A_19 = vector.broadcast %get3A_18 : vector<1x128xf32> to vector<1280x128xf32>
    %add3A_20 = arith.addf %mul3A, %add3A_19 : vector<1280x128xf32>
    %max3A = arith.constant 0.000000e+00 : f32
    %max3A_21 = vector.broadcast %max3A : f32 to vector<1280x128xf32>
    %max3A_22 = arith.maximumf %add3A_20, %max3A_21 : vector<1280x128xf32>
    %get3A_23 = arith.constant 0 : index
    %get3A_24 = arith.constant 0 : index
    %get3A_25 = vector.load %arg5[%get3A_23, %get3A_24] : memref<128x128xf32, #tpu.memory_space<vmem>>, vector<128x128xf32>
    %dot_general3A = arith.constant dense<0.000000e+00> : vector<1280x128xf32>
    %dot_general3A_26 = tpu.matmul %max3A_22, %get3A_25, %dot_general3A {dimension_numbers = #tpu.dot_dimension_numbers<[1], [0], [0], [1], [0, 0, 1, 1], [], []>, transpose_lhs_hint = false} : vector<1280x128xf32>, vector<128x128xf32>, vector<1280x128xf32> -> vector<1280x128xf32>
    %get3A_27 = arith.constant 0 : index
    %get3A_28 = arith.constant 0 : index
    %get3A_29 = vector.load %arg3[%get3A_27, %get3A_28] : memref<1280x128xf32, #tpu.memory_space<vmem>>, vector<1280x128xf32>
    %mul3A_30 = arith.mulf %dot_general3A_26, %get3A_29 : vector<1280x128xf32>
    %swap3A = arith.constant 0 : index
    %swap3A_31 = arith.constant 0 : index
    %swap3A_32 = vector.load %arg6[%swap3A, %swap3A_31] : memref<1280x128xf32, #tpu.memory_space<vmem>>, vector<1280x128xf32>
    tpu.vector_store %arg6[%swap3A, %swap3A_31], %mul3A_30 {strides = array<i32>} : memref<1280x128xf32, #tpu.memory_space<vmem>>, vector<1280x128xf32>,
    return
  }
  func.func @transform_0(%arg0: i32) -> (i32, i32, i32) {
    %c0_i32 = arith.constant 0 : i32
    %c0_i32_0 = arith.constant 0 : i32
    %c0_i32_1 = arith.constant 0 : i32
    return %c0_i32, %arg0, %c0_i32_0 : i32, i32, i32
  }
  func.func @transform_1(%arg0: i32) -> (i32, i32) {
    %c0_i32 = arith.constant 0 : i32
    %c0_i32_0 = arith.constant 0 : i32
    return %arg0, %c0_i32 : i32, i32
  }
  func.func @transform_2(%arg0: i32) -> (i32, i32) {
    %c0_i32 = arith.constant 0 : i32
    %c0_i32_0 = arith.constant 0 : i32
    return %arg0, %c0_i32 : i32, i32
  }
  func.func @transform_3(%arg0: i32) -> (i32, i32) {
    %c0_i32 = arith.constant 0 : i32
    %c0_i32_0 = arith.constant 0 : i32
    %c0_i32_1 = arith.constant 0 : i32
    return %c0_i32, %c0_i32_0 : i32, i32
  }
  func.func @transform_4(%arg0: i32) -> (i32, i32) {
    %c0_i32 = arith.constant 0 : i32
    %c0_i32_0 = arith.constant 0 : i32
    %c0_i32_1 = arith.constant 0 : i32
    return %c0_i32, %c0_i32_0 : i32, i32
  }
  func.func @transform_5(%arg0: i32) -> (i32, i32) {
    %c0_i32 = arith.constant 0 : i32
    %c0_i32_0 = arith.constant 0 : i32
    return %arg0, %c0_i32 : i32, i32
  }
}

module attributes {stable_mosaic.version = 14 : i64} {
  func.func @_tc3_body(%arg0: i32, %arg1: memref<2x1280x128xf32, #tpu.memory_space<vmem>>, %arg2: memref<1280x128xf32, #tpu.memory_space<vmem>>, %arg3: memref<1280x128xf32, #tpu.memory_space<vmem>>, %arg4: memref<1x128xf32, #tpu.memory_space<vmem>>, %arg5: memref<1x1x1280xi32, #tpu.memory_space<vmem>>, %arg6: memref<128x128xf32, #tpu.memory_space<vmem>>, %arg7: memref<1x128xf32, #tpu.memory_space<vmem>>, %arg8: memref<128x1xf32, #tpu.memory_space<vmem>>, %arg9: memref<1x1xf32, #tpu.memory_space<vmem>>, %arg10: memref<512x1xf32, #tpu.memory_space<vmem>>, %arg11: memref<512x128xf32, #tpu.memory_space<vmem>>, %arg12: memref<512x1xf32, #tpu.memory_space<vmem>>) attributes {dimension_semantics = [#tpu.dimension_semantics<arbitrary>], iteration_bounds = array<i64: 8>, scalar_prefetch = 0 : i64, scratch_operands = 2 : i64, tpu.core_type = #tpu.core_type<tc>, window_params = [{transform_indices = @transform_0, window_bounds = array<i64: 2, 1280, 128>}, {transform_indices = @transform_1, window_bounds = array<i64: 1280, 128>}, {transform_indices = @transform_2, window_bounds = array<i64: 1280, 128>}, {pipeline_mode = #tpu.pipeline_mode<synchronous>, transform_indices = @transform_3, window_bounds = array<i64: 1, 128>}, {transform_indices = @transform_4, window_bounds = array<i64: 1, 1, 1280>}, {pipeline_mode = #tpu.pipeline_mode<synchronous>, transform_indices = @transform_5, window_bounds = array<i64: 128, 128>}, {pipeline_mode = #tpu.pipeline_mode<synchronous>, transform_indices = @transform_6, window_bounds = array<i64: 1, 128>}, {pipeline_mode = #tpu.pipeline_mode<synchronous>, transform_indices = @transform_7, window_bounds = array<i64: 128, 1>}, {pipeline_mode = #tpu.pipeline_mode<synchronous>, transform_indices = @transform_8, window_bounds = array<i64: 1, 1>}, {pipeline_mode = #tpu.pipeline_mode<synchronous>, transform_indices = @transform_9, window_bounds = array<i64: 512, 1>}]} {
    %eq3A = arith.constant 0 : i32
    %eq3A_0 = arith.cmpi eq, %arg0, %eq3A : i32
    %convert_element_type3A = arith.extui %eq3A_0 : i1 to i32
    %cond3A = arith.constant 0 : i32
    %cond3A_1 = arith.cmpi ne, %convert_element_type3A, %cond3A : i32
    scf.if %cond3A_1 {
      %broadcast_in_dim3A_55 = arith.constant 0.000000e+00 : f32
      %broadcast_in_dim3A_56 = vector.broadcast %broadcast_in_dim3A_55 : f32 to vector<512x128xf32>
      %swap3A_57 = arith.constant 0 : index
      %swap3A_58 = arith.constant 0 : index
      %swap3A_59 = vector.load %arg11[%swap3A_57, %swap3A_58] : memref<512x128xf32, #tpu.memory_space<vmem>>, vector<512x128xf32>
      tpu.vector_store %arg11[%swap3A_57, %swap3A_58], %broadcast_in_dim3A_56 {strides = array<i32>} : memref<512x128xf32, #tpu.memory_space<vmem>>, vector<512x128xf32>,
      %broadcast_in_dim3A_60 = arith.constant 0.000000e+00 : f32
      %broadcast_in_dim3A_61 = vector.broadcast %broadcast_in_dim3A_60 : f32 to vector<512x1xf32>
      %swap3A_62 = arith.constant 0 : index
      %swap3A_63 = arith.constant 0 : index
      %swap3A_64 = vector.load %arg12[%swap3A_62, %swap3A_63] : memref<512x1xf32, #tpu.memory_space<vmem>>, vector<512x1xf32>
      tpu.vector_store %arg12[%swap3A_62, %swap3A_63], %broadcast_in_dim3A_61 {strides = array<i32>} : memref<512x1xf32, #tpu.memory_space<vmem>>, vector<512x1xf32>,
    } else {
    }
    %get3A = arith.constant 0 : index
    %get3A_2 = arith.constant 0 : index
    %get3A_3 = arith.constant 0 : index
    %get3A_4 = vector.load %arg1[%get3A, %get3A_2, %get3A_3] : memref<2x1280x128xf32, #tpu.memory_space<vmem>>, vector<1x1280x128xf32>
    %get3A_5 = vector.shape_cast %get3A_4 : vector<1x1280x128xf32> to vector<1280x128xf32>
    %get3A_6 = arith.constant 1 : index
    %get3A_7 = arith.constant 0 : index
    %get3A_8 = arith.constant 0 : index
    %get3A_9 = vector.load %arg1[%get3A_6, %get3A_7, %get3A_8] : memref<2x1280x128xf32, #tpu.memory_space<vmem>>, vector<1x1280x128xf32>
    %get3A_10 = vector.shape_cast %get3A_9 : vector<1x1280x128xf32> to vector<1280x128xf32>
    %add3A = arith.addf %get3A_5, %get3A_10 : vector<1280x128xf32>
    %get3A_11 = arith.constant 0 : index
    %get3A_12 = arith.constant 0 : index
    %get3A_13 = vector.load %arg2[%get3A_11, %get3A_12] : memref<1280x128xf32, #tpu.memory_space<vmem>>, vector<1280x128xf32>
    %add3A_14 = arith.addf %add3A, %get3A_13 : vector<1280x128xf32>
    %get3A_15 = arith.constant 0 : index
    %get3A_16 = arith.constant 0 : index
    %get3A_17 = vector.load %arg3[%get3A_15, %get3A_16] : memref<1280x128xf32, #tpu.memory_space<vmem>>, vector<1280x128xf32>
    %mul3A = arith.mulf %add3A_14, %get3A_17 : vector<1280x128xf32>
    %get3A_18 = arith.constant 0 : index
    %get3A_19 = arith.constant 0 : index
    %get3A_20 = vector.load %arg4[%get3A_18, %get3A_19] : memref<1x128xf32, #tpu.memory_space<vmem>>, vector<1x128xf32>
    %add3A_21 = vector.broadcast %get3A_20 : vector<1x128xf32> to vector<1280x128xf32>
    %add3A_22 = arith.addf %mul3A, %add3A_21 : vector<1280x128xf32>
    %max3A = arith.constant 0.000000e+00 : f32
    %max3A_23 = vector.broadcast %max3A : f32 to vector<1280x128xf32>
    %max3A_24 = arith.maximumf %add3A_22, %max3A_23 : vector<1280x128xf32>
    %get3A_25 = arith.constant 0 : index
    %get3A_26 = arith.constant 0 : index
    %get3A_27 = arith.constant 0 : index
    %get3A_28 = vector.load %arg5[%get3A_25, %get3A_26, %get3A_27] : memref<1x1x1280xi32, #tpu.memory_space<vmem>>, vector<1x1x1280xi32>
    %get3A_29 = vector.shape_cast %get3A_28 : vector<1x1x1280xi32> to vector<1280xi32>
    %iota3A = tpu.iota {dimensions = array<i32: 0>} : vector<512x1280xi32>
    %broadcast_in_dim3A = vector.shape_cast %get3A_29 : vector<1280xi32> to vector<1x1280xi32>
    %eq3A_30 = vector.broadcast %broadcast_in_dim3A : vector<1x1280xi32> to vector<512x1280xi32>
    %eq3A_31 = arith.cmpi eq, %eq3A_30, %iota3A : vector<512x1280xi32>
    %convert_element_type3A_32 = arith.extui %eq3A_31 : vector<512x1280xi1> to vector<512x1280xi32>
    %convert_element_type3A_33 = arith.sitofp %convert_element_type3A_32 : vector<512x1280xi32> to vector<512x1280xf32>
    %get3A_34 = arith.constant 0 : index
    %get3A_35 = arith.constant 0 : index
    %get3A_36 = vector.load %arg11[%get3A_34, %get3A_35] : memref<512x128xf32, #tpu.memory_space<vmem>>, vector<512x128xf32>
    %dot_general3A = arith.constant dense<0.000000e+00> : vector<512x128xf32>
    %dot_general3A_37 = tpu.matmul %convert_element_type3A_33, %max3A_24, %dot_general3A {dimension_numbers = #tpu.dot_dimension_numbers<[1], [0], [0], [1], [0, 0, 1, 1], [], []>, transpose_lhs_hint = false} : vector<512x1280xf32>, vector<1280x128xf32>, vector<512x128xf32> -> vector<512x128xf32>
    %add3A_38 = arith.addf %get3A_36, %dot_general3A_37 : vector<512x128xf32>
    %swap3A = arith.constant 0 : index
    %swap3A_39 = arith.constant 0 : index
    %swap3A_40 = vector.load %arg11[%swap3A, %swap3A_39] : memref<512x128xf32, #tpu.memory_space<vmem>>, vector<512x128xf32>
    tpu.vector_store %arg11[%swap3A, %swap3A_39], %add3A_38 {strides = array<i32>} : memref<512x128xf32, #tpu.memory_space<vmem>>, vector<512x128xf32>,
    %get3A_41 = arith.constant 0 : index
    %get3A_42 = arith.constant 0 : index
    %get3A_43 = vector.load %arg12[%get3A_41, %get3A_42] : memref<512x1xf32, #tpu.memory_space<vmem>>, vector<512x1xf32>
    %reduce_sum3A = arith.constant dense<0.000000e+00> : vector<512xf32>
    %reduce_sum3A_44 = vector.multi_reduction <add>, %convert_element_type3A_33, %reduce_sum3A [1] : vector<512x1280xf32> to vector<512xf32>
    %broadcast_in_dim3A_45 = vector.shape_cast %reduce_sum3A_44 : vector<512xf32> to vector<512x1xf32>
    %add3A_46 = arith.addf %get3A_43, %broadcast_in_dim3A_45 : vector<512x1xf32>
    %swap3A_47 = arith.constant 0 : index
    %swap3A_48 = arith.constant 0 : index
    %swap3A_49 = vector.load %arg12[%swap3A_47, %swap3A_48] : memref<512x1xf32, #tpu.memory_space<vmem>>, vector<512x1xf32>
    tpu.vector_store %arg12[%swap3A_47, %swap3A_48], %add3A_46 {strides = array<i32>} : memref<512x1xf32, #tpu.memory_space<vmem>>, vector<512x1xf32>,
    %eq3A_50 = arith.constant 7 : i32
    %eq3A_51 = arith.cmpi eq, %arg0, %eq3A_50 : i32
    %convert_element_type3A_52 = arith.extui %eq3A_51 : i1 to i32
    %cond3A_53 = arith.constant 0 : i32
    %cond3A_54 = arith.cmpi ne, %convert_element_type3A_52, %cond3A_53 : i32
    scf.if %cond3A_54 {
      %get3A_55 = arith.constant 0 : index
      %get3A_56 = arith.constant 0 : index
      %get3A_57 = vector.load %arg11[%get3A_55, %get3A_56] : memref<512x128xf32, #tpu.memory_space<vmem>>, vector<512x128xf32>
      %get3A_58 = arith.constant 0 : index
      %get3A_59 = arith.constant 0 : index
      %get3A_60 = vector.load %arg12[%get3A_58, %get3A_59] : memref<512x1xf32, #tpu.memory_space<vmem>>, vector<512x1xf32>
      %max3A_61 = arith.constant 1.000000e+00 : f32
      %max3A_62 = vector.broadcast %max3A_61 : f32 to vector<512x1xf32>
      %max3A_63 = arith.maximumf %get3A_60, %max3A_62 : vector<512x1xf32>
      %div3A = vector.broadcast %max3A_63 : vector<512x1xf32> to vector<512x128xf32>
      %div3A_64 = arith.divf %get3A_57, %div3A : vector<512x128xf32>
      %get3A_65 = arith.constant 0 : index
      %get3A_66 = arith.constant 0 : index
      %get3A_67 = vector.load %arg6[%get3A_65, %get3A_66] : memref<128x128xf32, #tpu.memory_space<vmem>>, vector<128x128xf32>
      %dot_general3A_68 = arith.constant dense<0.000000e+00> : vector<512x128xf32>
      %dot_general3A_69 = tpu.matmul %div3A_64, %get3A_67, %dot_general3A_68 {dimension_numbers = #tpu.dot_dimension_numbers<[1], [0], [0], [1], [0, 0, 1, 1], [], []>, transpose_lhs_hint = false} : vector<512x128xf32>, vector<128x128xf32>, vector<512x128xf32> -> vector<512x128xf32>
      %get3A_70 = arith.constant 0 : index
      %get3A_71 = arith.constant 0 : index
      %get3A_72 = vector.load %arg7[%get3A_70, %get3A_71] : memref<1x128xf32, #tpu.memory_space<vmem>>, vector<1x128xf32>
      %add3A_73 = vector.broadcast %get3A_72 : vector<1x128xf32> to vector<512x128xf32>
      %add3A_74 = arith.addf %dot_general3A_69, %add3A_73 : vector<512x128xf32>
      %max3A_75 = arith.constant 0.000000e+00 : f32
      %max3A_76 = vector.broadcast %max3A_75 : f32 to vector<512x128xf32>
      %max3A_77 = arith.maximumf %add3A_74, %max3A_76 : vector<512x128xf32>
      %get3A_78 = arith.constant 0 : index
      %get3A_79 = arith.constant 0 : index
      %get3A_80 = vector.load %arg8[%get3A_78, %get3A_79] : memref<128x1xf32, #tpu.memory_space<vmem>>, vector<128x1xf32>
      %dot_general3A_81 = arith.constant dense<0.000000e+00> : vector<512x1xf32>
      %dot_general3A_82 = tpu.matmul %max3A_77, %get3A_80, %dot_general3A_81 {dimension_numbers = #tpu.dot_dimension_numbers<[1], [0], [0], [1], [0, 0, 1, 1], [], []>, transpose_lhs_hint = false} : vector<512x128xf32>, vector<128x1xf32>, vector<512x1xf32> -> vector<512x1xf32>
      %get3A_83 = arith.constant 0 : index
      %get3A_84 = arith.constant 0 : index
      %get3A_85 = vector.load %arg9[%get3A_83, %get3A_84] : memref<1x1xf32, #tpu.memory_space<vmem>>, vector<1x1xf32>
      %add3A_86 = vector.broadcast %get3A_85 : vector<1x1xf32> to vector<512x1xf32>
      %add3A_87 = arith.addf %dot_general3A_82, %add3A_86 : vector<512x1xf32>
      %swap3A_88 = arith.constant 0 : index
      %swap3A_89 = arith.constant 0 : index
      %swap3A_90 = vector.load %arg10[%swap3A_88, %swap3A_89] : memref<512x1xf32, #tpu.memory_space<vmem>>, vector<512x1xf32>
      tpu.vector_store %arg10[%swap3A_88, %swap3A_89], %add3A_87 {strides = array<i32>} : memref<512x1xf32, #tpu.memory_space<vmem>>, vector<512x1xf32>,
    } else {
    }
    return
  }
  func.func @transform_0(%arg0: i32) -> (i32, i32, i32) {
    %c0_i32 = arith.constant 0 : i32
    %c0_i32_0 = arith.constant 0 : i32
    %c0_i32_1 = arith.constant 0 : i32
    return %c0_i32, %arg0, %c0_i32_0 : i32, i32, i32
  }
  func.func @transform_1(%arg0: i32) -> (i32, i32) {
    %c0_i32 = arith.constant 0 : i32
    %c0_i32_0 = arith.constant 0 : i32
    return %arg0, %c0_i32 : i32, i32
  }
  func.func @transform_2(%arg0: i32) -> (i32, i32) {
    %c0_i32 = arith.constant 0 : i32
    %c0_i32_0 = arith.constant 0 : i32
    return %arg0, %c0_i32 : i32, i32
  }
  func.func @transform_3(%arg0: i32) -> (i32, i32) {
    %c0_i32 = arith.constant 0 : i32
    %c0_i32_0 = arith.constant 0 : i32
    %c0_i32_1 = arith.constant 0 : i32
    return %c0_i32, %c0_i32_0 : i32, i32
  }
  func.func @transform_4(%arg0: i32) -> (i32, i32, i32) {
    %c0_i32 = arith.constant 0 : i32
    %c0_i32_0 = arith.constant 0 : i32
    %c0_i32_1 = arith.constant 0 : i32
    return %arg0, %c0_i32, %c0_i32_0 : i32, i32, i32
  }
  func.func @transform_5(%arg0: i32) -> (i32, i32) {
    %c0_i32 = arith.constant 0 : i32
    %c0_i32_0 = arith.constant 0 : i32
    %c0_i32_1 = arith.constant 0 : i32
    return %c0_i32, %c0_i32_0 : i32, i32
  }
  func.func @transform_6(%arg0: i32) -> (i32, i32) {
    %c0_i32 = arith.constant 0 : i32
    %c0_i32_0 = arith.constant 0 : i32
    %c0_i32_1 = arith.constant 0 : i32
    return %c0_i32, %c0_i32_0 : i32, i32
  }
  func.func @transform_7(%arg0: i32) -> (i32, i32) {
    %c0_i32 = arith.constant 0 : i32
    %c0_i32_0 = arith.constant 0 : i32
    %c0_i32_1 = arith.constant 0 : i32
    return %c0_i32, %c0_i32_0 : i32, i32
  }
  func.func @transform_8(%arg0: i32) -> (i32, i32) {
    %c0_i32 = arith.constant 0 : i32
    %c0_i32_0 = arith.constant 0 : i32
    %c0_i32_1 = arith.constant 0 : i32
    return %c0_i32, %c0_i32_0 : i32, i32
  }
  func.func @transform_9(%arg0: i32) -> (i32, i32) {
    %c0_i32 = arith.constant 0 : i32
    %c0_i32_0 = arith.constant 0 : i32
    %c0_i32_1 = arith.constant 0 : i32
    return %c0_i32, %c0_i32_0 : i32, i32
  }
}

</mosaic_0001>

<sc_bundles>
// kernel: kernel.11.cloned.1.call-start
scs
__scs_entry_jumppad:
0x0: {  	(pc) =	sbr.rel $0x88, $3  }
0x1: {  	(tag) =	ssettag $0x0;
	lr =	simm.s32 $0x1  }
0x2: {  	[smem:$0x3F96] =	sst lr;
	_ =	strace $0xD0000000  }
0x3: {  	_ = 	snop  }
0x4: {  	_ = 	snop  }
0x5: {  	_ = 	snop  }
0x6: {  	_ = 	snop  }
0x7: {  	_ = 	snop  }
__scs_overlays_trampoline_lowered:
0x8: {  	[smem:$0x3FA5] =	sst s0  }
0x9: {  	[smem:$0x3FA6] =	sst s1  }
0xa: {  	[smem:$0x3FA7] =	sst s2  }
0xb: {  	[smem:$0x3FA8] =	sst s3  }
0xc: {  	[smem:$0x3FA9] =	sst s4  }
0xd: {  	[smem:$0x3FAA] =	sst s5  }
0xe: {  	[smem:$0x3FAB] =	sst s6  }
0xf: {  	[smem:$0x3FAC] =	sst s7  }
0x10: {  	[smem:$0x3FAD] =	sst s8  }
0x11: {  	[smem:$0x3FAE] =	sst s9;
	s0 =	simm.s32 @!p0 $0x0  }
0x12: {  	s1 =	sld [smem:$0x3F94];
	s0 =	simm.s32 @p0 $0x1  }
0x13: {  	[smem:$0x3FAF] =	sst s0;
	s0 =	simm.s32 @!p1 $0x0  }
0x14: {  	s2 =	sld [smem:$0x3F93];
	s0 =	simm.s32 @p1 $0x1  }
0x15: {  	[smem:$0x3FB0] =	sst s0;
	s0 =	simm.s32 @!p2 $0x0  }
0x16: {  	s3 =	sld [smem:$0x3FDB];
	s0 =	simm.s32 @p2 $0x1  }
0x17: {  	s4 =	simm.s32 $0x1BF5;
	[smem:$0x3FB2] =	sst s0  }
0x18: {  	s0 =	sld [smem:$0x3F95];
	_ =	swait.ge [sflag:s4], $0x0  }
0x19: {  	s7 =	sld [smem:$0x3F96]  }
0x1a: {  	s8 =	sadd.s32 $0xFFFFE003, lr  }
0x1b: {  	s9 =	sadd.s32 $0xFFFFFEF7, lr;
	s5 =	simm.s32 $0xFFFFFFFF;
	p2 =	slt.u32 s8, $0xFFFFF086  }
0x1c: {  	p1 =	slt.u32 s9, $0xF7A;
	s5 =	simm.s32 @!p2 $0x0  }
0x1d: {  	s5 =	simm.s32 @p1 $0x1;
	p0 =	seq.s32 s7, s2  }
0x1e: {  	s7 =	smul.u32 @!p0 $0xF7A, s2;
	p2 =	seq.s32 @!p0 s5, $0x0  }
0x1f: {  	s9 =	smul.u32 $0xF7A, s1;
	s8 =	simm.s32 @!p0 $0x1BF5;
	p2 =	por !p2, p0  }
0x20: {  	[sflag:s8] =	ssyncset.s32 @!p0 $0xFFFFF086;
	s6 =	sadd.s32 @!p0 s3, s7;
	s7 =	simm.s32 @!p0 $0x108  }
0x21: {  	s3 =	sadd.s32 s3, s9;
	s6 =	sadd.s32 @!p0 $0x88, s6;
	s7 =	simm.s32 @p2 $0x1082  }
0x22: {  	[simem:s7], [sflag:s8] =	dma.local @!p0 [hbm:s6], $0xF7A  }
0x23: {  	s9 =	sor.u32 $0xD0000000, s2;
	s6 =	simm.s32 $0x108;
	_ =	swait.ge @!p0 [sflag:s8], $0x0  }
0x24: {  	s3 =	sadd.s32 $0x88, s3;
	s6 =	simm.s32 @!p1 $0x1082;
	[sflag:s4] =	ssyncset.s32 $0xFFFFF086  }
0x25: {  	[simem:s6], [sflag:s4] =	dma.local [hbm:s3], $0xF7A  }
0x26: {  	[smem:$0x3F96] =	sst s1;
	(tag) =	ssettag s2;
	_ =	strace s9  }
0x27: {  	s1 =	sld [smem:$0x3FA6]  }
0x28: {  	s2 =	sld [smem:$0x3FA7]  }
0x29: {  	s4 =	sld [smem:$0x3FA9]  }
0x2a: {  	p0 =	seq.s32 s5, $0x0;
	s5 =	sld [smem:$0x3FAA]  }
0x2b: {  	s6 =	sld [smem:$0x3FAB]  }
0x2c: {  	s7 =	sld [smem:$0x3FAC]  }
0x2d: {  	s3 =	simm.s32 $0x108;
	s8 =	sld [smem:$0x3FAD]  }
0x2e: {  	s3 =	simm.s32 @!p0 $0x1082;
	s9 =	sld [smem:$0x3FAE]  }
0x2f: {  	lr =	sadd.s32 s0, s3;
	s0 =	sld [smem:$0x3FA5]  }
0x30: {  	s3 =	sld [smem:$0x3FA8]  }
0x31: {  	[smem:$0x3FB1] =	sst s10  }
0x32: {  	s10 =	sld [smem:$0x3FAF];
	_ =	sdelay $0x3  }
0x33: {  	p0 =	seq.s32 s10, $0x1;
	s10 =	sld [smem:$0x3FB1];
	_ =	sdelay $0x3  }
0x34: {  	[smem:$0x3FB1] =	sst s10  }
0x35: {  	s10 =	sld [smem:$0x3FB0];
	_ =	sdelay $0x3  }
0x36: {  	p1 =	seq.s32 s10, $0x1;
	s10 =	sld [smem:$0x3FB1];
	_ =	sdelay $0x3  }
0x37: {  	[smem:$0x3FB1] =	sst s10  }
0x38: {  	s10 =	sld [smem:$0x3FB2]  }
0x39: {  	_ = 	snop;
	(pc) =	sbr.ind lr, $3  }
0x3a: {  	_ = 	snop  }
0x3b: {  	_ = 	snop  }
0x3c: {  	p2 =	seq.s32 s10, $0x1;
	s10 =	sld [smem:$0x3FB1]  }
0x3d: {  	_ =	shalt  }
0x3e: {  	_ =	shalt  }
0x3f: {  	_ =	shalt  }
0x40: {  	_ =	shalt  }
0x41: {  	_ =	shalt  }
0x42: {  	_ =	shalt  }
0x43: {  	_ =	shalt  }
0x44: {  	_ =	shalt  }
0x45: {  	_ =	shalt  }
0x46: {  	_ =	shalt  }
0x47: {  	_ =	shalt  }
0x48: {  	_ =	shalt  }
0x49: {  	_ =	shalt  }
0x4a: {  	_ =	shalt  }
0x4b: {  	_ =	shalt  }
0x4c: {  	_ =	shalt  }
0x4d: {  	_ =	shalt  }
0x4e: {  	_ =	shalt  }
0x4f: {  	_ =	shalt  }
0x50: {  	_ =	shalt  }
0x51: {  	_ =	shalt  }
0x52: {  	_ =	shalt  }
0x53: {  	_ =	shalt  }
0x54: {  	_ =	shalt  }
0x55: {  	_ =	shalt  }
0x56: {  	_ =	shalt  }
0x57: {  	_ =	shalt  }
0x58: {  	_ =	shalt  }
0x59: {  	_ =	shalt  }
0x5a: {  	_ =	shalt  }
0x5b: {  	_ =	shalt  }
0x5c: {  	_ =	shalt  }
0x5d: {  	_ =	shalt  }
0x5e: {  	_ =	shalt  }
0x5f: {  	_ =	shalt  }
0x60: {  	_ =	shalt  }
0x61: {  	_ =	shalt  }
0x62: {  	_ =	shalt  }
0x63: {  	_ =	shalt  }
0x64: {  	_ =	shalt  }
0x65: {  	_ =	shalt  }
0x66: {  	_ =	shalt  }
0x67: {  	_ =	shalt  }
0x68: {  	_ =	shalt  }
0x69: {  	_ =	shalt  }
0x6a: {  	_ =	shalt  }
0x6b: {  	_ =	shalt  }
0x6c: {  	_ =	shalt  }
0x6d: {  	_ =	shalt  }
0x6e: {  	_ =	shalt  }
0x6f: {  	_ =	shalt  }
0x70: {  	_ =	shalt  }
0x71: {  	_ =	shalt  }
0x72: {  	_ =	shalt  }
0x73: {  	_ =	shalt  }
0x74: {  	_ =	shalt  }
0x75: {  	_ =	shalt  }
0x76: {  	_ =	shalt  }
0x77: {  	_ =	shalt  }
0x78: {  	_ =	shalt  }
0x79: {  	_ =	shalt  }
0x7a: {  	_ =	shalt  }
0x7b: {  	_ =	shalt  }
0x7c: {  	_ =	shalt  }
0x7d: {  	_ =	shalt  }
0x7e: {  	_ =	shalt  }
0x7f: {  	_ =	shalt  }
0x80: {  	_ =	shalt  }
0x81: {  	_ =	shalt  }
0x82: {  	_ =	shalt  }
0x83: {  	_ =	shalt  }
0x84: {  	_ =	shalt  }
0x85: {  	_ =	shalt  }
0x86: {  	_ =	shalt  }
0x87: {  	_ =	shalt  }
.Lfunc_end0:
.L_simem_size_0:
called_computation.1_lowered:
.L_overlay_start_0:
0x88: {  	s2 =	sld [smem:$0x3FD9]  }
0x89: {  	s3 =	sld [smem:$0x3FFE];
	_ =	sdelay $0x1  }
0x8a: {  	s1 =	srdreg.scid  }
0x8b: {  	s0 =	sand.u32 $0x1, s1  }
0x8c: {  	s16 =	sshll.u32 s0, $0xA;
	s2 =	sadd.s32 s3, s2  }
0x8d: {  	s2 =	sadd.s32 s2, s16  }
0x8e: {  	[smem:$0x3FBD] =	sst s2  }
0x8f: {  	_ = 	snop  }
0x90: {  	(tm) =	ssettm $0x1  }
0x91: {  	s17 =	sld [smem:$0x3FFB];
	_ =	sdelay $0x3  }
0x92: {  	_ =	strace s17  }
0x93: {  	s2 =	sld [smem:$0x3FFC];
	_ =	sdelay $0x3  }
0x94: {  	_ =	strace s2  }
0x95: {  	s2 =	sld [smem:$0x3FFD];
	_ =	sdelay $0x3  }
0x96: {  	_ =	strace s2  }
0x97: {  	_ =	strace $0x8FFFFFFF  }
0x98: {  	s18 =	sld [smem:$0x3FDB];
	_ =	sdelay $0x1  }
0x99: {  	s19 =	simm.s32 $_scs_section_size  }
0x9a: {  	s4 =	simm.s32 $_size__tile_overlayer_lowered;
	s5 =	simm.s32 $_tile_overlayer_lowered  }
0x9b: {  	s22 =	simm.s32 $0x1BFF;
	s21 =	sshll.u32 s5, $0x1;
	s2 =	sadd.s32 s19, s18  }
0x9c: {  	s6 =	simm.s32 $0x0;
	s20 =	sshll.u32 s4, $0x1;
	s4 =	sadd.s32 s21, s2  }
0x9d: {  	[timem:s6], [sflag:s22] =	dma.local [hbm:s4], s20  }
0x9e: {  	_ =	swait.ge [sflag:s22], s20  }
0x9f: {  	s3 =	ssub.s32 $0x0, s20;
	[sflag:s22] =	ssyncset.done $0x0  }
0xa0: {  	[sflag:s22] =	ssyncadd.s32 s3;
	_ =	sdelay $0x1  }
0xa1: {  	s23 =	simm.s32 $0x1B8B  }
0xa2: {  	_ =	swait.ge [sflag:s23], $0x1  }
0xa3: {  	[sflag:s23] =	ssyncset.done $0x0  }
0xa4: {  	s25 =	simm.s32 $0x1B8E;
	s24 =	sld [smem:$0x3FFE];
	[sflag:s23] =	ssyncadd.s32 $0xFFFFFFFF  }
0xa5: {  	s26 =	simm.s32 $execute0_lowered;
	[smem:$0x3FD2] =	sst s25  }
0xa6: {  	s4 =	sshll.u32 s26, $0x1;
	_ =	strace $0x80000049;
	[dreg:$0x1] =	wrdreg $0xFFFFFFFF  }
0xa7: {  	s28 =	simm.s32 $_size_execute0_lowered;
	s2 =	sadd.s32 s2, s4;
	[dreg:$0x0] =	wrdreg $0x0  }
0xa8: {  	s4 =	sshll.u32 s28, $0x1;
	[dreg:$0x2] =	wrdreg s2  }
0xa9: {  	[dreg:$0x3] =	wrdreg s4  }
0xaa: {  	[dreg:$0x4] =	wrdreg $0xC0  }
0xab: {  	_ =	task [dreg:s6], $0x5FFFF  }
0xac: {  	[dreg:$0x1] =	wrdreg $0xFFFFFFFF  }
0xad: {  	[dreg:$0x0] =	wrdreg $0x60  }
0xae: {  	[dreg:$0x2] =	wrdreg s24  }
0xaf: {  	[dreg:$0x3] =	wrdreg $0xAE000  }
0xb0: {  	[dreg:$0x4] =	wrdreg $0x9  }
0xb1: {  	_ =	task.clear_ibuf [dreg:s6], $0x5FFFF;
	_ =	strace $0x90000049  }
0xb2: {  	s29 =	simm.s32 $0x9;
	_ =	strace $0x8000004B  }
0xb3: {  	_ =	swait.ge [sflag:s29], $0x1  }
0xb4: {  	[sflag:s29] =	ssyncadd.s32 $0xFFFFFFFF  }
0xb5: {  	_ =	strace $0x9000004B  }
0xb6: {  	_ =	sfence  }
0xb7: {  	s30 =	sld [smem:$0x0];
	_ =	sdelay $0x2  }
0xb8: {  	s31 =	sshll.u32 s1, $0xD;
	s1 =	sshrl.u32 s1, $0x2  }
0xb9: {  	s3 =	sand.u32 $0x4000, s31;
	s1 =	sadd.s32 s1, s30  }
0xba: {  	s0 =	sor.u32 s3, s0;
	s1 =	sshll.u32 s1, $0x11  }
0xbb: {  	s0 =	sor.u32 s1, s0  }
0xbc: {  	s0 =	sadd.s32 $0x8F2B, s0  }
0xbd: {  	[sflag:s0] =	ssyncadd.remote.s32 $0x1  }
0xbe: {  	_ =	sfence.sel $0xFFFF  }
0xbf: {  	[dreg:$0x0] =	wrdreg $0xFFFFFFFF;
	(pc) =	sbr.abs _section_cstart, $3  }
0xc0: {  	[dreg:$0x1] =	wrdreg $0xFFFFFFFF  }
0xc1: {  	_ =	task.clear_ibuf [dreg:s6], $0x2FFFF;
	_ =	strace $0x9FFFFFFF  }
0xc2: {  	(tm) =	ssettm $0x7FFFFFFF  }
0xc3: {  	_ =	shalt  }
tec
execute0_lowered:
.L_overlay_start_1:
0x0: {  	(tag) =	ssettag $0x1  }
0x1: {  	s0 =	srdreg.scid  }
0x2: {  	s9 =	stileid.u32;
	s1 =	rddreg [dreg:$0x0]  }
0x3: {  	s2 =	rddreg [dreg:$0x1];
	s4 =	simm.s32 $0x0;
	s11 =	simm.s32 $0x5  }
0x4: {  	s12 =	simm.s32 $0x40;
	s13 =	simm.s32 $0x2800;
	s14 =	simm.s32 $0x2A00  }
0x5: {  	s15 =	simm.s32 $0x2880;
	s16 =	simm.s32 $0x4A00;
	s17 =	simm.s32 $0x2900  }
0x6: {  	s18 =	simm.s32 $0x6A00;
	s19 =	simm.s32 $0x2980;
	s20 =	simm.s32 $0x8A00  }
0x7: {  	s21 =	simm.s32 $0x1;
	s22 =	simm.s32 $0x2;
	s23 =	simm.s32 $0x3  }
0x8: {  	s24 =	simm.s32 $0x4;
	s28 =	simm.s32 $0xAD00;
	s29 =	simm.s32 $0xAD80  }
0x9: {  	s30 =	simm.s32 $0x0;
	s0 =	sand.u32 $0x1, s0;
	s3 =	sshll.u32 s9, $0x1  }
0xa: {  	[smem:$0x7FF] =	sst s4;
	s5 =	smul.u32 $0x14000, s9;
	s4 =	sadd.s32 $0x35800, s1  }
0xb: {  	s25 =	smul.u32 $0x50000, s9;
	s31 =	sshll.u32 s9, $0x6;
	s3 =	sor.u32 s0, s3  }
0xc: {  	_ =	strace $0x8000004A;
	s6 =	smul.u32 $0x140000, s0;
	s0 =	ssub.s32 $0x2, s0  }
0xd: {  	s3 =	smul.u32 $0x500, s3;
	s7 =	sshrl.u32 s5, $0x3;
	s8 =	sshrl.u32 s0, $0x1  }
0xe: {  	s26 =	sshrl.u32 s25, $0x2;
	s5 =	sadd.s32 s5, s6;
	s7 =	sadd.s32 s7, s1  }
0xf: {  	s0 =	ssub.s32 s0, s8;
	s10 =	sadd.s32 s26, s2;
	s6 =	sor.u32 $0x1C05, s31  }
0x10: {  	s26 =	simm.s32 $0xAC80;
	s3 =	sadd.s32 s3, s1;
	s5 =	sshrl.u32 s5, $0x3  }
0x11: {  	s9 =	smax.u32 s0, $0x1;
	s10 =	sshrl.u32 s10, $0x3;
	s1 =	sadd.s32 s5, s1  }
0x12: {  	s5 =	sadd.s32 $0xD800, s7;
	s7 =	sadd.s32 $0x85800, s3;
	s8 =	sadd.s32 $0x8F800, s1  }
.LBB2_1:
0x13: {  	[spmem:s10], [sflag:s6] =	dma.local [hbm:s5], $0x2800  }
0x14: {  	_ =	swait.ge [sflag:s11], $0x2800  }
0x15: {  	[sflag:s11] =	ssyncset.done $0x0  }
0x16: {  	s0 =	simm.s32 $0x0;
	[sflag:s11] =	ssyncadd.s32 $0xFFFFD800  }
0x17: {  	[tilespmem:s0], [sflag:$0x5] =	stream.linear.gather [hbm4b:s7+s0], $0x2800, $0x38;
	[tilespmem:$0x1EE00] =	vst v63  }
0x18: {  	_ =	swait.ge [sflag:s11], $0x2800  }
0x19: {  	[sflag:s11] =	ssyncset.done $0x0  }
0x1a: {  	[sflag:s11] =	ssyncadd.s32 $0xFFFFD800  }
0x1b: {  	[bflag:$0x0] =	sbarrier.arrive $0xFFFF  }
0x1c: {  	v0 =	vld [tilespmem:$0x0];
	_ =	sdelay $0x1  }
0x1d: {  	v1 =	vld [tilespmem:$0x10];
	_ =	sdelay $0x1  }
0x1e: {  	v2 =	vld [tilespmem:$0x20]  }
0x1f: {  	v3 =	vand.u32 $0x3FFF, v0  }
0x20: {  	v63 =	vld [tilespmem:$0x30];
	v0 =	vshrl.u32 v0, $0xE;
	[tilespmem:$0x2800] =	vst v3  }
0x21: {  	v5 =	vand.u32 $0x3FFF, v1;
	[tilespmem:$0xAA00] =	vst v0  }
0x22: {  	v6 =	vshrl.u32 v1, $0xE;
	[tilespmem:$0x2810] =	vst v5  }
0x23: {  	v7 =	vand.u32 $0x3FFF, v2;
	[tilespmem:$0xAA10] =	vst v6  }
0x24: {  	v8 =	vshrl.u32 v2, $0xE;
	[tilespmem:$0x2820] =	vst v7  }
0x25: {  	v9 =	vand.u32 $0x3FFF, v63;
	[tilespmem:$0xAA20] =	vst v8  }
0x26: {  	v10 =	vshrl.u32 v63, $0xE;
	[tilespmem:$0x2830] =	vst v9  }
0x27: {  	[tilespmem:$0xAA30] =	vst v10  }
0x28: {  	[tilespmem:s14], [sflag:$0x1] =	stream.indirect.gather [hbm4b:s4+s12], $0x80, s13, s12, $0xb8;
	[tilespmem:$0x1EE00] =	vst v63  }
0x29: {  	v11 =	vld [tilespmem:$0x40];
	_ =	sdelay $0x1  }
0x2a: {  	v12 =	vld [tilespmem:$0x50];
	_ =	sdelay $0x1  }
0x2b: {  	v13 =	vld [tilespmem:$0x60]  }
0x2c: {  	v14 =	vand.u32 $0x3FFF, v11  }
0x2d: {  	v15 =	vld [tilespmem:$0x70];
	v0 =	vshrl.u32 v11, $0xE;
	[tilespmem:$0x2880] =	vst v14  }
0x2e: {  	v16 =	vand.u32 $0x3FFF, v12;
	[tilespmem:$0xAA80] =	vst v0  }
0x2f: {  	v17 =	vshrl.u32 v12, $0xE;
	[tilespmem:$0x2890] =	vst v16  }
0x30: {  	v18 =	vand.u32 $0x3FFF, v13;
	[tilespmem:$0xAA90] =	vst v17  }
0x31: {  	v19 =	vshrl.u32 v13, $0xE;
	[tilespmem:$0x28A0] =	vst v18  }
0x32: {  	v20 =	vand.u32 $0x3FFF, v15;
	[tilespmem:$0xAAA0] =	vst v19  }
0x33: {  	v21 =	vshrl.u32 v15, $0xE;
	[tilespmem:$0x28B0] =	vst v20  }
0x34: {  	[tilespmem:$0xAAB0] =	vst v21  }
0x35: {  	[tilespmem:s16], [sflag:$0x2] =	stream.indirect.gather [hbm4b:s4+s12], $0x80, s15, s12, $0xb8;
	[tilespmem:$0x1EE00] =	vst v63  }
0x36: {  	v22 =	vld [tilespmem:$0x80];
	_ =	sdelay $0x1  }
0x37: {  	v23 =	vld [tilespmem:$0x90];
	_ =	sdelay $0x1  }
0x38: {  	v24 =	vld [tilespmem:$0xA0]  }
0x39: {  	v25 =	vand.u32 $0x3FFF, v22  }
0x3a: {  	v26 =	vld [tilespmem:$0xB0];
	v0 =	vshrl.u32 v22, $0xE;
	[tilespmem:$0x2900] =	vst v25  }
0x3b: {  	v27 =	vand.u32 $0x3FFF, v23;
	[tilespmem:$0xAB00] =	vst v0  }
0x3c: {  	v28 =	vshrl.u32 v23, $0xE;
	[tilespmem:$0x2910] =	vst v27  }
0x3d: {  	v29 =	vand.u32 $0x3FFF, v24;
	[tilespmem:$0xAB10] =	vst v28  }
0x3e: {  	v30 =	vshrl.u32 v24, $0xE;
	[tilespmem:$0x2920] =	vst v29  }
0x3f: {  	v31 =	vand.u32 $0x3FFF, v26;
	[tilespmem:$0xAB20] =	vst v30  }
0x40: {  	v32 =	vshrl.u32 v26, $0xE;
	[tilespmem:$0x2930] =	vst v31  }
0x41: {  	[tilespmem:$0xAB30] =	vst v32  }
0x42: {  	[tilespmem:s18], [sflag:$0x3] =	stream.indirect.gather [hbm4b:s4+s12], $0x80, s17, s12, $0xb8;
	[tilespmem:$0x1EE00] =	vst v63  }
0x43: {  	v33 =	vld [tilespmem:$0xC0];
	_ =	sdelay $0x1  }
0x44: {  	v34 =	vld [tilespmem:$0xD0];
	_ =	sdelay $0x1  }
0x45: {  	v35 =	vld [tilespmem:$0xE0]  }
0x46: {  	v36 =	vand.u32 $0x3FFF, v33  }
0x47: {  	v37 =	vld [tilespmem:$0xF0];
	v0 =	vshrl.u32 v33, $0xE;
	[tilespmem:$0x2980] =	vst v36  }
0x48: {  	v38 =	vand.u32 $0x3FFF, v34;
	[tilespmem:$0xAB80] =	vst v0  }
0x49: {  	v39 =	vshrl.u32 v34, $0xE;
	[tilespmem:$0x2990] =	vst v38  }
0x4a: {  	v40 =	vand.u32 $0x3FFF, v35;
	[tilespmem:$0xAB90] =	vst v39  }
0x4b: {  	v41 =	vshrl.u32 v35, $0xE;
	[tilespmem:$0x29A0] =	vst v40  }
0x4c: {  	v42 =	vand.u32 $0x3FFF, v37;
	[tilespmem:$0xABA0] =	vst v41  }
0x4d: {  	v43 =	vshrl.u32 v37, $0xE;
	[tilespmem:$0x29B0] =	vst v42  }
0x4e: {  	[tilespmem:$0xABB0] =	vst v43  }
0x4f: {  	[tilespmem:s20], [sflag:$0x4] =	stream.indirect.gather [hbm4b:s4+s12], $0x80, s19, s12, $0xb8;
	[tilespmem:$0x1EE00] =	vst v63  }
0x50: {  	s3 =	simm.s32 $0x0;
	_ =	swait.ge [sflag:s21], $0x2000  }
0x51: {  	s3 =	sand.u32 $0x200, s3;
	[sflag:s21] =	ssyncset.done $0x0  }
0x52: {  	s0 =	sadd.s32 $0xAA00, s3;
	[sflag:s21] =	ssyncadd.s32 $0xFFFFE000  }
0x53: {  	[spmem:s2] =	stream.indirect.scatter.add.f32 [tilespmem:s14], [sflag:$0x5], $0x80, s0, s12, $0xb8;
	[tilespmem:$0x1EE00] =	vst v63  }
0x54: {  	_ =	swait.ge [sflag:s11], $0x2000  }
0x55: {  	[sflag:s11] =	ssyncset.done $0x0  }
0x56: {  	s25 =	simm.s32 $0x1F0;
	[sflag:s11] =	ssyncadd.s32 $0xFFFFE000  }
0x57: {  	v44 =	vld [tilespmem:s25+$0xFFFFFF10];
	_ =	sdelay $0x4  }
0x58: {  	s1 =	simm.s32 $0x200;
	v45 =	vand.u32 $0x3FFF, v44  }
0x59: {  	s1 =	sand.u32 $0x200, s1;
	v0 =	vshrl.u32 v44, $0xE;
	[tilespmem:$0x2800] =	vst v45  }
0x5a: {  	[tilespmem:s1+$0xAA00] =	vst v0  }
0x5b: {  	v0 =	vld [tilespmem:s25+$0xFFFFFF20];
	_ =	sdelay $0x4  }
0x5c: {  	v46 =	vand.u32 $0x3FFF, v0  }
0x5d: {  	v0 =	vshrl.u32 v0, $0xE;
	[tilespmem:$0x2810] =	vst v46  }
0x5e: {  	[tilespmem:s1+$0xAA10] =	vst v0  }
0x5f: {  	v0 =	vld [tilespmem:s25+$0xFFFFFF30];
	_ =	sdelay $0x4  }
0x60: {  	v47 =	vand.u32 $0x3FFF, v0  }
0x61: {  	v0 =	vshrl.u32 v0, $0xE;
	[tilespmem:$0x2820] =	vst v47  }
0x62: {  	[tilespmem:s1+$0xAA20] =	vst v0  }
0x63: {  	v0 =	vld [tilespmem:s25+$0xFFFFFF40];
	_ =	sdelay $0x4  }
0x64: {  	v48 =	vand.u32 $0x3FFF, v0  }
0x65: {  	v0 =	vshrl.u32 v0, $0xE;
	[tilespmem:$0x2830] =	vst v48  }
0x66: {  	[tilespmem:s1+$0xAA30] =	vst v0  }
0x67: {  	[tilespmem:s14], [sflag:$0x1] =	stream.indirect.gather [hbm4b:s4+s12], $0x80, s13, s12, $0xb8;
	[tilespmem:$0x1EE00] =	vst v63  }
0x68: {  	_ =	swait.ge [sflag:s22], $0x2000  }
0x69: {  	[sflag:s22] =	ssyncset.done $0x0  }
0x6a: {  	s31 =	sadd.s32 $0xAA80, s3;
	[sflag:s22] =	ssyncadd.s32 $0xFFFFE000  }
0x6b: {  	[spmem:s2] =	stream.indirect.scatter.add.f32 [tilespmem:s16], [sflag:$0x5], $0x80, s31, s12, $0xb8;
	[tilespmem:$0x1EE00] =	vst v63  }
0x6c: {  	_ =	swait.ge [sflag:s11], $0x2000  }
0x6d: {  	[sflag:s11] =	ssyncset.done $0x0  }
0x6e: {  	[sflag:s11] =	ssyncadd.s32 $0xFFFFE000  }
0x6f: {  	v49 =	vld [tilespmem:s25+$0xFFFFFF50];
	_ =	sdelay $0x4  }
0x70: {  	v50 =	vand.u32 $0x3FFF, v49  }
0x71: {  	v0 =	vshrl.u32 v49, $0xE;
	[tilespmem:$0x2880] =	vst v50  }
0x72: {  	[tilespmem:s1+$0xAA80] =	vst v0  }
0x73: {  	v0 =	vld [tilespmem:s25+$0xFFFFFF60];
	_ =	sdelay $0x4  }
0x74: {  	v51 =	vand.u32 $0x3FFF, v0  }
0x75: {  	v0 =	vshrl.u32 v0, $0xE;
	[tilespmem:$0x2890] =	vst v51  }
0x76: {  	[tilespmem:s1+$0xAA90] =	vst v0  }
0x77: {  	v0 =	vld [tilespmem:s25+$0xFFFFFF70];
	_ =	sdelay $0x4  }
0x78: {  	v52 =	vand.u32 $0x3FFF, v0  }
0x79: {  	v0 =	vshrl.u32 v0, $0xE;
	[tilespmem:$0x28A0] =	vst v52  }
0x7a: {  	[tilespmem:s1+$0xAAA0] =	vst v0  }
0x7b: {  	v0 =	vld [tilespmem:s25+$0xFFFFFF80];
	_ =	sdelay $0x4  }
0x7c: {  	v53 =	vand.u32 $0x3FFF, v0  }
0x7d: {  	v0 =	vshrl.u32 v0, $0xE;
	[tilespmem:$0x28B0] =	vst v53  }
0x7e: {  	[tilespmem:s1+$0xAAB0] =	vst v0  }
0x7f: {  	[tilespmem:s16], [sflag:$0x2] =	stream.indirect.gather [hbm4b:s4+s12], $0x80, s15, s12, $0xb8;
	[tilespmem:$0x1EE00] =	vst v63  }
0x80: {  	_ =	swait.ge [sflag:s23], $0x2000  }
0x81: {  	[sflag:s23] =	ssyncset.done $0x0  }
0x82: {  	s31 =	sadd.s32 $0xAB00, s3;
	[sflag:s23] =	ssyncadd.s32 $0xFFFFE000  }
0x83: {  	[spmem:s2] =	stream.indirect.scatter.add.f32 [tilespmem:s18], [sflag:$0x5], $0x80, s31, s12, $0xb8;
	[tilespmem:$0x1EE00] =	vst v63  }
0x84: {  	_ =	swait.ge [sflag:s11], $0x2000  }
0x85: {  	[sflag:s11] =	ssyncset.done $0x0  }
0x86: {  	[sflag:s11] =	ssyncadd.s32 $0xFFFFE000  }
0x87: {  	v54 =	vld [tilespmem:s25+$0xFFFFFF90];
	_ =	sdelay $0x4  }
0x88: {  	v55 =	vand.u32 $0x3FFF, v54  }
0x89: {  	v0 =	vshrl.u32 v54, $0xE;
	[tilespmem:$0x2900] =	vst v55  }
0x8a: {  	[tilespmem:s1+$0xAB00] =	vst v0  }
0x8b: {  	v0 =	vld [tilespmem:s25+$0xFFFFFFA0];
	_ =	sdelay $0x4  }
0x8c: {  	v56 =	vand.u32 $0x3FFF, v0  }
0x8d: {  	v0 =	vshrl.u32 v0, $0xE;
	[tilespmem:$0x2910] =	vst v56  }
0x8e: {  	[tilespmem:s1+$0xAB10] =	vst v0  }
0x8f: {  	v0 =	vld [tilespmem:s25+$0xFFFFFFB0];
	_ =	sdelay $0x4  }
0x90: {  	v57 =	vand.u32 $0x3FFF, v0  }
0x91: {  	v0 =	vshrl.u32 v0, $0xE;
	[tilespmem:$0x2920] =	vst v57  }
0x92: {  	[tilespmem:s1+$0xAB20] =	vst v0  }
0x93: {  	v0 =	vld [tilespmem:s25+$0xFFFFFFC0];
	_ =	sdelay $0x4  }
0x94: {  	v58 =	vand.u32 $0x3FFF, v0  }
0x95: {  	v0 =	vshrl.u32 v0, $0xE;
	[tilespmem:$0x2930] =	vst v58  }
0x96: {  	[tilespmem:s1+$0xAB30] =	vst v0  }
0x97: {  	[tilespmem:s18], [sflag:$0x3] =	stream.indirect.gather [hbm4b:s4+s12], $0x80, s17, s12, $0xb8;
	[tilespmem:$0x1EE00] =	vst v63  }
0x98: {  	_ =	swait.ge [sflag:s24], $0x2000  }
0x99: {  	[sflag:s24] =	ssyncset.done $0x0  }
0x9a: {  	s3 =	sadd.s32 $0xAB80, s3;
	[sflag:s24] =	ssyncadd.s32 $0xFFFFE000  }
0x9b: {  	[spmem:s2] =	stream.indirect.scatter.add.f32 [tilespmem:s20], [sflag:$0x5], $0x80, s3, s12, $0xb8;
	[tilespmem:$0x1EE00] =	vst v63  }
0x9c: {  	_ =	swait.ge [sflag:s11], $0x2000  }
0x9d: {  	[sflag:s11] =	ssyncset.done $0x0  }
0x9e: {  	[sflag:s11] =	ssyncadd.s32 $0xFFFFE000  }
0x9f: {  	v59 =	vld [tilespmem:s25+$0xFFFFFFD0];
	_ =	sdelay $0x4  }
0xa0: {  	v60 =	vand.u32 $0x3FFF, v59  }
0xa1: {  	v0 =	vshrl.u32 v59, $0xE;
	[tilespmem:$0x2980] =	vst v60  }
0xa2: {  	[tilespmem:s1+$0xAB80] =	vst v0  }
0xa3: {  	v0 =	vld [tilespmem:s25+$0xFFFFFFE0];
	_ =	sdelay $0x4  }
0xa4: {  	v61 =	vand.u32 $0x3FFF, v0  }
0xa5: {  	v0 =	vshrl.u32 v0, $0xE;
	[tilespmem:$0x2990] =	vst v61  }
0xa6: {  	[tilespmem:s1+$0xAB90] =	vst v0  }
0xa7: {  	v0 =	vld [tilespmem:s25+$0xFFFFFFF0];
	_ =	sdelay $0x4  }
0xa8: {  	v62 =	vand.u32 $0x3FFF, v0  }
0xa9: {  	v0 =	vshrl.u32 v0, $0xE;
	[tilespmem:$0x29A0] =	vst v62  }
0xaa: {  	[tilespmem:s1+$0xABA0] =	vst v0  }
0xab: {  	v0 =	vld [tilespmem:s25+$0x0];
	_ =	sdelay $0x4  }
0xac: {  	v63 =	vand.u32 $0x3FFF, v0  }
0xad: {  	v0 =	vshrl.u32 v0, $0xE;
	[tilespmem:$0x29B0] =	vst v63  }
0xae: {  	s31 =	simm.s32 $0x400;
	[tilespmem:s1+$0xABB0] =	vst v0;
	s1 =	simm.s32 $0x2F0  }
.LBB2_2:
0xaf: {  	[tilespmem:s20], [sflag:$0x4] =	stream.indirect.gather [hbm4b:s4+s12], $0x80, s19, s12, $0xb8;
	[tilespmem:$0x1EE00] =	vst v63  }
0xb0: {  	s0 =	smov.u32 s31  }
0xb1: {  	s3 =	sadd.s32 $0xFFFFFE00, s31;
	p0 =	sne.s32 s31, $0x4E00;
	_ =	swait.ge [sflag:s21], $0x2000  }
0xb2: {  	s31 =	sadd.s32 $0x200, s31;
	s3 =	sand.u32 $0x200, s3;
	[sflag:s21] =	ssyncset.done $0x0  }
0xb3: {  	s25 =	sadd.s32 $0xAA00, s3;
	[sflag:s21] =	ssyncadd.s32 $0xFFFFE000  }
0xb4: {  	[spmem:s2] =	stream.indirect.scatter.add.f32 [tilespmem:s14], [sflag:$0x5], $0x80, s25, s12, $0xb8;
	[tilespmem:$0x1EE00] =	vst v63  }
0xb5: {  	_ =	swait.ge [sflag:s11], $0x2000  }
0xb6: {  	[sflag:s11] =	ssyncset.done $0x0  }
0xb7: {  	[sflag:s11] =	ssyncadd.s32 $0xFFFFE000  }
0xb8: {  	v0 =	vld [tilespmem:s1+$0xFFFFFF10];
	_ =	sdelay $0x4  }
0xb9: {  	v1 =	vand.u32 $0x3FFF, v0  }
0xba: {  	s0 =	sand.u32 $0x200, s0;
	v0 =	vshrl.u32 v0, $0xE;
	[tilespmem:$0x2800] =	vst v1  }
0xbb: {  	[tilespmem:s0+$0xAA00] =	vst v0  }
0xbc: {  	v0 =	vld [tilespmem:s1+$0xFFFFFF20];
	_ =	sdelay $0x4  }
0xbd: {  	v1 =	vand.u32 $0x3FFF, v0  }
0xbe: {  	v0 =	vshrl.u32 v0, $0xE;
	[tilespmem:$0x2810] =	vst v1  }
0xbf: {  	[tilespmem:s0+$0xAA10] =	vst v0  }
0xc0: {  	v0 =	vld [tilespmem:s1+$0xFFFFFF30];
	_ =	sdelay $0x4  }
0xc1: {  	v1 =	vand.u32 $0x3FFF, v0  }
0xc2: {  	v0 =	vshrl.u32 v0, $0xE;
	[tilespmem:$0x2820] =	vst v1  }
0xc3: {  	[tilespmem:s0+$0xAA20] =	vst v0  }
0xc4: {  	v0 =	vld [tilespmem:s1+$0xFFFFFF40];
	_ =	sdelay $0x4  }
0xc5: {  	v1 =	vand.u32 $0x3FFF, v0  }
0xc6: {  	v0 =	vshrl.u32 v0, $0xE;
	[tilespmem:$0x2830] =	vst v1  }
0xc7: {  	[tilespmem:s0+$0xAA30] =	vst v0  }
0xc8: {  	[tilespmem:s14], [sflag:$0x1] =	stream.indirect.gather [hbm4b:s4+s12], $0x80, s13, s12, $0xb8;
	[tilespmem:$0x1EE00] =	vst v63  }
0xc9: {  	_ =	swait.ge [sflag:s22], $0x2000  }
0xca: {  	[sflag:s22] =	ssyncset.done $0x0  }
0xcb: {  	s25 =	sadd.s32 $0xAA80, s3;
	[sflag:s22] =	ssyncadd.s32 $0xFFFFE000  }
0xcc: {  	[spmem:s2] =	stream.indirect.scatter.add.f32 [tilespmem:s16], [sflag:$0x5], $0x80, s25, s12, $0xb8;
	[tilespmem:$0x1EE00] =	vst v63  }
0xcd: {  	_ =	swait.ge [sflag:s11], $0x2000  }
0xce: {  	[sflag:s11] =	ssyncset.done $0x0  }
0xcf: {  	[sflag:s11] =	ssyncadd.s32 $0xFFFFE000  }
0xd0: {  	v0 =	vld [tilespmem:s1+$0xFFFFFF50];
	_ =	sdelay $0x4  }
0xd1: {  	v1 =	vand.u32 $0x3FFF, v0  }
0xd2: {  	v0 =	vshrl.u32 v0, $0xE;
	[tilespmem:$0x2880] =	vst v1  }
0xd3: {  	[tilespmem:s0+$0xAA80] =	vst v0  }
0xd4: {  	v0 =	vld [tilespmem:s1+$0xFFFFFF60];
	_ =	sdelay $0x4  }
0xd5: {  	v1 =	vand.u32 $0x3FFF, v0  }
0xd6: {  	v0 =	vshrl.u32 v0, $0xE;
	[tilespmem:$0x2890] =	vst v1  }
0xd7: {  	[tilespmem:s0+$0xAA90] =	vst v0  }
0xd8: {  	v0 =	vld [tilespmem:s1+$0xFFFFFF70];
	_ =	sdelay $0x4  }
0xd9: {  	v1 =	vand.u32 $0x3FFF, v0  }
0xda: {  	v0 =	vshrl.u32 v0, $0xE;
	[tilespmem:$0x28A0] =	vst v1  }
0xdb: {  	[tilespmem:s0+$0xAAA0] =	vst v0  }
0xdc: {  	v0 =	vld [tilespmem:s1+$0xFFFFFF80];
	_ =	sdelay $0x4  }
0xdd: {  	v1 =	vand.u32 $0x3FFF, v0  }
0xde: {  	v0 =	vshrl.u32 v0, $0xE;
	[tilespmem:$0x28B0] =	vst v1  }
0xdf: {  	[tilespmem:s0+$0xAAB0] =	vst v0  }
0xe0: {  	[tilespmem:s16], [sflag:$0x2] =	stream.indirect.gather [hbm4b:s4+s12], $0x80, s15, s12, $0xb8;
	[tilespmem:$0x1EE00] =	vst v63  }
0xe1: {  	_ =	swait.ge [sflag:s23], $0x2000  }
0xe2: {  	[sflag:s23] =	ssyncset.done $0x0  }
0xe3: {  	s25 =	sadd.s32 $0xAB00, s3;
	[sflag:s23] =	ssyncadd.s32 $0xFFFFE000  }
0xe4: {  	[spmem:s2] =	stream.indirect.scatter.add.f32 [tilespmem:s18], [sflag:$0x5], $0x80, s25, s12, $0xb8;
	[tilespmem:$0x1EE00] =	vst v63  }
0xe5: {  	_ =	swait.ge [sflag:s11], $0x2000  }
0xe6: {  	[sflag:s11] =	ssyncset.done $0x0  }
0xe7: {  	[sflag:s11] =	ssyncadd.s32 $0xFFFFE000  }
0xe8: {  	v0 =	vld [tilespmem:s1+$0xFFFFFF90];
	_ =	sdelay $0x4  }
0xe9: {  	v1 =	vand.u32 $0x3FFF, v0  }
0xea: {  	v0 =	vshrl.u32 v0, $0xE;
	[tilespmem:$0x2900] =	vst v1  }
0xeb: {  	[tilespmem:s0+$0xAB00] =	vst v0  }
0xec: {  	v0 =	vld [tilespmem:s1+$0xFFFFFFA0];
	_ =	sdelay $0x4  }
0xed: {  	v1 =	vand.u32 $0x3FFF, v0  }
0xee: {  	v0 =	vshrl.u32 v0, $0xE;
	[tilespmem:$0x2910] =	vst v1  }
0xef: {  	[tilespmem:s0+$0xAB10] =	vst v0  }
0xf0: {  	v0 =	vld [tilespmem:s1+$0xFFFFFFB0];
	_ =	sdelay $0x4  }
0xf1: {  	v1 =	vand.u32 $0x3FFF, v0  }
0xf2: {  	v0 =	vshrl.u32 v0, $0xE;
	[tilespmem:$0x2920] =	vst v1  }
0xf3: {  	[tilespmem:s0+$0xAB20] =	vst v0  }
0xf4: {  	v0 =	vld [tilespmem:s1+$0xFFFFFFC0];
	_ =	sdelay $0x4  }
0xf5: {  	v1 =	vand.u32 $0x3FFF, v0  }
0xf6: {  	v0 =	vshrl.u32 v0, $0xE;
	[tilespmem:$0x2930] =	vst v1  }
0xf7: {  	[tilespmem:s0+$0xAB30] =	vst v0  }
0xf8: {  	[tilespmem:s18], [sflag:$0x3] =	stream.indirect.gather [hbm4b:s4+s12], $0x80, s17, s12, $0xb8;
	[tilespmem:$0x1EE00] =	vst v63  }
0xf9: {  	_ =	swait.ge [sflag:s24], $0x2000  }
0xfa: {  	[sflag:s24] =	ssyncset.done $0x0  }
0xfb: {  	s3 =	sadd.s32 $0xAB80, s3;
	[sflag:s24] =	ssyncadd.s32 $0xFFFFE000  }
0xfc: {  	[spmem:s2] =	stream.indirect.scatter.add.f32 [tilespmem:s20], [sflag:$0x5], $0x80, s3, s12, $0xb8;
	[tilespmem:$0x1EE00] =	vst v63  }
0xfd: {  	_ =	swait.ge [sflag:s11], $0x2000  }
0xfe: {  	[sflag:s11] =	ssyncset.done $0x0  }
0xff: {  	[sflag:s11] =	ssyncadd.s32 $0xFFFFE000  }
0x100: {  	v0 =	vld [tilespmem:s1+$0xFFFFFFD0];
	_ =	sdelay $0x4  }
0x101: {  	v1 =	vand.u32 $0x3FFF, v0  }
0x102: {  	v0 =	vshrl.u32 v0, $0xE;
	[tilespmem:$0x2980] =	vst v1  }
0x103: {  	[tilespmem:s0+$0xAB80] =	vst v0  }
0x104: {  	v0 =	vld [tilespmem:s1+$0xFFFFFFE0];
	_ =	sdelay $0x4  }
0x105: {  	v1 =	vand.u32 $0x3FFF, v0  }
0x106: {  	v0 =	vshrl.u32 v0, $0xE;
	[tilespmem:$0x2990] =	vst v1  }
0x107: {  	[tilespmem:s0+$0xAB90] =	vst v0  }
0x108: {  	v0 =	vld [tilespmem:s1+$0xFFFFFFF0];
	_ =	sdelay $0x4  }
0x109: {  	v1 =	vand.u32 $0x3FFF, v0  }
0x10a: {  	v0 =	vshrl.u32 v0, $0xE;
	[tilespmem:$0x29A0] =	vst v1  }
0x10b: {  	[tilespmem:s0+$0xABA0] =	vst v0  }
0x10c: {  	v0 =	vld [tilespmem:s1+$0x0];
	_ =	sdelay $0x2  }
.Ltmp0:
0x10d: {  	(pc) =	sbr.rel @p0 .LBB2_2-.Ltmp0, $4  }
0x10e: {  	_ = 	snop  }
0x10f: {  	v1 =	vand.u32 $0x3FFF, v0  }
0x110: {  	v0 =	vshrl.u32 v0, $0xE;
	[tilespmem:$0x29B0] =	vst v1  }
0x111: {  	s1 =	sadd.s32 $0x100, s1;
	[tilespmem:s0+$0xABB0] =	vst v0  }
0x112: {  	[tilespmem:s20], [sflag:$0x4] =	stream.indirect.gather [hbm4b:s4+s12], $0x80, s19, s12, $0xb8;
	[tilespmem:$0x1EE00] =	vst v63  }
0x113: {  	_ =	swait.ge [sflag:s21], $0x2000  }
0x114: {  	[sflag:s21] =	ssyncset.done $0x0  }
0x115: {  	s0 =	simm.s32 $0xAC00;
	[sflag:s21] =	ssyncadd.s32 $0xFFFFE000  }
0x116: {  	[spmem:s2] =	stream.indirect.scatter.add.f32 [tilespmem:s14], [sflag:$0x5], $0x80, s0, s12, $0xb8;
	[tilespmem:$0x1EE00] =	vst v63  }
0x117: {  	_ =	swait.ge [sflag:s11], $0x2000  }
0x118: {  	[sflag:s11] =	ssyncset.done $0x0  }
0x119: {  	[sflag:s11] =	ssyncadd.s32 $0xFFFFE000  }
0x11a: {  	_ =	swait.ge [sflag:s22], $0x2000  }
0x11b: {  	[sflag:s22] =	ssyncset.done $0x0  }
0x11c: {  	[sflag:s22] =	ssyncadd.s32 $0xFFFFE000  }
0x11d: {  	[spmem:s2] =	stream.indirect.scatter.add.f32 [tilespmem:s16], [sflag:$0x5], $0x80, s26, s12, $0xb8;
	[tilespmem:$0x1EE00] =	vst v63  }
0x11e: {  	_ =	swait.ge [sflag:s11], $0x2000  }
0x11f: {  	[sflag:s11] =	ssyncset.done $0x0  }
0x120: {  	[sflag:s11] =	ssyncadd.s32 $0xFFFFE000  }
0x121: {  	_ =	swait.ge [sflag:s23], $0x2000  }
0x122: {  	[sflag:s23] =	ssyncset.done $0x0  }
0x123: {  	[sflag:s23] =	ssyncadd.s32 $0xFFFFE000  }
0x124: {  	[spmem:s2] =	stream.indirect.scatter.add.f32 [tilespmem:s18], [sflag:$0x5], $0x80, s28, s12, $0xb8;
	[tilespmem:$0x1EE00] =	vst v63  }
0x125: {  	_ =	swait.ge [sflag:s11], $0x2000  }
0x126: {  	[sflag:s11] =	ssyncset.done $0x0  }
0x127: {  	[sflag:s11] =	ssyncadd.s32 $0xFFFFE000  }
0x128: {  	_ =	swait.ge [sflag:s24], $0x2000  }
0x129: {  	[sflag:s24] =	ssyncset.done $0x0  }
0x12a: {  	[sflag:s24] =	ssyncadd.s32 $0xFFFFE000  }
0x12b: {  	[spmem:s2] =	stream.indirect.scatter.add.f32 [tilespmem:s20], [sflag:$0x5], $0x80, s29, s12, $0xb8;
	[tilespmem:$0x1EE00] =	vst v63  }
0x12c: {  	_ =	swait.ge [sflag:s11], $0x2000  }
0x12d: {  	s30 =	sadd.s32 $0x1, s30;
	[sflag:s11] =	ssyncset.done $0x0  }
0x12e: {  	p0 =	sne.s32 s30, s9;
	[sflag:s11] =	ssyncadd.s32 $0xFFFFE000  }
.Ltmp1:
0x12f: {  	[bflag:$0x0] =	sbarrier.arrive $0xFFFF;
	(pc) =	sbr.rel @p0 .LBB2_1-.Ltmp1, $4  }
0x130: {  	[hbm:s8], [sflag:s6] =	dma.local [spmem:s10], $0x2800  }
0x131: {  	_ =	swait.ge [sflag:s11], $0x2800  }
0x132: {  	[sflag:s11] =	ssyncset.done $0x0  }
0x133: {  	[sflag:s11] =	ssyncadd.s32 $0xFFFFD800  }
0x134: {  	_ =	sfence.sel $0x180000  }
0x135: {  	[bflag:$0x0] =	sbarrier.arrive $0xFFFF  }
0x136: {  	_ =	strace $0x9000004A  }
0x137: {  	s0 =	stileid.u32;
	[bflag:$0x2] =	sbarrier.arrive $0xFFFF  }
0x138: {  	p0 =	sne.s32 s0, $0x0;
	s0 =	rddreg [dreg:$0x2]  }
0x139: {  	s0 =	sadd.s32 @!p0 $0x100000, s0  }
0x13a: {  	[sflag:s0] =	ssyncadd.tile.s32 @!p0 $0x1;
	_ =	shalt  }
.Lfunc_end2:
_tile_overlayer_lowered:
.L_overlay_start_2:
0x13b: {  	(tag) =	ssettag $0x2  }
0x13c: {  	s0 =	rddreg [dreg:$0x0];
	s2 =	stileid.u32  }
0x13d: {  	s1 =	rddreg [dreg:$0x1];
	p0 =	sne.s32 s2, $0x0  }
0x13e: {  	s3 =	rddreg [dreg:$0x2];
	[bflag:$0x3] =	sbarrier.arrive $0xFFFF;
	s2 =	simm.s32 @!p0 $0x1C05  }
0x13f: {  	[timem:s3], [sflag:s2] =	dma.local @!p0 [hbm:s0], s1  }
0x140: {  	s0 =	simm.s32 @!p0 $0x5  }
0x141: {  	_ =	swait.ge @!p0 [sflag:s0], s1  }
0x142: {  	s1 =	ssub.s32 @!p0 $0x0, s1;
	[sflag:s0] =	ssyncset.done @!p0 $0x0  }
0x143: {  	[sflag:s0] =	ssyncadd.s32 @!p0 s1  }
0x144: {  	[bflag:$0x3] =	sbarrier.arrive $0xFFFF  }
0x145: {  	_ =	shalt  }

// kernel: kernel.14.cloned.1.call-start
scs
__scs_entry_jumppad:
0x0: {  	(pc) =	sbr.rel $0x88, $3  }
0x1: {  	(tag) =	ssettag $0x0;
	lr =	simm.s32 $0x1  }
0x2: {  	[smem:$0x3F96] =	sst lr;
	_ =	strace $0xD0000000  }
0x3: {  	_ = 	snop  }
0x4: {  	_ = 	snop  }
0x5: {  	_ = 	snop  }
0x6: {  	_ = 	snop  }
0x7: {  	_ = 	snop  }
__scs_overlays_trampoline_lowered:
0x8: {  	[smem:$0x3FA5] =	sst s0  }
0x9: {  	[smem:$0x3FA6] =	sst s1  }
0xa: {  	[smem:$0x3FA7] =	sst s2  }
0xb: {  	[smem:$0x3FA8] =	sst s3  }
0xc: {  	[smem:$0x3FA9] =	sst s4  }
0xd: {  	[smem:$0x3FAA] =	sst s5  }
0xe: {  	[smem:$0x3FAB] =	sst s6  }
0xf: {  	[smem:$0x3FAC] =	sst s7  }
0x10: {  	[smem:$0x3FAD] =	sst s8  }
0x11: {  	[smem:$0x3FAE] =	sst s9;
	s0 =	simm.s32 @!p0 $0x0  }
0x12: {  	s1 =	sld [smem:$0x3F94];
	s0 =	simm.s32 @p0 $0x1  }
0x13: {  	[smem:$0x3FAF] =	sst s0;
	s0 =	simm.s32 @!p1 $0x0  }
0x14: {  	s2 =	sld [smem:$0x3F93];
	s0 =	simm.s32 @p1 $0x1  }
0x15: {  	[smem:$0x3FB0] =	sst s0;
	s0 =	simm.s32 @!p2 $0x0  }
0x16: {  	s3 =	sld [smem:$0x3FDB];
	s0 =	simm.s32 @p2 $0x1  }
0x17: {  	s4 =	simm.s32 $0x1BF5;
	[smem:$0x3FB2] =	sst s0  }
0x18: {  	s0 =	sld [smem:$0x3F95];
	_ =	swait.ge [sflag:s4], $0x0  }
0x19: {  	s7 =	sld [smem:$0x3F96]  }
0x1a: {  	s8 =	sadd.s32 $0xFFFFE003, lr  }
0x1b: {  	s9 =	sadd.s32 $0xFFFFFEF7, lr;
	s5 =	simm.s32 $0xFFFFFFFF;
	p2 =	slt.u32 s8, $0xFFFFF086  }
0x1c: {  	p1 =	slt.u32 s9, $0xF7A;
	s5 =	simm.s32 @!p2 $0x0  }
0x1d: {  	s5 =	simm.s32 @p1 $0x1;
	p0 =	seq.s32 s7, s2  }
0x1e: {  	s7 =	smul.u32 @!p0 $0xF7A, s2;
	p2 =	seq.s32 @!p0 s5, $0x0  }
0x1f: {  	s9 =	smul.u32 $0xF7A, s1;
	s8 =	simm.s32 @!p0 $0x1BF5;
	p2 =	por !p2, p0  }
0x20: {  	[sflag:s8] =	ssyncset.s32 @!p0 $0xFFFFF086;
	s6 =	sadd.s32 @!p0 s3, s7;
	s7 =	simm.s32 @!p0 $0x108  }
0x21: {  	s3 =	sadd.s32 s3, s9;
	s6 =	sadd.s32 @!p0 $0x88, s6;
	s7 =	simm.s32 @p2 $0x1082  }
0x22: {  	[simem:s7], [sflag:s8] =	dma.local @!p0 [hbm:s6], $0xF7A  }
0x23: {  	s9 =	sor.u32 $0xD0000000, s2;
	s6 =	simm.s32 $0x108;
	_ =	swait.ge @!p0 [sflag:s8], $0x0  }
0x24: {  	s3 =	sadd.s32 $0x88, s3;
	s6 =	simm.s32 @!p1 $0x1082;
	[sflag:s4] =	ssyncset.s32 $0xFFFFF086  }
0x25: {  	[simem:s6], [sflag:s4] =	dma.local [hbm:s3], $0xF7A  }
0x26: {  	[smem:$0x3F96] =	sst s1;
	(tag) =	ssettag s2;
	_ =	strace s9  }
0x27: {  	s1 =	sld [smem:$0x3FA6]  }
0x28: {  	s2 =	sld [smem:$0x3FA7]  }
0x29: {  	s4 =	sld [smem:$0x3FA9]  }
0x2a: {  	p0 =	seq.s32 s5, $0x0;
	s5 =	sld [smem:$0x3FAA]  }
0x2b: {  	s6 =	sld [smem:$0x3FAB]  }
0x2c: {  	s7 =	sld [smem:$0x3FAC]  }
0x2d: {  	s3 =	simm.s32 $0x108;
	s8 =	sld [smem:$0x3FAD]  }
0x2e: {  	s3 =	simm.s32 @!p0 $0x1082;
	s9 =	sld [smem:$0x3FAE]  }
0x2f: {  	lr =	sadd.s32 s0, s3;
	s0 =	sld [smem:$0x3FA5]  }
0x30: {  	s3 =	sld [smem:$0x3FA8]  }
0x31: {  	[smem:$0x3FB1] =	sst s10  }
0x32: {  	s10 =	sld [smem:$0x3FAF];
	_ =	sdelay $0x3  }
0x33: {  	p0 =	seq.s32 s10, $0x1;
	s10 =	sld [smem:$0x3FB1];
	_ =	sdelay $0x3  }
0x34: {  	[smem:$0x3FB1] =	sst s10  }
0x35: {  	s10 =	sld [smem:$0x3FB0];
	_ =	sdelay $0x3  }
0x36: {  	p1 =	seq.s32 s10, $0x1;
	s10 =	sld [smem:$0x3FB1];
	_ =	sdelay $0x3  }
0x37: {  	[smem:$0x3FB1] =	sst s10  }
0x38: {  	s10 =	sld [smem:$0x3FB2]  }
0x39: {  	_ = 	snop;
	(pc) =	sbr.ind lr, $3  }
0x3a: {  	_ = 	snop  }
0x3b: {  	_ = 	snop  }
0x3c: {  	p2 =	seq.s32 s10, $0x1;
	s10 =	sld [smem:$0x3FB1]  }
0x3d: {  	_ =	shalt  }
0x3e: {  	_ =	shalt  }
0x3f: {  	_ =	shalt  }
0x40: {  	_ =	shalt  }
0x41: {  	_ =	shalt  }
0x42: {  	_ =	shalt  }
0x43: {  	_ =	shalt  }
0x44: {  	_ =	shalt  }
0x45: {  	_ =	shalt  }
0x46: {  	_ =	shalt  }
0x47: {  	_ =	shalt  }
0x48: {  	_ =	shalt  }
0x49: {  	_ =	shalt  }
0x4a: {  	_ =	shalt  }
0x4b: {  	_ =	shalt  }
0x4c: {  	_ =	shalt  }
0x4d: {  	_ =	shalt  }
0x4e: {  	_ =	shalt  }
0x4f: {  	_ =	shalt  }
0x50: {  	_ =	shalt  }
0x51: {  	_ =	shalt  }
0x52: {  	_ =	shalt  }
0x53: {  	_ =	shalt  }
0x54: {  	_ =	shalt  }
0x55: {  	_ =	shalt  }
0x56: {  	_ =	shalt  }
0x57: {  	_ =	shalt  }
0x58: {  	_ =	shalt  }
0x59: {  	_ =	shalt  }
0x5a: {  	_ =	shalt  }
0x5b: {  	_ =	shalt  }
0x5c: {  	_ =	shalt  }
0x5d: {  	_ =	shalt  }
0x5e: {  	_ =	shalt  }
0x5f: {  	_ =	shalt  }
0x60: {  	_ =	shalt  }
0x61: {  	_ =	shalt  }
0x62: {  	_ =	shalt  }
0x63: {  	_ =	shalt  }
0x64: {  	_ =	shalt  }
0x65: {  	_ =	shalt  }
0x66: {  	_ =	shalt  }
0x67: {  	_ =	shalt  }
0x68: {  	_ =	shalt  }
0x69: {  	_ =	shalt  }
0x6a: {  	_ =	shalt  }
0x6b: {  	_ =	shalt  }
0x6c: {  	_ =	shalt  }
0x6d: {  	_ =	shalt  }
0x6e: {  	_ =	shalt  }
0x6f: {  	_ =	shalt  }
0x70: {  	_ =	shalt  }
0x71: {  	_ =	shalt  }
0x72: {  	_ =	shalt  }
0x73: {  	_ =	shalt  }
0x74: {  	_ =	shalt  }
0x75: {  	_ =	shalt  }
0x76: {  	_ =	shalt  }
0x77: {  	_ =	shalt  }
0x78: {  	_ =	shalt  }
0x79: {  	_ =	shalt  }
0x7a: {  	_ =	shalt  }
0x7b: {  	_ =	shalt  }
0x7c: {  	_ =	shalt  }
0x7d: {  	_ =	shalt  }
0x7e: {  	_ =	shalt  }
0x7f: {  	_ =	shalt  }
0x80: {  	_ =	shalt  }
0x81: {  	_ =	shalt  }
0x82: {  	_ =	shalt  }
0x83: {  	_ =	shalt  }
0x84: {  	_ =	shalt  }
0x85: {  	_ =	shalt  }
0x86: {  	_ =	shalt  }
0x87: {  	_ =	shalt  }
.Lfunc_end0:
.L_simem_size_0:
called_computation.2_lowered:
.L_overlay_start_0:
0x88: {  	s2 =	sld [smem:$0x3FD9]  }
0x89: {  	s3 =	sld [smem:$0x3FFE];
	_ =	sdelay $0x1  }
0x8a: {  	s1 =	srdreg.scid  }
0x8b: {  	s0 =	sand.u32 $0x1, s1  }
0x8c: {  	s16 =	sshll.u32 s0, $0xA;
	s2 =	sadd.s32 s3, s2  }
0x8d: {  	s2 =	sadd.s32 s2, s16  }
0x8e: {  	[smem:$0x3FBD] =	sst s2  }
0x8f: {  	_ = 	snop  }
0x90: {  	(tm) =	ssettm $0x1  }
0x91: {  	s17 =	sld [smem:$0x3FFB];
	_ =	sdelay $0x3  }
0x92: {  	_ =	strace s17  }
0x93: {  	s2 =	sld [smem:$0x3FFC];
	_ =	sdelay $0x3  }
0x94: {  	_ =	strace s2  }
0x95: {  	s2 =	sld [smem:$0x3FFD];
	_ =	sdelay $0x3  }
0x96: {  	_ =	strace s2  }
0x97: {  	_ =	strace $0x8FFFFFFF  }
0x98: {  	s18 =	sld [smem:$0x3FDB];
	_ =	sdelay $0x1  }
0x99: {  	s19 =	simm.s32 $_scs_section_size  }
0x9a: {  	s4 =	simm.s32 $_size__tile_overlayer_lowered;
	s5 =	simm.s32 $_tile_overlayer_lowered  }
0x9b: {  	s22 =	simm.s32 $0x1BFF;
	s21 =	sshll.u32 s5, $0x1;
	s2 =	sadd.s32 s19, s18  }
0x9c: {  	s6 =	simm.s32 $0x0;
	s20 =	sshll.u32 s4, $0x1;
	s4 =	sadd.s32 s21, s2  }
0x9d: {  	[timem:s6], [sflag:s22] =	dma.local [hbm:s4], s20  }
0x9e: {  	_ =	swait.ge [sflag:s22], s20  }
0x9f: {  	s3 =	ssub.s32 $0x0, s20;
	[sflag:s22] =	ssyncset.done $0x0  }
0xa0: {  	[sflag:s22] =	ssyncadd.s32 s3;
	_ =	sdelay $0x1  }
0xa1: {  	s23 =	simm.s32 $0x1B8B  }
0xa2: {  	_ =	swait.ge [sflag:s23], $0x1  }
0xa3: {  	[sflag:s23] =	ssyncset.done $0x0  }
0xa4: {  	s25 =	simm.s32 $0x1B8E;
	s24 =	sld [smem:$0x3FFE];
	[sflag:s23] =	ssyncadd.s32 $0xFFFFFFFF  }
0xa5: {  	s26 =	simm.s32 $execute0_lowered;
	[smem:$0x3FD2] =	sst s25  }
0xa6: {  	s4 =	sshll.u32 s26, $0x1;
	_ =	strace $0x8000004C;
	[dreg:$0x1] =	wrdreg $0xFFFFFFFF  }
0xa7: {  	s28 =	simm.s32 $_size_execute0_lowered;
	s2 =	sadd.s32 s2, s4;
	[dreg:$0x0] =	wrdreg $0x0  }
0xa8: {  	s4 =	sshll.u32 s28, $0x1;
	[dreg:$0x2] =	wrdreg s2  }
0xa9: {  	[dreg:$0x3] =	wrdreg s4  }
0xaa: {  	[dreg:$0x4] =	wrdreg $0xC0  }
0xab: {  	_ =	task [dreg:s6], $0x5FFFF  }
0xac: {  	[dreg:$0x1] =	wrdreg $0xFFFFFFFF  }
0xad: {  	[dreg:$0x0] =	wrdreg $0x60  }
0xae: {  	[dreg:$0x2] =	wrdreg s24  }
0xaf: {  	[dreg:$0x3] =	wrdreg $0xAE000  }
0xb0: {  	[dreg:$0x4] =	wrdreg $0x9  }
0xb1: {  	_ =	task.clear_ibuf [dreg:s6], $0x5FFFF;
	_ =	strace $0x9000004C  }
0xb2: {  	s29 =	simm.s32 $0x9;
	_ =	strace $0x8000004E  }
0xb3: {  	_ =	swait.ge [sflag:s29], $0x1  }
0xb4: {  	[sflag:s29] =	ssyncadd.s32 $0xFFFFFFFF  }
0xb5: {  	_ =	strace $0x9000004E  }
0xb6: {  	_ =	sfence  }
0xb7: {  	s30 =	sld [smem:$0x0];
	_ =	sdelay $0x2  }
0xb8: {  	s31 =	sshll.u32 s1, $0xD;
	s1 =	sshrl.u32 s1, $0x2  }
0xb9: {  	s3 =	sand.u32 $0x4000, s31;
	s1 =	sadd.s32 s1, s30  }
0xba: {  	s0 =	sor.u32 s3, s0;
	s1 =	sshll.u32 s1, $0x11  }
0xbb: {  	s0 =	sor.u32 s1, s0  }
0xbc: {  	s0 =	sadd.s32 $0x8F2B, s0  }
0xbd: {  	[sflag:s0] =	ssyncadd.remote.s32 $0x1  }
0xbe: {  	_ =	sfence.sel $0xFFFF  }
0xbf: {  	[dreg:$0x0] =	wrdreg $0xFFFFFFFF;
	(pc) =	sbr.abs _section_cstart, $3  }
0xc0: {  	[dreg:$0x1] =	wrdreg $0xFFFFFFFF  }
0xc1: {  	_ =	task.clear_ibuf [dreg:s6], $0x2FFFF;
	_ =	strace $0x9FFFFFFF  }
0xc2: {  	(tm) =	ssettm $0x7FFFFFFF  }
0xc3: {  	_ =	shalt  }
tec
execute0_lowered:
.L_overlay_start_1:
0x0: {  	(tag) =	ssettag $0x1  }
0x1: {  	s0 =	srdreg.scid  }
0x2: {  	s9 =	stileid.u32;
	s1 =	rddreg [dreg:$0x0]  }
0x3: {  	s2 =	rddreg [dreg:$0x1];
	s4 =	simm.s32 $0x0;
	s11 =	simm.s32 $0x5  }
0x4: {  	s12 =	simm.s32 $0x40;
	s13 =	simm.s32 $0x2800;
	s14 =	simm.s32 $0x2A00  }
0x5: {  	s15 =	simm.s32 $0x2880;
	s16 =	simm.s32 $0x4A00;
	s17 =	simm.s32 $0x2900  }
0x6: {  	s18 =	simm.s32 $0x6A00;
	s19 =	simm.s32 $0x2980;
	s20 =	simm.s32 $0x8A00  }
0x7: {  	s21 =	simm.s32 $0x1;
	s22 =	simm.s32 $0x2;
	s23 =	simm.s32 $0x3  }
0x8: {  	s24 =	simm.s32 $0x4;
	s28 =	simm.s32 $0xAD00;
	s29 =	simm.s32 $0xAD80  }
0x9: {  	s30 =	simm.s32 $0x0;
	s0 =	sand.u32 $0x1, s0;
	s3 =	sshll.u32 s9, $0x1  }
0xa: {  	[smem:$0x7FF] =	sst s4;
	s5 =	smul.u32 $0x14000, s9;
	s4 =	sadd.s32 $0x35800, s1  }
0xb: {  	s25 =	smul.u32 $0x50000, s9;
	s31 =	sshll.u32 s9, $0x6;
	s3 =	sor.u32 s0, s3  }
0xc: {  	_ =	strace $0x8000004D;
	s6 =	smul.u32 $0x140000, s0;
	s0 =	ssub.s32 $0x2, s0  }
0xd: {  	s3 =	smul.u32 $0x500, s3;
	s7 =	sshrl.u32 s5, $0x3;
	s8 =	sshrl.u32 s0, $0x1  }
0xe: {  	s26 =	sshrl.u32 s25, $0x2;
	s5 =	sadd.s32 s5, s6;
	s7 =	sadd.s32 s7, s1  }
0xf: {  	s0 =	ssub.s32 s0, s8;
	s10 =	sadd.s32 s26, s2;
	s6 =	sor.u32 $0x1C05, s31  }
0x10: {  	s26 =	simm.s32 $0xAC80;
	s3 =	sadd.s32 s3, s1;
	s5 =	sshrl.u32 s5, $0x3  }
0x11: {  	s9 =	smax.u32 s0, $0x1;
	s10 =	sshrl.u32 s10, $0x3;
	s1 =	sadd.s32 s5, s1  }
0x12: {  	s5 =	sadd.s32 $0xD800, s7;
	s7 =	sadd.s32 $0x85800, s3;
	s8 =	sadd.s32 $0x8F800, s1  }
.LBB2_1:
0x13: {  	[spmem:s10], [sflag:s6] =	dma.local [hbm:s5], $0x2800  }
0x14: {  	_ =	swait.ge [sflag:s11], $0x2800  }
0x15: {  	[sflag:s11] =	ssyncset.done $0x0  }
0x16: {  	s0 =	simm.s32 $0x0;
	[sflag:s11] =	ssyncadd.s32 $0xFFFFD800  }
0x17: {  	[tilespmem:s0], [sflag:$0x5] =	stream.linear.gather [hbm4b:s7+s0], $0x2800, $0x38;
	[tilespmem:$0x1EE00] =	vst v63  }
0x18: {  	_ =	swait.ge [sflag:s11], $0x2800  }
0x19: {  	[sflag:s11] =	ssyncset.done $0x0  }
0x1a: {  	[sflag:s11] =	ssyncadd.s32 $0xFFFFD800  }
0x1b: {  	[bflag:$0x0] =	sbarrier.arrive $0xFFFF  }
0x1c: {  	v0 =	vld [tilespmem:$0x0];
	_ =	sdelay $0x1  }
0x1d: {  	v1 =	vld [tilespmem:$0x10];
	_ =	sdelay $0x1  }
0x1e: {  	v2 =	vld [tilespmem:$0x20]  }
0x1f: {  	v3 =	vand.u32 $0x3FFF, v0  }
0x20: {  	v63 =	vld [tilespmem:$0x30];
	v0 =	vshrl.u32 v0, $0xE;
	[tilespmem:$0x2800] =	vst v3  }
0x21: {  	v5 =	vand.u32 $0x3FFF, v1;
	[tilespmem:$0xAA00] =	vst v0  }
0x22: {  	v6 =	vshrl.u32 v1, $0xE;
	[tilespmem:$0x2810] =	vst v5  }
0x23: {  	v7 =	vand.u32 $0x3FFF, v2;
	[tilespmem:$0xAA10] =	vst v6  }
0x24: {  	v8 =	vshrl.u32 v2, $0xE;
	[tilespmem:$0x2820] =	vst v7  }
0x25: {  	v9 =	vand.u32 $0x3FFF, v63;
	[tilespmem:$0xAA20] =	vst v8  }
0x26: {  	v10 =	vshrl.u32 v63, $0xE;
	[tilespmem:$0x2830] =	vst v9  }
0x27: {  	[tilespmem:$0xAA30] =	vst v10  }
0x28: {  	[tilespmem:s14], [sflag:$0x1] =	stream.indirect.gather [hbm4b:s4+s12], $0x80, s13, s12, $0xb8;
	[tilespmem:$0x1EE00] =	vst v63  }
0x29: {  	v11 =	vld [tilespmem:$0x40];
	_ =	sdelay $0x1  }
0x2a: {  	v12 =	vld [tilespmem:$0x50];
	_ =	sdelay $0x1  }
0x2b: {  	v13 =	vld [tilespmem:$0x60]  }
0x2c: {  	v14 =	vand.u32 $0x3FFF, v11  }
0x2d: {  	v15 =	vld [tilespmem:$0x70];
	v0 =	vshrl.u32 v11, $0xE;
	[tilespmem:$0x2880] =	vst v14  }
0x2e: {  	v16 =	vand.u32 $0x3FFF, v12;
	[tilespmem:$0xAA80] =	vst v0  }
0x2f: {  	v17 =	vshrl.u32 v12, $0xE;
	[tilespmem:$0x2890] =	vst v16  }
0x30: {  	v18 =	vand.u32 $0x3FFF, v13;
	[tilespmem:$0xAA90] =	vst v17  }
0x31: {  	v19 =	vshrl.u32 v13, $0xE;
	[tilespmem:$0x28A0] =	vst v18  }
0x32: {  	v20 =	vand.u32 $0x3FFF, v15;
	[tilespmem:$0xAAA0] =	vst v19  }
0x33: {  	v21 =	vshrl.u32 v15, $0xE;
	[tilespmem:$0x28B0] =	vst v20  }
0x34: {  	[tilespmem:$0xAAB0] =	vst v21  }
0x35: {  	[tilespmem:s16], [sflag:$0x2] =	stream.indirect.gather [hbm4b:s4+s12], $0x80, s15, s12, $0xb8;
	[tilespmem:$0x1EE00] =	vst v63  }
0x36: {  	v22 =	vld [tilespmem:$0x80];
	_ =	sdelay $0x1  }
0x37: {  	v23 =	vld [tilespmem:$0x90];
	_ =	sdelay $0x1  }
0x38: {  	v24 =	vld [tilespmem:$0xA0]  }
0x39: {  	v25 =	vand.u32 $0x3FFF, v22  }
0x3a: {  	v26 =	vld [tilespmem:$0xB0];
	v0 =	vshrl.u32 v22, $0xE;
	[tilespmem:$0x2900] =	vst v25  }
0x3b: {  	v27 =	vand.u32 $0x3FFF, v23;
	[tilespmem:$0xAB00] =	vst v0  }
0x3c: {  	v28 =	vshrl.u32 v23, $0xE;
	[tilespmem:$0x2910] =	vst v27  }
0x3d: {  	v29 =	vand.u32 $0x3FFF, v24;
	[tilespmem:$0xAB10] =	vst v28  }
0x3e: {  	v30 =	vshrl.u32 v24, $0xE;
	[tilespmem:$0x2920] =	vst v29  }
0x3f: {  	v31 =	vand.u32 $0x3FFF, v26;
	[tilespmem:$0xAB20] =	vst v30  }
0x40: {  	v32 =	vshrl.u32 v26, $0xE;
	[tilespmem:$0x2930] =	vst v31  }
0x41: {  	[tilespmem:$0xAB30] =	vst v32  }
0x42: {  	[tilespmem:s18], [sflag:$0x3] =	stream.indirect.gather [hbm4b:s4+s12], $0x80, s17, s12, $0xb8;
	[tilespmem:$0x1EE00] =	vst v63  }
0x43: {  	v33 =	vld [tilespmem:$0xC0];
	_ =	sdelay $0x1  }
0x44: {  	v34 =	vld [tilespmem:$0xD0];
	_ =	sdelay $0x1  }
0x45: {  	v35 =	vld [tilespmem:$0xE0]  }
0x46: {  	v36 =	vand.u32 $0x3FFF, v33  }
0x47: {  	v37 =	vld [tilespmem:$0xF0];
	v0 =	vshrl.u32 v33, $0xE;
	[tilespmem:$0x2980] =	vst v36  }
0x48: {  	v38 =	vand.u32 $0x3FFF, v34;
	[tilespmem:$0xAB80] =	vst v0  }
0x49: {  	v39 =	vshrl.u32 v34, $0xE;
	[tilespmem:$0x2990] =	vst v38  }
0x4a: {  	v40 =	vand.u32 $0x3FFF, v35;
	[tilespmem:$0xAB90] =	vst v39  }
0x4b: {  	v41 =	vshrl.u32 v35, $0xE;
	[tilespmem:$0x29A0] =	vst v40  }
0x4c: {  	v42 =	vand.u32 $0x3FFF, v37;
	[tilespmem:$0xABA0] =	vst v41  }
0x4d: {  	v43 =	vshrl.u32 v37, $0xE;
	[tilespmem:$0x29B0] =	vst v42  }
0x4e: {  	[tilespmem:$0xABB0] =	vst v43  }
0x4f: {  	[tilespmem:s20], [sflag:$0x4] =	stream.indirect.gather [hbm4b:s4+s12], $0x80, s19, s12, $0xb8;
	[tilespmem:$0x1EE00] =	vst v63  }
0x50: {  	s3 =	simm.s32 $0x0;
	_ =	swait.ge [sflag:s21], $0x2000  }
0x51: {  	s3 =	sand.u32 $0x200, s3;
	[sflag:s21] =	ssyncset.done $0x0  }
0x52: {  	s0 =	sadd.s32 $0xAA00, s3;
	[sflag:s21] =	ssyncadd.s32 $0xFFFFE000  }
0x53: {  	[spmem:s2] =	stream.indirect.scatter.add.f32 [tilespmem:s14], [sflag:$0x5], $0x80, s0, s12, $0xb8;
	[tilespmem:$0x1EE00] =	vst v63  }
0x54: {  	_ =	swait.ge [sflag:s11], $0x2000  }
0x55: {  	[sflag:s11] =	ssyncset.done $0x0  }
0x56: {  	s25 =	simm.s32 $0x1F0;
	[sflag:s11] =	ssyncadd.s32 $0xFFFFE000  }
0x57: {  	v44 =	vld [tilespmem:s25+$0xFFFFFF10];
	_ =	sdelay $0x4  }
0x58: {  	s1 =	simm.s32 $0x200;
	v45 =	vand.u32 $0x3FFF, v44  }
0x59: {  	s1 =	sand.u32 $0x200, s1;
	v0 =	vshrl.u32 v44, $0xE;
	[tilespmem:$0x2800] =	vst v45  }
0x5a: {  	[tilespmem:s1+$0xAA00] =	vst v0  }
0x5b: {  	v0 =	vld [tilespmem:s25+$0xFFFFFF20];
	_ =	sdelay $0x4  }
0x5c: {  	v46 =	vand.u32 $0x3FFF, v0  }
0x5d: {  	v0 =	vshrl.u32 v0, $0xE;
	[tilespmem:$0x2810] =	vst v46  }
0x5e: {  	[tilespmem:s1+$0xAA10] =	vst v0  }
0x5f: {  	v0 =	vld [tilespmem:s25+$0xFFFFFF30];
	_ =	sdelay $0x4  }
0x60: {  	v47 =	vand.u32 $0x3FFF, v0  }
0x61: {  	v0 =	vshrl.u32 v0, $0xE;
	[tilespmem:$0x2820] =	vst v47  }
0x62: {  	[tilespmem:s1+$0xAA20] =	vst v0  }
0x63: {  	v0 =	vld [tilespmem:s25+$0xFFFFFF40];
	_ =	sdelay $0x4  }
0x64: {  	v48 =	vand.u32 $0x3FFF, v0  }
0x65: {  	v0 =	vshrl.u32 v0, $0xE;
	[tilespmem:$0x2830] =	vst v48  }
0x66: {  	[tilespmem:s1+$0xAA30] =	vst v0  }
0x67: {  	[tilespmem:s14], [sflag:$0x1] =	stream.indirect.gather [hbm4b:s4+s12], $0x80, s13, s12, $0xb8;
	[tilespmem:$0x1EE00] =	vst v63  }
0x68: {  	_ =	swait.ge [sflag:s22], $0x2000  }
0x69: {  	[sflag:s22] =	ssyncset.done $0x0  }
0x6a: {  	s31 =	sadd.s32 $0xAA80, s3;
	[sflag:s22] =	ssyncadd.s32 $0xFFFFE000  }
0x6b: {  	[spmem:s2] =	stream.indirect.scatter.add.f32 [tilespmem:s16], [sflag:$0x5], $0x80, s31, s12, $0xb8;
	[tilespmem:$0x1EE00] =	vst v63  }
0x6c: {  	_ =	swait.ge [sflag:s11], $0x2000  }
0x6d: {  	[sflag:s11] =	ssyncset.done $0x0  }
0x6e: {  	[sflag:s11] =	ssyncadd.s32 $0xFFFFE000  }
0x6f: {  	v49 =	vld [tilespmem:s25+$0xFFFFFF50];
	_ =	sdelay $0x4  }
0x70: {  	v50 =	vand.u32 $0x3FFF, v49  }
0x71: {  	v0 =	vshrl.u32 v49, $0xE;
	[tilespmem:$0x2880] =	vst v50  }
0x72: {  	[tilespmem:s1+$0xAA80] =	vst v0  }
0x73: {  	v0 =	vld [tilespmem:s25+$0xFFFFFF60];
	_ =	sdelay $0x4  }
0x74: {  	v51 =	vand.u32 $0x3FFF, v0  }
0x75: {  	v0 =	vshrl.u32 v0, $0xE;
	[tilespmem:$0x2890] =	vst v51  }
0x76: {  	[tilespmem:s1+$0xAA90] =	vst v0  }
0x77: {  	v0 =	vld [tilespmem:s25+$0xFFFFFF70];
	_ =	sdelay $0x4  }
0x78: {  	v52 =	vand.u32 $0x3FFF, v0  }
0x79: {  	v0 =	vshrl.u32 v0, $0xE;
	[tilespmem:$0x28A0] =	vst v52  }
0x7a: {  	[tilespmem:s1+$0xAAA0] =	vst v0  }
0x7b: {  	v0 =	vld [tilespmem:s25+$0xFFFFFF80];
	_ =	sdelay $0x4  }
0x7c: {  	v53 =	vand.u32 $0x3FFF, v0  }
0x7d: {  	v0 =	vshrl.u32 v0, $0xE;
	[tilespmem:$0x28B0] =	vst v53  }
0x7e: {  	[tilespmem:s1+$0xAAB0] =	vst v0  }
0x7f: {  	[tilespmem:s16], [sflag:$0x2] =	stream.indirect.gather [hbm4b:s4+s12], $0x80, s15, s12, $0xb8;
	[tilespmem:$0x1EE00] =	vst v63  }
0x80: {  	_ =	swait.ge [sflag:s23], $0x2000  }
0x81: {  	[sflag:s23] =	ssyncset.done $0x0  }
0x82: {  	s31 =	sadd.s32 $0xAB00, s3;
	[sflag:s23] =	ssyncadd.s32 $0xFFFFE000  }
0x83: {  	[spmem:s2] =	stream.indirect.scatter.add.f32 [tilespmem:s18], [sflag:$0x5], $0x80, s31, s12, $0xb8;
	[tilespmem:$0x1EE00] =	vst v63  }
0x84: {  	_ =	swait.ge [sflag:s11], $0x2000  }
0x85: {  	[sflag:s11] =	ssyncset.done $0x0  }
0x86: {  	[sflag:s11] =	ssyncadd.s32 $0xFFFFE000  }
0x87: {  	v54 =	vld [tilespmem:s25+$0xFFFFFF90];
	_ =	sdelay $0x4  }
0x88: {  	v55 =	vand.u32 $0x3FFF, v54  }
0x89: {  	v0 =	vshrl.u32 v54, $0xE;
	[tilespmem:$0x2900] =	vst v55  }
0x8a: {  	[tilespmem:s1+$0xAB00] =	vst v0  }
0x8b: {  	v0 =	vld [tilespmem:s25+$0xFFFFFFA0];
	_ =	sdelay $0x4  }
0x8c: {  	v56 =	vand.u32 $0x3FFF, v0  }
0x8d: {  	v0 =	vshrl.u32 v0, $0xE;
	[tilespmem:$0x2910] =	vst v56  }
0x8e: {  	[tilespmem:s1+$0xAB10] =	vst v0  }
0x8f: {  	v0 =	vld [tilespmem:s25+$0xFFFFFFB0];
	_ =	sdelay $0x4  }
0x90: {  	v57 =	vand.u32 $0x3FFF, v0  }
0x91: {  	v0 =	vshrl.u32 v0, $0xE;
	[tilespmem:$0x2920] =	vst v57  }
0x92: {  	[tilespmem:s1+$0xAB20] =	vst v0  }
0x93: {  	v0 =	vld [tilespmem:s25+$0xFFFFFFC0];
	_ =	sdelay $0x4  }
0x94: {  	v58 =	vand.u32 $0x3FFF, v0  }
0x95: {  	v0 =	vshrl.u32 v0, $0xE;
	[tilespmem:$0x2930] =	vst v58  }
0x96: {  	[tilespmem:s1+$0xAB30] =	vst v0  }
0x97: {  	[tilespmem:s18], [sflag:$0x3] =	stream.indirect.gather [hbm4b:s4+s12], $0x80, s17, s12, $0xb8;
	[tilespmem:$0x1EE00] =	vst v63  }
0x98: {  	_ =	swait.ge [sflag:s24], $0x2000  }
0x99: {  	[sflag:s24] =	ssyncset.done $0x0  }
0x9a: {  	s3 =	sadd.s32 $0xAB80, s3;
	[sflag:s24] =	ssyncadd.s32 $0xFFFFE000  }
0x9b: {  	[spmem:s2] =	stream.indirect.scatter.add.f32 [tilespmem:s20], [sflag:$0x5], $0x80, s3, s12, $0xb8;
	[tilespmem:$0x1EE00] =	vst v63  }
0x9c: {  	_ =	swait.ge [sflag:s11], $0x2000  }
0x9d: {  	[sflag:s11] =	ssyncset.done $0x0  }
0x9e: {  	[sflag:s11] =	ssyncadd.s32 $0xFFFFE000  }
0x9f: {  	v59 =	vld [tilespmem:s25+$0xFFFFFFD0];
	_ =	sdelay $0x4  }
0xa0: {  	v60 =	vand.u32 $0x3FFF, v59  }
0xa1: {  	v0 =	vshrl.u32 v59, $0xE;
	[tilespmem:$0x2980] =	vst v60  }
0xa2: {  	[tilespmem:s1+$0xAB80] =	vst v0  }
0xa3: {  	v0 =	vld [tilespmem:s25+$0xFFFFFFE0];
	_ =	sdelay $0x4  }
0xa4: {  	v61 =	vand.u32 $0x3FFF, v0  }
0xa5: {  	v0 =	vshrl.u32 v0, $0xE;
	[tilespmem:$0x2990] =	vst v61  }
0xa6: {  	[tilespmem:s1+$0xAB90] =	vst v0  }
0xa7: {  	v0 =	vld [tilespmem:s25+$0xFFFFFFF0];
	_ =	sdelay $0x4  }
0xa8: {  	v62 =	vand.u32 $0x3FFF, v0  }
0xa9: {  	v0 =	vshrl.u32 v0, $0xE;
	[tilespmem:$0x29A0] =	vst v62  }
0xaa: {  	[tilespmem:s1+$0xABA0] =	vst v0  }
0xab: {  	v0 =	vld [tilespmem:s25+$0x0];
	_ =	sdelay $0x4  }
0xac: {  	v63 =	vand.u32 $0x3FFF, v0  }
0xad: {  	v0 =	vshrl.u32 v0, $0xE;
	[tilespmem:$0x29B0] =	vst v63  }
0xae: {  	s31 =	simm.s32 $0x400;
	[tilespmem:s1+$0xABB0] =	vst v0;
	s1 =	simm.s32 $0x2F0  }
.LBB2_2:
0xaf: {  	[tilespmem:s20], [sflag:$0x4] =	stream.indirect.gather [hbm4b:s4+s12], $0x80, s19, s12, $0xb8;
	[tilespmem:$0x1EE00] =	vst v63  }
0xb0: {  	s0 =	smov.u32 s31  }
0xb1: {  	s3 =	sadd.s32 $0xFFFFFE00, s31;
	p0 =	sne.s32 s31, $0x4E00;
	_ =	swait.ge [sflag:s21], $0x2000  }
0xb2: {  	s31 =	sadd.s32 $0x200, s31;
	s3 =	sand.u32 $0x200, s3;
	[sflag:s21] =	ssyncset.done $0x0  }
0xb3: {  	s25 =	sadd.s32 $0xAA00, s3;
	[sflag:s21] =	ssyncadd.s32 $0xFFFFE000  }
0xb4: {  	[spmem:s2] =	stream.indirect.scatter.add.f32 [tilespmem:s14], [sflag:$0x5], $0x80, s25, s12, $0xb8;
	[tilespmem:$0x1EE00] =	vst v63  }
0xb5: {  	_ =	swait.ge [sflag:s11], $0x2000  }
0xb6: {  	[sflag:s11] =	ssyncset.done $0x0  }
0xb7: {  	[sflag:s11] =	ssyncadd.s32 $0xFFFFE000  }
0xb8: {  	v0 =	vld [tilespmem:s1+$0xFFFFFF10];
	_ =	sdelay $0x4  }
0xb9: {  	v1 =	vand.u32 $0x3FFF, v0  }
0xba: {  	s0 =	sand.u32 $0x200, s0;
	v0 =	vshrl.u32 v0, $0xE;
	[tilespmem:$0x2800] =	vst v1  }
0xbb: {  	[tilespmem:s0+$0xAA00] =	vst v0  }
0xbc: {  	v0 =	vld [tilespmem:s1+$0xFFFFFF20];
	_ =	sdelay $0x4  }
0xbd: {  	v1 =	vand.u32 $0x3FFF, v0  }
0xbe: {  	v0 =	vshrl.u32 v0, $0xE;
	[tilespmem:$0x2810] =	vst v1  }
0xbf: {  	[tilespmem:s0+$0xAA10] =	vst v0  }
0xc0: {  	v0 =	vld [tilespmem:s1+$0xFFFFFF30];
	_ =	sdelay $0x4  }
0xc1: {  	v1 =	vand.u32 $0x3FFF, v0  }
0xc2: {  	v0 =	vshrl.u32 v0, $0xE;
	[tilespmem:$0x2820] =	vst v1  }
0xc3: {  	[tilespmem:s0+$0xAA20] =	vst v0  }
0xc4: {  	v0 =	vld [tilespmem:s1+$0xFFFFFF40];
	_ =	sdelay $0x4  }
0xc5: {  	v1 =	vand.u32 $0x3FFF, v0  }
0xc6: {  	v0 =	vshrl.u32 v0, $0xE;
	[tilespmem:$0x2830] =	vst v1  }
0xc7: {  	[tilespmem:s0+$0xAA30] =	vst v0  }
0xc8: {  	[tilespmem:s14], [sflag:$0x1] =	stream.indirect.gather [hbm4b:s4+s12], $0x80, s13, s12, $0xb8;
	[tilespmem:$0x1EE00] =	vst v63  }
0xc9: {  	_ =	swait.ge [sflag:s22], $0x2000  }
0xca: {  	[sflag:s22] =	ssyncset.done $0x0  }
0xcb: {  	s25 =	sadd.s32 $0xAA80, s3;
	[sflag:s22] =	ssyncadd.s32 $0xFFFFE000  }
0xcc: {  	[spmem:s2] =	stream.indirect.scatter.add.f32 [tilespmem:s16], [sflag:$0x5], $0x80, s25, s12, $0xb8;
	[tilespmem:$0x1EE00] =	vst v63  }
0xcd: {  	_ =	swait.ge [sflag:s11], $0x2000  }
0xce: {  	[sflag:s11] =	ssyncset.done $0x0  }
0xcf: {  	[sflag:s11] =	ssyncadd.s32 $0xFFFFE000  }
0xd0: {  	v0 =	vld [tilespmem:s1+$0xFFFFFF50];
	_ =	sdelay $0x4  }
0xd1: {  	v1 =	vand.u32 $0x3FFF, v0  }
0xd2: {  	v0 =	vshrl.u32 v0, $0xE;
	[tilespmem:$0x2880] =	vst v1  }
0xd3: {  	[tilespmem:s0+$0xAA80] =	vst v0  }
0xd4: {  	v0 =	vld [tilespmem:s1+$0xFFFFFF60];
	_ =	sdelay $0x4  }
0xd5: {  	v1 =	vand.u32 $0x3FFF, v0  }
0xd6: {  	v0 =	vshrl.u32 v0, $0xE;
	[tilespmem:$0x2890] =	vst v1  }
0xd7: {  	[tilespmem:s0+$0xAA90] =	vst v0  }
0xd8: {  	v0 =	vld [tilespmem:s1+$0xFFFFFF70];
	_ =	sdelay $0x4  }
0xd9: {  	v1 =	vand.u32 $0x3FFF, v0  }
0xda: {  	v0 =	vshrl.u32 v0, $0xE;
	[tilespmem:$0x28A0] =	vst v1  }
0xdb: {  	[tilespmem:s0+$0xAAA0] =	vst v0  }
0xdc: {  	v0 =	vld [tilespmem:s1+$0xFFFFFF80];
	_ =	sdelay $0x4  }
0xdd: {  	v1 =	vand.u32 $0x3FFF, v0  }
0xde: {  	v0 =	vshrl.u32 v0, $0xE;
	[tilespmem:$0x28B0] =	vst v1  }
0xdf: {  	[tilespmem:s0+$0xAAB0] =	vst v0  }
0xe0: {  	[tilespmem:s16], [sflag:$0x2] =	stream.indirect.gather [hbm4b:s4+s12], $0x80, s15, s12, $0xb8;
	[tilespmem:$0x1EE00] =	vst v63  }
0xe1: {  	_ =	swait.ge [sflag:s23], $0x2000  }
0xe2: {  	[sflag:s23] =	ssyncset.done $0x0  }
0xe3: {  	s25 =	sadd.s32 $0xAB00, s3;
	[sflag:s23] =	ssyncadd.s32 $0xFFFFE000  }
0xe4: {  	[spmem:s2] =	stream.indirect.scatter.add.f32 [tilespmem:s18], [sflag:$0x5], $0x80, s25, s12, $0xb8;
	[tilespmem:$0x1EE00] =	vst v63  }
0xe5: {  	_ =	swait.ge [sflag:s11], $0x2000  }
0xe6: {  	[sflag:s11] =	ssyncset.done $0x0  }
0xe7: {  	[sflag:s11] =	ssyncadd.s32 $0xFFFFE000  }
0xe8: {  	v0 =	vld [tilespmem:s1+$0xFFFFFF90];
	_ =	sdelay $0x4  }
0xe9: {  	v1 =	vand.u32 $0x3FFF, v0  }
0xea: {  	v0 =	vshrl.u32 v0, $0xE;
	[tilespmem:$0x2900] =	vst v1  }
0xeb: {  	[tilespmem:s0+$0xAB00] =	vst v0  }
0xec: {  	v0 =	vld [tilespmem:s1+$0xFFFFFFA0];
	_ =	sdelay $0x4  }
0xed: {  	v1 =	vand.u32 $0x3FFF, v0  }
0xee: {  	v0 =	vshrl.u32 v0, $0xE;
	[tilespmem:$0x2910] =	vst v1  }
0xef: {  	[tilespmem:s0+$0xAB10] =	vst v0  }
0xf0: {  	v0 =	vld [tilespmem:s1+$0xFFFFFFB0];
	_ =	sdelay $0x4  }
0xf1: {  	v1 =	vand.u32 $0x3FFF, v0  }
0xf2: {  	v0 =	vshrl.u32 v0, $0xE;
	[tilespmem:$0x2920] =	vst v1  }
0xf3: {  	[tilespmem:s0+$0xAB20] =	vst v0  }
0xf4: {  	v0 =	vld [tilespmem:s1+$0xFFFFFFC0];
	_ =	sdelay $0x4  }
0xf5: {  	v1 =	vand.u32 $0x3FFF, v0  }
0xf6: {  	v0 =	vshrl.u32 v0, $0xE;
	[tilespmem:$0x2930] =	vst v1  }
0xf7: {  	[tilespmem:s0+$0xAB30] =	vst v0  }
0xf8: {  	[tilespmem:s18], [sflag:$0x3] =	stream.indirect.gather [hbm4b:s4+s12], $0x80, s17, s12, $0xb8;
	[tilespmem:$0x1EE00] =	vst v63  }
0xf9: {  	_ =	swait.ge [sflag:s24], $0x2000  }
0xfa: {  	[sflag:s24] =	ssyncset.done $0x0  }
0xfb: {  	s3 =	sadd.s32 $0xAB80, s3;
	[sflag:s24] =	ssyncadd.s32 $0xFFFFE000  }
0xfc: {  	[spmem:s2] =	stream.indirect.scatter.add.f32 [tilespmem:s20], [sflag:$0x5], $0x80, s3, s12, $0xb8;
	[tilespmem:$0x1EE00] =	vst v63  }
0xfd: {  	_ =	swait.ge [sflag:s11], $0x2000  }
0xfe: {  	[sflag:s11] =	ssyncset.done $0x0  }
0xff: {  	[sflag:s11] =	ssyncadd.s32 $0xFFFFE000  }
0x100: {  	v0 =	vld [tilespmem:s1+$0xFFFFFFD0];
	_ =	sdelay $0x4  }
0x101: {  	v1 =	vand.u32 $0x3FFF, v0  }
0x102: {  	v0 =	vshrl.u32 v0, $0xE;
	[tilespmem:$0x2980] =	vst v1  }
0x103: {  	[tilespmem:s0+$0xAB80] =	vst v0  }
0x104: {  	v0 =	vld [tilespmem:s1+$0xFFFFFFE0];
	_ =	sdelay $0x4  }
0x105: {  	v1 =	vand.u32 $0x3FFF, v0  }
0x106: {  	v0 =	vshrl.u32 v0, $0xE;
	[tilespmem:$0x2990] =	vst v1  }
0x107: {  	[tilespmem:s0+$0xAB90] =	vst v0  }
0x108: {  	v0 =	vld [tilespmem:s1+$0xFFFFFFF0];
	_ =	sdelay $0x4  }
0x109: {  	v1 =	vand.u32 $0x3FFF, v0  }
0x10a: {  	v0 =	vshrl.u32 v0, $0xE;
	[tilespmem:$0x29A0] =	vst v1  }
0x10b: {  	[tilespmem:s0+$0xABA0] =	vst v0  }
0x10c: {  	v0 =	vld [tilespmem:s1+$0x0];
	_ =	sdelay $0x2  }
.Ltmp0:
0x10d: {  	(pc) =	sbr.rel @p0 .LBB2_2-.Ltmp0, $4  }
0x10e: {  	_ = 	snop  }
0x10f: {  	v1 =	vand.u32 $0x3FFF, v0  }
0x110: {  	v0 =	vshrl.u32 v0, $0xE;
	[tilespmem:$0x29B0] =	vst v1  }
0x111: {  	s1 =	sadd.s32 $0x100, s1;
	[tilespmem:s0+$0xABB0] =	vst v0  }
0x112: {  	[tilespmem:s20], [sflag:$0x4] =	stream.indirect.gather [hbm4b:s4+s12], $0x80, s19, s12, $0xb8;
	[tilespmem:$0x1EE00] =	vst v63  }
0x113: {  	_ =	swait.ge [sflag:s21], $0x2000  }
0x114: {  	[sflag:s21] =	ssyncset.done $0x0  }
0x115: {  	s0 =	simm.s32 $0xAC00;
	[sflag:s21] =	ssyncadd.s32 $0xFFFFE000  }
0x116: {  	[spmem:s2] =	stream.indirect.scatter.add.f32 [tilespmem:s14], [sflag:$0x5], $0x80, s0, s12, $0xb8;
	[tilespmem:$0x1EE00] =	vst v63  }
0x117: {  	_ =	swait.ge [sflag:s11], $0x2000  }
0x118: {  	[sflag:s11] =	ssyncset.done $0x0  }
0x119: {  	[sflag:s11] =	ssyncadd.s32 $0xFFFFE000  }
0x11a: {  	_ =	swait.ge [sflag:s22], $0x2000  }
0x11b: {  	[sflag:s22] =	ssyncset.done $0x0  }
0x11c: {  	[sflag:s22] =	ssyncadd.s32 $0xFFFFE000  }
0x11d: {  	[spmem:s2] =	stream.indirect.scatter.add.f32 [tilespmem:s16], [sflag:$0x5], $0x80, s26, s12, $0xb8;
	[tilespmem:$0x1EE00] =	vst v63  }
0x11e: {  	_ =	swait.ge [sflag:s11], $0x2000  }
0x11f: {  	[sflag:s11] =	ssyncset.done $0x0  }
0x120: {  	[sflag:s11] =	ssyncadd.s32 $0xFFFFE000  }
0x121: {  	_ =	swait.ge [sflag:s23], $0x2000  }
0x122: {  	[sflag:s23] =	ssyncset.done $0x0  }
0x123: {  	[sflag:s23] =	ssyncadd.s32 $0xFFFFE000  }
0x124: {  	[spmem:s2] =	stream.indirect.scatter.add.f32 [tilespmem:s18], [sflag:$0x5], $0x80, s28, s12, $0xb8;
	[tilespmem:$0x1EE00] =	vst v63  }
0x125: {  	_ =	swait.ge [sflag:s11], $0x2000  }
0x126: {  	[sflag:s11] =	ssyncset.done $0x0  }
0x127: {  	[sflag:s11] =	ssyncadd.s32 $0xFFFFE000  }
0x128: {  	_ =	swait.ge [sflag:s24], $0x2000  }
0x129: {  	[sflag:s24] =	ssyncset.done $0x0  }
0x12a: {  	[sflag:s24] =	ssyncadd.s32 $0xFFFFE000  }
0x12b: {  	[spmem:s2] =	stream.indirect.scatter.add.f32 [tilespmem:s20], [sflag:$0x5], $0x80, s29, s12, $0xb8;
	[tilespmem:$0x1EE00] =	vst v63  }
0x12c: {  	_ =	swait.ge [sflag:s11], $0x2000  }
0x12d: {  	s30 =	sadd.s32 $0x1, s30;
	[sflag:s11] =	ssyncset.done $0x0  }
0x12e: {  	p0 =	sne.s32 s30, s9;
	[sflag:s11] =	ssyncadd.s32 $0xFFFFE000  }
.Ltmp1:
0x12f: {  	[bflag:$0x0] =	sbarrier.arrive $0xFFFF;
	(pc) =	sbr.rel @p0 .LBB2_1-.Ltmp1, $4  }
0x130: {  	[hbm:s8], [sflag:s6] =	dma.local [spmem:s10], $0x2800  }
0x131: {  	_ =	swait.ge [sflag:s11], $0x2800  }
0x132: {  	[sflag:s11] =	ssyncset.done $0x0  }
0x133: {  	[sflag:s11] =	ssyncadd.s32 $0xFFFFD800  }
0x134: {  	_ =	sfence.sel $0x180000  }
0x135: {  	[bflag:$0x0] =	sbarrier.arrive $0xFFFF  }
0x136: {  	_ =	strace $0x9000004D  }
0x137: {  	s0 =	stileid.u32;
	[bflag:$0x2] =	sbarrier.arrive $0xFFFF  }
0x138: {  	p0 =	sne.s32 s0, $0x0;
	s0 =	rddreg [dreg:$0x2]  }
0x139: {  	s0 =	sadd.s32 @!p0 $0x100000, s0  }
0x13a: {  	[sflag:s0] =	ssyncadd.tile.s32 @!p0 $0x1;
	_ =	shalt  }
.Lfunc_end2:
_tile_overlayer_lowered:
.L_overlay_start_2:
0x13b: {  	(tag) =	ssettag $0x2  }
0x13c: {  	s0 =	rddreg [dreg:$0x0];
	s2 =	stileid.u32  }
0x13d: {  	s1 =	rddreg [dreg:$0x1];
	p0 =	sne.s32 s2, $0x0  }
0x13e: {  	s3 =	rddreg [dreg:$0x2];
	[bflag:$0x3] =	sbarrier.arrive $0xFFFF;
	s2 =	simm.s32 @!p0 $0x1C05  }
0x13f: {  	[timem:s3], [sflag:s2] =	dma.local @!p0 [hbm:s0], s1  }
0x140: {  	s0 =	simm.s32 @!p0 $0x5  }
0x141: {  	_ =	swait.ge @!p0 [sflag:s0], s1  }
0x142: {  	s1 =	ssub.s32 @!p0 $0x0, s1;
	[sflag:s0] =	ssyncset.done @!p0 $0x0  }
0x143: {  	[sflag:s0] =	ssyncadd.s32 @!p0 s1  }
0x144: {  	[bflag:$0x3] =	sbarrier.arrive $0xFFFF  }
0x145: {  	_ =	shalt  }

// kernel: kernel.8.cloned.1.call-start
scs
__scs_entry_jumppad:
0x0: {  	(pc) =	sbr.rel $0x88, $3  }
0x1: {  	(tag) =	ssettag $0x0;
	lr =	simm.s32 $0x1  }
0x2: {  	[smem:$0x3F96] =	sst lr;
	_ =	strace $0xD0000000  }
0x3: {  	_ = 	snop  }
0x4: {  	_ = 	snop  }
0x5: {  	_ = 	snop  }
0x6: {  	_ = 	snop  }
0x7: {  	_ = 	snop  }
__scs_overlays_trampoline_lowered:
0x8: {  	[smem:$0x3FA5] =	sst s0  }
0x9: {  	[smem:$0x3FA6] =	sst s1  }
0xa: {  	[smem:$0x3FA7] =	sst s2  }
0xb: {  	[smem:$0x3FA8] =	sst s3  }
0xc: {  	[smem:$0x3FA9] =	sst s4  }
0xd: {  	[smem:$0x3FAA] =	sst s5  }
0xe: {  	[smem:$0x3FAB] =	sst s6  }
0xf: {  	[smem:$0x3FAC] =	sst s7  }
0x10: {  	[smem:$0x3FAD] =	sst s8  }
0x11: {  	[smem:$0x3FAE] =	sst s9;
	s0 =	simm.s32 @!p0 $0x0  }
0x12: {  	s1 =	sld [smem:$0x3F94];
	s0 =	simm.s32 @p0 $0x1  }
0x13: {  	[smem:$0x3FAF] =	sst s0;
	s0 =	simm.s32 @!p1 $0x0  }
0x14: {  	s2 =	sld [smem:$0x3F93];
	s0 =	simm.s32 @p1 $0x1  }
0x15: {  	[smem:$0x3FB0] =	sst s0;
	s0 =	simm.s32 @!p2 $0x0  }
0x16: {  	s3 =	sld [smem:$0x3FDB];
	s0 =	simm.s32 @p2 $0x1  }
0x17: {  	s4 =	simm.s32 $0x1BF5;
	[smem:$0x3FB2] =	sst s0  }
0x18: {  	s0 =	sld [smem:$0x3F95];
	_ =	swait.ge [sflag:s4], $0x0  }
0x19: {  	s7 =	sld [smem:$0x3F96]  }
0x1a: {  	s8 =	sadd.s32 $0xFFFFE003, lr  }
0x1b: {  	s9 =	sadd.s32 $0xFFFFFEF7, lr;
	s5 =	simm.s32 $0xFFFFFFFF;
	p2 =	slt.u32 s8, $0xFFFFF086  }
0x1c: {  	p1 =	slt.u32 s9, $0xF7A;
	s5 =	simm.s32 @!p2 $0x0  }
0x1d: {  	s5 =	simm.s32 @p1 $0x1;
	p0 =	seq.s32 s7, s2  }
0x1e: {  	s7 =	smul.u32 @!p0 $0xF7A, s2;
	p2 =	seq.s32 @!p0 s5, $0x0  }
0x1f: {  	s9 =	smul.u32 $0xF7A, s1;
	s8 =	simm.s32 @!p0 $0x1BF5;
	p2 =	por !p2, p0  }
0x20: {  	[sflag:s8] =	ssyncset.s32 @!p0 $0xFFFFF086;
	s6 =	sadd.s32 @!p0 s3, s7;
	s7 =	simm.s32 @!p0 $0x108  }
0x21: {  	s3 =	sadd.s32 s3, s9;
	s6 =	sadd.s32 @!p0 $0x88, s6;
	s7 =	simm.s32 @p2 $0x1082  }
0x22: {  	[simem:s7], [sflag:s8] =	dma.local @!p0 [hbm:s6], $0xF7A  }
0x23: {  	s9 =	sor.u32 $0xD0000000, s2;
	s6 =	simm.s32 $0x108;
	_ =	swait.ge @!p0 [sflag:s8], $0x0  }
0x24: {  	s3 =	sadd.s32 $0x88, s3;
	s6 =	simm.s32 @!p1 $0x1082;
	[sflag:s4] =	ssyncset.s32 $0xFFFFF086  }
0x25: {  	[simem:s6], [sflag:s4] =	dma.local [hbm:s3], $0xF7A  }
0x26: {  	[smem:$0x3F96] =	sst s1;
	(tag) =	ssettag s2;
	_ =	strace s9  }
0x27: {  	s1 =	sld [smem:$0x3FA6]  }
0x28: {  	s2 =	sld [smem:$0x3FA7]  }
0x29: {  	s4 =	sld [smem:$0x3FA9]  }
0x2a: {  	p0 =	seq.s32 s5, $0x0;
	s5 =	sld [smem:$0x3FAA]  }
0x2b: {  	s6 =	sld [smem:$0x3FAB]  }
0x2c: {  	s7 =	sld [smem:$0x3FAC]  }
0x2d: {  	s3 =	simm.s32 $0x108;
	s8 =	sld [smem:$0x3FAD]  }
0x2e: {  	s3 =	simm.s32 @!p0 $0x1082;
	s9 =	sld [smem:$0x3FAE]  }
0x2f: {  	lr =	sadd.s32 s0, s3;
	s0 =	sld [smem:$0x3FA5]  }
0x30: {  	s3 =	sld [smem:$0x3FA8]  }
0x31: {  	[smem:$0x3FB1] =	sst s10  }
0x32: {  	s10 =	sld [smem:$0x3FAF];
	_ =	sdelay $0x3  }
0x33: {  	p0 =	seq.s32 s10, $0x1;
	s10 =	sld [smem:$0x3FB1];
	_ =	sdelay $0x3  }
0x34: {  	[smem:$0x3FB1] =	sst s10  }
0x35: {  	s10 =	sld [smem:$0x3FB0];
	_ =	sdelay $0x3  }
0x36: {  	p1 =	seq.s32 s10, $0x1;
	s10 =	sld [smem:$0x3FB1];
	_ =	sdelay $0x3  }
0x37: {  	[smem:$0x3FB1] =	sst s10  }
0x38: {  	s10 =	sld [smem:$0x3FB2]  }
0x39: {  	_ = 	snop;
	(pc) =	sbr.ind lr, $3  }
0x3a: {  	_ = 	snop  }
0x3b: {  	_ = 	snop  }
0x3c: {  	p2 =	seq.s32 s10, $0x1;
	s10 =	sld [smem:$0x3FB1]  }
0x3d: {  	_ =	shalt  }
0x3e: {  	_ =	shalt  }
0x3f: {  	_ =	shalt  }
0x40: {  	_ =	shalt  }
0x41: {  	_ =	shalt  }
0x42: {  	_ =	shalt  }
0x43: {  	_ =	shalt  }
0x44: {  	_ =	shalt  }
0x45: {  	_ =	shalt  }
0x46: {  	_ =	shalt  }
0x47: {  	_ =	shalt  }
0x48: {  	_ =	shalt  }
0x49: {  	_ =	shalt  }
0x4a: {  	_ =	shalt  }
0x4b: {  	_ =	shalt  }
0x4c: {  	_ =	shalt  }
0x4d: {  	_ =	shalt  }
0x4e: {  	_ =	shalt  }
0x4f: {  	_ =	shalt  }
0x50: {  	_ =	shalt  }
0x51: {  	_ =	shalt  }
0x52: {  	_ =	shalt  }
0x53: {  	_ =	shalt  }
0x54: {  	_ =	shalt  }
0x55: {  	_ =	shalt  }
0x56: {  	_ =	shalt  }
0x57: {  	_ =	shalt  }
0x58: {  	_ =	shalt  }
0x59: {  	_ =	shalt  }
0x5a: {  	_ =	shalt  }
0x5b: {  	_ =	shalt  }
0x5c: {  	_ =	shalt  }
0x5d: {  	_ =	shalt  }
0x5e: {  	_ =	shalt  }
0x5f: {  	_ =	shalt  }
0x60: {  	_ =	shalt  }
0x61: {  	_ =	shalt  }
0x62: {  	_ =	shalt  }
0x63: {  	_ =	shalt  }
0x64: {  	_ =	shalt  }
0x65: {  	_ =	shalt  }
0x66: {  	_ =	shalt  }
0x67: {  	_ =	shalt  }
0x68: {  	_ =	shalt  }
0x69: {  	_ =	shalt  }
0x6a: {  	_ =	shalt  }
0x6b: {  	_ =	shalt  }
0x6c: {  	_ =	shalt  }
0x6d: {  	_ =	shalt  }
0x6e: {  	_ =	shalt  }
0x6f: {  	_ =	shalt  }
0x70: {  	_ =	shalt  }
0x71: {  	_ =	shalt  }
0x72: {  	_ =	shalt  }
0x73: {  	_ =	shalt  }
0x74: {  	_ =	shalt  }
0x75: {  	_ =	shalt  }
0x76: {  	_ =	shalt  }
0x77: {  	_ =	shalt  }
0x78: {  	_ =	shalt  }
0x79: {  	_ =	shalt  }
0x7a: {  	_ =	shalt  }
0x7b: {  	_ =	shalt  }
0x7c: {  	_ =	shalt  }
0x7d: {  	_ =	shalt  }
0x7e: {  	_ =	shalt  }
0x7f: {  	_ =	shalt  }
0x80: {  	_ =	shalt  }
0x81: {  	_ =	shalt  }
0x82: {  	_ =	shalt  }
0x83: {  	_ =	shalt  }
0x84: {  	_ =	shalt  }
0x85: {  	_ =	shalt  }
0x86: {  	_ =	shalt  }
0x87: {  	_ =	shalt  }
.Lfunc_end0:
.L_simem_size_0:
called_computation_lowered:
.L_overlay_start_0:
0x88: {  	s2 =	sld [smem:$0x3FD9]  }
0x89: {  	s3 =	sld [smem:$0x3FFE];
	_ =	sdelay $0x1  }
0x8a: {  	s1 =	srdreg.scid  }
0x8b: {  	s0 =	sand.u32 $0x1, s1  }
0x8c: {  	s16 =	sshll.u32 s0, $0xA;
	s2 =	sadd.s32 s3, s2  }
0x8d: {  	s2 =	sadd.s32 s2, s16  }
0x8e: {  	[smem:$0x3FBD] =	sst s2  }
0x8f: {  	_ = 	snop  }
0x90: {  	(tm) =	ssettm $0x1  }
0x91: {  	s17 =	sld [smem:$0x3FFB];
	_ =	sdelay $0x3  }
0x92: {  	_ =	strace s17  }
0x93: {  	s2 =	sld [smem:$0x3FFC];
	_ =	sdelay $0x3  }
0x94: {  	_ =	strace s2  }
0x95: {  	s2 =	sld [smem:$0x3FFD];
	_ =	sdelay $0x3  }
0x96: {  	_ =	strace s2  }
0x97: {  	_ =	strace $0x8FFFFFFF  }
0x98: {  	s18 =	sld [smem:$0x3FDB];
	_ =	sdelay $0x1  }
0x99: {  	s19 =	simm.s32 $_scs_section_size  }
0x9a: {  	s4 =	simm.s32 $_size__tile_overlayer_lowered;
	s5 =	simm.s32 $_tile_overlayer_lowered  }
0x9b: {  	s22 =	simm.s32 $0x1BFF;
	s21 =	sshll.u32 s5, $0x1;
	s2 =	sadd.s32 s19, s18  }
0x9c: {  	s6 =	simm.s32 $0x0;
	s20 =	sshll.u32 s4, $0x1;
	s4 =	sadd.s32 s21, s2  }
0x9d: {  	[timem:s6], [sflag:s22] =	dma.local [hbm:s4], s20  }
0x9e: {  	_ =	swait.ge [sflag:s22], s20  }
0x9f: {  	s3 =	ssub.s32 $0x0, s20;
	[sflag:s22] =	ssyncset.done $0x0  }
0xa0: {  	[sflag:s22] =	ssyncadd.s32 s3;
	_ =	sdelay $0x1  }
0xa1: {  	s23 =	simm.s32 $0x1B8B  }
0xa2: {  	_ =	swait.ge [sflag:s23], $0x1  }
0xa3: {  	[sflag:s23] =	ssyncset.done $0x0  }
0xa4: {  	s25 =	simm.s32 $0x1B8E;
	s24 =	sld [smem:$0x3FFE];
	[sflag:s23] =	ssyncadd.s32 $0xFFFFFFFF  }
0xa5: {  	s26 =	simm.s32 $execute0_lowered;
	[smem:$0x3FD2] =	sst s25  }
0xa6: {  	s4 =	sshll.u32 s26, $0x1;
	_ =	strace $0x80000046;
	[dreg:$0x1] =	wrdreg $0xFFFFFFFF  }
0xa7: {  	s28 =	simm.s32 $_size_execute0_lowered;
	s2 =	sadd.s32 s2, s4;
	[dreg:$0x0] =	wrdreg $0x0  }
0xa8: {  	s4 =	sshll.u32 s28, $0x1;
	[dreg:$0x2] =	wrdreg s2  }
0xa9: {  	[dreg:$0x3] =	wrdreg s4  }
0xaa: {  	[dreg:$0x4] =	wrdreg $0xC0  }
0xab: {  	_ =	task [dreg:s6], $0x5FFFF  }
0xac: {  	[dreg:$0x1] =	wrdreg $0xFFFFFFFF  }
0xad: {  	[dreg:$0x0] =	wrdreg $0x60  }
0xae: {  	[dreg:$0x2] =	wrdreg s24  }
0xaf: {  	[dreg:$0x3] =	wrdreg $0x68000  }
0xb0: {  	[dreg:$0x4] =	wrdreg $0x9  }
0xb1: {  	_ =	task.clear_ibuf [dreg:s6], $0x5FFFF;
	_ =	strace $0x90000046  }
0xb2: {  	s29 =	simm.s32 $0x9;
	_ =	strace $0x80000048  }
0xb3: {  	_ =	swait.ge [sflag:s29], $0x1  }
0xb4: {  	[sflag:s29] =	ssyncadd.s32 $0xFFFFFFFF  }
0xb5: {  	_ =	strace $0x90000048  }
0xb6: {  	_ =	sfence  }
0xb7: {  	s30 =	sld [smem:$0x0];
	_ =	sdelay $0x2  }
0xb8: {  	s31 =	sshll.u32 s1, $0xD;
	s1 =	sshrl.u32 s1, $0x2  }
0xb9: {  	s3 =	sand.u32 $0x4000, s31;
	s1 =	sadd.s32 s1, s30  }
0xba: {  	s0 =	sor.u32 s3, s0;
	s1 =	sshll.u32 s1, $0x11  }
0xbb: {  	s0 =	sor.u32 s1, s0  }
0xbc: {  	s0 =	sadd.s32 $0x8F2B, s0  }
0xbd: {  	[sflag:s0] =	ssyncadd.remote.s32 $0x1  }
0xbe: {  	_ =	sfence.sel $0xFFFF  }
0xbf: {  	[dreg:$0x0] =	wrdreg $0xFFFFFFFF;
	(pc) =	sbr.abs _section_cstart, $3  }
0xc0: {  	[dreg:$0x1] =	wrdreg $0xFFFFFFFF  }
0xc1: {  	_ =	task.clear_ibuf [dreg:s6], $0x2FFFF;
	_ =	strace $0x9FFFFFFF  }
0xc2: {  	(tm) =	ssettm $0x7FFFFFFF  }
0xc3: {  	_ =	shalt  }
tec
execute0_lowered:
.L_overlay_start_1:
0x0: {  	(tag) =	ssettag $0x1  }
0x1: {  	s1 =	srdreg.scid;
	s5 =	rddreg [dreg:$0x0]  }
0x2: {  	s0 =	stileid.u32;
	s2 =	rddreg [dreg:$0x1];
	s3 =	simm.s32 $0x0  }
0x3: {  	s14 =	simm.s32 $0x0;
	s6 =	sand.u32 $0x1, s1;
	s1 =	rddreg [dreg:$0x2]  }
0x4: {  	s28 =	sshll.u32 s0, $0x1;
	[smem:$0x7FF] =	sst s3;
	s7 =	smul.u32 $0x14000, s0  }
0x5: {  	s29 =	smul.u32 $0x50000, s0;
	s31 =	sshll.u32 s0, $0x6;
	s4 =	sor.u32 s6, s28  }
0x6: {  	_ =	strace $0x80000047;
	s8 =	smul.u32 $0x140000, s6;
	s6 =	ssub.s32 $0x2, s6  }
0x7: {  	s4 =	smul.u32 $0x500, s4;
	s10 =	sshrl.u32 s7, $0x3;
	s11 =	sshrl.u32 s6, $0x1  }
0x8: {  	s30 =	sshrl.u32 s29, $0x2;
	s7 =	sadd.s32 s7, s8;
	s10 =	sadd.s32 s10, s5  }
0x9: {  	s11 =	ssub.s32 s6, s11;
	s13 =	sadd.s32 s30, s2;
	s6 =	sor.u32 $0x1C01, s31  }
0xa: {  	s9 =	sadd.s32 s4, s5;
	s4 =	sadd.s32 $0xD000, s5;
	s7 =	sshrl.u32 s7, $0x3  }
0xb: {  	s12 =	sadd.s32 s7, s5;
	s5 =	sadd.s32 $0xD800, s10;
	s7 =	sadd.s32 $0x3000, s9  }
0xc: {  	s9 =	smax.u32 s11, $0x1;
	s10 =	sshrl.u32 s13, $0x3;
	s11 =	simm.s32 $0x1  }
0xd: {  	s13 =	simm.s32 $0x80;
	s8 =	sadd.s32 $0x35800, s12;
	s12 =	simm.s32 $0x2800  }
.LBB2_1:
0xe: {  	[spmem:s10], [sflag:s6] =	dma.local [hbm:s5], $0x2800  }
0xf: {  	_ =	swait.ge [sflag:s11], $0x2800  }
0x10: {  	[sflag:s11] =	ssyncset.done $0x0  }
0x11: {  	[sflag:s11] =	ssyncadd.s32 $0xFFFFD800  }
0x12: {  	[tilespmem:s12], [sflag:$0x1] =	stream.linear.gather [hbm4b:s4+s3], $0x4000, $0x38;
	[tilespmem:$0x1A800] =	vst v63  }
0x13: {  	_ =	swait.ge [sflag:s11], $0x4000  }
0x14: {  	[sflag:s11] =	ssyncset.done $0x0  }
0x15: {  	[sflag:s11] =	ssyncadd.s32 $0xFFFFC000  }
0x16: {  	[tilespmem:s3], [sflag:$0x1] =	stream.linear.gather [hbm4b:s7+s3], $0x2800, $0x38;
	[tilespmem:$0x1A800] =	vst v63  }
0x17: {  	_ =	swait.ge [sflag:s11], $0x2800  }
0x18: {  	[sflag:s11] =	ssyncset.done $0x0  }
0x19: {  	[sflag:s11] =	ssyncadd.s32 $0xFFFFD800  }
0x1a: {  	s15 =	simm.s32 $0x0;
	[bflag:$0x0] =	sbarrier.arrive $0xFFFF  }
0x1b: {  	[spmem:s2] =	stream.indirect.scatter.add.f32 [tilespmem:s12], [sflag:$0x1], $0x80, s15, s13, $0xb8;
	[tilespmem:$0x1A800] =	vst v63  }
0x1c: {  	_ =	swait.ge [sflag:s11], $0x4000  }
0x1d: {  	s15 =	simm.s32 $0x200;
	[sflag:s11] =	ssyncset.done $0x0  }
.LBB2_2:
0x1e: {  	s16 =	sshra.s32 s15, $0x2;
	[sflag:s11] =	ssyncadd.s32 $0xFFFFC000;
	p0 =	sne.s32 s15, $0x9E00  }
0x1f: {  	[spmem:s2] =	stream.indirect.scatter.add.f32 [tilespmem:s12], [sflag:$0x1], $0x80, s16, s13, $0xb8;
	[tilespmem:$0x1A800] =	vst v63  }
.Ltmp0:
0x20: {  	_ = 	snop;
	(pc) =	sbr.rel @p0 .LBB2_2-.Ltmp0, $4  }
0x21: {  	_ = 	snop  }
0x22: {  	s15 =	sadd.s32 $0x200, s15  }
0x23: {  	_ =	swait.ge [sflag:s11], $0x4000  }
0x24: {  	[sflag:s11] =	ssyncset.done $0x0  }
0x25: {  	s14 =	sadd.s32 $0x1, s14  }
0x26: {  	[sflag:s11] =	ssyncadd.s32 $0xFFFFC000;
	p0 =	sne.s32 s14, s9  }
.Ltmp1:
0x27: {  	[bflag:$0x0] =	sbarrier.arrive $0xFFFF;
	(pc) =	sbr.rel @p0 .LBB2_1-.Ltmp1, $4  }
0x28: {  	[hbm:s8], [sflag:s6] =	dma.local [spmem:s10], $0x2800  }
0x29: {  	_ =	swait.ge [sflag:s11], $0x2800  }
0x2a: {  	[sflag:s11] =	ssyncset.done $0x0  }
0x2b: {  	[sflag:s11] =	ssyncadd.s32 $0xFFFFD800  }
0x2c: {  	_ =	sfence.sel $0x180000  }
0x2d: {  	[bflag:$0x0] =	sbarrier.arrive $0xFFFF  }
0x2e: {  	p0 =	sne.s32 s0, $0x0;
	_ =	strace $0x90000047  }
0x2f: {  	s0 =	sadd.s32 @!p0 $0x100000, s1;
	[bflag:$0x2] =	sbarrier.arrive $0xFFFF  }
0x30: {  	[sflag:s0] =	ssyncadd.tile.s32 @!p0 $0x1;
	_ =	shalt  }
.Lfunc_end2:
_tile_overlayer_lowered:
.L_overlay_start_2:
0x31: {  	(tag) =	ssettag $0x2  }
0x32: {  	s0 =	rddreg [dreg:$0x0];
	s2 =	stileid.u32  }
0x33: {  	s1 =	rddreg [dreg:$0x1];
	p0 =	sne.s32 s2, $0x0  }
0x34: {  	s3 =	rddreg [dreg:$0x2];
	[bflag:$0x3] =	sbarrier.arrive $0xFFFF;
	s2 =	simm.s32 @!p0 $0x1C01  }
0x35: {  	[timem:s3], [sflag:s2] =	dma.local @!p0 [hbm:s0], s1  }
0x36: {  	s0 =	simm.s32 @!p0 $0x1  }
0x37: {  	_ =	swait.ge @!p0 [sflag:s0], s1  }
0x38: {  	s1 =	ssub.s32 @!p0 $0x0, s1;
	[sflag:s0] =	ssyncset.done @!p0 $0x0  }
0x39: {  	[sflag:s0] =	ssyncadd.s32 @!p0 s1  }
0x3a: {  	[bflag:$0x3] =	sbarrier.arrive $0xFFFF  }
0x3b: {  	_ =	shalt  }

</sc_bundles>
